<compile_context>
chip_gen: v7x
topology: tpu7x:2x2x1
jax: 0.10.2.dev20260603
libtpu: 0.0.44.dev20260713+nightly
codegen_flags: <defaults>
</compile_context>

<pallas_src>
import jax
import jax.numpy as jnp
from jax import lax
from jax.experimental import pallas as pl
from jax.experimental.pallas import tpu as pltpu
from jax.experimental.pallas import tpu_sc as plsc

N = 10000
E = 320000
D = 128
L = 16
NC = 2
NS = 16
NW = NC * NS
C = 64
NCH = E // C
G = 128
NG = E // G
RPT = N // NS
NI1 = 314
NG4 = N // G


def _iota16():
    return lax.broadcasted_iota(jnp.int32, (L,), 0)


def _bcast_i32(e):
    return lax.broadcast_in_dim(jnp.int32(0) + e, (L,), ())


def _rsqrt_nr(v):
    s = jnp.float32(0.25) * v + jnp.float32(1.0)
    for _ in range(12):
        s = jnp.float32(0.5) * (s + v / s)
    return jnp.float32(1.0) / s


def _gelu(z):
    u = z * z
    t = z * (jnp.float32(1.5957691216057308) + jnp.float32(0.07135481627571436) * u)
    e = jnp.exp(t)
    return z - z / (e + jnp.float32(1.0))


def _sc_body(x_hbm, row_hbm, col_hbm, ea_hbm, ew_hbm, out_hbm,
             acc_sh, degs_sh, degd_sh,
             idx1_v, col1_v,
             idxg_v, colg_v, col2_v, ewg_v, dsg_v, ddg_v, s_v,
             xr_v, ea_v, ones_v, rs_v, idx16_v,
             p1l0, p1l1, p1s0, p1s1,
             s3i0, s3i1, s3e0, s3e1, s3g0, s3g1):
    cc = lax.axis_index("c")
    ss = lax.axis_index("s")
    wid = cc * NS + ss
    it = _iota16()

    semP1L = (p1l0, p1l1)
    semP1S = (p1s0, p1s1)
    semI = (s3i0, s3i1)
    semE = (s3e0, s3e1)
    semG = (s3g0, s3g1)

    zf = jnp.zeros((L,), jnp.float32)
    of = jnp.ones((L,), jnp.float32)

    def zea_row(r, _):
        for k in range(D // L):
            ea_v[r, pl.ds(k * L, L)] = zf
        return _
    lax.fori_loop(0, G, zea_row, 0)

    for g in range(400 // L):
        rs_v[pl.ds(g * L, L)] = zf
    for g in range(C // L):
        ones_v[pl.ds(g * L, L)] = of

    for j in range(4):
        pltpu.sync_copy(ea_v, acc_sh.at[pl.ds(ss * RPT + j * G, G)])
    pltpu.sync_copy(ea_v.at[pl.ds(0, RPT - 4 * G)],
                    acc_sh.at[pl.ds(ss * RPT + 4 * G, RPT - 4 * G)])

    for q in range(2):
        cidx = ss + q * NS

        @pl.when(cidx < N // 400)
        def _zh():
            base = cidx * 400
            pltpu.sync_copy(rs_v, degs_sh.at[pl.ds(base, 400)])
            pltpu.sync_copy(rs_v, degd_sh.at[pl.ds(base, 400)])

    plsc.subcore_barrier()

    def p1_start_loads(ci, b):
        base = ci * C
        pltpu.async_copy(row_hbm.at[pl.ds(base, C)], idx1_v.at[b], semP1L[b])
        pltpu.async_copy(col_hbm.at[pl.ds(base, C)], col1_v.at[b], semP1L[b])

    def p1_wait_loads(b):
        pltpu.make_async_copy(row_hbm.at[pl.ds(0, C)], idx1_v.at[b],
                              semP1L[b]).wait()
        pltpu.make_async_copy(col_hbm.at[pl.ds(0, C)], col1_v.at[b],
                              semP1L[b]).wait()

    def p1_valid(i):
        return i * NS + ss < NCH

    @pl.when(p1_valid(0))
    def _p1p0():
        p1_start_loads(ss, 0)

    @pl.when(p1_valid(1))
    def _p1p1():
        p1_start_loads(NS + ss, 1)

    def p1_pair(j, _):
        for b in range(2):
            i = 2 * j + b
            ci = i * NS + ss

            @pl.when(p1_valid(i))
            def _p1a():
                p1_wait_loads(b)
                d1 = pltpu.async_copy(ones_v, degs_sh.at[idx1_v.at[b]],
                                      semP1S[b], add=True)
                d2 = pltpu.async_copy(ones_v, degd_sh.at[col1_v.at[b]],
                                      semP1S[b], add=True)
                d1.wait()
                d2.wait()

            @pl.when(p1_valid(i + 2))
            def _p1b():
                p1_start_loads(ci + 2 * NS, b)
        return _
    lax.fori_loop(0, NI1 // 2, p1_pair, 0)

    plsc.subcore_barrier()

    for q in range(2):
        cidx = ss + q * NS

        @pl.when(cidx < N // 400)
        def _inv():
            base = cidx * 400
            for deg_sh in (degs_sh, degd_sh):
                pltpu.sync_copy(deg_sh.at[pl.ds(base, 400)], rs_v)

                def inv_g(g, _):
                    o = g * L
                    rs_v[pl.ds(o, L)] = _rsqrt_nr(
                        rs_v[pl.ds(o, L)] + jnp.float32(1.0))
                    return _
                lax.fori_loop(0, 400 // L, inv_g, 0)
                pltpu.sync_copy(rs_v, deg_sh.at[pl.ds(base, 400)])

    plsc.subcore_barrier()

    def p3_iter(i, _):
        ci = i * NW + wid

        @pl.when(ci < NG)
        def _do():
            base = ci * G
            dr = pltpu.async_copy(row_hbm.at[pl.ds(base, G)], idxg_v, semI[0])
            dc = pltpu.async_copy(col_hbm.at[pl.ds(base, G)], colg_v, semI[1])
            dw = pltpu.async_copy(ew_hbm.at[pl.ds(base, G)], ewg_v, semE[0])
            da = pltpu.async_copy(ea_hbm.at[pl.ds(base, G)], ea_v, semE[1])
            dr.wait()
            gx0 = pltpu.async_copy(x_hbm.at[idxg_v.at[pl.ds(0, G // 2)]],
                                   xr_v.at[pl.ds(0, G // 2)], semG[0])
            gx1 = pltpu.async_copy(x_hbm.at[idxg_v.at[pl.ds(G // 2, G // 2)]],
                                   xr_v.at[pl.ds(G // 2, G // 2)], semI[0])
            gs = pltpu.async_copy(degs_sh.at[idxg_v], dsg_v, semG[1])
            dc.wait()
            gd = pltpu.async_copy(degd_sh.at[colg_v], ddg_v, semP1S[0])
            for g in range(G // L):
                o = g * L
                col2_v[g // 4, pl.ds((g % 4) * L, L)] = colg_v[pl.ds(o, L)]
            dw.wait()
            gs.wait()
            gd.wait()
            for g in range(G // L):
                o = g * L
                s_v[pl.ds(o, L)] = (dsg_v[pl.ds(o, L)] * ddg_v[pl.ds(o, L)]
                                    * ewg_v[pl.ds(o, L)])
            da.wait()
            gx0.wait()

            def edge_row(e, _2):
                se = plsc.load_gather(s_v, [_bcast_i32(e)])
                for k in range(D // L):
                    z = xr_v[e, pl.ds(k * L, L)] + ea_v[e, pl.ds(k * L, L)]
                    ea_v[e, pl.ds(k * L, L)] = _gelu(z) * se
                return _2
            lax.fori_loop(0, G // 2, edge_row, 0)
            gx1.wait()
            sc0 = pltpu.async_copy(ea_v.at[pl.ds(0, G // 2)],
                                   acc_sh.at[col2_v.at[0]], semP1S[1],
                                   add=True)
            lax.fori_loop(G // 2, G, edge_row, 0)
            sc1 = pltpu.async_copy(ea_v.at[pl.ds(G // 2, G // 2)],
                                   acc_sh.at[col2_v.at[1]], semP1L[0],
                                   add=True)
            sc0.wait()
            sc1.wait()
        return _
    lax.fori_loop(0, (NG + NW - 1) // NW, p3_iter, 0)

    def self_chunk(ci):
        base = ci * G
        dx = pltpu.async_copy(x_hbm.at[pl.ds(base, G)], xr_v, semI[0])
        dsd = pltpu.async_copy(degs_sh.at[pl.ds(base, G)], dsg_v, semG[0])
        ddd = pltpu.async_copy(degd_sh.at[pl.ds(base, G)], ddg_v, semG[0])
        for g in range(G // L):
            col2_v[g // 4, pl.ds((g % 4) * L, L)] = it + (base + g * L)
        dsd.wait()
        ddd.wait()
        for g in range(G // L):
            o = g * L
            s_v[pl.ds(o, L)] = dsg_v[pl.ds(o, L)] * ddg_v[pl.ds(o, L)]
        dx.wait()

        def self_row(e, _2):
            se = plsc.load_gather(s_v, [_bcast_i32(e)])
            for k in range(D // L):
                xr_v[e, pl.ds(k * L, L)] = _gelu(
                    xr_v[e, pl.ds(k * L, L)]) * se
            return _2
        lax.fori_loop(0, G, self_row, 0)
        sc0 = pltpu.async_copy(xr_v.at[pl.ds(0, G // 2)],
                               acc_sh.at[col2_v.at[0]], semP1S[1], add=True)
        sc1 = pltpu.async_copy(xr_v.at[pl.ds(G // 2, G // 2)],
                               acc_sh.at[col2_v.at[1]], semP1L[0], add=True)
        sc0.wait()
        sc1.wait()

    def p4_iter(i, _):
        ci = i * NW + wid

        @pl.when(ci < NG4)
        def _do():
            self_chunk(ci)
        return _
    lax.fori_loop(0, (NG4 + NW - 1) // NW, p4_iter, 0)

    @pl.when(wid == 0)
    def _tail():
        base = NG4 * G
        T = N - NG4 * G
        dx = pltpu.async_copy(x_hbm.at[pl.ds(base, T)],
                              xr_v.at[pl.ds(0, T)], semI[0])
        dsd = pltpu.async_copy(degs_sh.at[pl.ds(base, T)],
                               dsg_v.at[pl.ds(0, T)], semG[0])
        ddd = pltpu.async_copy(degd_sh.at[pl.ds(base, T)],
                               ddg_v.at[pl.ds(0, T)], semG[0])
        idx16_v[:] = it + base
        dsd.wait()
        ddd.wait()
        s_v[pl.ds(0, T)] = dsg_v[pl.ds(0, T)] * ddg_v[pl.ds(0, T)]
        dx.wait()

        def tail_row(e, _2):
            se = plsc.load_gather(s_v, [_bcast_i32(e)])
            for k in range(D // L):
                xr_v[e, pl.ds(k * L, L)] = _gelu(
                    xr_v[e, pl.ds(k * L, L)]) * se
            return _2
        lax.fori_loop(0, T, tail_row, 0)
        pltpu.sync_copy(xr_v.at[pl.ds(0, T)], acc_sh.at[idx16_v], add=True)

    plsc.subcore_barrier()

    WB = 400
    for q in range(2):
        cidx = ss + q * NS

        @pl.when(cidx < N // WB)
        def _wb():
            base = cidx * WB
            pltpu.sync_copy(acc_sh.at[pl.ds(base, WB)],
                            out_hbm.at[cc, pl.ds(base, WB)])


@jax.jit
def _sc_aggregate(x, row, col, ea, ew):
    mesh = plsc.VectorSubcoreMesh(core_axis_name="c", subcore_axis_name="s")
    f = pl.kernel(
        _sc_body,
        out_type=jax.ShapeDtypeStruct((NC, N, D), jnp.float32),
        mesh=mesh,
        compiler_params=pltpu.CompilerParams(needs_layout_passes=False),
        scratch_types=[
            pltpu.VMEM_SHARED((N, D), jnp.float32),
            pltpu.VMEM_SHARED((N,), jnp.float32),
            pltpu.VMEM_SHARED((N,), jnp.float32),
            pltpu.VMEM((2, C), jnp.int32),
            pltpu.VMEM((2, C), jnp.int32),
            pltpu.VMEM((G,), jnp.int32),
            pltpu.VMEM((G,), jnp.int32),
            pltpu.VMEM((2, G // 2), jnp.int32),
            pltpu.VMEM((G,), jnp.float32),
            pltpu.VMEM((G,), jnp.float32),
            pltpu.VMEM((G,), jnp.float32),
            pltpu.VMEM((G,), jnp.float32),
            pltpu.VMEM((G, D), jnp.float32),
            pltpu.VMEM((G, D), jnp.float32),
            pltpu.VMEM((C,), jnp.float32),
            pltpu.VMEM((400,), jnp.float32),
            pltpu.VMEM((L,), jnp.int32),
            pltpu.SemaphoreType.DMA,
            pltpu.SemaphoreType.DMA,
            pltpu.SemaphoreType.DMA,
            pltpu.SemaphoreType.DMA,
            pltpu.SemaphoreType.DMA,
            pltpu.SemaphoreType.DMA,
            pltpu.SemaphoreType.DMA,
            pltpu.SemaphoreType.DMA,
            pltpu.SemaphoreType.DMA,
            pltpu.SemaphoreType.DMA,
        ],
    )
    return f(x, row, col, ea, ew)


BR = 1000


def _mm_body(p_ref, w_ref, b_ref, o_ref):
    s = p_ref[0] + p_ref[1]
    o_ref[...] = (
        jnp.dot(s, w_ref[...], preferred_element_type=jnp.float32) + b_ref[...]
    )


@jax.jit
def _tc_linear(parts, wt, b2):
    return pl.pallas_call(
        _mm_body,
        grid=(N // BR,),
        in_specs=[
            pl.BlockSpec((NC, BR, D), lambda i: (0, i, 0)),
            pl.BlockSpec((D, D), lambda i: (0, 0)),
            pl.BlockSpec((1, D), lambda i: (0, 0)),
        ],
        out_specs=pl.BlockSpec((BR, D), lambda i: (i, 0)),
        out_shape=jax.ShapeDtypeStruct((N, D), jnp.float32),
    )(parts, wt, b2)


def kernel(x, edge_index, edge_attr, edge_weight, W, b):
    row = edge_index[0]
    col = edge_index[1]
    ew = edge_weight.reshape(E)
    parts = _sc_aggregate(x, row, col, edge_attr, ew)
    return _tc_linear(parts, W.T, b.reshape(1, D))

# --- scband reference (transcript-rebuilt; emitter-appended) ---
"""Pipeline reference for scband-gcnconv-multi-edgeset-25340307046680 (READ-ONLY COPY).

The authoritative reference and input builder live on the scoring server;
editing this copy changes nothing except your own understanding.
"""

import jax, jax.numpy as jnp
import numpy as np

N = 10000
E = 320000
D = 128


def setup_inputs(seed: int = 0) -> dict:
    key = jax.random.key(seed)
    ks = jax.random.split(key, 6)
    x = jax.random.normal(ks[0], (N, D), dtype=jnp.float32)
    edge_index = jax.random.randint(ks[1], (2, E), 0, N, dtype=jnp.int32)
    edge_attr = jax.random.normal(ks[2], (E, D), dtype=jnp.float32)
    edge_weight = jax.random.uniform(ks[3], (1, 1, E, 1), dtype=jnp.float32)
    W = jax.random.normal(ks[4], (D, D), dtype=jnp.float32) * 0.05
    b = jax.random.normal(ks[5], (D,), dtype=jnp.float32) * 0.05
    return {"x": x, "edge_index": edge_index, "edge_attr": edge_attr, "edge_weight": edge_weight, "W": W, "b": b}


def reference(x, edge_index, edge_attr, edge_weight, W, b):
    # training-mode path of GCNConvMultiEdgeset with bond_encoder = Identity
    repeats, choices = edge_weight.shape[0], edge_weight.shape[1]
    d = x.shape[-1]
    # bond_encoder(edge_attr).repeat(1,1,1,1): [E, d] -> [1, 1, E, d]
    ee = edge_attr[None, None, :, :]
    ux = x.reshape(repeats, choices, -1, d)
    Nn = ux.shape[2]
    sl = jnp.arange(Nn, dtype=edge_index.dtype)
    ei = jnp.concatenate([edge_index, jnp.stack([sl, sl])], axis=1)
    ee = jnp.concatenate([ee, jnp.zeros((ee.shape[0], ee.shape[1], Nn, ee.shape[3]), ee.dtype)], axis=2)
    ew = jnp.concatenate([edge_weight, jnp.ones((repeats, choices, Nn, 1), edge_weight.dtype)], axis=2)
    row, col = ei[0], ei[1]
    deg_src = jnp.bincount(row, length=Nn).astype(x.dtype)
    dsi = jnp.where(deg_src > 0, deg_src ** -0.5, 0.0)
    deg_dst = jnp.bincount(col, length=Nn).astype(x.dtype)
    ddi = jnp.where(deg_dst > 0, deg_dst ** -0.5, 0.0)
    norm = dsi[row] * ddi[col]
    message = jax.nn.gelu(ux[:, :, row, :] + ee, approximate=False) * norm[None, None, :, None]
    message = message * ew
    out = jnp.zeros((repeats, choices, Nn, d), x.dtype).at[:, :, col, :].add(message)
    out = out.reshape(x.shape)
    out = out @ W.T + b
    return out

if __name__ == "__main__":
    import jax
    _d = setup_inputs()
    print(jax.jit(kernel)(*tuple(_d.values())))

</pallas_src>

<mosaic_0001>
#map = affine_map<(d0, d1) -> (0, 0)>
#map1 = affine_map<(d0, d1) -> (0)>
#map2 = affine_map<(d0, d1) -> (0, 0, 0)>
module attributes {stable_mosaic.version = 14 : i64} {
  func.func @_sc_body(%arg0: i32, %arg1: i32, %arg2: memref<10000x128xf32, #tpu.memory_space<hbm>>, %arg3: memref<320000xi32, #tpu.memory_space<hbm>>, %arg4: memref<320000xi32, #tpu.memory_space<hbm>>, %arg5: memref<320000x128xf32, #tpu.memory_space<hbm>>, %arg6: memref<320000xf32, #tpu.memory_space<hbm>>, %arg7: memref<2x10000x128xf32, #tpu.memory_space<hbm>>, %arg8: memref<10000x128xf32, #tpu.memory_space<vmem_shared>>, %arg9: memref<10000xf32, #tpu.memory_space<vmem_shared>>, %arg10: memref<10000xf32, #tpu.memory_space<vmem_shared>>, %arg11: memref<2x64xi32, #tpu.memory_space<vmem>>, %arg12: memref<2x64xi32, #tpu.memory_space<vmem>>, %arg13: memref<128xi32, #tpu.memory_space<vmem>>, %arg14: memref<128xi32, #tpu.memory_space<vmem>>, %arg15: memref<2x64xi32, #tpu.memory_space<vmem>>, %arg16: memref<128xf32, #tpu.memory_space<vmem>>, %arg17: memref<128xf32, #tpu.memory_space<vmem>>, %arg18: memref<128xf32, #tpu.memory_space<vmem>>, %arg19: memref<128xf32, #tpu.memory_space<vmem>>, %arg20: memref<128x128xf32, #tpu.memory_space<vmem>>, %arg21: memref<128x128xf32, #tpu.memory_space<vmem>>, %arg22: memref<64xf32, #tpu.memory_space<vmem>>, %arg23: memref<400xf32, #tpu.memory_space<vmem>>, %arg24: memref<16xi32, #tpu.memory_space<vmem>>, %arg25: memref<!tpu.dma_semaphore, #tpu.memory_space<semaphore_mem>>, %arg26: memref<!tpu.dma_semaphore, #tpu.memory_space<semaphore_mem>>, %arg27: memref<!tpu.dma_semaphore, #tpu.memory_space<semaphore_mem>>, %arg28: memref<!tpu.dma_semaphore, #tpu.memory_space<semaphore_mem>>, %arg29: memref<!tpu.dma_semaphore, #tpu.memory_space<semaphore_mem>>, %arg30: memref<!tpu.dma_semaphore, #tpu.memory_space<semaphore_mem>>, %arg31: memref<!tpu.dma_semaphore, #tpu.memory_space<semaphore_mem>>, %arg32: memref<!tpu.dma_semaphore, #tpu.memory_space<semaphore_mem>>, %arg33: memref<!tpu.dma_semaphore, #tpu.memory_space<semaphore_mem>>, %arg34: memref<!tpu.dma_semaphore, #tpu.memory_space<semaphore_mem>>) attributes {dimension_semantics = [#tpu.dimension_semantics<core_parallel>, #tpu.dimension_semantics<subcore_parallel>], iteration_bounds = array<i64: 2, 16>, scalar_prefetch = 0 : i64, scratch_operands = 27 : i64, tpu.core_type = #tpu.core_type<sc_vector_subcore>, window_params = [{transform_indices = #map}, {transform_indices = #map1}, {transform_indices = #map1}, {transform_indices = #map}, {transform_indices = #map1}, {transform_indices = #map2}]} {
    %mul3A = arith.constant 16 : i32
    %mul3A_0 = arith.muli %arg0, %mul3A : i32
    %add3A = arith.addi %mul3A_0, %arg1 : i32
    %iota3A = tpu.iota {dimensions = array<i32: 0>} : vector<16xi32>
    %broadcast_in_dim3A = arith.constant 0.000000e+00 : f32
    %broadcast_in_dim3A_1 = vector.broadcast %broadcast_in_dim3A : f32 to vector<16xf32>
    %broadcast_in_dim3A_2 = arith.constant 1.000000e+00 : f32
    %broadcast_in_dim3A_3 = vector.broadcast %broadcast_in_dim3A_2 : f32 to vector<16xf32>
    %scan3A = arith.constant 0 : i32
    %scan3A_4 = arith.constant 0 : i32
    %scan3A_5 = arith.constant 128 : i32
    %scan3A_6 = arith.addi %scan3A_4, %scan3A_5 : i32
    %scan3A_7 = arith.constant 1 : i32
    scf.for %scan3A_164 = %scan3A_4 to %scan3A_6 step %scan3A_7  : i32 {
      %swap3A_165 = arith.index_cast %scan3A_164 : i32 to index
      %swap3A_166 = arith.constant 0 : index
      %swap3A_167 = tpu.vector_load %arg21[%swap3A_165, %swap3A_166] {strides = array<i32>} : memref<128x128xf32, #tpu.memory_space<vmem>>, vector<16xf32>,
      tpu.vector_store %arg21[%swap3A_165, %swap3A_166], %broadcast_in_dim3A_1 {strides = array<i32>} : memref<128x128xf32, #tpu.memory_space<vmem>>, vector<16xf32>,
      %swap3A_168 = arith.index_cast %scan3A_164 : i32 to index
      %swap3A_169 = arith.constant 16 : index
      %swap3A_170 = tpu.vector_load %arg21[%swap3A_168, %swap3A_169] {strides = array<i32>} : memref<128x128xf32, #tpu.memory_space<vmem>>, vector<16xf32>,
      tpu.vector_store %arg21[%swap3A_168, %swap3A_169], %broadcast_in_dim3A_1 {strides = array<i32>} : memref<128x128xf32, #tpu.memory_space<vmem>>, vector<16xf32>,
      %swap3A_171 = arith.index_cast %scan3A_164 : i32 to index
      %swap3A_172 = arith.constant 32 : index
      %swap3A_173 = tpu.vector_load %arg21[%swap3A_171, %swap3A_172] {strides = array<i32>} : memref<128x128xf32, #tpu.memory_space<vmem>>, vector<16xf32>,
      tpu.vector_store %arg21[%swap3A_171, %swap3A_172], %broadcast_in_dim3A_1 {strides = array<i32>} : memref<128x128xf32, #tpu.memory_space<vmem>>, vector<16xf32>,
      %swap3A_174 = arith.index_cast %scan3A_164 : i32 to index
      %swap3A_175 = arith.constant 48 : index
      %swap3A_176 = tpu.vector_load %arg21[%swap3A_174, %swap3A_175] {strides = array<i32>} : memref<128x128xf32, #tpu.memory_space<vmem>>, vector<16xf32>,
      tpu.vector_store %arg21[%swap3A_174, %swap3A_175], %broadcast_in_dim3A_1 {strides = array<i32>} : memref<128x128xf32, #tpu.memory_space<vmem>>, vector<16xf32>,
      %swap3A_177 = arith.index_cast %scan3A_164 : i32 to index
      %swap3A_178 = arith.constant 64 : index
      %swap3A_179 = tpu.vector_load %arg21[%swap3A_177, %swap3A_178] {strides = array<i32>} : memref<128x128xf32, #tpu.memory_space<vmem>>, vector<16xf32>,
      tpu.vector_store %arg21[%swap3A_177, %swap3A_178], %broadcast_in_dim3A_1 {strides = array<i32>} : memref<128x128xf32, #tpu.memory_space<vmem>>, vector<16xf32>,
      %swap3A_180 = arith.index_cast %scan3A_164 : i32 to index
      %swap3A_181 = arith.constant 80 : index
      %swap3A_182 = tpu.vector_load %arg21[%swap3A_180, %swap3A_181] {strides = array<i32>} : memref<128x128xf32, #tpu.memory_space<vmem>>, vector<16xf32>,
      tpu.vector_store %arg21[%swap3A_180, %swap3A_181], %broadcast_in_dim3A_1 {strides = array<i32>} : memref<128x128xf32, #tpu.memory_space<vmem>>, vector<16xf32>,
      %swap3A_183 = arith.index_cast %scan3A_164 : i32 to index
      %swap3A_184 = arith.constant 96 : index
      %swap3A_185 = tpu.vector_load %arg21[%swap3A_183, %swap3A_184] {strides = array<i32>} : memref<128x128xf32, #tpu.memory_space<vmem>>, vector<16xf32>,
      tpu.vector_store %arg21[%swap3A_183, %swap3A_184], %broadcast_in_dim3A_1 {strides = array<i32>} : memref<128x128xf32, #tpu.memory_space<vmem>>, vector<16xf32>,
      %swap3A_186 = arith.index_cast %scan3A_164 : i32 to index
      %swap3A_187 = arith.constant 112 : index
      %swap3A_188 = tpu.vector_load %arg21[%swap3A_186, %swap3A_187] {strides = array<i32>} : memref<128x128xf32, #tpu.memory_space<vmem>>, vector<16xf32>,
      tpu.vector_store %arg21[%swap3A_186, %swap3A_187], %broadcast_in_dim3A_1 {strides = array<i32>} : memref<128x128xf32, #tpu.memory_space<vmem>>, vector<16xf32>,
    }
    %scan3A_8 = arith.constant 128 : i32
    %swap3A = arith.constant 0 : index
    %swap3A_9 = tpu.vector_load %arg23[%swap3A] {strides = array<i32>} : memref<400xf32, #tpu.memory_space<vmem>>, vector<16xf32>,
    tpu.vector_store %arg23[%swap3A], %broadcast_in_dim3A_1 {strides = array<i32>} : memref<400xf32, #tpu.memory_space<vmem>>, vector<16xf32>,
    %swap3A_10 = arith.constant 16 : index
    %swap3A_11 = tpu.vector_load %arg23[%swap3A_10] {strides = array<i32>} : memref<400xf32, #tpu.memory_space<vmem>>, vector<16xf32>,
    tpu.vector_store %arg23[%swap3A_10], %broadcast_in_dim3A_1 {strides = array<i32>} : memref<400xf32, #tpu.memory_space<vmem>>, vector<16xf32>,
    %swap3A_12 = arith.constant 32 : index
    %swap3A_13 = tpu.vector_load %arg23[%swap3A_12] {strides = array<i32>} : memref<400xf32, #tpu.memory_space<vmem>>, vector<16xf32>,
    tpu.vector_store %arg23[%swap3A_12], %broadcast_in_dim3A_1 {strides = array<i32>} : memref<400xf32, #tpu.memory_space<vmem>>, vector<16xf32>,
    %swap3A_14 = arith.constant 48 : index
    %swap3A_15 = tpu.vector_load %arg23[%swap3A_14] {strides = array<i32>} : memref<400xf32, #tpu.memory_space<vmem>>, vector<16xf32>,
    tpu.vector_store %arg23[%swap3A_14], %broadcast_in_dim3A_1 {strides = array<i32>} : memref<400xf32, #tpu.memory_space<vmem>>, vector<16xf32>,
    %swap3A_16 = arith.constant 64 : index
    %swap3A_17 = tpu.vector_load %arg23[%swap3A_16] {strides = array<i32>} : memref<400xf32, #tpu.memory_space<vmem>>, vector<16xf32>,
    tpu.vector_store %arg23[%swap3A_16], %broadcast_in_dim3A_1 {strides = array<i32>} : memref<400xf32, #tpu.memory_space<vmem>>, vector<16xf32>,
    %swap3A_18 = arith.constant 80 : index
    %swap3A_19 = tpu.vector_load %arg23[%swap3A_18] {strides = array<i32>} : memref<400xf32, #tpu.memory_space<vmem>>, vector<16xf32>,
    tpu.vector_store %arg23[%swap3A_18], %broadcast_in_dim3A_1 {strides = array<i32>} : memref<400xf32, #tpu.memory_space<vmem>>, vector<16xf32>,
    %swap3A_20 = arith.constant 96 : index
    %swap3A_21 = tpu.vector_load %arg23[%swap3A_20] {strides = array<i32>} : memref<400xf32, #tpu.memory_space<vmem>>, vector<16xf32>,
    tpu.vector_store %arg23[%swap3A_20], %broadcast_in_dim3A_1 {strides = array<i32>} : memref<400xf32, #tpu.memory_space<vmem>>, vector<16xf32>,
    %swap3A_22 = arith.constant 112 : index
    %swap3A_23 = tpu.vector_load %arg23[%swap3A_22] {strides = array<i32>} : memref<400xf32, #tpu.memory_space<vmem>>, vector<16xf32>,
    tpu.vector_store %arg23[%swap3A_22], %broadcast_in_dim3A_1 {strides = array<i32>} : memref<400xf32, #tpu.memory_space<vmem>>, vector<16xf32>,
    %swap3A_24 = arith.constant 128 : index
    %swap3A_25 = tpu.vector_load %arg23[%swap3A_24] {strides = array<i32>} : memref<400xf32, #tpu.memory_space<vmem>>, vector<16xf32>,
    tpu.vector_store %arg23[%swap3A_24], %broadcast_in_dim3A_1 {strides = array<i32>} : memref<400xf32, #tpu.memory_space<vmem>>, vector<16xf32>,
    %swap3A_26 = arith.constant 144 : index
    %swap3A_27 = tpu.vector_load %arg23[%swap3A_26] {strides = array<i32>} : memref<400xf32, #tpu.memory_space<vmem>>, vector<16xf32>,
    tpu.vector_store %arg23[%swap3A_26], %broadcast_in_dim3A_1 {strides = array<i32>} : memref<400xf32, #tpu.memory_space<vmem>>, vector<16xf32>,
    %swap3A_28 = arith.constant 160 : index
    %swap3A_29 = tpu.vector_load %arg23[%swap3A_28] {strides = array<i32>} : memref<400xf32, #tpu.memory_space<vmem>>, vector<16xf32>,
    tpu.vector_store %arg23[%swap3A_28], %broadcast_in_dim3A_1 {strides = array<i32>} : memref<400xf32, #tpu.memory_space<vmem>>, vector<16xf32>,
    %swap3A_30 = arith.constant 176 : index
    %swap3A_31 = tpu.vector_load %arg23[%swap3A_30] {strides = array<i32>} : memref<400xf32, #tpu.memory_space<vmem>>, vector<16xf32>,
    tpu.vector_store %arg23[%swap3A_30], %broadcast_in_dim3A_1 {strides = array<i32>} : memref<400xf32, #tpu.memory_space<vmem>>, vector<16xf32>,
    %swap3A_32 = arith.constant 192 : index
    %swap3A_33 = tpu.vector_load %arg23[%swap3A_32] {strides = array<i32>} : memref<400xf32, #tpu.memory_space<vmem>>, vector<16xf32>,
    tpu.vector_store %arg23[%swap3A_32], %broadcast_in_dim3A_1 {strides = array<i32>} : memref<400xf32, #tpu.memory_space<vmem>>, vector<16xf32>,
    %swap3A_34 = arith.constant 208 : index
    %swap3A_35 = tpu.vector_load %arg23[%swap3A_34] {strides = array<i32>} : memref<400xf32, #tpu.memory_space<vmem>>, vector<16xf32>,
    tpu.vector_store %arg23[%swap3A_34], %broadcast_in_dim3A_1 {strides = array<i32>} : memref<400xf32, #tpu.memory_space<vmem>>, vector<16xf32>,
    %swap3A_36 = arith.constant 224 : index
    %swap3A_37 = tpu.vector_load %arg23[%swap3A_36] {strides = array<i32>} : memref<400xf32, #tpu.memory_space<vmem>>, vector<16xf32>,
    tpu.vector_store %arg23[%swap3A_36], %broadcast_in_dim3A_1 {strides = array<i32>} : memref<400xf32, #tpu.memory_space<vmem>>, vector<16xf32>,
    %swap3A_38 = arith.constant 240 : index
    %swap3A_39 = tpu.vector_load %arg23[%swap3A_38] {strides = array<i32>} : memref<400xf32, #tpu.memory_space<vmem>>, vector<16xf32>,
    tpu.vector_store %arg23[%swap3A_38], %broadcast_in_dim3A_1 {strides = array<i32>} : memref<400xf32, #tpu.memory_space<vmem>>, vector<16xf32>,
    %swap3A_40 = arith.constant 256 : index
    %swap3A_41 = tpu.vector_load %arg23[%swap3A_40] {strides = array<i32>} : memref<400xf32, #tpu.memory_space<vmem>>, vector<16xf32>,
    tpu.vector_store %arg23[%swap3A_40], %broadcast_in_dim3A_1 {strides = array<i32>} : memref<400xf32, #tpu.memory_space<vmem>>, vector<16xf32>,
    %swap3A_42 = arith.constant 272 : index
    %swap3A_43 = tpu.vector_load %arg23[%swap3A_42] {strides = array<i32>} : memref<400xf32, #tpu.memory_space<vmem>>, vector<16xf32>,
    tpu.vector_store %arg23[%swap3A_42], %broadcast_in_dim3A_1 {strides = array<i32>} : memref<400xf32, #tpu.memory_space<vmem>>, vector<16xf32>,
    %swap3A_44 = arith.constant 288 : index
    %swap3A_45 = tpu.vector_load %arg23[%swap3A_44] {strides = array<i32>} : memref<400xf32, #tpu.memory_space<vmem>>, vector<16xf32>,
    tpu.vector_store %arg23[%swap3A_44], %broadcast_in_dim3A_1 {strides = array<i32>} : memref<400xf32, #tpu.memory_space<vmem>>, vector<16xf32>,
    %swap3A_46 = arith.constant 304 : index
    %swap3A_47 = tpu.vector_load %arg23[%swap3A_46] {strides = array<i32>} : memref<400xf32, #tpu.memory_space<vmem>>, vector<16xf32>,
    tpu.vector_store %arg23[%swap3A_46], %broadcast_in_dim3A_1 {strides = array<i32>} : memref<400xf32, #tpu.memory_space<vmem>>, vector<16xf32>,
    %swap3A_48 = arith.constant 320 : index
    %swap3A_49 = tpu.vector_load %arg23[%swap3A_48] {strides = array<i32>} : memref<400xf32, #tpu.memory_space<vmem>>, vector<16xf32>,
    tpu.vector_store %arg23[%swap3A_48], %broadcast_in_dim3A_1 {strides = array<i32>} : memref<400xf32, #tpu.memory_space<vmem>>, vector<16xf32>,
    %swap3A_50 = arith.constant 336 : index
    %swap3A_51 = tpu.vector_load %arg23[%swap3A_50] {strides = array<i32>} : memref<400xf32, #tpu.memory_space<vmem>>, vector<16xf32>,
    tpu.vector_store %arg23[%swap3A_50], %broadcast_in_dim3A_1 {strides = array<i32>} : memref<400xf32, #tpu.memory_space<vmem>>, vector<16xf32>,
    %swap3A_52 = arith.constant 352 : index
    %swap3A_53 = tpu.vector_load %arg23[%swap3A_52] {strides = array<i32>} : memref<400xf32, #tpu.memory_space<vmem>>, vector<16xf32>,
    tpu.vector_store %arg23[%swap3A_52], %broadcast_in_dim3A_1 {strides = array<i32>} : memref<400xf32, #tpu.memory_space<vmem>>, vector<16xf32>,
    %swap3A_54 = arith.constant 368 : index
    %swap3A_55 = tpu.vector_load %arg23[%swap3A_54] {strides = array<i32>} : memref<400xf32, #tpu.memory_space<vmem>>, vector<16xf32>,
    tpu.vector_store %arg23[%swap3A_54], %broadcast_in_dim3A_1 {strides = array<i32>} : memref<400xf32, #tpu.memory_space<vmem>>, vector<16xf32>,
    %swap3A_56 = arith.constant 384 : index
    %swap3A_57 = tpu.vector_load %arg23[%swap3A_56] {strides = array<i32>} : memref<400xf32, #tpu.memory_space<vmem>>, vector<16xf32>,
    tpu.vector_store %arg23[%swap3A_56], %broadcast_in_dim3A_1 {strides = array<i32>} : memref<400xf32, #tpu.memory_space<vmem>>, vector<16xf32>,
    %swap3A_58 = arith.constant 0 : index
    %swap3A_59 = tpu.vector_load %arg22[%swap3A_58] {strides = array<i32>} : memref<64xf32, #tpu.memory_space<vmem>>, vector<16xf32>,
    tpu.vector_store %arg22[%swap3A_58], %broadcast_in_dim3A_3 {strides = array<i32>} : memref<64xf32, #tpu.memory_space<vmem>>, vector<16xf32>,
    %swap3A_60 = arith.constant 16 : index
    %swap3A_61 = tpu.vector_load %arg22[%swap3A_60] {strides = array<i32>} : memref<64xf32, #tpu.memory_space<vmem>>, vector<16xf32>,
    tpu.vector_store %arg22[%swap3A_60], %broadcast_in_dim3A_3 {strides = array<i32>} : memref<64xf32, #tpu.memory_space<vmem>>, vector<16xf32>,
    %swap3A_62 = arith.constant 32 : index
    %swap3A_63 = tpu.vector_load %arg22[%swap3A_62] {strides = array<i32>} : memref<64xf32, #tpu.memory_space<vmem>>, vector<16xf32>,
    tpu.vector_store %arg22[%swap3A_62], %broadcast_in_dim3A_3 {strides = array<i32>} : memref<64xf32, #tpu.memory_space<vmem>>, vector<16xf32>,
    %swap3A_64 = arith.constant 48 : index
    %swap3A_65 = tpu.vector_load %arg22[%swap3A_64] {strides = array<i32>} : memref<64xf32, #tpu.memory_space<vmem>>, vector<16xf32>,
    tpu.vector_store %arg22[%swap3A_64], %broadcast_in_dim3A_3 {strides = array<i32>} : memref<64xf32, #tpu.memory_space<vmem>>, vector<16xf32>,
    %mul3A_66 = arith.constant 625 : i32
    %mul3A_67 = arith.muli %arg1, %mul3A_66 : i32
    %add3A_68 = arith.constant 0 : i32
    %add3A_69 = arith.addi %mul3A_67, %add3A_68 : i32
    "tpu.region"() ({
      %run_scoped3A = tpu.sem_alloc : memref<!tpu.dma_semaphore, #tpu.memory_space<semaphore_mem>>
      %dma_start3A = arith.constant 0 : i32
      %dma_start3A_164 = tpu.memref_slice %arg8[%add3A_69, %dma_start3A] : memref<10000x128xf32, #tpu.memory_space<vmem_shared>> -> memref<128x128xf32, #tpu.memory_space<vmem_shared>>
      %dma_start3A_165 = arith.constant 0 : i32
      %dma_start3A_166 = tpu.memref_slice %arg8[%add3A_69, %dma_start3A_165] : memref<10000x128xf32, #tpu.memory_space<vmem_shared>> -> memref<128x128xf32, #tpu.memory_space<vmem_shared>>
      tpu.enqueue_dma source(%arg21 : memref<128x128xf32, #tpu.memory_space<vmem>>) target(%dma_start3A_166 : memref<128x128xf32, #tpu.memory_space<vmem_shared>>) target_semaphore(%run_scoped3A : memref<!tpu.dma_semaphore, #tpu.memory_space<semaphore_mem>>)
      %dma_wait3A = arith.constant 0 : i32
      %dma_wait3A_167 = tpu.memref_slice %arg8[%add3A_69, %dma_wait3A] : memref<10000x128xf32, #tpu.memory_space<vmem_shared>> -> memref<128x128xf32, #tpu.memory_space<vmem_shared>>
      %dma_wait3A_168 = arith.constant 0 : i32
      %dma_wait3A_169 = tpu.memref_slice %arg8[%add3A_69, %dma_wait3A_168] : memref<10000x128xf32, #tpu.memory_space<vmem_shared>> -> memref<128x128xf32, #tpu.memory_space<vmem_shared>>
      tpu.wait_dma2 semaphore(%run_scoped3A : memref<!tpu.dma_semaphore, #tpu.memory_space<semaphore_mem>>) src(%arg21 : memref<128x128xf32, #tpu.memory_space<vmem>>) dst(%dma_wait3A_169 : memref<128x128xf32, #tpu.memory_space<vmem_shared>>)
      tpu.yield
    }) : () -> ()
    %mul3A_70 = arith.constant 625 : i32
    %mul3A_71 = arith.muli %arg1, %mul3A_70 : i32
    %add3A_72 = arith.constant 128 : i32
    %add3A_73 = arith.addi %mul3A_71, %add3A_72 : i32
    "tpu.region"() ({
      %run_scoped3A = tpu.sem_alloc : memref<!tpu.dma_semaphore, #tpu.memory_space<semaphore_mem>>
      %dma_start3A = arith.constant 0 : i32
      %dma_start3A_164 = tpu.memref_slice %arg8[%add3A_73, %dma_start3A] : memref<10000x128xf32, #tpu.memory_space<vmem_shared>> -> memref<128x128xf32, #tpu.memory_space<vmem_shared>>
      %dma_start3A_165 = arith.constant 0 : i32
      %dma_start3A_166 = tpu.memref_slice %arg8[%add3A_73, %dma_start3A_165] : memref<10000x128xf32, #tpu.memory_space<vmem_shared>> -> memref<128x128xf32, #tpu.memory_space<vmem_shared>>
      tpu.enqueue_dma source(%arg21 : memref<128x128xf32, #tpu.memory_space<vmem>>) target(%dma_start3A_166 : memref<128x128xf32, #tpu.memory_space<vmem_shared>>) target_semaphore(%run_scoped3A : memref<!tpu.dma_semaphore, #tpu.memory_space<semaphore_mem>>)
      %dma_wait3A = arith.constant 0 : i32
      %dma_wait3A_167 = tpu.memref_slice %arg8[%add3A_73, %dma_wait3A] : memref<10000x128xf32, #tpu.memory_space<vmem_shared>> -> memref<128x128xf32, #tpu.memory_space<vmem_shared>>
      %dma_wait3A_168 = arith.constant 0 : i32
      %dma_wait3A_169 = tpu.memref_slice %arg8[%add3A_73, %dma_wait3A_168] : memref<10000x128xf32, #tpu.memory_space<vmem_shared>> -> memref<128x128xf32, #tpu.memory_space<vmem_shared>>
      tpu.wait_dma2 semaphore(%run_scoped3A : memref<!tpu.dma_semaphore, #tpu.memory_space<semaphore_mem>>) src(%arg21 : memref<128x128xf32, #tpu.memory_space<vmem>>) dst(%dma_wait3A_169 : memref<128x128xf32, #tpu.memory_space<vmem_shared>>)
      tpu.yield
    }) : () -> ()
    %mul3A_74 = arith.constant 625 : i32
    %mul3A_75 = arith.muli %arg1, %mul3A_74 : i32
    %add3A_76 = arith.constant 256 : i32
    %add3A_77 = arith.addi %mul3A_75, %add3A_76 : i32
    "tpu.region"() ({
      %run_scoped3A = tpu.sem_alloc : memref<!tpu.dma_semaphore, #tpu.memory_space<semaphore_mem>>
      %dma_start3A = arith.constant 0 : i32
      %dma_start3A_164 = tpu.memref_slice %arg8[%add3A_77, %dma_start3A] : memref<10000x128xf32, #tpu.memory_space<vmem_shared>> -> memref<128x128xf32, #tpu.memory_space<vmem_shared>>
      %dma_start3A_165 = arith.constant 0 : i32
      %dma_start3A_166 = tpu.memref_slice %arg8[%add3A_77, %dma_start3A_165] : memref<10000x128xf32, #tpu.memory_space<vmem_shared>> -> memref<128x128xf32, #tpu.memory_space<vmem_shared>>
      tpu.enqueue_dma source(%arg21 : memref<128x128xf32, #tpu.memory_space<vmem>>) target(%dma_start3A_166 : memref<128x128xf32, #tpu.memory_space<vmem_shared>>) target_semaphore(%run_scoped3A : memref<!tpu.dma_semaphore, #tpu.memory_space<semaphore_mem>>)
      %dma_wait3A = arith.constant 0 : i32
      %dma_wait3A_167 = tpu.memref_slice %arg8[%add3A_77, %dma_wait3A] : memref<10000x128xf32, #tpu.memory_space<vmem_shared>> -> memref<128x128xf32, #tpu.memory_space<vmem_shared>>
      %dma_wait3A_168 = arith.constant 0 : i32
      %dma_wait3A_169 = tpu.memref_slice %arg8[%add3A_77, %dma_wait3A_168] : memref<10000x128xf32, #tpu.memory_space<vmem_shared>> -> memref<128x128xf32, #tpu.memory_space<vmem_shared>>
      tpu.wait_dma2 semaphore(%run_scoped3A : memref<!tpu.dma_semaphore, #tpu.memory_space<semaphore_mem>>) src(%arg21 : memref<128x128xf32, #tpu.memory_space<vmem>>) dst(%dma_wait3A_169 : memref<128x128xf32, #tpu.memory_space<vmem_shared>>)
      tpu.yield
    }) : () -> ()
    %mul3A_78 = arith.constant 625 : i32
    %mul3A_79 = arith.muli %arg1, %mul3A_78 : i32
    %add3A_80 = arith.constant 384 : i32
    %add3A_81 = arith.addi %mul3A_79, %add3A_80 : i32
    "tpu.region"() ({
      %run_scoped3A = tpu.sem_alloc : memref<!tpu.dma_semaphore, #tpu.memory_space<semaphore_mem>>
      %dma_start3A = arith.constant 0 : i32
      %dma_start3A_164 = tpu.memref_slice %arg8[%add3A_81, %dma_start3A] : memref<10000x128xf32, #tpu.memory_space<vmem_shared>> -> memref<128x128xf32, #tpu.memory_space<vmem_shared>>
      %dma_start3A_165 = arith.constant 0 : i32
      %dma_start3A_166 = tpu.memref_slice %arg8[%add3A_81, %dma_start3A_165] : memref<10000x128xf32, #tpu.memory_space<vmem_shared>> -> memref<128x128xf32, #tpu.memory_space<vmem_shared>>
      tpu.enqueue_dma source(%arg21 : memref<128x128xf32, #tpu.memory_space<vmem>>) target(%dma_start3A_166 : memref<128x128xf32, #tpu.memory_space<vmem_shared>>) target_semaphore(%run_scoped3A : memref<!tpu.dma_semaphore, #tpu.memory_space<semaphore_mem>>)
      %dma_wait3A = arith.constant 0 : i32
      %dma_wait3A_167 = tpu.memref_slice %arg8[%add3A_81, %dma_wait3A] : memref<10000x128xf32, #tpu.memory_space<vmem_shared>> -> memref<128x128xf32, #tpu.memory_space<vmem_shared>>
      %dma_wait3A_168 = arith.constant 0 : i32
      %dma_wait3A_169 = tpu.memref_slice %arg8[%add3A_81, %dma_wait3A_168] : memref<10000x128xf32, #tpu.memory_space<vmem_shared>> -> memref<128x128xf32, #tpu.memory_space<vmem_shared>>
      tpu.wait_dma2 semaphore(%run_scoped3A : memref<!tpu.dma_semaphore, #tpu.memory_space<semaphore_mem>>) src(%arg21 : memref<128x128xf32, #tpu.memory_space<vmem>>) dst(%dma_wait3A_169 : memref<128x128xf32, #tpu.memory_space<vmem_shared>>)
      tpu.yield
    }) : () -> ()
    %mul3A_82 = arith.constant 625 : i32
    %mul3A_83 = arith.muli %arg1, %mul3A_82 : i32
    %add3A_84 = arith.constant 512 : i32
    %add3A_85 = arith.addi %mul3A_83, %add3A_84 : i32
    "tpu.region"() ({
      %run_scoped3A = tpu.sem_alloc : memref<!tpu.dma_semaphore, #tpu.memory_space<semaphore_mem>>
      %dma_start3A = arith.constant 0 : i32
      %dma_start3A_164 = arith.constant 0 : i32
      %dma_start3A_165 = tpu.memref_slice %arg21[%dma_start3A, %dma_start3A_164] : memref<128x128xf32, #tpu.memory_space<vmem>> -> memref<113x128xf32, #tpu.memory_space<vmem>>
      %dma_start3A_166 = arith.constant 0 : i32
      %dma_start3A_167 = tpu.memref_slice %arg8[%add3A_85, %dma_start3A_166] : memref<10000x128xf32, #tpu.memory_space<vmem_shared>> -> memref<113x128xf32, #tpu.memory_space<vmem_shared>>
      %dma_start3A_168 = arith.constant 0 : i32
      %dma_start3A_169 = tpu.memref_slice %arg8[%add3A_85, %dma_start3A_168] : memref<10000x128xf32, #tpu.memory_space<vmem_shared>> -> memref<113x128xf32, #tpu.memory_space<vmem_shared>>
      %dma_start3A_170 = arith.constant 0 : i32
      %dma_start3A_171 = arith.constant 0 : i32
      %dma_start3A_172 = tpu.memref_slice %arg21[%dma_start3A_170, %dma_start3A_171] : memref<128x128xf32, #tpu.memory_space<vmem>> -> memref<113x128xf32, #tpu.memory_space<vmem>>
      tpu.enqueue_dma source(%dma_start3A_172 : memref<113x128xf32, #tpu.memory_space<vmem>>) target(%dma_start3A_169 : memref<113x128xf32, #tpu.memory_space<vmem_shared>>) target_semaphore(%run_scoped3A : memref<!tpu.dma_semaphore, #tpu.memory_space<semaphore_mem>>)
      %dma_wait3A = arith.constant 0 : i32
      %dma_wait3A_173 = arith.constant 0 : i32
      %dma_wait3A_174 = tpu.memref_slice %arg21[%dma_wait3A, %dma_wait3A_173] : memref<128x128xf32, #tpu.memory_space<vmem>> -> memref<113x128xf32, #tpu.memory_space<vmem>>
      %dma_wait3A_175 = arith.constant 0 : i32
      %dma_wait3A_176 = tpu.memref_slice %arg8[%add3A_85, %dma_wait3A_175] : memref<10000x128xf32, #tpu.memory_space<vmem_shared>> -> memref<113x128xf32, #tpu.memory_space<vmem_shared>>
      %dma_wait3A_177 = arith.constant 0 : i32
      %dma_wait3A_178 = tpu.memref_slice %arg8[%add3A_85, %dma_wait3A_177] : memref<10000x128xf32, #tpu.memory_space<vmem_shared>> -> memref<113x128xf32, #tpu.memory_space<vmem_shared>>
      %dma_wait3A_179 = arith.constant 0 : i32
      %dma_wait3A_180 = arith.constant 0 : i32
      %dma_wait3A_181 = tpu.memref_slice %arg21[%dma_wait3A_179, %dma_wait3A_180] : memref<128x128xf32, #tpu.memory_space<vmem>> -> memref<113x128xf32, #tpu.memory_space<vmem>>
      tpu.wait_dma2 semaphore(%run_scoped3A : memref<!tpu.dma_semaphore, #tpu.memory_space<semaphore_mem>>) src(%dma_wait3A_181 : memref<113x128xf32, #tpu.memory_space<vmem>>) dst(%dma_wait3A_178 : memref<113x128xf32, #tpu.memory_space<vmem_shared>>)
      tpu.yield
    }) : () -> ()
    %add3A_86 = arith.constant 0 : i32
    %add3A_87 = arith.addi %arg1, %add3A_86 : i32
    %lt3A = arith.constant 25 : i32
    %lt3A_88 = arith.cmpi slt, %add3A_87, %lt3A : i32
    %convert_element_type3A = arith.extui %lt3A_88 : i1 to i32
    %cond3A = arith.constant 0 : i32
    %cond3A_89 = arith.cmpi ne, %convert_element_type3A, %cond3A : i32
    scf.if %cond3A_89 {
      %mul3A_164 = arith.constant 400 : i32
      %mul3A_165 = arith.muli %add3A_87, %mul3A_164 : i32
      "tpu.region"() ({
        %run_scoped3A = tpu.sem_alloc : memref<!tpu.dma_semaphore, #tpu.memory_space<semaphore_mem>>
        %dma_start3A = tpu.memref_slice %arg9[%mul3A_165] : memref<10000xf32, #tpu.memory_space<vmem_shared>> -> memref<400xf32, #tpu.memory_space<vmem_shared>>
        %dma_start3A_166 = tpu.memref_slice %arg9[%mul3A_165] : memref<10000xf32, #tpu.memory_space<vmem_shared>> -> memref<400xf32, #tpu.memory_space<vmem_shared>>
        tpu.enqueue_dma source(%arg23 : memref<400xf32, #tpu.memory_space<vmem>>) target(%dma_start3A_166 : memref<400xf32, #tpu.memory_space<vmem_shared>>) target_semaphore(%run_scoped3A : memref<!tpu.dma_semaphore, #tpu.memory_space<semaphore_mem>>)
        %dma_wait3A = tpu.memref_slice %arg9[%mul3A_165] : memref<10000xf32, #tpu.memory_space<vmem_shared>> -> memref<400xf32, #tpu.memory_space<vmem_shared>>
        %dma_wait3A_167 = tpu.memref_slice %arg9[%mul3A_165] : memref<10000xf32, #tpu.memory_space<vmem_shared>> -> memref<400xf32, #tpu.memory_space<vmem_shared>>
        tpu.wait_dma2 semaphore(%run_scoped3A : memref<!tpu.dma_semaphore, #tpu.memory_space<semaphore_mem>>) src(%arg23 : memref<400xf32, #tpu.memory_space<vmem>>) dst(%dma_wait3A_167 : memref<400xf32, #tpu.memory_space<vmem_shared>>)
        tpu.yield
      }) : () -> ()
      "tpu.region"() ({
        %run_scoped3A = tpu.sem_alloc : memref<!tpu.dma_semaphore, #tpu.memory_space<semaphore_mem>>
        %dma_start3A = tpu.memref_slice %arg10[%mul3A_165] : memref<10000xf32, #tpu.memory_space<vmem_shared>> -> memref<400xf32, #tpu.memory_space<vmem_shared>>
        %dma_start3A_166 = tpu.memref_slice %arg10[%mul3A_165] : memref<10000xf32, #tpu.memory_space<vmem_shared>> -> memref<400xf32, #tpu.memory_space<vmem_shared>>
        tpu.enqueue_dma source(%arg23 : memref<400xf32, #tpu.memory_space<vmem>>) target(%dma_start3A_166 : memref<400xf32, #tpu.memory_space<vmem_shared>>) target_semaphore(%run_scoped3A : memref<!tpu.dma_semaphore, #tpu.memory_space<semaphore_mem>>)
        %dma_wait3A = tpu.memref_slice %arg10[%mul3A_165] : memref<10000xf32, #tpu.memory_space<vmem_shared>> -> memref<400xf32, #tpu.memory_space<vmem_shared>>
        %dma_wait3A_167 = tpu.memref_slice %arg10[%mul3A_165] : memref<10000xf32, #tpu.memory_space<vmem_shared>> -> memref<400xf32, #tpu.memory_space<vmem_shared>>
        tpu.wait_dma2 semaphore(%run_scoped3A : memref<!tpu.dma_semaphore, #tpu.memory_space<semaphore_mem>>) src(%arg23 : memref<400xf32, #tpu.memory_space<vmem>>) dst(%dma_wait3A_167 : memref<400xf32, #tpu.memory_space<vmem_shared>>)
        tpu.yield
      }) : () -> ()
    } else {
    }
    %add3A_90 = arith.constant 16 : i32
    %add3A_91 = arith.addi %arg1, %add3A_90 : i32
    %lt3A_92 = arith.constant 25 : i32
    %lt3A_93 = arith.cmpi slt, %add3A_91, %lt3A_92 : i32
    %convert_element_type3A_94 = arith.extui %lt3A_93 : i1 to i32
    %cond3A_95 = arith.constant 0 : i32
    %cond3A_96 = arith.cmpi ne, %convert_element_type3A_94, %cond3A_95 : i32
    scf.if %cond3A_96 {
      %mul3A_164 = arith.constant 400 : i32
      %mul3A_165 = arith.muli %add3A_91, %mul3A_164 : i32
      "tpu.region"() ({
        %run_scoped3A = tpu.sem_alloc : memref<!tpu.dma_semaphore, #tpu.memory_space<semaphore_mem>>
        %dma_start3A = tpu.memref_slice %arg9[%mul3A_165] : memref<10000xf32, #tpu.memory_space<vmem_shared>> -> memref<400xf32, #tpu.memory_space<vmem_shared>>
        %dma_start3A_166 = tpu.memref_slice %arg9[%mul3A_165] : memref<10000xf32, #tpu.memory_space<vmem_shared>> -> memref<400xf32, #tpu.memory_space<vmem_shared>>
        tpu.enqueue_dma source(%arg23 : memref<400xf32, #tpu.memory_space<vmem>>) target(%dma_start3A_166 : memref<400xf32, #tpu.memory_space<vmem_shared>>) target_semaphore(%run_scoped3A : memref<!tpu.dma_semaphore, #tpu.memory_space<semaphore_mem>>)
        %dma_wait3A = tpu.memref_slice %arg9[%mul3A_165] : memref<10000xf32, #tpu.memory_space<vmem_shared>> -> memref<400xf32, #tpu.memory_space<vmem_shared>>
        %dma_wait3A_167 = tpu.memref_slice %arg9[%mul3A_165] : memref<10000xf32, #tpu.memory_space<vmem_shared>> -> memref<400xf32, #tpu.memory_space<vmem_shared>>
        tpu.wait_dma2 semaphore(%run_scoped3A : memref<!tpu.dma_semaphore, #tpu.memory_space<semaphore_mem>>) src(%arg23 : memref<400xf32, #tpu.memory_space<vmem>>) dst(%dma_wait3A_167 : memref<400xf32, #tpu.memory_space<vmem_shared>>)
        tpu.yield
      }) : () -> ()
      "tpu.region"() ({
        %run_scoped3A = tpu.sem_alloc : memref<!tpu.dma_semaphore, #tpu.memory_space<semaphore_mem>>
        %dma_start3A = tpu.memref_slice %arg10[%mul3A_165] : memref<10000xf32, #tpu.memory_space<vmem_shared>> -> memref<400xf32, #tpu.memory_space<vmem_shared>>
        %dma_start3A_166 = tpu.memref_slice %arg10[%mul3A_165] : memref<10000xf32, #tpu.memory_space<vmem_shared>> -> memref<400xf32, #tpu.memory_space<vmem_shared>>
        tpu.enqueue_dma source(%arg23 : memref<400xf32, #tpu.memory_space<vmem>>) target(%dma_start3A_166 : memref<400xf32, #tpu.memory_space<vmem_shared>>) target_semaphore(%run_scoped3A : memref<!tpu.dma_semaphore, #tpu.memory_space<semaphore_mem>>)
        %dma_wait3A = tpu.memref_slice %arg10[%mul3A_165] : memref<10000xf32, #tpu.memory_space<vmem_shared>> -> memref<400xf32, #tpu.memory_space<vmem_shared>>
        %dma_wait3A_167 = tpu.memref_slice %arg10[%mul3A_165] : memref<10000xf32, #tpu.memory_space<vmem_shared>> -> memref<400xf32, #tpu.memory_space<vmem_shared>>
        tpu.wait_dma2 semaphore(%run_scoped3A : memref<!tpu.dma_semaphore, #tpu.memory_space<semaphore_mem>>) src(%arg23 : memref<400xf32, #tpu.memory_space<vmem>>) dst(%dma_wait3A_167 : memref<400xf32, #tpu.memory_space<vmem_shared>>)
        tpu.yield
      }) : () -> ()
    } else {
    }
    %barrier3A = arith.constant 0 : index
    tpu.barrier barrier_id(%barrier3A)
    %add3A_97 = arith.constant 0 : i32
    %add3A_98 = arith.addi %add3A_97, %arg1 : i32
    %lt3A_99 = arith.constant 5000 : i32
    %lt3A_100 = arith.cmpi slt, %add3A_98, %lt3A_99 : i32
    %convert_element_type3A_101 = arith.extui %lt3A_100 : i1 to i32
    %cond3A_102 = arith.constant 0 : i32
    %cond3A_103 = arith.cmpi ne, %convert_element_type3A_101, %cond3A_102 : i32
    scf.if %cond3A_103 {
      %mul3A_164 = arith.constant 64 : i32
      %mul3A_165 = arith.muli %arg1, %mul3A_164 : i32
      %dma_start3A = arith.constant 0 : i32
      %dma_start3A_166 = arith.constant 0 : i32
      %dma_start3A_167 = tpu.memref_slice %arg11[%dma_start3A, %dma_start3A_166] : memref<2x64xi32, #tpu.memory_space<vmem>> -> memref<1x64xi32, #tpu.memory_space<vmem>>
      %dma_start3A_168 = tpu.memref_squeeze %dma_start3A_167 : memref<1x64xi32, #tpu.memory_space<vmem>> -> memref<64xi32, #tpu.memory_space<vmem>>
      %dma_start3A_169 = tpu.memref_slice %arg3[%mul3A_165] : memref<320000xi32, #tpu.memory_space<hbm>> -> memref<64xi32, #tpu.memory_space<hbm>>
      %dma_start3A_170 = arith.constant 0 : i32
      %dma_start3A_171 = tpu.memref_slice %arg11[%dma_start3A, %dma_start3A_170] : memref<2x64xi32, #tpu.memory_space<vmem>> -> memref<1x64xi32, #tpu.memory_space<vmem>>
      %dma_start3A_172 = tpu.memref_squeeze %dma_start3A_171 : memref<1x64xi32, #tpu.memory_space<vmem>> -> memref<64xi32, #tpu.memory_space<vmem>>
      %dma_start3A_173 = tpu.memref_slice %arg3[%mul3A_165] : memref<320000xi32, #tpu.memory_space<hbm>> -> memref<64xi32, #tpu.memory_space<hbm>>
      tpu.enqueue_dma source(%dma_start3A_173 : memref<64xi32, #tpu.memory_space<hbm>>) target(%dma_start3A_172 : memref<64xi32, #tpu.memory_space<vmem>>) target_semaphore(%arg25 : memref<!tpu.dma_semaphore, #tpu.memory_space<semaphore_mem>>)
      %dma_start3A_174 = arith.constant 0 : i32
      %dma_start3A_175 = arith.constant 0 : i32
      %dma_start3A_176 = tpu.memref_slice %arg12[%dma_start3A_174, %dma_start3A_175] : memref<2x64xi32, #tpu.memory_space<vmem>> -> memref<1x64xi32, #tpu.memory_space<vmem>>
      %dma_start3A_177 = tpu.memref_squeeze %dma_start3A_176 : memref<1x64xi32, #tpu.memory_space<vmem>> -> memref<64xi32, #tpu.memory_space<vmem>>
      %dma_start3A_178 = tpu.memref_slice %arg4[%mul3A_165] : memref<320000xi32, #tpu.memory_space<hbm>> -> memref<64xi32, #tpu.memory_space<hbm>>
      %dma_start3A_179 = arith.constant 0 : i32
      %dma_start3A_180 = tpu.memref_slice %arg12[%dma_start3A_174, %dma_start3A_179] : memref<2x64xi32, #tpu.memory_space<vmem>> -> memref<1x64xi32, #tpu.memory_space<vmem>>
      %dma_start3A_181 = tpu.memref_squeeze %dma_start3A_180 : memref<1x64xi32, #tpu.memory_space<vmem>> -> memref<64xi32, #tpu.memory_space<vmem>>
      %dma_start3A_182 = tpu.memref_slice %arg4[%mul3A_165] : memref<320000xi32, #tpu.memory_space<hbm>> -> memref<64xi32, #tpu.memory_space<hbm>>
      tpu.enqueue_dma source(%dma_start3A_182 : memref<64xi32, #tpu.memory_space<hbm>>) target(%dma_start3A_181 : memref<64xi32, #tpu.memory_space<vmem>>) target_semaphore(%arg25 : memref<!tpu.dma_semaphore, #tpu.memory_space<semaphore_mem>>)
    } else {
    }
    %add3A_104 = arith.constant 16 : i32
    %add3A_105 = arith.addi %add3A_104, %arg1 : i32
    %lt3A_106 = arith.constant 5000 : i32
    %lt3A_107 = arith.cmpi slt, %add3A_105, %lt3A_106 : i32
    %convert_element_type3A_108 = arith.extui %lt3A_107 : i1 to i32
    %cond3A_109 = arith.constant 0 : i32
    %cond3A_110 = arith.cmpi ne, %convert_element_type3A_108, %cond3A_109 : i32
    scf.if %cond3A_110 {
      %add3A_164 = arith.constant 16 : i32
      %add3A_165 = arith.addi %add3A_164, %arg1 : i32
      %mul3A_166 = arith.constant 64 : i32
      %mul3A_167 = arith.muli %add3A_165, %mul3A_166 : i32
      %dma_start3A = arith.constant 1 : i32
      %dma_start3A_168 = arith.constant 0 : i32
      %dma_start3A_169 = tpu.memref_slice %arg11[%dma_start3A, %dma_start3A_168] : memref<2x64xi32, #tpu.memory_space<vmem>> -> memref<1x64xi32, #tpu.memory_space<vmem>>
      %dma_start3A_170 = tpu.memref_squeeze %dma_start3A_169 : memref<1x64xi32, #tpu.memory_space<vmem>> -> memref<64xi32, #tpu.memory_space<vmem>>
      %dma_start3A_171 = tpu.memref_slice %arg3[%mul3A_167] : memref<320000xi32, #tpu.memory_space<hbm>> -> memref<64xi32, #tpu.memory_space<hbm>>
      %dma_start3A_172 = arith.constant 0 : i32
      %dma_start3A_173 = tpu.memref_slice %arg11[%dma_start3A, %dma_start3A_172] : memref<2x64xi32, #tpu.memory_space<vmem>> -> memref<1x64xi32, #tpu.memory_space<vmem>>
      %dma_start3A_174 = tpu.memref_squeeze %dma_start3A_173 : memref<1x64xi32, #tpu.memory_space<vmem>> -> memref<64xi32, #tpu.memory_space<vmem>>
      %dma_start3A_175 = tpu.memref_slice %arg3[%mul3A_167] : memref<320000xi32, #tpu.memory_space<hbm>> -> memref<64xi32, #tpu.memory_space<hbm>>
      tpu.enqueue_dma source(%dma_start3A_175 : memref<64xi32, #tpu.memory_space<hbm>>) target(%dma_start3A_174 : memref<64xi32, #tpu.memory_space<vmem>>) target_semaphore(%arg26 : memref<!tpu.dma_semaphore, #tpu.memory_space<semaphore_mem>>)
      %dma_start3A_176 = arith.constant 1 : i32
      %dma_start3A_177 = arith.constant 0 : i32
      %dma_start3A_178 = tpu.memref_slice %arg12[%dma_start3A_176, %dma_start3A_177] : memref<2x64xi32, #tpu.memory_space<vmem>> -> memref<1x64xi32, #tpu.memory_space<vmem>>
      %dma_start3A_179 = tpu.memref_squeeze %dma_start3A_178 : memref<1x64xi32, #tpu.memory_space<vmem>> -> memref<64xi32, #tpu.memory_space<vmem>>
      %dma_start3A_180 = tpu.memref_slice %arg4[%mul3A_167] : memref<320000xi32, #tpu.memory_space<hbm>> -> memref<64xi32, #tpu.memory_space<hbm>>
      %dma_start3A_181 = arith.constant 0 : i32
      %dma_start3A_182 = tpu.memref_slice %arg12[%dma_start3A_176, %dma_start3A_181] : memref<2x64xi32, #tpu.memory_space<vmem>> -> memref<1x64xi32, #tpu.memory_space<vmem>>
      %dma_start3A_183 = tpu.memref_squeeze %dma_start3A_182 : memref<1x64xi32, #tpu.memory_space<vmem>> -> memref<64xi32, #tpu.memory_space<vmem>>
      %dma_start3A_184 = tpu.memref_slice %arg4[%mul3A_167] : memref<320000xi32, #tpu.memory_space<hbm>> -> memref<64xi32, #tpu.memory_space<hbm>>
      tpu.enqueue_dma source(%dma_start3A_184 : memref<64xi32, #tpu.memory_space<hbm>>) target(%dma_start3A_183 : memref<64xi32, #tpu.memory_space<vmem>>) target_semaphore(%arg26 : memref<!tpu.dma_semaphore, #tpu.memory_space<semaphore_mem>>)
    } else {
    }
    %scan3A_111 = arith.constant 0 : i32
    %scan3A_112 = arith.constant 0 : i32
    %scan3A_113 = arith.constant 157 : i32
    %scan3A_114 = arith.addi %scan3A_112, %scan3A_113 : i32
    %scan3A_115 = arith.constant 1 : i32
    scf.for %scan3A_164 = %scan3A_112 to %scan3A_114 step %scan3A_115  : i32 {
      %mul3A_165 = arith.constant 2 : i32
      %mul3A_166 = arith.muli %mul3A_165, %scan3A_164 : i32
      %add3A_167 = arith.constant 0 : i32
      %add3A_168 = arith.addi %mul3A_166, %add3A_167 : i32
      %mul3A_169 = arith.constant 16 : i32
      %mul3A_170 = arith.muli %add3A_168, %mul3A_169 : i32
      %add3A_171 = arith.addi %mul3A_170, %arg1 : i32
      %mul3A_172 = arith.constant 16 : i32
      %mul3A_173 = arith.muli %add3A_168, %mul3A_172 : i32
      %add3A_174 = arith.addi %mul3A_173, %arg1 : i32
      %lt3A_175 = arith.constant 5000 : i32
      %lt3A_176 = arith.cmpi slt, %add3A_174, %lt3A_175 : i32
      %convert_element_type3A_177 = arith.extui %lt3A_176 : i1 to i32
      %cond3A_178 = arith.constant 0 : i32
      %cond3A_179 = arith.cmpi ne, %convert_element_type3A_177, %cond3A_178 : i32
      scf.if %cond3A_179 {
        %dma_wait3A = arith.constant 0 : i32
        %dma_wait3A_215 = arith.constant 0 : i32
        %dma_wait3A_216 = tpu.memref_slice %arg11[%dma_wait3A, %dma_wait3A_215] : memref<2x64xi32, #tpu.memory_space<vmem>> -> memref<1x64xi32, #tpu.memory_space<vmem>>
        %dma_wait3A_217 = tpu.memref_squeeze %dma_wait3A_216 : memref<1x64xi32, #tpu.memory_space<vmem>> -> memref<64xi32, #tpu.memory_space<vmem>>
        %dma_wait3A_218 = arith.constant 0 : i32
        %dma_wait3A_219 = tpu.memref_slice %arg3[%dma_wait3A_218] : memref<320000xi32, #tpu.memory_space<hbm>> -> memref<64xi32, #tpu.memory_space<hbm>>
        %dma_wait3A_220 = arith.constant 0 : i32
        %dma_wait3A_221 = tpu.memref_slice %arg11[%dma_wait3A, %dma_wait3A_220] : memref<2x64xi32, #tpu.memory_space<vmem>> -> memref<1x64xi32, #tpu.memory_space<vmem>>
        %dma_wait3A_222 = tpu.memref_squeeze %dma_wait3A_221 : memref<1x64xi32, #tpu.memory_space<vmem>> -> memref<64xi32, #tpu.memory_space<vmem>>
        %dma_wait3A_223 = arith.constant 0 : i32
        %dma_wait3A_224 = tpu.memref_slice %arg3[%dma_wait3A_223] : memref<320000xi32, #tpu.memory_space<hbm>> -> memref<64xi32, #tpu.memory_space<hbm>>
        tpu.wait_dma2 semaphore(%arg25 : memref<!tpu.dma_semaphore, #tpu.memory_space<semaphore_mem>>) src(%dma_wait3A_224 : memref<64xi32, #tpu.memory_space<hbm>>) dst(%dma_wait3A_222 : memref<64xi32, #tpu.memory_space<vmem>>)
        %dma_wait3A_225 = arith.constant 0 : i32
        %dma_wait3A_226 = arith.constant 0 : i32
        %dma_wait3A_227 = tpu.memref_slice %arg12[%dma_wait3A_225, %dma_wait3A_226] : memref<2x64xi32, #tpu.memory_space<vmem>> -> memref<1x64xi32, #tpu.memory_space<vmem>>
        %dma_wait3A_228 = tpu.memref_squeeze %dma_wait3A_227 : memref<1x64xi32, #tpu.memory_space<vmem>> -> memref<64xi32, #tpu.memory_space<vmem>>
        %dma_wait3A_229 = arith.constant 0 : i32
        %dma_wait3A_230 = tpu.memref_slice %arg4[%dma_wait3A_229] : memref<320000xi32, #tpu.memory_space<hbm>> -> memref<64xi32, #tpu.memory_space<hbm>>
        %dma_wait3A_231 = arith.constant 0 : i32
        %dma_wait3A_232 = tpu.memref_slice %arg12[%dma_wait3A_225, %dma_wait3A_231] : memref<2x64xi32, #tpu.memory_space<vmem>> -> memref<1x64xi32, #tpu.memory_space<vmem>>
        %dma_wait3A_233 = tpu.memref_squeeze %dma_wait3A_232 : memref<1x64xi32, #tpu.memory_space<vmem>> -> memref<64xi32, #tpu.memory_space<vmem>>
        %dma_wait3A_234 = arith.constant 0 : i32
        %dma_wait3A_235 = tpu.memref_slice %arg4[%dma_wait3A_234] : memref<320000xi32, #tpu.memory_space<hbm>> -> memref<64xi32, #tpu.memory_space<hbm>>
        tpu.wait_dma2 semaphore(%arg25 : memref<!tpu.dma_semaphore, #tpu.memory_space<semaphore_mem>>) src(%dma_wait3A_235 : memref<64xi32, #tpu.memory_space<hbm>>) dst(%dma_wait3A_233 : memref<64xi32, #tpu.memory_space<vmem>>)
        %dma_start3A = arith.constant 0 : i32
        %dma_start3A_236 = arith.constant 0 : i32
        %dma_start3A_237 = tpu.memref_slice %arg11[%dma_start3A, %dma_start3A_236] : memref<2x64xi32, #tpu.memory_space<vmem>> -> memref<1x64xi32, #tpu.memory_space<vmem>>
        %dma_start3A_238 = tpu.memref_squeeze %dma_start3A_237 : memref<1x64xi32, #tpu.memory_space<vmem>> -> memref<64xi32, #tpu.memory_space<vmem>>
        %dma_start3A_239 = arith.constant 0 : i32
        %dma_start3A_240 = tpu.memref_slice %arg9[%dma_start3A_239] : memref<10000xf32, #tpu.memory_space<vmem_shared>> -> memref<10000xf32, #tpu.memory_space<vmem_shared>>
        tpu.enqueue_indirect_dma source(%arg22 : memref<64xf32, #tpu.memory_space<vmem>>) target(%dma_start3A_240 : memref<10000xf32, #tpu.memory_space<vmem_shared>>) offsets(%dma_start3A_238 : memref<64xi32, #tpu.memory_space<vmem>>) semaphore(%arg27 : memref<!tpu.dma_semaphore, #tpu.memory_space<semaphore_mem>>) {add = true}
        %dma_start3A_241 = arith.constant 0 : i32
        %dma_start3A_242 = arith.constant 0 : i32
        %dma_start3A_243 = tpu.memref_slice %arg12[%dma_start3A_241, %dma_start3A_242] : memref<2x64xi32, #tpu.memory_space<vmem>> -> memref<1x64xi32, #tpu.memory_space<vmem>>
        %dma_start3A_244 = tpu.memref_squeeze %dma_start3A_243 : memref<1x64xi32, #tpu.memory_space<vmem>> -> memref<64xi32, #tpu.memory_space<vmem>>
        %dma_start3A_245 = arith.constant 0 : i32
        %dma_start3A_246 = tpu.memref_slice %arg10[%dma_start3A_245] : memref<10000xf32, #tpu.memory_space<vmem_shared>> -> memref<10000xf32, #tpu.memory_space<vmem_shared>>
        tpu.enqueue_indirect_dma source(%arg22 : memref<64xf32, #tpu.memory_space<vmem>>) target(%dma_start3A_246 : memref<10000xf32, #tpu.memory_space<vmem_shared>>) offsets(%dma_start3A_244 : memref<64xi32, #tpu.memory_space<vmem>>) semaphore(%arg27 : memref<!tpu.dma_semaphore, #tpu.memory_space<semaphore_mem>>) {add = true}
        %dma_wait3A_247 = arith.constant 0 : i32
        %dma_wait3A_248 = arith.constant 0 : i32
        %dma_wait3A_249 = tpu.memref_slice %arg11[%dma_wait3A_247, %dma_wait3A_248] : memref<2x64xi32, #tpu.memory_space<vmem>> -> memref<1x64xi32, #tpu.memory_space<vmem>>
        %dma_wait3A_250 = tpu.memref_squeeze %dma_wait3A_249 : memref<1x64xi32, #tpu.memory_space<vmem>> -> memref<64xi32, #tpu.memory_space<vmem>>
        %dma_wait3A_251 = arith.constant 0 : i32
        %dma_wait3A_252 = tpu.memref_slice %arg9[%dma_wait3A_251] : memref<10000xf32, #tpu.memory_space<vmem_shared>> -> memref<10000xf32, #tpu.memory_space<vmem_shared>>
        tpu.wait_indirect_dma semaphore(%arg27 : memref<!tpu.dma_semaphore, #tpu.memory_space<semaphore_mem>>) src(%arg22 : memref<64xf32, #tpu.memory_space<vmem>>) dst(%dma_wait3A_252 : memref<10000xf32, #tpu.memory_space<vmem_shared>>)
        %dma_wait3A_253 = arith.constant 0 : i32
        %dma_wait3A_254 = arith.constant 0 : i32
        %dma_wait3A_255 = tpu.memref_slice %arg12[%dma_wait3A_253, %dma_wait3A_254] : memref<2x64xi32, #tpu.memory_space<vmem>> -> memref<1x64xi32, #tpu.memory_space<vmem>>
        %dma_wait3A_256 = tpu.memref_squeeze %dma_wait3A_255 : memref<1x64xi32, #tpu.memory_space<vmem>> -> memref<64xi32, #tpu.memory_space<vmem>>
        %dma_wait3A_257 = arith.constant 0 : i32
        %dma_wait3A_258 = tpu.memref_slice %arg10[%dma_wait3A_257] : memref<10000xf32, #tpu.memory_space<vmem_shared>> -> memref<10000xf32, #tpu.memory_space<vmem_shared>>
        tpu.wait_indirect_dma semaphore(%arg27 : memref<!tpu.dma_semaphore, #tpu.memory_space<semaphore_mem>>) src(%arg22 : memref<64xf32, #tpu.memory_space<vmem>>) dst(%dma_wait3A_258 : memref<10000xf32, #tpu.memory_space<vmem_shared>>)
      } else {
      }
      %add3A_180 = arith.constant 2 : i32
      %add3A_181 = arith.addi %add3A_168, %add3A_180 : i32
      %mul3A_182 = arith.constant 16 : i32
      %mul3A_183 = arith.muli %add3A_181, %mul3A_182 : i32
      %add3A_184 = arith.addi %mul3A_183, %arg1 : i32
      %lt3A_185 = arith.constant 5000 : i32
      %lt3A_186 = arith.cmpi slt, %add3A_184, %lt3A_185 : i32
      %convert_element_type3A_187 = arith.extui %lt3A_186 : i1 to i32
      %cond3A_188 = arith.constant 0 : i32
      %cond3A_189 = arith.cmpi ne, %convert_element_type3A_187, %cond3A_188 : i32
      scf.if %cond3A_189 {
        %add3A_215 = arith.constant 32 : i32
        %add3A_216 = arith.addi %add3A_171, %add3A_215 : i32
        %mul3A_217 = arith.constant 64 : i32
        %mul3A_218 = arith.muli %add3A_216, %mul3A_217 : i32
        %dma_start3A = arith.constant 0 : i32
        %dma_start3A_219 = arith.constant 0 : i32
        %dma_start3A_220 = tpu.memref_slice %arg11[%dma_start3A, %dma_start3A_219] : memref<2x64xi32, #tpu.memory_space<vmem>> -> memref<1x64xi32, #tpu.memory_space<vmem>>
        %dma_start3A_221 = tpu.memref_squeeze %dma_start3A_220 : memref<1x64xi32, #tpu.memory_space<vmem>> -> memref<64xi32, #tpu.memory_space<vmem>>
        %dma_start3A_222 = tpu.memref_slice %arg3[%mul3A_218] : memref<320000xi32, #tpu.memory_space<hbm>> -> memref<64xi32, #tpu.memory_space<hbm>>
        %dma_start3A_223 = arith.constant 0 : i32
        %dma_start3A_224 = tpu.memref_slice %arg11[%dma_start3A, %dma_start3A_223] : memref<2x64xi32, #tpu.memory_space<vmem>> -> memref<1x64xi32, #tpu.memory_space<vmem>>
        %dma_start3A_225 = tpu.memref_squeeze %dma_start3A_224 : memref<1x64xi32, #tpu.memory_space<vmem>> -> memref<64xi32, #tpu.memory_space<vmem>>
        %dma_start3A_226 = tpu.memref_slice %arg3[%mul3A_218] : memref<320000xi32, #tpu.memory_space<hbm>> -> memref<64xi32, #tpu.memory_space<hbm>>
        tpu.enqueue_dma source(%dma_start3A_226 : memref<64xi32, #tpu.memory_space<hbm>>) target(%dma_start3A_225 : memref<64xi32, #tpu.memory_space<vmem>>) target_semaphore(%arg25 : memref<!tpu.dma_semaphore, #tpu.memory_space<semaphore_mem>>)
        %dma_start3A_227 = arith.constant 0 : i32
        %dma_start3A_228 = arith.constant 0 : i32
        %dma_start3A_229 = tpu.memref_slice %arg12[%dma_start3A_227, %dma_start3A_228] : memref<2x64xi32, #tpu.memory_space<vmem>> -> memref<1x64xi32, #tpu.memory_space<vmem>>
        %dma_start3A_230 = tpu.memref_squeeze %dma_start3A_229 : memref<1x64xi32, #tpu.memory_space<vmem>> -> memref<64xi32, #tpu.memory_space<vmem>>
        %dma_start3A_231 = tpu.memref_slice %arg4[%mul3A_218] : memref<320000xi32, #tpu.memory_space<hbm>> -> memref<64xi32, #tpu.memory_space<hbm>>
        %dma_start3A_232 = arith.constant 0 : i32
        %dma_start3A_233 = tpu.memref_slice %arg12[%dma_start3A_227, %dma_start3A_232] : memref<2x64xi32, #tpu.memory_space<vmem>> -> memref<1x64xi32, #tpu.memory_space<vmem>>
        %dma_start3A_234 = tpu.memref_squeeze %dma_start3A_233 : memref<1x64xi32, #tpu.memory_space<vmem>> -> memref<64xi32, #tpu.memory_space<vmem>>
        %dma_start3A_235 = tpu.memref_slice %arg4[%mul3A_218] : memref<320000xi32, #tpu.memory_space<hbm>> -> memref<64xi32, #tpu.memory_space<hbm>>
        tpu.enqueue_dma source(%dma_start3A_235 : memref<64xi32, #tpu.memory_space<hbm>>) target(%dma_start3A_234 : memref<64xi32, #tpu.memory_space<vmem>>) target_semaphore(%arg25 : memref<!tpu.dma_semaphore, #tpu.memory_space<semaphore_mem>>)
      } else {
      }
      %mul3A_190 = arith.constant 2 : i32
      %mul3A_191 = arith.muli %mul3A_190, %scan3A_164 : i32
      %add3A_192 = arith.constant 1 : i32
      %add3A_193 = arith.addi %mul3A_191, %add3A_192 : i32
      %mul3A_194 = arith.constant 16 : i32
      %mul3A_195 = arith.muli %add3A_193, %mul3A_194 : i32
      %add3A_196 = arith.addi %mul3A_195, %arg1 : i32
      %mul3A_197 = arith.constant 16 : i32
      %mul3A_198 = arith.muli %add3A_193, %mul3A_197 : i32
      %add3A_199 = arith.addi %mul3A_198, %arg1 : i32
      %lt3A_200 = arith.constant 5000 : i32
      %lt3A_201 = arith.cmpi slt, %add3A_199, %lt3A_200 : i32
      %convert_element_type3A_202 = arith.extui %lt3A_201 : i1 to i32
      %cond3A_203 = arith.constant 0 : i32
      %cond3A_204 = arith.cmpi ne, %convert_element_type3A_202, %cond3A_203 : i32
      scf.if %cond3A_204 {
        %dma_wait3A = arith.constant 1 : i32
        %dma_wait3A_215 = arith.constant 0 : i32
        %dma_wait3A_216 = tpu.memref_slice %arg11[%dma_wait3A, %dma_wait3A_215] : memref<2x64xi32, #tpu.memory_space<vmem>> -> memref<1x64xi32, #tpu.memory_space<vmem>>
        %dma_wait3A_217 = tpu.memref_squeeze %dma_wait3A_216 : memref<1x64xi32, #tpu.memory_space<vmem>> -> memref<64xi32, #tpu.memory_space<vmem>>
        %dma_wait3A_218 = arith.constant 0 : i32
        %dma_wait3A_219 = tpu.memref_slice %arg3[%dma_wait3A_218] : memref<320000xi32, #tpu.memory_space<hbm>> -> memref<64xi32, #tpu.memory_space<hbm>>
        %dma_wait3A_220 = arith.constant 0 : i32
        %dma_wait3A_221 = tpu.memref_slice %arg11[%dma_wait3A, %dma_wait3A_220] : memref<2x64xi32, #tpu.memory_space<vmem>> -> memref<1x64xi32, #tpu.memory_space<vmem>>
        %dma_wait3A_222 = tpu.memref_squeeze %dma_wait3A_221 : memref<1x64xi32, #tpu.memory_space<vmem>> -> memref<64xi32, #tpu.memory_space<vmem>>
        %dma_wait3A_223 = arith.constant 0 : i32
        %dma_wait3A_224 = tpu.memref_slice %arg3[%dma_wait3A_223] : memref<320000xi32, #tpu.memory_space<hbm>> -> memref<64xi32, #tpu.memory_space<hbm>>
        tpu.wait_dma2 semaphore(%arg26 : memref<!tpu.dma_semaphore, #tpu.memory_space<semaphore_mem>>) src(%dma_wait3A_224 : memref<64xi32, #tpu.memory_space<hbm>>) dst(%dma_wait3A_222 : memref<64xi32, #tpu.memory_space<vmem>>)
        %dma_wait3A_225 = arith.constant 1 : i32
        %dma_wait3A_226 = arith.constant 0 : i32
        %dma_wait3A_227 = tpu.memref_slice %arg12[%dma_wait3A_225, %dma_wait3A_226] : memref<2x64xi32, #tpu.memory_space<vmem>> -> memref<1x64xi32, #tpu.memory_space<vmem>>
        %dma_wait3A_228 = tpu.memref_squeeze %dma_wait3A_227 : memref<1x64xi32, #tpu.memory_space<vmem>> -> memref<64xi32, #tpu.memory_space<vmem>>
        %dma_wait3A_229 = arith.constant 0 : i32
        %dma_wait3A_230 = tpu.memref_slice %arg4[%dma_wait3A_229] : memref<320000xi32, #tpu.memory_space<hbm>> -> memref<64xi32, #tpu.memory_space<hbm>>
        %dma_wait3A_231 = arith.constant 0 : i32
        %dma_wait3A_232 = tpu.memref_slice %arg12[%dma_wait3A_225, %dma_wait3A_231] : memref<2x64xi32, #tpu.memory_space<vmem>> -> memref<1x64xi32, #tpu.memory_space<vmem>>
        %dma_wait3A_233 = tpu.memref_squeeze %dma_wait3A_232 : memref<1x64xi32, #tpu.memory_space<vmem>> -> memref<64xi32, #tpu.memory_space<vmem>>
        %dma_wait3A_234 = arith.constant 0 : i32
        %dma_wait3A_235 = tpu.memref_slice %arg4[%dma_wait3A_234] : memref<320000xi32, #tpu.memory_space<hbm>> -> memref<64xi32, #tpu.memory_space<hbm>>
        tpu.wait_dma2 semaphore(%arg26 : memref<!tpu.dma_semaphore, #tpu.memory_space<semaphore_mem>>) src(%dma_wait3A_235 : memref<64xi32, #tpu.memory_space<hbm>>) dst(%dma_wait3A_233 : memref<64xi32, #tpu.memory_space<vmem>>)
        %dma_start3A = arith.constant 1 : i32
        %dma_start3A_236 = arith.constant 0 : i32
        %dma_start3A_237 = tpu.memref_slice %arg11[%dma_start3A, %dma_start3A_236] : memref<2x64xi32, #tpu.memory_space<vmem>> -> memref<1x64xi32, #tpu.memory_space<vmem>>
        %dma_start3A_238 = tpu.memref_squeeze %dma_start3A_237 : memref<1x64xi32, #tpu.memory_space<vmem>> -> memref<64xi32, #tpu.memory_space<vmem>>
        %dma_start3A_239 = arith.constant 0 : i32
        %dma_start3A_240 = tpu.memref_slice %arg9[%dma_start3A_239] : memref<10000xf32, #tpu.memory_space<vmem_shared>> -> memref<10000xf32, #tpu.memory_space<vmem_shared>>
        tpu.enqueue_indirect_dma source(%arg22 : memref<64xf32, #tpu.memory_space<vmem>>) target(%dma_start3A_240 : memref<10000xf32, #tpu.memory_space<vmem_shared>>) offsets(%dma_start3A_238 : memref<64xi32, #tpu.memory_space<vmem>>) semaphore(%arg28 : memref<!tpu.dma_semaphore, #tpu.memory_space<semaphore_mem>>) {add = true}
        %dma_start3A_241 = arith.constant 1 : i32
        %dma_start3A_242 = arith.constant 0 : i32
        %dma_start3A_243 = tpu.memref_slice %arg12[%dma_start3A_241, %dma_start3A_242] : memref<2x64xi32, #tpu.memory_space<vmem>> -> memref<1x64xi32, #tpu.memory_space<vmem>>
        %dma_start3A_244 = tpu.memref_squeeze %dma_start3A_243 : memref<1x64xi32, #tpu.memory_space<vmem>> -> memref<64xi32, #tpu.memory_space<vmem>>
        %dma_start3A_245 = arith.constant 0 : i32
        %dma_start3A_246 = tpu.memref_slice %arg10[%dma_start3A_245] : memref<10000xf32, #tpu.memory_space<vmem_shared>> -> memref<10000xf32, #tpu.memory_space<vmem_shared>>
        tpu.enqueue_indirect_dma source(%arg22 : memref<64xf32, #tpu.memory_space<vmem>>) target(%dma_start3A_246 : memref<10000xf32, #tpu.memory_space<vmem_shared>>) offsets(%dma_start3A_244 : memref<64xi32, #tpu.memory_space<vmem>>) semaphore(%arg28 : memref<!tpu.dma_semaphore, #tpu.memory_space<semaphore_mem>>) {add = true}
        %dma_wait3A_247 = arith.constant 1 : i32
        %dma_wait3A_248 = arith.constant 0 : i32
        %dma_wait3A_249 = tpu.memref_slice %arg11[%dma_wait3A_247, %dma_wait3A_248] : memref<2x64xi32, #tpu.memory_space<vmem>> -> memref<1x64xi32, #tpu.memory_space<vmem>>
        %dma_wait3A_250 = tpu.memref_squeeze %dma_wait3A_249 : memref<1x64xi32, #tpu.memory_space<vmem>> -> memref<64xi32, #tpu.memory_space<vmem>>
        %dma_wait3A_251 = arith.constant 0 : i32
        %dma_wait3A_252 = tpu.memref_slice %arg9[%dma_wait3A_251] : memref<10000xf32, #tpu.memory_space<vmem_shared>> -> memref<10000xf32, #tpu.memory_space<vmem_shared>>
        tpu.wait_indirect_dma semaphore(%arg28 : memref<!tpu.dma_semaphore, #tpu.memory_space<semaphore_mem>>) src(%arg22 : memref<64xf32, #tpu.memory_space<vmem>>) dst(%dma_wait3A_252 : memref<10000xf32, #tpu.memory_space<vmem_shared>>)
        %dma_wait3A_253 = arith.constant 1 : i32
        %dma_wait3A_254 = arith.constant 0 : i32
        %dma_wait3A_255 = tpu.memref_slice %arg12[%dma_wait3A_253, %dma_wait3A_254] : memref<2x64xi32, #tpu.memory_space<vmem>> -> memref<1x64xi32, #tpu.memory_space<vmem>>
        %dma_wait3A_256 = tpu.memref_squeeze %dma_wait3A_255 : memref<1x64xi32, #tpu.memory_space<vmem>> -> memref<64xi32, #tpu.memory_space<vmem>>
        %dma_wait3A_257 = arith.constant 0 : i32
        %dma_wait3A_258 = tpu.memref_slice %arg10[%dma_wait3A_257] : memref<10000xf32, #tpu.memory_space<vmem_shared>> -> memref<10000xf32, #tpu.memory_space<vmem_shared>>
        tpu.wait_indirect_dma semaphore(%arg28 : memref<!tpu.dma_semaphore, #tpu.memory_space<semaphore_mem>>) src(%arg22 : memref<64xf32, #tpu.memory_space<vmem>>) dst(%dma_wait3A_258 : memref<10000xf32, #tpu.memory_space<vmem_shared>>)
      } else {
      }
      %add3A_205 = arith.constant 2 : i32
      %add3A_206 = arith.addi %add3A_193, %add3A_205 : i32
      %mul3A_207 = arith.constant 16 : i32
      %mul3A_208 = arith.muli %add3A_206, %mul3A_207 : i32
      %add3A_209 = arith.addi %mul3A_208, %arg1 : i32
      %lt3A_210 = arith.constant 5000 : i32
      %lt3A_211 = arith.cmpi slt, %add3A_209, %lt3A_210 : i32
      %convert_element_type3A_212 = arith.extui %lt3A_211 : i1 to i32
      %cond3A_213 = arith.constant 0 : i32
      %cond3A_214 = arith.cmpi ne, %convert_element_type3A_212, %cond3A_213 : i32
      scf.if %cond3A_214 {
        %add3A_215 = arith.constant 32 : i32
        %add3A_216 = arith.addi %add3A_196, %add3A_215 : i32
        %mul3A_217 = arith.constant 64 : i32
        %mul3A_218 = arith.muli %add3A_216, %mul3A_217 : i32
        %dma_start3A = arith.constant 1 : i32
        %dma_start3A_219 = arith.constant 0 : i32
        %dma_start3A_220 = tpu.memref_slice %arg11[%dma_start3A, %dma_start3A_219] : memref<2x64xi32, #tpu.memory_space<vmem>> -> memref<1x64xi32, #tpu.memory_space<vmem>>
        %dma_start3A_221 = tpu.memref_squeeze %dma_start3A_220 : memref<1x64xi32, #tpu.memory_space<vmem>> -> memref<64xi32, #tpu.memory_space<vmem>>
        %dma_start3A_222 = tpu.memref_slice %arg3[%mul3A_218] : memref<320000xi32, #tpu.memory_space<hbm>> -> memref<64xi32, #tpu.memory_space<hbm>>
        %dma_start3A_223 = arith.constant 0 : i32
        %dma_start3A_224 = tpu.memref_slice %arg11[%dma_start3A, %dma_start3A_223] : memref<2x64xi32, #tpu.memory_space<vmem>> -> memref<1x64xi32, #tpu.memory_space<vmem>>
        %dma_start3A_225 = tpu.memref_squeeze %dma_start3A_224 : memref<1x64xi32, #tpu.memory_space<vmem>> -> memref<64xi32, #tpu.memory_space<vmem>>
        %dma_start3A_226 = tpu.memref_slice %arg3[%mul3A_218] : memref<320000xi32, #tpu.memory_space<hbm>> -> memref<64xi32, #tpu.memory_space<hbm>>
        tpu.enqueue_dma source(%dma_start3A_226 : memref<64xi32, #tpu.memory_space<hbm>>) target(%dma_start3A_225 : memref<64xi32, #tpu.memory_space<vmem>>) target_semaphore(%arg26 : memref<!tpu.dma_semaphore, #tpu.memory_space<semaphore_mem>>)
        %dma_start3A_227 = arith.constant 1 : i32
        %dma_start3A_228 = arith.constant 0 : i32
        %dma_start3A_229 = tpu.memref_slice %arg12[%dma_start3A_227, %dma_start3A_228] : memref<2x64xi32, #tpu.memory_space<vmem>> -> memref<1x64xi32, #tpu.memory_space<vmem>>
        %dma_start3A_230 = tpu.memref_squeeze %dma_start3A_229 : memref<1x64xi32, #tpu.memory_space<vmem>> -> memref<64xi32, #tpu.memory_space<vmem>>
        %dma_start3A_231 = tpu.memref_slice %arg4[%mul3A_218] : memref<320000xi32, #tpu.memory_space<hbm>> -> memref<64xi32, #tpu.memory_space<hbm>>
        %dma_start3A_232 = arith.constant 0 : i32
        %dma_start3A_233 = tpu.memref_slice %arg12[%dma_start3A_227, %dma_start3A_232] : memref<2x64xi32, #tpu.memory_space<vmem>> -> memref<1x64xi32, #tpu.memory_space<vmem>>
        %dma_start3A_234 = tpu.memref_squeeze %dma_start3A_233 : memref<1x64xi32, #tpu.memory_space<vmem>> -> memref<64xi32, #tpu.memory_space<vmem>>
        %dma_start3A_235 = tpu.memref_slice %arg4[%mul3A_218] : memref<320000xi32, #tpu.memory_space<hbm>> -> memref<64xi32, #tpu.memory_space<hbm>>
        tpu.enqueue_dma source(%dma_start3A_235 : memref<64xi32, #tpu.memory_space<hbm>>) target(%dma_start3A_234 : memref<64xi32, #tpu.memory_space<vmem>>) target_semaphore(%arg26 : memref<!tpu.dma_semaphore, #tpu.memory_space<semaphore_mem>>)
      } else {
      }
    }
    %scan3A_116 = arith.constant 157 : i32
    %barrier3A_117 = arith.constant 0 : index
    tpu.barrier barrier_id(%barrier3A_117)
    %add3A_118 = arith.constant 0 : i32
    %add3A_119 = arith.addi %arg1, %add3A_118 : i32
    %lt3A_120 = arith.constant 25 : i32
    %lt3A_121 = arith.cmpi slt, %add3A_119, %lt3A_120 : i32
    %convert_element_type3A_122 = arith.extui %lt3A_121 : i1 to i32
    %cond3A_123 = arith.constant 0 : i32
    %cond3A_124 = arith.cmpi ne, %convert_element_type3A_122, %cond3A_123 : i32
    scf.if %cond3A_124 {
      %mul3A_164 = arith.constant 400 : i32
      %mul3A_165 = arith.muli %add3A_119, %mul3A_164 : i32
      "tpu.region"() ({
        %run_scoped3A = tpu.sem_alloc : memref<!tpu.dma_semaphore, #tpu.memory_space<semaphore_mem>>
        %dma_start3A = tpu.memref_slice %arg9[%mul3A_165] : memref<10000xf32, #tpu.memory_space<vmem_shared>> -> memref<400xf32, #tpu.memory_space<vmem_shared>>
        %dma_start3A_178 = tpu.memref_slice %arg9[%mul3A_165] : memref<10000xf32, #tpu.memory_space<vmem_shared>> -> memref<400xf32, #tpu.memory_space<vmem_shared>>
        tpu.enqueue_dma source(%dma_start3A_178 : memref<400xf32, #tpu.memory_space<vmem_shared>>) target(%arg23 : memref<400xf32, #tpu.memory_space<vmem>>) target_semaphore(%run_scoped3A : memref<!tpu.dma_semaphore, #tpu.memory_space<semaphore_mem>>)
        %dma_wait3A = tpu.memref_slice %arg9[%mul3A_165] : memref<10000xf32, #tpu.memory_space<vmem_shared>> -> memref<400xf32, #tpu.memory_space<vmem_shared>>
        %dma_wait3A_179 = tpu.memref_slice %arg9[%mul3A_165] : memref<10000xf32, #tpu.memory_space<vmem_shared>> -> memref<400xf32, #tpu.memory_space<vmem_shared>>
        tpu.wait_dma2 semaphore(%run_scoped3A : memref<!tpu.dma_semaphore, #tpu.memory_space<semaphore_mem>>) src(%dma_wait3A_179 : memref<400xf32, #tpu.memory_space<vmem_shared>>) dst(%arg23 : memref<400xf32, #tpu.memory_space<vmem>>)
        tpu.yield
      }) : () -> ()
      %scan3A_166 = arith.constant 0 : i32
      %scan3A_167 = arith.constant 0 : i32
      %scan3A_168 = arith.constant 25 : i32
      %scan3A_169 = arith.addi %scan3A_167, %scan3A_168 : i32
      %scan3A_170 = arith.constant 1 : i32
      scf.for %scan3A_178 = %scan3A_167 to %scan3A_169 step %scan3A_170  : i32 {
        %mul3A_179 = arith.constant 16 : i32
        %mul3A_180 = arith.muli %scan3A_178, %mul3A_179 : i32
        %get3A = arith.index_cast %mul3A_180 : i32 to index
        %get3A_181 = tpu.vector_load %arg23[%get3A] {strides = array<i32>} : memref<400xf32, #tpu.memory_space<vmem>>, vector<16xf32>,
        %add3A_182 = arith.constant 1.000000e+00 : f32
        %add3A_183 = vector.broadcast %add3A_182 : f32 to vector<16xf32>
        %add3A_184 = arith.addf %get3A_181, %add3A_183 : vector<16xf32>
        %mul3A_185 = arith.constant 2.500000e-01 : f32
        %mul3A_186 = vector.broadcast %mul3A_185 : f32 to vector<16xf32>
        %mul3A_187 = arith.mulf %mul3A_186, %add3A_184 : vector<16xf32>
        %add3A_188 = arith.constant 1.000000e+00 : f32
        %add3A_189 = vector.broadcast %add3A_188 : f32 to vector<16xf32>
        %add3A_190 = arith.addf %mul3A_187, %add3A_189 : vector<16xf32>
        %div3A = arith.divf %add3A_184, %add3A_190 : vector<16xf32>
        %add3A_191 = arith.addf %add3A_190, %div3A : vector<16xf32>
        %mul3A_192 = arith.constant 5.000000e-01 : f32
        %mul3A_193 = vector.broadcast %mul3A_192 : f32 to vector<16xf32>
        %mul3A_194 = arith.mulf %mul3A_193, %add3A_191 : vector<16xf32>
        %div3A_195 = arith.divf %add3A_184, %mul3A_194 : vector<16xf32>
        %add3A_196 = arith.addf %mul3A_194, %div3A_195 : vector<16xf32>
        %mul3A_197 = arith.constant 5.000000e-01 : f32
        %mul3A_198 = vector.broadcast %mul3A_197 : f32 to vector<16xf32>
        %mul3A_199 = arith.mulf %mul3A_198, %add3A_196 : vector<16xf32>
        %div3A_200 = arith.divf %add3A_184, %mul3A_199 : vector<16xf32>
        %add3A_201 = arith.addf %mul3A_199, %div3A_200 : vector<16xf32>
        %mul3A_202 = arith.constant 5.000000e-01 : f32
        %mul3A_203 = vector.broadcast %mul3A_202 : f32 to vector<16xf32>
        %mul3A_204 = arith.mulf %mul3A_203, %add3A_201 : vector<16xf32>
        %div3A_205 = arith.divf %add3A_184, %mul3A_204 : vector<16xf32>
        %add3A_206 = arith.addf %mul3A_204, %div3A_205 : vector<16xf32>
        %mul3A_207 = arith.constant 5.000000e-01 : f32
        %mul3A_208 = vector.broadcast %mul3A_207 : f32 to vector<16xf32>
        %mul3A_209 = arith.mulf %mul3A_208, %add3A_206 : vector<16xf32>
        %div3A_210 = arith.divf %add3A_184, %mul3A_209 : vector<16xf32>
        %add3A_211 = arith.addf %mul3A_209, %div3A_210 : vector<16xf32>
        %mul3A_212 = arith.constant 5.000000e-01 : f32
        %mul3A_213 = vector.broadcast %mul3A_212 : f32 to vector<16xf32>
        %mul3A_214 = arith.mulf %mul3A_213, %add3A_211 : vector<16xf32>
        %div3A_215 = arith.divf %add3A_184, %mul3A_214 : vector<16xf32>
        %add3A_216 = arith.addf %mul3A_214, %div3A_215 : vector<16xf32>
        %mul3A_217 = arith.constant 5.000000e-01 : f32
        %mul3A_218 = vector.broadcast %mul3A_217 : f32 to vector<16xf32>
        %mul3A_219 = arith.mulf %mul3A_218, %add3A_216 : vector<16xf32>
        %div3A_220 = arith.divf %add3A_184, %mul3A_219 : vector<16xf32>
        %add3A_221 = arith.addf %mul3A_219, %div3A_220 : vector<16xf32>
        %mul3A_222 = arith.constant 5.000000e-01 : f32
        %mul3A_223 = vector.broadcast %mul3A_222 : f32 to vector<16xf32>
        %mul3A_224 = arith.mulf %mul3A_223, %add3A_221 : vector<16xf32>
        %div3A_225 = arith.divf %add3A_184, %mul3A_224 : vector<16xf32>
        %add3A_226 = arith.addf %mul3A_224, %div3A_225 : vector<16xf32>
        %mul3A_227 = arith.constant 5.000000e-01 : f32
        %mul3A_228 = vector.broadcast %mul3A_227 : f32 to vector<16xf32>
        %mul3A_229 = arith.mulf %mul3A_228, %add3A_226 : vector<16xf32>
        %div3A_230 = arith.divf %add3A_184, %mul3A_229 : vector<16xf32>
        %add3A_231 = arith.addf %mul3A_229, %div3A_230 : vector<16xf32>
        %mul3A_232 = arith.constant 5.000000e-01 : f32
        %mul3A_233 = vector.broadcast %mul3A_232 : f32 to vector<16xf32>
        %mul3A_234 = arith.mulf %mul3A_233, %add3A_231 : vector<16xf32>
        %div3A_235 = arith.divf %add3A_184, %mul3A_234 : vector<16xf32>
        %add3A_236 = arith.addf %mul3A_234, %div3A_235 : vector<16xf32>
        %mul3A_237 = arith.constant 5.000000e-01 : f32
        %mul3A_238 = vector.broadcast %mul3A_237 : f32 to vector<16xf32>
        %mul3A_239 = arith.mulf %mul3A_238, %add3A_236 : vector<16xf32>
        %div3A_240 = arith.divf %add3A_184, %mul3A_239 : vector<16xf32>
        %add3A_241 = arith.addf %mul3A_239, %div3A_240 : vector<16xf32>
        %mul3A_242 = arith.constant 5.000000e-01 : f32
        %mul3A_243 = vector.broadcast %mul3A_242 : f32 to vector<16xf32>
        %mul3A_244 = arith.mulf %mul3A_243, %add3A_241 : vector<16xf32>
        %div3A_245 = arith.divf %add3A_184, %mul3A_244 : vector<16xf32>
        %add3A_246 = arith.addf %mul3A_244, %div3A_245 : vector<16xf32>
        %mul3A_247 = arith.constant 5.000000e-01 : f32
        %mul3A_248 = vector.broadcast %mul3A_247 : f32 to vector<16xf32>
        %mul3A_249 = arith.mulf %mul3A_248, %add3A_246 : vector<16xf32>
        %div3A_250 = arith.constant 1.000000e+00 : f32
        %div3A_251 = vector.broadcast %div3A_250 : f32 to vector<16xf32>
        %div3A_252 = arith.divf %div3A_251, %mul3A_249 : vector<16xf32>
        %swap3A_253 = arith.index_cast %mul3A_180 : i32 to index
        %swap3A_254 = tpu.vector_load %arg23[%swap3A_253] {strides = array<i32>} : memref<400xf32, #tpu.memory_space<vmem>>, vector<16xf32>,
        tpu.vector_store %arg23[%swap3A_253], %div3A_252 {strides = array<i32>} : memref<400xf32, #tpu.memory_space<vmem>>, vector<16xf32>,
      }
      %scan3A_171 = arith.constant 25 : i32
      "tpu.region"() ({
        %run_scoped3A = tpu.sem_alloc : memref<!tpu.dma_semaphore, #tpu.memory_space<semaphore_mem>>
        %dma_start3A = tpu.memref_slice %arg9[%mul3A_165] : memref<10000xf32, #tpu.memory_space<vmem_shared>> -> memref<400xf32, #tpu.memory_space<vmem_shared>>
        %dma_start3A_178 = tpu.memref_slice %arg9[%mul3A_165] : memref<10000xf32, #tpu.memory_space<vmem_shared>> -> memref<400xf32, #tpu.memory_space<vmem_shared>>
        tpu.enqueue_dma source(%arg23 : memref<400xf32, #tpu.memory_space<vmem>>) target(%dma_start3A_178 : memref<400xf32, #tpu.memory_space<vmem_shared>>) target_semaphore(%run_scoped3A : memref<!tpu.dma_semaphore, #tpu.memory_space<semaphore_mem>>)
        %dma_wait3A = tpu.memref_slice %arg9[%mul3A_165] : memref<10000xf32, #tpu.memory_space<vmem_shared>> -> memref<400xf32, #tpu.memory_space<vmem_shared>>
        %dma_wait3A_179 = tpu.memref_slice %arg9[%mul3A_165] : memref<10000xf32, #tpu.memory_space<vmem_shared>> -> memref<400xf32, #tpu.memory_space<vmem_shared>>
        tpu.wait_dma2 semaphore(%run_scoped3A : memref<!tpu.dma_semaphore, #tpu.memory_space<semaphore_mem>>) src(%arg23 : memref<400xf32, #tpu.memory_space<vmem>>) dst(%dma_wait3A_179 : memref<400xf32, #tpu.memory_space<vmem_shared>>)
        tpu.yield
      }) : () -> ()
      "tpu.region"() ({
        %run_scoped3A = tpu.sem_alloc : memref<!tpu.dma_semaphore, #tpu.memory_space<semaphore_mem>>
        %dma_start3A = tpu.memref_slice %arg10[%mul3A_165] : memref<10000xf32, #tpu.memory_space<vmem_shared>> -> memref<400xf32, #tpu.memory_space<vmem_shared>>
        %dma_start3A_178 = tpu.memref_slice %arg10[%mul3A_165] : memref<10000xf32, #tpu.memory_space<vmem_shared>> -> memref<400xf32, #tpu.memory_space<vmem_shared>>
        tpu.enqueue_dma source(%dma_start3A_178 : memref<400xf32, #tpu.memory_space<vmem_shared>>) target(%arg23 : memref<400xf32, #tpu.memory_space<vmem>>) target_semaphore(%run_scoped3A : memref<!tpu.dma_semaphore, #tpu.memory_space<semaphore_mem>>)
        %dma_wait3A = tpu.memref_slice %arg10[%mul3A_165] : memref<10000xf32, #tpu.memory_space<vmem_shared>> -> memref<400xf32, #tpu.memory_space<vmem_shared>>
        %dma_wait3A_179 = tpu.memref_slice %arg10[%mul3A_165] : memref<10000xf32, #tpu.memory_space<vmem_shared>> -> memref<400xf32, #tpu.memory_space<vmem_shared>>
        tpu.wait_dma2 semaphore(%run_scoped3A : memref<!tpu.dma_semaphore, #tpu.memory_space<semaphore_mem>>) src(%dma_wait3A_179 : memref<400xf32, #tpu.memory_space<vmem_shared>>) dst(%arg23 : memref<400xf32, #tpu.memory_space<vmem>>)
        tpu.yield
      }) : () -> ()
      %scan3A_172 = arith.constant 0 : i32
      %scan3A_173 = arith.constant 0 : i32
      %scan3A_174 = arith.constant 25 : i32
      %scan3A_175 = arith.addi %scan3A_173, %scan3A_174 : i32
      %scan3A_176 = arith.constant 1 : i32
      scf.for %scan3A_178 = %scan3A_173 to %scan3A_175 step %scan3A_176  : i32 {
        %mul3A_179 = arith.constant 16 : i32
        %mul3A_180 = arith.muli %scan3A_178, %mul3A_179 : i32
        %get3A = arith.index_cast %mul3A_180 : i32 to index
        %get3A_181 = tpu.vector_load %arg23[%get3A] {strides = array<i32>} : memref<400xf32, #tpu.memory_space<vmem>>, vector<16xf32>,
        %add3A_182 = arith.constant 1.000000e+00 : f32
        %add3A_183 = vector.broadcast %add3A_182 : f32 to vector<16xf32>
        %add3A_184 = arith.addf %get3A_181, %add3A_183 : vector<16xf32>
        %mul3A_185 = arith.constant 2.500000e-01 : f32
        %mul3A_186 = vector.broadcast %mul3A_185 : f32 to vector<16xf32>
        %mul3A_187 = arith.mulf %mul3A_186, %add3A_184 : vector<16xf32>
        %add3A_188 = arith.constant 1.000000e+00 : f32
        %add3A_189 = vector.broadcast %add3A_188 : f32 to vector<16xf32>
        %add3A_190 = arith.addf %mul3A_187, %add3A_189 : vector<16xf32>
        %div3A = arith.divf %add3A_184, %add3A_190 : vector<16xf32>
        %add3A_191 = arith.addf %add3A_190, %div3A : vector<16xf32>
        %mul3A_192 = arith.constant 5.000000e-01 : f32
        %mul3A_193 = vector.broadcast %mul3A_192 : f32 to vector<16xf32>
        %mul3A_194 = arith.mulf %mul3A_193, %add3A_191 : vector<16xf32>
        %div3A_195 = arith.divf %add3A_184, %mul3A_194 : vector<16xf32>
        %add3A_196 = arith.addf %mul3A_194, %div3A_195 : vector<16xf32>
        %mul3A_197 = arith.constant 5.000000e-01 : f32
        %mul3A_198 = vector.broadcast %mul3A_197 : f32 to vector<16xf32>
        %mul3A_199 = arith.mulf %mul3A_198, %add3A_196 : vector<16xf32>
        %div3A_200 = arith.divf %add3A_184, %mul3A_199 : vector<16xf32>
        %add3A_201 = arith.addf %mul3A_199, %div3A_200 : vector<16xf32>
        %mul3A_202 = arith.constant 5.000000e-01 : f32
        %mul3A_203 = vector.broadcast %mul3A_202 : f32 to vector<16xf32>
        %mul3A_204 = arith.mulf %mul3A_203, %add3A_201 : vector<16xf32>
        %div3A_205 = arith.divf %add3A_184, %mul3A_204 : vector<16xf32>
        %add3A_206 = arith.addf %mul3A_204, %div3A_205 : vector<16xf32>
        %mul3A_207 = arith.constant 5.000000e-01 : f32
        %mul3A_208 = vector.broadcast %mul3A_207 : f32 to vector<16xf32>
        %mul3A_209 = arith.mulf %mul3A_208, %add3A_206 : vector<16xf32>
        %div3A_210 = arith.divf %add3A_184, %mul3A_209 : vector<16xf32>
        %add3A_211 = arith.addf %mul3A_209, %div3A_210 : vector<16xf32>
        %mul3A_212 = arith.constant 5.000000e-01 : f32
        %mul3A_213 = vector.broadcast %mul3A_212 : f32 to vector<16xf32>
        %mul3A_214 = arith.mulf %mul3A_213, %add3A_211 : vector<16xf32>
        %div3A_215 = arith.divf %add3A_184, %mul3A_214 : vector<16xf32>
        %add3A_216 = arith.addf %mul3A_214, %div3A_215 : vector<16xf32>
        %mul3A_217 = arith.constant 5.000000e-01 : f32
        %mul3A_218 = vector.broadcast %mul3A_217 : f32 to vector<16xf32>
        %mul3A_219 = arith.mulf %mul3A_218, %add3A_216 : vector<16xf32>
        %div3A_220 = arith.divf %add3A_184, %mul3A_219 : vector<16xf32>
        %add3A_221 = arith.addf %mul3A_219, %div3A_220 : vector<16xf32>
        %mul3A_222 = arith.constant 5.000000e-01 : f32
        %mul3A_223 = vector.broadcast %mul3A_222 : f32 to vector<16xf32>
        %mul3A_224 = arith.mulf %mul3A_223, %add3A_221 : vector<16xf32>
        %div3A_225 = arith.divf %add3A_184, %mul3A_224 : vector<16xf32>
        %add3A_226 = arith.addf %mul3A_224, %div3A_225 : vector<16xf32>
        %mul3A_227 = arith.constant 5.000000e-01 : f32
        %mul3A_228 = vector.broadcast %mul3A_227 : f32 to vector<16xf32>
        %mul3A_229 = arith.mulf %mul3A_228, %add3A_226 : vector<16xf32>
        %div3A_230 = arith.divf %add3A_184, %mul3A_229 : vector<16xf32>
        %add3A_231 = arith.addf %mul3A_229, %div3A_230 : vector<16xf32>
        %mul3A_232 = arith.constant 5.000000e-01 : f32
        %mul3A_233 = vector.broadcast %mul3A_232 : f32 to vector<16xf32>
        %mul3A_234 = arith.mulf %mul3A_233, %add3A_231 : vector<16xf32>
        %div3A_235 = arith.divf %add3A_184, %mul3A_234 : vector<16xf32>
        %add3A_236 = arith.addf %mul3A_234, %div3A_235 : vector<16xf32>
        %mul3A_237 = arith.constant 5.000000e-01 : f32
        %mul3A_238 = vector.broadcast %mul3A_237 : f32 to vector<16xf32>
        %mul3A_239 = arith.mulf %mul3A_238, %add3A_236 : vector<16xf32>
        %div3A_240 = arith.divf %add3A_184, %mul3A_239 : vector<16xf32>
        %add3A_241 = arith.addf %mul3A_239, %div3A_240 : vector<16xf32>
        %mul3A_242 = arith.constant 5.000000e-01 : f32
        %mul3A_243 = vector.broadcast %mul3A_242 : f32 to vector<16xf32>
        %mul3A_244 = arith.mulf %mul3A_243, %add3A_241 : vector<16xf32>
        %div3A_245 = arith.divf %add3A_184, %mul3A_244 : vector<16xf32>
        %add3A_246 = arith.addf %mul3A_244, %div3A_245 : vector<16xf32>
        %mul3A_247 = arith.constant 5.000000e-01 : f32
        %mul3A_248 = vector.broadcast %mul3A_247 : f32 to vector<16xf32>
        %mul3A_249 = arith.mulf %mul3A_248, %add3A_246 : vector<16xf32>
        %div3A_250 = arith.constant 1.000000e+00 : f32
        %div3A_251 = vector.broadcast %div3A_250 : f32 to vector<16xf32>
        %div3A_252 = arith.divf %div3A_251, %mul3A_249 : vector<16xf32>
        %swap3A_253 = arith.index_cast %mul3A_180 : i32 to index
        %swap3A_254 = tpu.vector_load %arg23[%swap3A_253] {strides = array<i32>} : memref<400xf32, #tpu.memory_space<vmem>>, vector<16xf32>,
        tpu.vector_store %arg23[%swap3A_253], %div3A_252 {strides = array<i32>} : memref<400xf32, #tpu.memory_space<vmem>>, vector<16xf32>,
      }
      %scan3A_177 = arith.constant 25 : i32
      "tpu.region"() ({
        %run_scoped3A = tpu.sem_alloc : memref<!tpu.dma_semaphore, #tpu.memory_space<semaphore_mem>>
        %dma_start3A = tpu.memref_slice %arg10[%mul3A_165] : memref<10000xf32, #tpu.memory_space<vmem_shared>> -> memref<400xf32, #tpu.memory_space<vmem_shared>>
        %dma_start3A_178 = tpu.memref_slice %arg10[%mul3A_165] : memref<10000xf32, #tpu.memory_space<vmem_shared>> -> memref<400xf32, #tpu.memory_space<vmem_shared>>
        tpu.enqueue_dma source(%arg23 : memref<400xf32, #tpu.memory_space<vmem>>) target(%dma_start3A_178 : memref<400xf32, #tpu.memory_space<vmem_shared>>) target_semaphore(%run_scoped3A : memref<!tpu.dma_semaphore, #tpu.memory_space<semaphore_mem>>)
        %dma_wait3A = tpu.memref_slice %arg10[%mul3A_165] : memref<10000xf32, #tpu.memory_space<vmem_shared>> -> memref<400xf32, #tpu.memory_space<vmem_shared>>
        %dma_wait3A_179 = tpu.memref_slice %arg10[%mul3A_165] : memref<10000xf32, #tpu.memory_space<vmem_shared>> -> memref<400xf32, #tpu.memory_space<vmem_shared>>
        tpu.wait_dma2 semaphore(%run_scoped3A : memref<!tpu.dma_semaphore, #tpu.memory_space<semaphore_mem>>) src(%arg23 : memref<400xf32, #tpu.memory_space<vmem>>) dst(%dma_wait3A_179 : memref<400xf32, #tpu.memory_space<vmem_shared>>)
        tpu.yield
      }) : () -> ()
    } else {
    }
    %add3A_125 = arith.constant 16 : i32
    %add3A_126 = arith.addi %arg1, %add3A_125 : i32
    %lt3A_127 = arith.constant 25 : i32
    %lt3A_128 = arith.cmpi slt, %add3A_126, %lt3A_127 : i32
    %convert_element_type3A_129 = arith.extui %lt3A_128 : i1 to i32
    %cond3A_130 = arith.constant 0 : i32
    %cond3A_131 = arith.cmpi ne, %convert_element_type3A_129, %cond3A_130 : i32
    scf.if %cond3A_131 {
      %mul3A_164 = arith.constant 400 : i32
      %mul3A_165 = arith.muli %add3A_126, %mul3A_164 : i32
      "tpu.region"() ({
        %run_scoped3A = tpu.sem_alloc : memref<!tpu.dma_semaphore, #tpu.memory_space<semaphore_mem>>
        %dma_start3A = tpu.memref_slice %arg9[%mul3A_165] : memref<10000xf32, #tpu.memory_space<vmem_shared>> -> memref<400xf32, #tpu.memory_space<vmem_shared>>
        %dma_start3A_178 = tpu.memref_slice %arg9[%mul3A_165] : memref<10000xf32, #tpu.memory_space<vmem_shared>> -> memref<400xf32, #tpu.memory_space<vmem_shared>>
        tpu.enqueue_dma source(%dma_start3A_178 : memref<400xf32, #tpu.memory_space<vmem_shared>>) target(%arg23 : memref<400xf32, #tpu.memory_space<vmem>>) target_semaphore(%run_scoped3A : memref<!tpu.dma_semaphore, #tpu.memory_space<semaphore_mem>>)
        %dma_wait3A = tpu.memref_slice %arg9[%mul3A_165] : memref<10000xf32, #tpu.memory_space<vmem_shared>> -> memref<400xf32, #tpu.memory_space<vmem_shared>>
        %dma_wait3A_179 = tpu.memref_slice %arg9[%mul3A_165] : memref<10000xf32, #tpu.memory_space<vmem_shared>> -> memref<400xf32, #tpu.memory_space<vmem_shared>>
        tpu.wait_dma2 semaphore(%run_scoped3A : memref<!tpu.dma_semaphore, #tpu.memory_space<semaphore_mem>>) src(%dma_wait3A_179 : memref<400xf32, #tpu.memory_space<vmem_shared>>) dst(%arg23 : memref<400xf32, #tpu.memory_space<vmem>>)
        tpu.yield
      }) : () -> ()
      %scan3A_166 = arith.constant 0 : i32
      %scan3A_167 = arith.constant 0 : i32
      %scan3A_168 = arith.constant 25 : i32
      %scan3A_169 = arith.addi %scan3A_167, %scan3A_168 : i32
      %scan3A_170 = arith.constant 1 : i32
      scf.for %scan3A_178 = %scan3A_167 to %scan3A_169 step %scan3A_170  : i32 {
        %mul3A_179 = arith.constant 16 : i32
        %mul3A_180 = arith.muli %scan3A_178, %mul3A_179 : i32
        %get3A = arith.index_cast %mul3A_180 : i32 to index
        %get3A_181 = tpu.vector_load %arg23[%get3A] {strides = array<i32>} : memref<400xf32, #tpu.memory_space<vmem>>, vector<16xf32>,
        %add3A_182 = arith.constant 1.000000e+00 : f32
        %add3A_183 = vector.broadcast %add3A_182 : f32 to vector<16xf32>
        %add3A_184 = arith.addf %get3A_181, %add3A_183 : vector<16xf32>
        %mul3A_185 = arith.constant 2.500000e-01 : f32
        %mul3A_186 = vector.broadcast %mul3A_185 : f32 to vector<16xf32>
        %mul3A_187 = arith.mulf %mul3A_186, %add3A_184 : vector<16xf32>
        %add3A_188 = arith.constant 1.000000e+00 : f32
        %add3A_189 = vector.broadcast %add3A_188 : f32 to vector<16xf32>
        %add3A_190 = arith.addf %mul3A_187, %add3A_189 : vector<16xf32>
        %div3A = arith.divf %add3A_184, %add3A_190 : vector<16xf32>
        %add3A_191 = arith.addf %add3A_190, %div3A : vector<16xf32>
        %mul3A_192 = arith.constant 5.000000e-01 : f32
        %mul3A_193 = vector.broadcast %mul3A_192 : f32 to vector<16xf32>
        %mul3A_194 = arith.mulf %mul3A_193, %add3A_191 : vector<16xf32>
        %div3A_195 = arith.divf %add3A_184, %mul3A_194 : vector<16xf32>
        %add3A_196 = arith.addf %mul3A_194, %div3A_195 : vector<16xf32>
        %mul3A_197 = arith.constant 5.000000e-01 : f32
        %mul3A_198 = vector.broadcast %mul3A_197 : f32 to vector<16xf32>
        %mul3A_199 = arith.mulf %mul3A_198, %add3A_196 : vector<16xf32>
        %div3A_200 = arith.divf %add3A_184, %mul3A_199 : vector<16xf32>
        %add3A_201 = arith.addf %mul3A_199, %div3A_200 : vector<16xf32>
        %mul3A_202 = arith.constant 5.000000e-01 : f32
        %mul3A_203 = vector.broadcast %mul3A_202 : f32 to vector<16xf32>
        %mul3A_204 = arith.mulf %mul3A_203, %add3A_201 : vector<16xf32>
        %div3A_205 = arith.divf %add3A_184, %mul3A_204 : vector<16xf32>
        %add3A_206 = arith.addf %mul3A_204, %div3A_205 : vector<16xf32>
        %mul3A_207 = arith.constant 5.000000e-01 : f32
        %mul3A_208 = vector.broadcast %mul3A_207 : f32 to vector<16xf32>
        %mul3A_209 = arith.mulf %mul3A_208, %add3A_206 : vector<16xf32>
        %div3A_210 = arith.divf %add3A_184, %mul3A_209 : vector<16xf32>
        %add3A_211 = arith.addf %mul3A_209, %div3A_210 : vector<16xf32>
        %mul3A_212 = arith.constant 5.000000e-01 : f32
        %mul3A_213 = vector.broadcast %mul3A_212 : f32 to vector<16xf32>
        %mul3A_214 = arith.mulf %mul3A_213, %add3A_211 : vector<16xf32>
        %div3A_215 = arith.divf %add3A_184, %mul3A_214 : vector<16xf32>
        %add3A_216 = arith.addf %mul3A_214, %div3A_215 : vector<16xf32>
        %mul3A_217 = arith.constant 5.000000e-01 : f32
        %mul3A_218 = vector.broadcast %mul3A_217 : f32 to vector<16xf32>
        %mul3A_219 = arith.mulf %mul3A_218, %add3A_216 : vector<16xf32>
        %div3A_220 = arith.divf %add3A_184, %mul3A_219 : vector<16xf32>
        %add3A_221 = arith.addf %mul3A_219, %div3A_220 : vector<16xf32>
        %mul3A_222 = arith.constant 5.000000e-01 : f32
        %mul3A_223 = vector.broadcast %mul3A_222 : f32 to vector<16xf32>
        %mul3A_224 = arith.mulf %mul3A_223, %add3A_221 : vector<16xf32>
        %div3A_225 = arith.divf %add3A_184, %mul3A_224 : vector<16xf32>
        %add3A_226 = arith.addf %mul3A_224, %div3A_225 : vector<16xf32>
        %mul3A_227 = arith.constant 5.000000e-01 : f32
        %mul3A_228 = vector.broadcast %mul3A_227 : f32 to vector<16xf32>
        %mul3A_229 = arith.mulf %mul3A_228, %add3A_226 : vector<16xf32>
        %div3A_230 = arith.divf %add3A_184, %mul3A_229 : vector<16xf32>
        %add3A_231 = arith.addf %mul3A_229, %div3A_230 : vector<16xf32>
        %mul3A_232 = arith.constant 5.000000e-01 : f32
        %mul3A_233 = vector.broadcast %mul3A_232 : f32 to vector<16xf32>
        %mul3A_234 = arith.mulf %mul3A_233, %add3A_231 : vector<16xf32>
        %div3A_235 = arith.divf %add3A_184, %mul3A_234 : vector<16xf32>
        %add3A_236 = arith.addf %mul3A_234, %div3A_235 : vector<16xf32>
        %mul3A_237 = arith.constant 5.000000e-01 : f32
        %mul3A_238 = vector.broadcast %mul3A_237 : f32 to vector<16xf32>
        %mul3A_239 = arith.mulf %mul3A_238, %add3A_236 : vector<16xf32>
        %div3A_240 = arith.divf %add3A_184, %mul3A_239 : vector<16xf32>
        %add3A_241 = arith.addf %mul3A_239, %div3A_240 : vector<16xf32>
        %mul3A_242 = arith.constant 5.000000e-01 : f32
        %mul3A_243 = vector.broadcast %mul3A_242 : f32 to vector<16xf32>
        %mul3A_244 = arith.mulf %mul3A_243, %add3A_241 : vector<16xf32>
        %div3A_245 = arith.divf %add3A_184, %mul3A_244 : vector<16xf32>
        %add3A_246 = arith.addf %mul3A_244, %div3A_245 : vector<16xf32>
        %mul3A_247 = arith.constant 5.000000e-01 : f32
        %mul3A_248 = vector.broadcast %mul3A_247 : f32 to vector<16xf32>
        %mul3A_249 = arith.mulf %mul3A_248, %add3A_246 : vector<16xf32>
        %div3A_250 = arith.constant 1.000000e+00 : f32
        %div3A_251 = vector.broadcast %div3A_250 : f32 to vector<16xf32>
        %div3A_252 = arith.divf %div3A_251, %mul3A_249 : vector<16xf32>
        %swap3A_253 = arith.index_cast %mul3A_180 : i32 to index
        %swap3A_254 = tpu.vector_load %arg23[%swap3A_253] {strides = array<i32>} : memref<400xf32, #tpu.memory_space<vmem>>, vector<16xf32>,
        tpu.vector_store %arg23[%swap3A_253], %div3A_252 {strides = array<i32>} : memref<400xf32, #tpu.memory_space<vmem>>, vector<16xf32>,
      }
      %scan3A_171 = arith.constant 25 : i32
      "tpu.region"() ({
        %run_scoped3A = tpu.sem_alloc : memref<!tpu.dma_semaphore, #tpu.memory_space<semaphore_mem>>
        %dma_start3A = tpu.memref_slice %arg9[%mul3A_165] : memref<10000xf32, #tpu.memory_space<vmem_shared>> -> memref<400xf32, #tpu.memory_space<vmem_shared>>
        %dma_start3A_178 = tpu.memref_slice %arg9[%mul3A_165] : memref<10000xf32, #tpu.memory_space<vmem_shared>> -> memref<400xf32, #tpu.memory_space<vmem_shared>>
        tpu.enqueue_dma source(%arg23 : memref<400xf32, #tpu.memory_space<vmem>>) target(%dma_start3A_178 : memref<400xf32, #tpu.memory_space<vmem_shared>>) target_semaphore(%run_scoped3A : memref<!tpu.dma_semaphore, #tpu.memory_space<semaphore_mem>>)
        %dma_wait3A = tpu.memref_slice %arg9[%mul3A_165] : memref<10000xf32, #tpu.memory_space<vmem_shared>> -> memref<400xf32, #tpu.memory_space<vmem_shared>>
        %dma_wait3A_179 = tpu.memref_slice %arg9[%mul3A_165] : memref<10000xf32, #tpu.memory_space<vmem_shared>> -> memref<400xf32, #tpu.memory_space<vmem_shared>>
        tpu.wait_dma2 semaphore(%run_scoped3A : memref<!tpu.dma_semaphore, #tpu.memory_space<semaphore_mem>>) src(%arg23 : memref<400xf32, #tpu.memory_space<vmem>>) dst(%dma_wait3A_179 : memref<400xf32, #tpu.memory_space<vmem_shared>>)
        tpu.yield
      }) : () -> ()
      "tpu.region"() ({
        %run_scoped3A = tpu.sem_alloc : memref<!tpu.dma_semaphore, #tpu.memory_space<semaphore_mem>>
        %dma_start3A = tpu.memref_slice %arg10[%mul3A_165] : memref<10000xf32, #tpu.memory_space<vmem_shared>> -> memref<400xf32, #tpu.memory_space<vmem_shared>>
        %dma_start3A_178 = tpu.memref_slice %arg10[%mul3A_165] : memref<10000xf32, #tpu.memory_space<vmem_shared>> -> memref<400xf32, #tpu.memory_space<vmem_shared>>
        tpu.enqueue_dma source(%dma_start3A_178 : memref<400xf32, #tpu.memory_space<vmem_shared>>) target(%arg23 : memref<400xf32, #tpu.memory_space<vmem>>) target_semaphore(%run_scoped3A : memref<!tpu.dma_semaphore, #tpu.memory_space<semaphore_mem>>)
        %dma_wait3A = tpu.memref_slice %arg10[%mul3A_165] : memref<10000xf32, #tpu.memory_space<vmem_shared>> -> memref<400xf32, #tpu.memory_space<vmem_shared>>
        %dma_wait3A_179 = tpu.memref_slice %arg10[%mul3A_165] : memref<10000xf32, #tpu.memory_space<vmem_shared>> -> memref<400xf32, #tpu.memory_space<vmem_shared>>
        tpu.wait_dma2 semaphore(%run_scoped3A : memref<!tpu.dma_semaphore, #tpu.memory_space<semaphore_mem>>) src(%dma_wait3A_179 : memref<400xf32, #tpu.memory_space<vmem_shared>>) dst(%arg23 : memref<400xf32, #tpu.memory_space<vmem>>)
        tpu.yield
      }) : () -> ()
      %scan3A_172 = arith.constant 0 : i32
      %scan3A_173 = arith.constant 0 : i32
      %scan3A_174 = arith.constant 25 : i32
      %scan3A_175 = arith.addi %scan3A_173, %scan3A_174 : i32
      %scan3A_176 = arith.constant 1 : i32
      scf.for %scan3A_178 = %scan3A_173 to %scan3A_175 step %scan3A_176  : i32 {
        %mul3A_179 = arith.constant 16 : i32
        %mul3A_180 = arith.muli %scan3A_178, %mul3A_179 : i32
        %get3A = arith.index_cast %mul3A_180 : i32 to index
        %get3A_181 = tpu.vector_load %arg23[%get3A] {strides = array<i32>} : memref<400xf32, #tpu.memory_space<vmem>>, vector<16xf32>,
        %add3A_182 = arith.constant 1.000000e+00 : f32
        %add3A_183 = vector.broadcast %add3A_182 : f32 to vector<16xf32>
        %add3A_184 = arith.addf %get3A_181, %add3A_183 : vector<16xf32>
        %mul3A_185 = arith.constant 2.500000e-01 : f32
        %mul3A_186 = vector.broadcast %mul3A_185 : f32 to vector<16xf32>
        %mul3A_187 = arith.mulf %mul3A_186, %add3A_184 : vector<16xf32>
        %add3A_188 = arith.constant 1.000000e+00 : f32
        %add3A_189 = vector.broadcast %add3A_188 : f32 to vector<16xf32>
        %add3A_190 = arith.addf %mul3A_187, %add3A_189 : vector<16xf32>
        %div3A = arith.divf %add3A_184, %add3A_190 : vector<16xf32>
        %add3A_191 = arith.addf %add3A_190, %div3A : vector<16xf32>
        %mul3A_192 = arith.constant 5.000000e-01 : f32
        %mul3A_193 = vector.broadcast %mul3A_192 : f32 to vector<16xf32>
        %mul3A_194 = arith.mulf %mul3A_193, %add3A_191 : vector<16xf32>
        %div3A_195 = arith.divf %add3A_184, %mul3A_194 : vector<16xf32>
        %add3A_196 = arith.addf %mul3A_194, %div3A_195 : vector<16xf32>
        %mul3A_197 = arith.constant 5.000000e-01 : f32
        %mul3A_198 = vector.broadcast %mul3A_197 : f32 to vector<16xf32>
        %mul3A_199 = arith.mulf %mul3A_198, %add3A_196 : vector<16xf32>
        %div3A_200 = arith.divf %add3A_184, %mul3A_199 : vector<16xf32>
        %add3A_201 = arith.addf %mul3A_199, %div3A_200 : vector<16xf32>
        %mul3A_202 = arith.constant 5.000000e-01 : f32
        %mul3A_203 = vector.broadcast %mul3A_202 : f32 to vector<16xf32>
        %mul3A_204 = arith.mulf %mul3A_203, %add3A_201 : vector<16xf32>
        %div3A_205 = arith.divf %add3A_184, %mul3A_204 : vector<16xf32>
        %add3A_206 = arith.addf %mul3A_204, %div3A_205 : vector<16xf32>
        %mul3A_207 = arith.constant 5.000000e-01 : f32
        %mul3A_208 = vector.broadcast %mul3A_207 : f32 to vector<16xf32>
        %mul3A_209 = arith.mulf %mul3A_208, %add3A_206 : vector<16xf32>
        %div3A_210 = arith.divf %add3A_184, %mul3A_209 : vector<16xf32>
        %add3A_211 = arith.addf %mul3A_209, %div3A_210 : vector<16xf32>
        %mul3A_212 = arith.constant 5.000000e-01 : f32
        %mul3A_213 = vector.broadcast %mul3A_212 : f32 to vector<16xf32>
        %mul3A_214 = arith.mulf %mul3A_213, %add3A_211 : vector<16xf32>
        %div3A_215 = arith.divf %add3A_184, %mul3A_214 : vector<16xf32>
        %add3A_216 = arith.addf %mul3A_214, %div3A_215 : vector<16xf32>
        %mul3A_217 = arith.constant 5.000000e-01 : f32
        %mul3A_218 = vector.broadcast %mul3A_217 : f32 to vector<16xf32>
        %mul3A_219 = arith.mulf %mul3A_218, %add3A_216 : vector<16xf32>
        %div3A_220 = arith.divf %add3A_184, %mul3A_219 : vector<16xf32>
        %add3A_221 = arith.addf %mul3A_219, %div3A_220 : vector<16xf32>
        %mul3A_222 = arith.constant 5.000000e-01 : f32
        %mul3A_223 = vector.broadcast %mul3A_222 : f32 to vector<16xf32>
        %mul3A_224 = arith.mulf %mul3A_223, %add3A_221 : vector<16xf32>
        %div3A_225 = arith.divf %add3A_184, %mul3A_224 : vector<16xf32>
        %add3A_226 = arith.addf %mul3A_224, %div3A_225 : vector<16xf32>
        %mul3A_227 = arith.constant 5.000000e-01 : f32
        %mul3A_228 = vector.broadcast %mul3A_227 : f32 to vector<16xf32>
        %mul3A_229 = arith.mulf %mul3A_228, %add3A_226 : vector<16xf32>
        %div3A_230 = arith.divf %add3A_184, %mul3A_229 : vector<16xf32>
        %add3A_231 = arith.addf %mul3A_229, %div3A_230 : vector<16xf32>
        %mul3A_232 = arith.constant 5.000000e-01 : f32
        %mul3A_233 = vector.broadcast %mul3A_232 : f32 to vector<16xf32>
        %mul3A_234 = arith.mulf %mul3A_233, %add3A_231 : vector<16xf32>
        %div3A_235 = arith.divf %add3A_184, %mul3A_234 : vector<16xf32>
        %add3A_236 = arith.addf %mul3A_234, %div3A_235 : vector<16xf32>
        %mul3A_237 = arith.constant 5.000000e-01 : f32
        %mul3A_238 = vector.broadcast %mul3A_237 : f32 to vector<16xf32>
        %mul3A_239 = arith.mulf %mul3A_238, %add3A_236 : vector<16xf32>
        %div3A_240 = arith.divf %add3A_184, %mul3A_239 : vector<16xf32>
        %add3A_241 = arith.addf %mul3A_239, %div3A_240 : vector<16xf32>
        %mul3A_242 = arith.constant 5.000000e-01 : f32
        %mul3A_243 = vector.broadcast %mul3A_242 : f32 to vector<16xf32>
        %mul3A_244 = arith.mulf %mul3A_243, %add3A_241 : vector<16xf32>
        %div3A_245 = arith.divf %add3A_184, %mul3A_244 : vector<16xf32>
        %add3A_246 = arith.addf %mul3A_244, %div3A_245 : vector<16xf32>
        %mul3A_247 = arith.constant 5.000000e-01 : f32
        %mul3A_248 = vector.broadcast %mul3A_247 : f32 to vector<16xf32>
        %mul3A_249 = arith.mulf %mul3A_248, %add3A_246 : vector<16xf32>
        %div3A_250 = arith.constant 1.000000e+00 : f32
        %div3A_251 = vector.broadcast %div3A_250 : f32 to vector<16xf32>
        %div3A_252 = arith.divf %div3A_251, %mul3A_249 : vector<16xf32>
        %swap3A_253 = arith.index_cast %mul3A_180 : i32 to index
        %swap3A_254 = tpu.vector_load %arg23[%swap3A_253] {strides = array<i32>} : memref<400xf32, #tpu.memory_space<vmem>>, vector<16xf32>,
        tpu.vector_store %arg23[%swap3A_253], %div3A_252 {strides = array<i32>} : memref<400xf32, #tpu.memory_space<vmem>>, vector<16xf32>,
      }
      %scan3A_177 = arith.constant 25 : i32
      "tpu.region"() ({
        %run_scoped3A = tpu.sem_alloc : memref<!tpu.dma_semaphore, #tpu.memory_space<semaphore_mem>>
        %dma_start3A = tpu.memref_slice %arg10[%mul3A_165] : memref<10000xf32, #tpu.memory_space<vmem_shared>> -> memref<400xf32, #tpu.memory_space<vmem_shared>>
        %dma_start3A_178 = tpu.memref_slice %arg10[%mul3A_165] : memref<10000xf32, #tpu.memory_space<vmem_shared>> -> memref<400xf32, #tpu.memory_space<vmem_shared>>
        tpu.enqueue_dma source(%arg23 : memref<400xf32, #tpu.memory_space<vmem>>) target(%dma_start3A_178 : memref<400xf32, #tpu.memory_space<vmem_shared>>) target_semaphore(%run_scoped3A : memref<!tpu.dma_semaphore, #tpu.memory_space<semaphore_mem>>)
        %dma_wait3A = tpu.memref_slice %arg10[%mul3A_165] : memref<10000xf32, #tpu.memory_space<vmem_shared>> -> memref<400xf32, #tpu.memory_space<vmem_shared>>
        %dma_wait3A_179 = tpu.memref_slice %arg10[%mul3A_165] : memref<10000xf32, #tpu.memory_space<vmem_shared>> -> memref<400xf32, #tpu.memory_space<vmem_shared>>
        tpu.wait_dma2 semaphore(%run_scoped3A : memref<!tpu.dma_semaphore, #tpu.memory_space<semaphore_mem>>) src(%arg23 : memref<400xf32, #tpu.memory_space<vmem>>) dst(%dma_wait3A_179 : memref<400xf32, #tpu.memory_space<vmem_shared>>)
        tpu.yield
      }) : () -> ()
    } else {
    }
    %barrier3A_132 = arith.constant 0 : index
    tpu.barrier barrier_id(%barrier3A_132)
    %scan3A_133 = arith.constant 0 : i32
    %scan3A_134 = arith.constant 0 : i32
    %scan3A_135 = arith.constant 79 : i32
    %scan3A_136 = arith.addi %scan3A_134, %scan3A_135 : i32
    %scan3A_137 = arith.constant 1 : i32
    scf.for %scan3A_164 = %scan3A_134 to %scan3A_136 step %scan3A_137  : i32 {
      %mul3A_165 = arith.constant 32 : i32
      %mul3A_166 = arith.muli %scan3A_164, %mul3A_165 : i32
      %add3A_167 = arith.addi %mul3A_166, %add3A : i32
      %lt3A_168 = arith.constant 2500 : i32
      %lt3A_169 = arith.cmpi slt, %add3A_167, %lt3A_168 : i32
      %convert_element_type3A_170 = arith.extui %lt3A_169 : i1 to i32
      %cond3A_171 = arith.constant 0 : i32
      %cond3A_172 = arith.cmpi ne, %convert_element_type3A_170, %cond3A_171 : i32
      scf.if %cond3A_172 {
        %mul3A_173 = arith.constant 128 : i32
        %mul3A_174 = arith.muli %add3A_167, %mul3A_173 : i32
        %dma_start3A = tpu.memref_slice %arg3[%mul3A_174] : memref<320000xi32, #tpu.memory_space<hbm>> -> memref<128xi32, #tpu.memory_space<hbm>>
        %dma_start3A_175 = tpu.memref_slice %arg3[%mul3A_174] : memref<320000xi32, #tpu.memory_space<hbm>> -> memref<128xi32, #tpu.memory_space<hbm>>
        tpu.enqueue_dma source(%dma_start3A_175 : memref<128xi32, #tpu.memory_space<hbm>>) target(%arg13 : memref<128xi32, #tpu.memory_space<vmem>>) target_semaphore(%arg29 : memref<!tpu.dma_semaphore, #tpu.memory_space<semaphore_mem>>)
        %dma_start3A_176 = tpu.memref_slice %arg4[%mul3A_174] : memref<320000xi32, #tpu.memory_space<hbm>> -> memref<128xi32, #tpu.memory_space<hbm>>
        %dma_start3A_177 = tpu.memref_slice %arg4[%mul3A_174] : memref<320000xi32, #tpu.memory_space<hbm>> -> memref<128xi32, #tpu.memory_space<hbm>>
        tpu.enqueue_dma source(%dma_start3A_177 : memref<128xi32, #tpu.memory_space<hbm>>) target(%arg14 : memref<128xi32, #tpu.memory_space<vmem>>) target_semaphore(%arg30 : memref<!tpu.dma_semaphore, #tpu.memory_space<semaphore_mem>>)
        %dma_start3A_178 = tpu.memref_slice %arg6[%mul3A_174] : memref<320000xf32, #tpu.memory_space<hbm>> -> memref<128xf32, #tpu.memory_space<hbm>>
        %dma_start3A_179 = tpu.memref_slice %arg6[%mul3A_174] : memref<320000xf32, #tpu.memory_space<hbm>> -> memref<128xf32, #tpu.memory_space<hbm>>
        tpu.enqueue_dma source(%dma_start3A_179 : memref<128xf32, #tpu.memory_space<hbm>>) target(%arg16 : memref<128xf32, #tpu.memory_space<vmem>>) target_semaphore(%arg31 : memref<!tpu.dma_semaphore, #tpu.memory_space<semaphore_mem>>)
        %dma_start3A_180 = arith.constant 0 : i32
        %dma_start3A_181 = tpu.memref_slice %arg5[%mul3A_174, %dma_start3A_180] : memref<320000x128xf32, #tpu.memory_space<hbm>> -> memref<128x128xf32, #tpu.memory_space<hbm>>
        %dma_start3A_182 = arith.constant 0 : i32
        %dma_start3A_183 = tpu.memref_slice %arg5[%mul3A_174, %dma_start3A_182] : memref<320000x128xf32, #tpu.memory_space<hbm>> -> memref<128x128xf32, #tpu.memory_space<hbm>>
        tpu.enqueue_dma source(%dma_start3A_183 : memref<128x128xf32, #tpu.memory_space<hbm>>) target(%arg21 : memref<128x128xf32, #tpu.memory_space<vmem>>) target_semaphore(%arg32 : memref<!tpu.dma_semaphore, #tpu.memory_space<semaphore_mem>>)
        %dma_wait3A = tpu.memref_slice %arg3[%mul3A_174] : memref<320000xi32, #tpu.memory_space<hbm>> -> memref<128xi32, #tpu.memory_space<hbm>>
        %dma_wait3A_184 = tpu.memref_slice %arg3[%mul3A_174] : memref<320000xi32, #tpu.memory_space<hbm>> -> memref<128xi32, #tpu.memory_space<hbm>>
        tpu.wait_dma2 semaphore(%arg29 : memref<!tpu.dma_semaphore, #tpu.memory_space<semaphore_mem>>) src(%dma_wait3A_184 : memref<128xi32, #tpu.memory_space<hbm>>) dst(%arg13 : memref<128xi32, #tpu.memory_space<vmem>>)
        %dma_start3A_185 = arith.constant 0 : i32
        %dma_start3A_186 = arith.constant 0 : i32
        %dma_start3A_187 = tpu.memref_slice %arg20[%dma_start3A_185, %dma_start3A_186] : memref<128x128xf32, #tpu.memory_space<vmem>> -> memref<64x128xf32, #tpu.memory_space<vmem>>
        %dma_start3A_188 = arith.constant 0 : i32
        %dma_start3A_189 = tpu.memref_slice %arg13[%dma_start3A_188] : memref<128xi32, #tpu.memory_space<vmem>> -> memref<64xi32, #tpu.memory_space<vmem>>
        %dma_start3A_190 = arith.constant 0 : i32
        %dma_start3A_191 = arith.constant 0 : i32
        %dma_start3A_192 = tpu.memref_slice %arg2[%dma_start3A_190, %dma_start3A_191] : memref<10000x128xf32, #tpu.memory_space<hbm>> -> memref<10000x128xf32, #tpu.memory_space<hbm>>
        tpu.enqueue_indirect_dma source(%dma_start3A_192 : memref<10000x128xf32, #tpu.memory_space<hbm>>) target(%dma_start3A_187 : memref<64x128xf32, #tpu.memory_space<vmem>>) offsets(%dma_start3A_189 : memref<64xi32, #tpu.memory_space<vmem>>) semaphore(%arg33 : memref<!tpu.dma_semaphore, #tpu.memory_space<semaphore_mem>>)
        %dma_start3A_193 = arith.constant 64 : i32
        %dma_start3A_194 = arith.constant 0 : i32
        %dma_start3A_195 = tpu.memref_slice %arg20[%dma_start3A_193, %dma_start3A_194] : memref<128x128xf32, #tpu.memory_space<vmem>> -> memref<64x128xf32, #tpu.memory_space<vmem>>
        %dma_start3A_196 = arith.constant 64 : i32
        %dma_start3A_197 = tpu.memref_slice %arg13[%dma_start3A_196] : memref<128xi32, #tpu.memory_space<vmem>> -> memref<64xi32, #tpu.memory_space<vmem>>
        %dma_start3A_198 = arith.constant 0 : i32
        %dma_start3A_199 = arith.constant 0 : i32
        %dma_start3A_200 = tpu.memref_slice %arg2[%dma_start3A_198, %dma_start3A_199] : memref<10000x128xf32, #tpu.memory_space<hbm>> -> memref<10000x128xf32, #tpu.memory_space<hbm>>
        tpu.enqueue_indirect_dma source(%dma_start3A_200 : memref<10000x128xf32, #tpu.memory_space<hbm>>) target(%dma_start3A_195 : memref<64x128xf32, #tpu.memory_space<vmem>>) offsets(%dma_start3A_197 : memref<64xi32, #tpu.memory_space<vmem>>) semaphore(%arg29 : memref<!tpu.dma_semaphore, #tpu.memory_space<semaphore_mem>>)
        %dma_start3A_201 = arith.constant 0 : i32
        %dma_start3A_202 = tpu.memref_slice %arg9[%dma_start3A_201] : memref<10000xf32, #tpu.memory_space<vmem_shared>> -> memref<10000xf32, #tpu.memory_space<vmem_shared>>
        tpu.enqueue_indirect_dma source(%dma_start3A_202 : memref<10000xf32, #tpu.memory_space<vmem_shared>>) target(%arg17 : memref<128xf32, #tpu.memory_space<vmem>>) offsets(%arg13 : memref<128xi32, #tpu.memory_space<vmem>>) semaphore(%arg34 : memref<!tpu.dma_semaphore, #tpu.memory_space<semaphore_mem>>)
        %dma_wait3A_203 = tpu.memref_slice %arg4[%mul3A_174] : memref<320000xi32, #tpu.memory_space<hbm>> -> memref<128xi32, #tpu.memory_space<hbm>>
        %dma_wait3A_204 = tpu.memref_slice %arg4[%mul3A_174] : memref<320000xi32, #tpu.memory_space<hbm>> -> memref<128xi32, #tpu.memory_space<hbm>>
        tpu.wait_dma2 semaphore(%arg30 : memref<!tpu.dma_semaphore, #tpu.memory_space<semaphore_mem>>) src(%dma_wait3A_204 : memref<128xi32, #tpu.memory_space<hbm>>) dst(%arg14 : memref<128xi32, #tpu.memory_space<vmem>>)
        %dma_start3A_205 = arith.constant 0 : i32
        %dma_start3A_206 = tpu.memref_slice %arg10[%dma_start3A_205] : memref<10000xf32, #tpu.memory_space<vmem_shared>> -> memref<10000xf32, #tpu.memory_space<vmem_shared>>
        tpu.enqueue_indirect_dma source(%dma_start3A_206 : memref<10000xf32, #tpu.memory_space<vmem_shared>>) target(%arg18 : memref<128xf32, #tpu.memory_space<vmem>>) offsets(%arg14 : memref<128xi32, #tpu.memory_space<vmem>>) semaphore(%arg27 : memref<!tpu.dma_semaphore, #tpu.memory_space<semaphore_mem>>)
        %get3A = arith.constant 0 : index
        %get3A_207 = tpu.vector_load %arg14[%get3A] {strides = array<i32>} : memref<128xi32, #tpu.memory_space<vmem>>, vector<16xi32>,
        %swap3A_208 = arith.constant 0 : i32
        %swap3A_209 = arith.index_cast %swap3A_208 : i32 to index
        %swap3A_210 = arith.constant 0 : index
        %swap3A_211 = tpu.vector_load %arg15[%swap3A_209, %swap3A_210] {strides = array<i32>} : memref<2x64xi32, #tpu.memory_space<vmem>>, vector<16xi32>,
        tpu.vector_store %arg15[%swap3A_209, %swap3A_210], %get3A_207 {strides = array<i32>} : memref<2x64xi32, #tpu.memory_space<vmem>>, vector<16xi32>,
        %get3A_212 = arith.constant 16 : index
        %get3A_213 = tpu.vector_load %arg14[%get3A_212] {strides = array<i32>} : memref<128xi32, #tpu.memory_space<vmem>>, vector<16xi32>,
        %swap3A_214 = arith.constant 0 : i32
        %swap3A_215 = arith.index_cast %swap3A_214 : i32 to index
        %swap3A_216 = arith.constant 16 : index
        %swap3A_217 = tpu.vector_load %arg15[%swap3A_215, %swap3A_216] {strides = array<i32>} : memref<2x64xi32, #tpu.memory_space<vmem>>, vector<16xi32>,
        tpu.vector_store %arg15[%swap3A_215, %swap3A_216], %get3A_213 {strides = array<i32>} : memref<2x64xi32, #tpu.memory_space<vmem>>, vector<16xi32>,
        %get3A_218 = arith.constant 32 : index
        %get3A_219 = tpu.vector_load %arg14[%get3A_218] {strides = array<i32>} : memref<128xi32, #tpu.memory_space<vmem>>, vector<16xi32>,
        %swap3A_220 = arith.constant 0 : i32
        %swap3A_221 = arith.index_cast %swap3A_220 : i32 to index
        %swap3A_222 = arith.constant 32 : index
        %swap3A_223 = tpu.vector_load %arg15[%swap3A_221, %swap3A_222] {strides = array<i32>} : memref<2x64xi32, #tpu.memory_space<vmem>>, vector<16xi32>,
        tpu.vector_store %arg15[%swap3A_221, %swap3A_222], %get3A_219 {strides = array<i32>} : memref<2x64xi32, #tpu.memory_space<vmem>>, vector<16xi32>,
        %get3A_224 = arith.constant 48 : index
        %get3A_225 = tpu.vector_load %arg14[%get3A_224] {strides = array<i32>} : memref<128xi32, #tpu.memory_space<vmem>>, vector<16xi32>,
        %swap3A_226 = arith.constant 0 : i32
        %swap3A_227 = arith.index_cast %swap3A_226 : i32 to index
        %swap3A_228 = arith.constant 48 : index
        %swap3A_229 = tpu.vector_load %arg15[%swap3A_227, %swap3A_228] {strides = array<i32>} : memref<2x64xi32, #tpu.memory_space<vmem>>, vector<16xi32>,
        tpu.vector_store %arg15[%swap3A_227, %swap3A_228], %get3A_225 {strides = array<i32>} : memref<2x64xi32, #tpu.memory_space<vmem>>, vector<16xi32>,
        %get3A_230 = arith.constant 64 : index
        %get3A_231 = tpu.vector_load %arg14[%get3A_230] {strides = array<i32>} : memref<128xi32, #tpu.memory_space<vmem>>, vector<16xi32>,
        %swap3A_232 = arith.constant 1 : i32
        %swap3A_233 = arith.index_cast %swap3A_232 : i32 to index
        %swap3A_234 = arith.constant 0 : index
        %swap3A_235 = tpu.vector_load %arg15[%swap3A_233, %swap3A_234] {strides = array<i32>} : memref<2x64xi32, #tpu.memory_space<vmem>>, vector<16xi32>,
        tpu.vector_store %arg15[%swap3A_233, %swap3A_234], %get3A_231 {strides = array<i32>} : memref<2x64xi32, #tpu.memory_space<vmem>>, vector<16xi32>,
        %get3A_236 = arith.constant 80 : index
        %get3A_237 = tpu.vector_load %arg14[%get3A_236] {strides = array<i32>} : memref<128xi32, #tpu.memory_space<vmem>>, vector<16xi32>,
        %swap3A_238 = arith.constant 1 : i32
        %swap3A_239 = arith.index_cast %swap3A_238 : i32 to index
        %swap3A_240 = arith.constant 16 : index
        %swap3A_241 = tpu.vector_load %arg15[%swap3A_239, %swap3A_240] {strides = array<i32>} : memref<2x64xi32, #tpu.memory_space<vmem>>, vector<16xi32>,
        tpu.vector_store %arg15[%swap3A_239, %swap3A_240], %get3A_237 {strides = array<i32>} : memref<2x64xi32, #tpu.memory_space<vmem>>, vector<16xi32>,
        %get3A_242 = arith.constant 96 : index
        %get3A_243 = tpu.vector_load %arg14[%get3A_242] {strides = array<i32>} : memref<128xi32, #tpu.memory_space<vmem>>, vector<16xi32>,
        %swap3A_244 = arith.constant 1 : i32
        %swap3A_245 = arith.index_cast %swap3A_244 : i32 to index
        %swap3A_246 = arith.constant 32 : index
        %swap3A_247 = tpu.vector_load %arg15[%swap3A_245, %swap3A_246] {strides = array<i32>} : memref<2x64xi32, #tpu.memory_space<vmem>>, vector<16xi32>,
        tpu.vector_store %arg15[%swap3A_245, %swap3A_246], %get3A_243 {strides = array<i32>} : memref<2x64xi32, #tpu.memory_space<vmem>>, vector<16xi32>,
        %get3A_248 = arith.constant 112 : index
        %get3A_249 = tpu.vector_load %arg14[%get3A_248] {strides = array<i32>} : memref<128xi32, #tpu.memory_space<vmem>>, vector<16xi32>,
        %swap3A_250 = arith.constant 1 : i32
        %swap3A_251 = arith.index_cast %swap3A_250 : i32 to index
        %swap3A_252 = arith.constant 48 : index
        %swap3A_253 = tpu.vector_load %arg15[%swap3A_251, %swap3A_252] {strides = array<i32>} : memref<2x64xi32, #tpu.memory_space<vmem>>, vector<16xi32>,
        tpu.vector_store %arg15[%swap3A_251, %swap3A_252], %get3A_249 {strides = array<i32>} : memref<2x64xi32, #tpu.memory_space<vmem>>, vector<16xi32>,
        %dma_wait3A_254 = tpu.memref_slice %arg6[%mul3A_174] : memref<320000xf32, #tpu.memory_space<hbm>> -> memref<128xf32, #tpu.memory_space<hbm>>
        %dma_wait3A_255 = tpu.memref_slice %arg6[%mul3A_174] : memref<320000xf32, #tpu.memory_space<hbm>> -> memref<128xf32, #tpu.memory_space<hbm>>
        tpu.wait_dma2 semaphore(%arg31 : memref<!tpu.dma_semaphore, #tpu.memory_space<semaphore_mem>>) src(%dma_wait3A_255 : memref<128xf32, #tpu.memory_space<hbm>>) dst(%arg16 : memref<128xf32, #tpu.memory_space<vmem>>)
        %dma_wait3A_256 = arith.constant 0 : i32
        %dma_wait3A_257 = tpu.memref_slice %arg9[%dma_wait3A_256] : memref<10000xf32, #tpu.memory_space<vmem_shared>> -> memref<10000xf32, #tpu.memory_space<vmem_shared>>
        tpu.wait_indirect_dma semaphore(%arg34 : memref<!tpu.dma_semaphore, #tpu.memory_space<semaphore_mem>>) src(%dma_wait3A_257 : memref<10000xf32, #tpu.memory_space<vmem_shared>>) dst(%arg17 : memref<128xf32, #tpu.memory_space<vmem>>)
        %dma_wait3A_258 = arith.constant 0 : i32
        %dma_wait3A_259 = tpu.memref_slice %arg10[%dma_wait3A_258] : memref<10000xf32, #tpu.memory_space<vmem_shared>> -> memref<10000xf32, #tpu.memory_space<vmem_shared>>
        tpu.wait_indirect_dma semaphore(%arg27 : memref<!tpu.dma_semaphore, #tpu.memory_space<semaphore_mem>>) src(%dma_wait3A_259 : memref<10000xf32, #tpu.memory_space<vmem_shared>>) dst(%arg18 : memref<128xf32, #tpu.memory_space<vmem>>)
        %get3A_260 = arith.constant 0 : index
        %get3A_261 = tpu.vector_load %arg17[%get3A_260] {strides = array<i32>} : memref<128xf32, #tpu.memory_space<vmem>>, vector<16xf32>,
        %get3A_262 = arith.constant 0 : index
        %get3A_263 = tpu.vector_load %arg18[%get3A_262] {strides = array<i32>} : memref<128xf32, #tpu.memory_space<vmem>>, vector<16xf32>,
        %mul3A_264 = arith.mulf %get3A_261, %get3A_263 : vector<16xf32>
        %get3A_265 = arith.constant 0 : index
        %get3A_266 = tpu.vector_load %arg16[%get3A_265] {strides = array<i32>} : memref<128xf32, #tpu.memory_space<vmem>>, vector<16xf32>,
        %mul3A_267 = arith.mulf %mul3A_264, %get3A_266 : vector<16xf32>
        %swap3A_268 = arith.constant 0 : index
        %swap3A_269 = tpu.vector_load %arg19[%swap3A_268] {strides = array<i32>} : memref<128xf32, #tpu.memory_space<vmem>>, vector<16xf32>,
        tpu.vector_store %arg19[%swap3A_268], %mul3A_267 {strides = array<i32>} : memref<128xf32, #tpu.memory_space<vmem>>, vector<16xf32>,
        %get3A_270 = arith.constant 16 : index
        %get3A_271 = tpu.vector_load %arg17[%get3A_270] {strides = array<i32>} : memref<128xf32, #tpu.memory_space<vmem>>, vector<16xf32>,
        %get3A_272 = arith.constant 16 : index
        %get3A_273 = tpu.vector_load %arg18[%get3A_272] {strides = array<i32>} : memref<128xf32, #tpu.memory_space<vmem>>, vector<16xf32>,
        %mul3A_274 = arith.mulf %get3A_271, %get3A_273 : vector<16xf32>
        %get3A_275 = arith.constant 16 : index
        %get3A_276 = tpu.vector_load %arg16[%get3A_275] {strides = array<i32>} : memref<128xf32, #tpu.memory_space<vmem>>, vector<16xf32>,
        %mul3A_277 = arith.mulf %mul3A_274, %get3A_276 : vector<16xf32>
        %swap3A_278 = arith.constant 16 : index
        %swap3A_279 = tpu.vector_load %arg19[%swap3A_278] {strides = array<i32>} : memref<128xf32, #tpu.memory_space<vmem>>, vector<16xf32>,
        tpu.vector_store %arg19[%swap3A_278], %mul3A_277 {strides = array<i32>} : memref<128xf32, #tpu.memory_space<vmem>>, vector<16xf32>,
        %get3A_280 = arith.constant 32 : index
        %get3A_281 = tpu.vector_load %arg17[%get3A_280] {strides = array<i32>} : memref<128xf32, #tpu.memory_space<vmem>>, vector<16xf32>,
        %get3A_282 = arith.constant 32 : index
        %get3A_283 = tpu.vector_load %arg18[%get3A_282] {strides = array<i32>} : memref<128xf32, #tpu.memory_space<vmem>>, vector<16xf32>,
        %mul3A_284 = arith.mulf %get3A_281, %get3A_283 : vector<16xf32>
        %get3A_285 = arith.constant 32 : index
        %get3A_286 = tpu.vector_load %arg16[%get3A_285] {strides = array<i32>} : memref<128xf32, #tpu.memory_space<vmem>>, vector<16xf32>,
        %mul3A_287 = arith.mulf %mul3A_284, %get3A_286 : vector<16xf32>
        %swap3A_288 = arith.constant 32 : index
        %swap3A_289 = tpu.vector_load %arg19[%swap3A_288] {strides = array<i32>} : memref<128xf32, #tpu.memory_space<vmem>>, vector<16xf32>,
        tpu.vector_store %arg19[%swap3A_288], %mul3A_287 {strides = array<i32>} : memref<128xf32, #tpu.memory_space<vmem>>, vector<16xf32>,
        %get3A_290 = arith.constant 48 : index
        %get3A_291 = tpu.vector_load %arg17[%get3A_290] {strides = array<i32>} : memref<128xf32, #tpu.memory_space<vmem>>, vector<16xf32>,
        %get3A_292 = arith.constant 48 : index
        %get3A_293 = tpu.vector_load %arg18[%get3A_292] {strides = array<i32>} : memref<128xf32, #tpu.memory_space<vmem>>, vector<16xf32>,
        %mul3A_294 = arith.mulf %get3A_291, %get3A_293 : vector<16xf32>
        %get3A_295 = arith.constant 48 : index
        %get3A_296 = tpu.vector_load %arg16[%get3A_295] {strides = array<i32>} : memref<128xf32, #tpu.memory_space<vmem>>, vector<16xf32>,
        %mul3A_297 = arith.mulf %mul3A_294, %get3A_296 : vector<16xf32>
        %swap3A_298 = arith.constant 48 : index
        %swap3A_299 = tpu.vector_load %arg19[%swap3A_298] {strides = array<i32>} : memref<128xf32, #tpu.memory_space<vmem>>, vector<16xf32>,
        tpu.vector_store %arg19[%swap3A_298], %mul3A_297 {strides = array<i32>} : memref<128xf32, #tpu.memory_space<vmem>>, vector<16xf32>,
        %get3A_300 = arith.constant 64 : index
        %get3A_301 = tpu.vector_load %arg17[%get3A_300] {strides = array<i32>} : memref<128xf32, #tpu.memory_space<vmem>>, vector<16xf32>,
        %get3A_302 = arith.constant 64 : index
        %get3A_303 = tpu.vector_load %arg18[%get3A_302] {strides = array<i32>} : memref<128xf32, #tpu.memory_space<vmem>>, vector<16xf32>,
        %mul3A_304 = arith.mulf %get3A_301, %get3A_303 : vector<16xf32>
        %get3A_305 = arith.constant 64 : index
        %get3A_306 = tpu.vector_load %arg16[%get3A_305] {strides = array<i32>} : memref<128xf32, #tpu.memory_space<vmem>>, vector<16xf32>,
        %mul3A_307 = arith.mulf %mul3A_304, %get3A_306 : vector<16xf32>
        %swap3A_308 = arith.constant 64 : index
        %swap3A_309 = tpu.vector_load %arg19[%swap3A_308] {strides = array<i32>} : memref<128xf32, #tpu.memory_space<vmem>>, vector<16xf32>,
        tpu.vector_store %arg19[%swap3A_308], %mul3A_307 {strides = array<i32>} : memref<128xf32, #tpu.memory_space<vmem>>, vector<16xf32>,
        %get3A_310 = arith.constant 80 : index
        %get3A_311 = tpu.vector_load %arg17[%get3A_310] {strides = array<i32>} : memref<128xf32, #tpu.memory_space<vmem>>, vector<16xf32>,
        %get3A_312 = arith.constant 80 : index
        %get3A_313 = tpu.vector_load %arg18[%get3A_312] {strides = array<i32>} : memref<128xf32, #tpu.memory_space<vmem>>, vector<16xf32>,
        %mul3A_314 = arith.mulf %get3A_311, %get3A_313 : vector<16xf32>
        %get3A_315 = arith.constant 80 : index
        %get3A_316 = tpu.vector_load %arg16[%get3A_315] {strides = array<i32>} : memref<128xf32, #tpu.memory_space<vmem>>, vector<16xf32>,
        %mul3A_317 = arith.mulf %mul3A_314, %get3A_316 : vector<16xf32>
        %swap3A_318 = arith.constant 80 : index
        %swap3A_319 = tpu.vector_load %arg19[%swap3A_318] {strides = array<i32>} : memref<128xf32, #tpu.memory_space<vmem>>, vector<16xf32>,
        tpu.vector_store %arg19[%swap3A_318], %mul3A_317 {strides = array<i32>} : memref<128xf32, #tpu.memory_space<vmem>>, vector<16xf32>,
        %get3A_320 = arith.constant 96 : index
        %get3A_321 = tpu.vector_load %arg17[%get3A_320] {strides = array<i32>} : memref<128xf32, #tpu.memory_space<vmem>>, vector<16xf32>,
        %get3A_322 = arith.constant 96 : index
        %get3A_323 = tpu.vector_load %arg18[%get3A_322] {strides = array<i32>} : memref<128xf32, #tpu.memory_space<vmem>>, vector<16xf32>,
        %mul3A_324 = arith.mulf %get3A_321, %get3A_323 : vector<16xf32>
        %get3A_325 = arith.constant 96 : index
        %get3A_326 = tpu.vector_load %arg16[%get3A_325] {strides = array<i32>} : memref<128xf32, #tpu.memory_space<vmem>>, vector<16xf32>,
        %mul3A_327 = arith.mulf %mul3A_324, %get3A_326 : vector<16xf32>
        %swap3A_328 = arith.constant 96 : index
        %swap3A_329 = tpu.vector_load %arg19[%swap3A_328] {strides = array<i32>} : memref<128xf32, #tpu.memory_space<vmem>>, vector<16xf32>,
        tpu.vector_store %arg19[%swap3A_328], %mul3A_327 {strides = array<i32>} : memref<128xf32, #tpu.memory_space<vmem>>, vector<16xf32>,
        %get3A_330 = arith.constant 112 : index
        %get3A_331 = tpu.vector_load %arg17[%get3A_330] {strides = array<i32>} : memref<128xf32, #tpu.memory_space<vmem>>, vector<16xf32>,
        %get3A_332 = arith.constant 112 : index
        %get3A_333 = tpu.vector_load %arg18[%get3A_332] {strides = array<i32>} : memref<128xf32, #tpu.memory_space<vmem>>, vector<16xf32>,
        %mul3A_334 = arith.mulf %get3A_331, %get3A_333 : vector<16xf32>
        %get3A_335 = arith.constant 112 : index
        %get3A_336 = tpu.vector_load %arg16[%get3A_335] {strides = array<i32>} : memref<128xf32, #tpu.memory_space<vmem>>, vector<16xf32>,
        %mul3A_337 = arith.mulf %mul3A_334, %get3A_336 : vector<16xf32>
        %swap3A_338 = arith.constant 112 : index
        %swap3A_339 = tpu.vector_load %arg19[%swap3A_338] {strides = array<i32>} : memref<128xf32, #tpu.memory_space<vmem>>, vector<16xf32>,
        tpu.vector_store %arg19[%swap3A_338], %mul3A_337 {strides = array<i32>} : memref<128xf32, #tpu.memory_space<vmem>>, vector<16xf32>,
        %dma_wait3A_340 = arith.constant 0 : i32
        %dma_wait3A_341 = tpu.memref_slice %arg5[%mul3A_174, %dma_wait3A_340] : memref<320000x128xf32, #tpu.memory_space<hbm>> -> memref<128x128xf32, #tpu.memory_space<hbm>>
        %dma_wait3A_342 = arith.constant 0 : i32
        %dma_wait3A_343 = tpu.memref_slice %arg5[%mul3A_174, %dma_wait3A_342] : memref<320000x128xf32, #tpu.memory_space<hbm>> -> memref<128x128xf32, #tpu.memory_space<hbm>>
        tpu.wait_dma2 semaphore(%arg32 : memref<!tpu.dma_semaphore, #tpu.memory_space<semaphore_mem>>) src(%dma_wait3A_343 : memref<128x128xf32, #tpu.memory_space<hbm>>) dst(%arg21 : memref<128x128xf32, #tpu.memory_space<vmem>>)
        %dma_wait3A_344 = arith.constant 0 : i32
        %dma_wait3A_345 = arith.constant 0 : i32
        %dma_wait3A_346 = tpu.memref_slice %arg20[%dma_wait3A_344, %dma_wait3A_345] : memref<128x128xf32, #tpu.memory_space<vmem>> -> memref<64x128xf32, #tpu.memory_space<vmem>>
        %dma_wait3A_347 = arith.constant 0 : i32
        %dma_wait3A_348 = tpu.memref_slice %arg13[%dma_wait3A_347] : memref<128xi32, #tpu.memory_space<vmem>> -> memref<64xi32, #tpu.memory_space<vmem>>
        %dma_wait3A_349 = arith.constant 0 : i32
        %dma_wait3A_350 = arith.constant 0 : i32
        %dma_wait3A_351 = tpu.memref_slice %arg2[%dma_wait3A_349, %dma_wait3A_350] : memref<10000x128xf32, #tpu.memory_space<hbm>> -> memref<10000x128xf32, #tpu.memory_space<hbm>>
        tpu.wait_indirect_dma semaphore(%arg33 : memref<!tpu.dma_semaphore, #tpu.memory_space<semaphore_mem>>) src(%dma_wait3A_351 : memref<10000x128xf32, #tpu.memory_space<hbm>>) dst(%dma_wait3A_346 : memref<64x128xf32, #tpu.memory_space<vmem>>)
        %scan3A_352 = arith.constant 0 : i32
        %scan3A_353 = arith.constant 0 : i32
        %scan3A_354 = arith.constant 64 : i32
        %scan3A_355 = arith.addi %scan3A_353, %scan3A_354 : i32
        %scan3A_356 = arith.constant 1 : i32
        scf.for %scan3A_412 = %scan3A_353 to %scan3A_355 step %scan3A_356  : i32 {
          %add3A_413 = arith.constant 0 : i32
          %add3A_414 = arith.addi %add3A_413, %scan3A_412 : i32
          %broadcast_in_dim3A_415 = vector.broadcast %add3A_414 : i32 to vector<16xi32>
          %gather3A = tpu.vector_load_idx %arg19[%broadcast_in_dim3A_415] : memref<128xf32, #tpu.memory_space<vmem>>[vector<16xi32>], vector<16xf32>,
          %get3A_416 = arith.index_cast %scan3A_412 : i32 to index
          %get3A_417 = arith.constant 0 : index
          %get3A_418 = tpu.vector_load %arg20[%get3A_416, %get3A_417] {strides = array<i32>} : memref<128x128xf32, #tpu.memory_space<vmem>>, vector<16xf32>,
          %get3A_419 = arith.index_cast %scan3A_412 : i32 to index
          %get3A_420 = arith.constant 0 : index
          %get3A_421 = tpu.vector_load %arg21[%get3A_419, %get3A_420] {strides = array<i32>} : memref<128x128xf32, #tpu.memory_space<vmem>>, vector<16xf32>,
          %add3A_422 = arith.addf %get3A_418, %get3A_421 : vector<16xf32>
          %mul3A_423 = arith.mulf %add3A_422, %add3A_422 : vector<16xf32>
          %mul3A_424 = arith.constant 0.0713548139 : f32
          %mul3A_425 = vector.broadcast %mul3A_424 : f32 to vector<16xf32>
          %mul3A_426 = arith.mulf %mul3A_425, %mul3A_423 : vector<16xf32>
          %add3A_427 = arith.constant 1.59576917 : f32
          %add3A_428 = vector.broadcast %add3A_427 : f32 to vector<16xf32>
          %add3A_429 = arith.addf %add3A_428, %mul3A_426 : vector<16xf32>
          %mul3A_430 = arith.mulf %add3A_422, %add3A_429 : vector<16xf32>
          %exp3A = math.exp %mul3A_430 : vector<16xf32>
          %add3A_431 = arith.constant 1.000000e+00 : f32
          %add3A_432 = vector.broadcast %add3A_431 : f32 to vector<16xf32>
          %add3A_433 = arith.addf %exp3A, %add3A_432 : vector<16xf32>
          %div3A = arith.divf %add3A_422, %add3A_433 : vector<16xf32>
          %sub3A = arith.subf %add3A_422, %div3A : vector<16xf32>
          %mul3A_434 = arith.mulf %sub3A, %gather3A : vector<16xf32>
          %swap3A_435 = arith.index_cast %scan3A_412 : i32 to index
          %swap3A_436 = arith.constant 0 : index
          %swap3A_437 = tpu.vector_load %arg21[%swap3A_435, %swap3A_436] {strides = array<i32>} : memref<128x128xf32, #tpu.memory_space<vmem>>, vector<16xf32>,
          tpu.vector_store %arg21[%swap3A_435, %swap3A_436], %mul3A_434 {strides = array<i32>} : memref<128x128xf32, #tpu.memory_space<vmem>>, vector<16xf32>,
          %get3A_438 = arith.index_cast %scan3A_412 : i32 to index
          %get3A_439 = arith.constant 16 : index
          %get3A_440 = tpu.vector_load %arg20[%get3A_438, %get3A_439] {strides = array<i32>} : memref<128x128xf32, #tpu.memory_space<vmem>>, vector<16xf32>,
          %get3A_441 = arith.index_cast %scan3A_412 : i32 to index
          %get3A_442 = arith.constant 16 : index
          %get3A_443 = tpu.vector_load %arg21[%get3A_441, %get3A_442] {strides = array<i32>} : memref<128x128xf32, #tpu.memory_space<vmem>>, vector<16xf32>,
          %add3A_444 = arith.addf %get3A_440, %get3A_443 : vector<16xf32>
          %mul3A_445 = arith.mulf %add3A_444, %add3A_444 : vector<16xf32>
          %mul3A_446 = arith.constant 0.0713548139 : f32
          %mul3A_447 = vector.broadcast %mul3A_446 : f32 to vector<16xf32>
          %mul3A_448 = arith.mulf %mul3A_447, %mul3A_445 : vector<16xf32>
          %add3A_449 = arith.constant 1.59576917 : f32
          %add3A_450 = vector.broadcast %add3A_449 : f32 to vector<16xf32>
          %add3A_451 = arith.addf %add3A_450, %mul3A_448 : vector<16xf32>
          %mul3A_452 = arith.mulf %add3A_444, %add3A_451 : vector<16xf32>
          %exp3A_453 = math.exp %mul3A_452 : vector<16xf32>
          %add3A_454 = arith.constant 1.000000e+00 : f32
          %add3A_455 = vector.broadcast %add3A_454 : f32 to vector<16xf32>
          %add3A_456 = arith.addf %exp3A_453, %add3A_455 : vector<16xf32>
          %div3A_457 = arith.divf %add3A_444, %add3A_456 : vector<16xf32>
          %sub3A_458 = arith.subf %add3A_444, %div3A_457 : vector<16xf32>
          %mul3A_459 = arith.mulf %sub3A_458, %gather3A : vector<16xf32>
          %swap3A_460 = arith.index_cast %scan3A_412 : i32 to index
          %swap3A_461 = arith.constant 16 : index
          %swap3A_462 = tpu.vector_load %arg21[%swap3A_460, %swap3A_461] {strides = array<i32>} : memref<128x128xf32, #tpu.memory_space<vmem>>, vector<16xf32>,
          tpu.vector_store %arg21[%swap3A_460, %swap3A_461], %mul3A_459 {strides = array<i32>} : memref<128x128xf32, #tpu.memory_space<vmem>>, vector<16xf32>,
          %get3A_463 = arith.index_cast %scan3A_412 : i32 to index
          %get3A_464 = arith.constant 32 : index
          %get3A_465 = tpu.vector_load %arg20[%get3A_463, %get3A_464] {strides = array<i32>} : memref<128x128xf32, #tpu.memory_space<vmem>>, vector<16xf32>,
          %get3A_466 = arith.index_cast %scan3A_412 : i32 to index
          %get3A_467 = arith.constant 32 : index
          %get3A_468 = tpu.vector_load %arg21[%get3A_466, %get3A_467] {strides = array<i32>} : memref<128x128xf32, #tpu.memory_space<vmem>>, vector<16xf32>,
          %add3A_469 = arith.addf %get3A_465, %get3A_468 : vector<16xf32>
          %mul3A_470 = arith.mulf %add3A_469, %add3A_469 : vector<16xf32>
          %mul3A_471 = arith.constant 0.0713548139 : f32
          %mul3A_472 = vector.broadcast %mul3A_471 : f32 to vector<16xf32>
          %mul3A_473 = arith.mulf %mul3A_472, %mul3A_470 : vector<16xf32>
          %add3A_474 = arith.constant 1.59576917 : f32
          %add3A_475 = vector.broadcast %add3A_474 : f32 to vector<16xf32>
          %add3A_476 = arith.addf %add3A_475, %mul3A_473 : vector<16xf32>
          %mul3A_477 = arith.mulf %add3A_469, %add3A_476 : vector<16xf32>
          %exp3A_478 = math.exp %mul3A_477 : vector<16xf32>
          %add3A_479 = arith.constant 1.000000e+00 : f32
          %add3A_480 = vector.broadcast %add3A_479 : f32 to vector<16xf32>
          %add3A_481 = arith.addf %exp3A_478, %add3A_480 : vector<16xf32>
          %div3A_482 = arith.divf %add3A_469, %add3A_481 : vector<16xf32>
          %sub3A_483 = arith.subf %add3A_469, %div3A_482 : vector<16xf32>
          %mul3A_484 = arith.mulf %sub3A_483, %gather3A : vector<16xf32>
          %swap3A_485 = arith.index_cast %scan3A_412 : i32 to index
          %swap3A_486 = arith.constant 32 : index
          %swap3A_487 = tpu.vector_load %arg21[%swap3A_485, %swap3A_486] {strides = array<i32>} : memref<128x128xf32, #tpu.memory_space<vmem>>, vector<16xf32>,
          tpu.vector_store %arg21[%swap3A_485, %swap3A_486], %mul3A_484 {strides = array<i32>} : memref<128x128xf32, #tpu.memory_space<vmem>>, vector<16xf32>,
          %get3A_488 = arith.index_cast %scan3A_412 : i32 to index
          %get3A_489 = arith.constant 48 : index
          %get3A_490 = tpu.vector_load %arg20[%get3A_488, %get3A_489] {strides = array<i32>} : memref<128x128xf32, #tpu.memory_space<vmem>>, vector<16xf32>,
          %get3A_491 = arith.index_cast %scan3A_412 : i32 to index
          %get3A_492 = arith.constant 48 : index
          %get3A_493 = tpu.vector_load %arg21[%get3A_491, %get3A_492] {strides = array<i32>} : memref<128x128xf32, #tpu.memory_space<vmem>>, vector<16xf32>,
          %add3A_494 = arith.addf %get3A_490, %get3A_493 : vector<16xf32>
          %mul3A_495 = arith.mulf %add3A_494, %add3A_494 : vector<16xf32>
          %mul3A_496 = arith.constant 0.0713548139 : f32
          %mul3A_497 = vector.broadcast %mul3A_496 : f32 to vector<16xf32>
          %mul3A_498 = arith.mulf %mul3A_497, %mul3A_495 : vector<16xf32>
          %add3A_499 = arith.constant 1.59576917 : f32
          %add3A_500 = vector.broadcast %add3A_499 : f32 to vector<16xf32>
          %add3A_501 = arith.addf %add3A_500, %mul3A_498 : vector<16xf32>
          %mul3A_502 = arith.mulf %add3A_494, %add3A_501 : vector<16xf32>
          %exp3A_503 = math.exp %mul3A_502 : vector<16xf32>
          %add3A_504 = arith.constant 1.000000e+00 : f32
          %add3A_505 = vector.broadcast %add3A_504 : f32 to vector<16xf32>
          %add3A_506 = arith.addf %exp3A_503, %add3A_505 : vector<16xf32>
          %div3A_507 = arith.divf %add3A_494, %add3A_506 : vector<16xf32>
          %sub3A_508 = arith.subf %add3A_494, %div3A_507 : vector<16xf32>
          %mul3A_509 = arith.mulf %sub3A_508, %gather3A : vector<16xf32>
          %swap3A_510 = arith.index_cast %scan3A_412 : i32 to index
          %swap3A_511 = arith.constant 48 : index
          %swap3A_512 = tpu.vector_load %arg21[%swap3A_510, %swap3A_511] {strides = array<i32>} : memref<128x128xf32, #tpu.memory_space<vmem>>, vector<16xf32>,
          tpu.vector_store %arg21[%swap3A_510, %swap3A_511], %mul3A_509 {strides = array<i32>} : memref<128x128xf32, #tpu.memory_space<vmem>>, vector<16xf32>,
          %get3A_513 = arith.index_cast %scan3A_412 : i32 to index
          %get3A_514 = arith.constant 64 : index
          %get3A_515 = tpu.vector_load %arg20[%get3A_513, %get3A_514] {strides = array<i32>} : memref<128x128xf32, #tpu.memory_space<vmem>>, vector<16xf32>,
          %get3A_516 = arith.index_cast %scan3A_412 : i32 to index
          %get3A_517 = arith.constant 64 : index
          %get3A_518 = tpu.vector_load %arg21[%get3A_516, %get3A_517] {strides = array<i32>} : memref<128x128xf32, #tpu.memory_space<vmem>>, vector<16xf32>,
          %add3A_519 = arith.addf %get3A_515, %get3A_518 : vector<16xf32>
          %mul3A_520 = arith.mulf %add3A_519, %add3A_519 : vector<16xf32>
          %mul3A_521 = arith.constant 0.0713548139 : f32
          %mul3A_522 = vector.broadcast %mul3A_521 : f32 to vector<16xf32>
          %mul3A_523 = arith.mulf %mul3A_522, %mul3A_520 : vector<16xf32>
          %add3A_524 = arith.constant 1.59576917 : f32
          %add3A_525 = vector.broadcast %add3A_524 : f32 to vector<16xf32>
          %add3A_526 = arith.addf %add3A_525, %mul3A_523 : vector<16xf32>
          %mul3A_527 = arith.mulf %add3A_519, %add3A_526 : vector<16xf32>
          %exp3A_528 = math.exp %mul3A_527 : vector<16xf32>
          %add3A_529 = arith.constant 1.000000e+00 : f32
          %add3A_530 = vector.broadcast %add3A_529 : f32 to vector<16xf32>
          %add3A_531 = arith.addf %exp3A_528, %add3A_530 : vector<16xf32>
          %div3A_532 = arith.divf %add3A_519, %add3A_531 : vector<16xf32>
          %sub3A_533 = arith.subf %add3A_519, %div3A_532 : vector<16xf32>
          %mul3A_534 = arith.mulf %sub3A_533, %gather3A : vector<16xf32>
          %swap3A_535 = arith.index_cast %scan3A_412 : i32 to index
          %swap3A_536 = arith.constant 64 : index
          %swap3A_537 = tpu.vector_load %arg21[%swap3A_535, %swap3A_536] {strides = array<i32>} : memref<128x128xf32, #tpu.memory_space<vmem>>, vector<16xf32>,
          tpu.vector_store %arg21[%swap3A_535, %swap3A_536], %mul3A_534 {strides = array<i32>} : memref<128x128xf32, #tpu.memory_space<vmem>>, vector<16xf32>,
          %get3A_538 = arith.index_cast %scan3A_412 : i32 to index
          %get3A_539 = arith.constant 80 : index
          %get3A_540 = tpu.vector_load %arg20[%get3A_538, %get3A_539] {strides = array<i32>} : memref<128x128xf32, #tpu.memory_space<vmem>>, vector<16xf32>,
          %get3A_541 = arith.index_cast %scan3A_412 : i32 to index
          %get3A_542 = arith.constant 80 : index
          %get3A_543 = tpu.vector_load %arg21[%get3A_541, %get3A_542] {strides = array<i32>} : memref<128x128xf32, #tpu.memory_space<vmem>>, vector<16xf32>,
          %add3A_544 = arith.addf %get3A_540, %get3A_543 : vector<16xf32>
          %mul3A_545 = arith.mulf %add3A_544, %add3A_544 : vector<16xf32>
          %mul3A_546 = arith.constant 0.0713548139 : f32
          %mul3A_547 = vector.broadcast %mul3A_546 : f32 to vector<16xf32>
          %mul3A_548 = arith.mulf %mul3A_547, %mul3A_545 : vector<16xf32>
          %add3A_549 = arith.constant 1.59576917 : f32
          %add3A_550 = vector.broadcast %add3A_549 : f32 to vector<16xf32>
          %add3A_551 = arith.addf %add3A_550, %mul3A_548 : vector<16xf32>
          %mul3A_552 = arith.mulf %add3A_544, %add3A_551 : vector<16xf32>
          %exp3A_553 = math.exp %mul3A_552 : vector<16xf32>
          %add3A_554 = arith.constant 1.000000e+00 : f32
          %add3A_555 = vector.broadcast %add3A_554 : f32 to vector<16xf32>
          %add3A_556 = arith.addf %exp3A_553, %add3A_555 : vector<16xf32>
          %div3A_557 = arith.divf %add3A_544, %add3A_556 : vector<16xf32>
          %sub3A_558 = arith.subf %add3A_544, %div3A_557 : vector<16xf32>
          %mul3A_559 = arith.mulf %sub3A_558, %gather3A : vector<16xf32>
          %swap3A_560 = arith.index_cast %scan3A_412 : i32 to index
          %swap3A_561 = arith.constant 80 : index
          %swap3A_562 = tpu.vector_load %arg21[%swap3A_560, %swap3A_561] {strides = array<i32>} : memref<128x128xf32, #tpu.memory_space<vmem>>, vector<16xf32>,
          tpu.vector_store %arg21[%swap3A_560, %swap3A_561], %mul3A_559 {strides = array<i32>} : memref<128x128xf32, #tpu.memory_space<vmem>>, vector<16xf32>,
          %get3A_563 = arith.index_cast %scan3A_412 : i32 to index
          %get3A_564 = arith.constant 96 : index
          %get3A_565 = tpu.vector_load %arg20[%get3A_563, %get3A_564] {strides = array<i32>} : memref<128x128xf32, #tpu.memory_space<vmem>>, vector<16xf32>,
          %get3A_566 = arith.index_cast %scan3A_412 : i32 to index
          %get3A_567 = arith.constant 96 : index
          %get3A_568 = tpu.vector_load %arg21[%get3A_566, %get3A_567] {strides = array<i32>} : memref<128x128xf32, #tpu.memory_space<vmem>>, vector<16xf32>,
          %add3A_569 = arith.addf %get3A_565, %get3A_568 : vector<16xf32>
          %mul3A_570 = arith.mulf %add3A_569, %add3A_569 : vector<16xf32>
          %mul3A_571 = arith.constant 0.0713548139 : f32
          %mul3A_572 = vector.broadcast %mul3A_571 : f32 to vector<16xf32>
          %mul3A_573 = arith.mulf %mul3A_572, %mul3A_570 : vector<16xf32>
          %add3A_574 = arith.constant 1.59576917 : f32
          %add3A_575 = vector.broadcast %add3A_574 : f32 to vector<16xf32>
          %add3A_576 = arith.addf %add3A_575, %mul3A_573 : vector<16xf32>
          %mul3A_577 = arith.mulf %add3A_569, %add3A_576 : vector<16xf32>
          %exp3A_578 = math.exp %mul3A_577 : vector<16xf32>
          %add3A_579 = arith.constant 1.000000e+00 : f32
          %add3A_580 = vector.broadcast %add3A_579 : f32 to vector<16xf32>
          %add3A_581 = arith.addf %exp3A_578, %add3A_580 : vector<16xf32>
          %div3A_582 = arith.divf %add3A_569, %add3A_581 : vector<16xf32>
          %sub3A_583 = arith.subf %add3A_569, %div3A_582 : vector<16xf32>
          %mul3A_584 = arith.mulf %sub3A_583, %gather3A : vector<16xf32>
          %swap3A_585 = arith.index_cast %scan3A_412 : i32 to index
          %swap3A_586 = arith.constant 96 : index
          %swap3A_587 = tpu.vector_load %arg21[%swap3A_585, %swap3A_586] {strides = array<i32>} : memref<128x128xf32, #tpu.memory_space<vmem>>, vector<16xf32>,
          tpu.vector_store %arg21[%swap3A_585, %swap3A_586], %mul3A_584 {strides = array<i32>} : memref<128x128xf32, #tpu.memory_space<vmem>>, vector<16xf32>,
          %get3A_588 = arith.index_cast %scan3A_412 : i32 to index
          %get3A_589 = arith.constant 112 : index
          %get3A_590 = tpu.vector_load %arg20[%get3A_588, %get3A_589] {strides = array<i32>} : memref<128x128xf32, #tpu.memory_space<vmem>>, vector<16xf32>,
          %get3A_591 = arith.index_cast %scan3A_412 : i32 to index
          %get3A_592 = arith.constant 112 : index
          %get3A_593 = tpu.vector_load %arg21[%get3A_591, %get3A_592] {strides = array<i32>} : memref<128x128xf32, #tpu.memory_space<vmem>>, vector<16xf32>,
          %add3A_594 = arith.addf %get3A_590, %get3A_593 : vector<16xf32>
          %mul3A_595 = arith.mulf %add3A_594, %add3A_594 : vector<16xf32>
          %mul3A_596 = arith.constant 0.0713548139 : f32
          %mul3A_597 = vector.broadcast %mul3A_596 : f32 to vector<16xf32>
          %mul3A_598 = arith.mulf %mul3A_597, %mul3A_595 : vector<16xf32>
          %add3A_599 = arith.constant 1.59576917 : f32
          %add3A_600 = vector.broadcast %add3A_599 : f32 to vector<16xf32>
          %add3A_601 = arith.addf %add3A_600, %mul3A_598 : vector<16xf32>
          %mul3A_602 = arith.mulf %add3A_594, %add3A_601 : vector<16xf32>
          %exp3A_603 = math.exp %mul3A_602 : vector<16xf32>
          %add3A_604 = arith.constant 1.000000e+00 : f32
          %add3A_605 = vector.broadcast %add3A_604 : f32 to vector<16xf32>
          %add3A_606 = arith.addf %exp3A_603, %add3A_605 : vector<16xf32>
          %div3A_607 = arith.divf %add3A_594, %add3A_606 : vector<16xf32>
          %sub3A_608 = arith.subf %add3A_594, %div3A_607 : vector<16xf32>
          %mul3A_609 = arith.mulf %sub3A_608, %gather3A : vector<16xf32>
          %swap3A_610 = arith.index_cast %scan3A_412 : i32 to index
          %swap3A_611 = arith.constant 112 : index
          %swap3A_612 = tpu.vector_load %arg21[%swap3A_610, %swap3A_611] {strides = array<i32>} : memref<128x128xf32, #tpu.memory_space<vmem>>, vector<16xf32>,
          tpu.vector_store %arg21[%swap3A_610, %swap3A_611], %mul3A_609 {strides = array<i32>} : memref<128x128xf32, #tpu.memory_space<vmem>>, vector<16xf32>,
        }
        %scan3A_357 = arith.constant 64 : i32
        %dma_wait3A_358 = arith.constant 64 : i32
        %dma_wait3A_359 = arith.constant 0 : i32
        %dma_wait3A_360 = tpu.memref_slice %arg20[%dma_wait3A_358, %dma_wait3A_359] : memref<128x128xf32, #tpu.memory_space<vmem>> -> memref<64x128xf32, #tpu.memory_space<vmem>>
        %dma_wait3A_361 = arith.constant 64 : i32
        %dma_wait3A_362 = tpu.memref_slice %arg13[%dma_wait3A_361] : memref<128xi32, #tpu.memory_space<vmem>> -> memref<64xi32, #tpu.memory_space<vmem>>
        %dma_wait3A_363 = arith.constant 0 : i32
        %dma_wait3A_364 = arith.constant 0 : i32
        %dma_wait3A_365 = tpu.memref_slice %arg2[%dma_wait3A_363, %dma_wait3A_364] : memref<10000x128xf32, #tpu.memory_space<hbm>> -> memref<10000x128xf32, #tpu.memory_space<hbm>>
        tpu.wait_indirect_dma semaphore(%arg29 : memref<!tpu.dma_semaphore, #tpu.memory_space<semaphore_mem>>) src(%dma_wait3A_365 : memref<10000x128xf32, #tpu.memory_space<hbm>>) dst(%dma_wait3A_360 : memref<64x128xf32, #tpu.memory_space<vmem>>)
        %dma_start3A_366 = arith.constant 0 : i32
        %dma_start3A_367 = arith.constant 0 : i32
        %dma_start3A_368 = arith.constant 0 : i32
        %dma_start3A_369 = tpu.memref_slice %arg21[%dma_start3A_367, %dma_start3A_368] : memref<128x128xf32, #tpu.memory_space<vmem>> -> memref<64x128xf32, #tpu.memory_space<vmem>>
        %dma_start3A_370 = arith.constant 0 : i32
        %dma_start3A_371 = tpu.memref_slice %arg15[%dma_start3A_366, %dma_start3A_370] : memref<2x64xi32, #tpu.memory_space<vmem>> -> memref<1x64xi32, #tpu.memory_space<vmem>>
        %dma_start3A_372 = tpu.memref_squeeze %dma_start3A_371 : memref<1x64xi32, #tpu.memory_space<vmem>> -> memref<64xi32, #tpu.memory_space<vmem>>
        %dma_start3A_373 = arith.constant 0 : i32
        %dma_start3A_374 = arith.constant 0 : i32
        %dma_start3A_375 = tpu.memref_slice %arg8[%dma_start3A_373, %dma_start3A_374] : memref<10000x128xf32, #tpu.memory_space<vmem_shared>> -> memref<10000x128xf32, #tpu.memory_space<vmem_shared>>
        tpu.enqueue_indirect_dma source(%dma_start3A_369 : memref<64x128xf32, #tpu.memory_space<vmem>>) target(%dma_start3A_375 : memref<10000x128xf32, #tpu.memory_space<vmem_shared>>) offsets(%dma_start3A_372 : memref<64xi32, #tpu.memory_space<vmem>>) semaphore(%arg28 : memref<!tpu.dma_semaphore, #tpu.memory_space<semaphore_mem>>) {add = true}
        %scan3A_376 = arith.constant 0 : i32
        %scan3A_377 = arith.constant 64 : i32
        %scan3A_378 = arith.constant 64 : i32
        %scan3A_379 = arith.addi %scan3A_377, %scan3A_378 : i32
        %scan3A_380 = arith.constant 1 : i32
        scf.for %scan3A_412 = %scan3A_377 to %scan3A_379 step %scan3A_380  : i32 {
          %add3A_413 = arith.constant 0 : i32
          %add3A_414 = arith.addi %add3A_413, %scan3A_412 : i32
          %broadcast_in_dim3A_415 = vector.broadcast %add3A_414 : i32 to vector<16xi32>
          %gather3A = tpu.vector_load_idx %arg19[%broadcast_in_dim3A_415] : memref<128xf32, #tpu.memory_space<vmem>>[vector<16xi32>], vector<16xf32>,
          %get3A_416 = arith.index_cast %scan3A_412 : i32 to index
          %get3A_417 = arith.constant 0 : index
          %get3A_418 = tpu.vector_load %arg20[%get3A_416, %get3A_417] {strides = array<i32>} : memref<128x128xf32, #tpu.memory_space<vmem>>, vector<16xf32>,
          %get3A_419 = arith.index_cast %scan3A_412 : i32 to index
          %get3A_420 = arith.constant 0 : index
          %get3A_421 = tpu.vector_load %arg21[%get3A_419, %get3A_420] {strides = array<i32>} : memref<128x128xf32, #tpu.memory_space<vmem>>, vector<16xf32>,
          %add3A_422 = arith.addf %get3A_418, %get3A_421 : vector<16xf32>
          %mul3A_423 = arith.mulf %add3A_422, %add3A_422 : vector<16xf32>
          %mul3A_424 = arith.constant 0.0713548139 : f32
          %mul3A_425 = vector.broadcast %mul3A_424 : f32 to vector<16xf32>
          %mul3A_426 = arith.mulf %mul3A_425, %mul3A_423 : vector<16xf32>
          %add3A_427 = arith.constant 1.59576917 : f32
          %add3A_428 = vector.broadcast %add3A_427 : f32 to vector<16xf32>
          %add3A_429 = arith.addf %add3A_428, %mul3A_426 : vector<16xf32>
          %mul3A_430 = arith.mulf %add3A_422, %add3A_429 : vector<16xf32>
          %exp3A = math.exp %mul3A_430 : vector<16xf32>
          %add3A_431 = arith.constant 1.000000e+00 : f32
          %add3A_432 = vector.broadcast %add3A_431 : f32 to vector<16xf32>
          %add3A_433 = arith.addf %exp3A, %add3A_432 : vector<16xf32>
          %div3A = arith.divf %add3A_422, %add3A_433 : vector<16xf32>
          %sub3A = arith.subf %add3A_422, %div3A : vector<16xf32>
          %mul3A_434 = arith.mulf %sub3A, %gather3A : vector<16xf32>
          %swap3A_435 = arith.index_cast %scan3A_412 : i32 to index
          %swap3A_436 = arith.constant 0 : index
          %swap3A_437 = tpu.vector_load %arg21[%swap3A_435, %swap3A_436] {strides = array<i32>} : memref<128x128xf32, #tpu.memory_space<vmem>>, vector<16xf32>,
          tpu.vector_store %arg21[%swap3A_435, %swap3A_436], %mul3A_434 {strides = array<i32>} : memref<128x128xf32, #tpu.memory_space<vmem>>, vector<16xf32>,
          %get3A_438 = arith.index_cast %scan3A_412 : i32 to index
          %get3A_439 = arith.constant 16 : index
          %get3A_440 = tpu.vector_load %arg20[%get3A_438, %get3A_439] {strides = array<i32>} : memref<128x128xf32, #tpu.memory_space<vmem>>, vector<16xf32>,
          %get3A_441 = arith.index_cast %scan3A_412 : i32 to index
          %get3A_442 = arith.constant 16 : index
          %get3A_443 = tpu.vector_load %arg21[%get3A_441, %get3A_442] {strides = array<i32>} : memref<128x128xf32, #tpu.memory_space<vmem>>, vector<16xf32>,
          %add3A_444 = arith.addf %get3A_440, %get3A_443 : vector<16xf32>
          %mul3A_445 = arith.mulf %add3A_444, %add3A_444 : vector<16xf32>
          %mul3A_446 = arith.constant 0.0713548139 : f32
          %mul3A_447 = vector.broadcast %mul3A_446 : f32 to vector<16xf32>
          %mul3A_448 = arith.mulf %mul3A_447, %mul3A_445 : vector<16xf32>
          %add3A_449 = arith.constant 1.59576917 : f32
          %add3A_450 = vector.broadcast %add3A_449 : f32 to vector<16xf32>
          %add3A_451 = arith.addf %add3A_450, %mul3A_448 : vector<16xf32>
          %mul3A_452 = arith.mulf %add3A_444, %add3A_451 : vector<16xf32>
          %exp3A_453 = math.exp %mul3A_452 : vector<16xf32>
          %add3A_454 = arith.constant 1.000000e+00 : f32
          %add3A_455 = vector.broadcast %add3A_454 : f32 to vector<16xf32>
          %add3A_456 = arith.addf %exp3A_453, %add3A_455 : vector<16xf32>
          %div3A_457 = arith.divf %add3A_444, %add3A_456 : vector<16xf32>
          %sub3A_458 = arith.subf %add3A_444, %div3A_457 : vector<16xf32>
          %mul3A_459 = arith.mulf %sub3A_458, %gather3A : vector<16xf32>
          %swap3A_460 = arith.index_cast %scan3A_412 : i32 to index
          %swap3A_461 = arith.constant 16 : index
          %swap3A_462 = tpu.vector_load %arg21[%swap3A_460, %swap3A_461] {strides = array<i32>} : memref<128x128xf32, #tpu.memory_space<vmem>>, vector<16xf32>,
          tpu.vector_store %arg21[%swap3A_460, %swap3A_461], %mul3A_459 {strides = array<i32>} : memref<128x128xf32, #tpu.memory_space<vmem>>, vector<16xf32>,
          %get3A_463 = arith.index_cast %scan3A_412 : i32 to index
          %get3A_464 = arith.constant 32 : index
          %get3A_465 = tpu.vector_load %arg20[%get3A_463, %get3A_464] {strides = array<i32>} : memref<128x128xf32, #tpu.memory_space<vmem>>, vector<16xf32>,
          %get3A_466 = arith.index_cast %scan3A_412 : i32 to index
          %get3A_467 = arith.constant 32 : index
          %get3A_468 = tpu.vector_load %arg21[%get3A_466, %get3A_467] {strides = array<i32>} : memref<128x128xf32, #tpu.memory_space<vmem>>, vector<16xf32>,
          %add3A_469 = arith.addf %get3A_465, %get3A_468 : vector<16xf32>
          %mul3A_470 = arith.mulf %add3A_469, %add3A_469 : vector<16xf32>
          %mul3A_471 = arith.constant 0.0713548139 : f32
          %mul3A_472 = vector.broadcast %mul3A_471 : f32 to vector<16xf32>
          %mul3A_473 = arith.mulf %mul3A_472, %mul3A_470 : vector<16xf32>
          %add3A_474 = arith.constant 1.59576917 : f32
          %add3A_475 = vector.broadcast %add3A_474 : f32 to vector<16xf32>
          %add3A_476 = arith.addf %add3A_475, %mul3A_473 : vector<16xf32>
          %mul3A_477 = arith.mulf %add3A_469, %add3A_476 : vector<16xf32>
          %exp3A_478 = math.exp %mul3A_477 : vector<16xf32>
          %add3A_479 = arith.constant 1.000000e+00 : f32
          %add3A_480 = vector.broadcast %add3A_479 : f32 to vector<16xf32>
          %add3A_481 = arith.addf %exp3A_478, %add3A_480 : vector<16xf32>
          %div3A_482 = arith.divf %add3A_469, %add3A_481 : vector<16xf32>
          %sub3A_483 = arith.subf %add3A_469, %div3A_482 : vector<16xf32>
          %mul3A_484 = arith.mulf %sub3A_483, %gather3A : vector<16xf32>
          %swap3A_485 = arith.index_cast %scan3A_412 : i32 to index
          %swap3A_486 = arith.constant 32 : index
          %swap3A_487 = tpu.vector_load %arg21[%swap3A_485, %swap3A_486] {strides = array<i32>} : memref<128x128xf32, #tpu.memory_space<vmem>>, vector<16xf32>,
          tpu.vector_store %arg21[%swap3A_485, %swap3A_486], %mul3A_484 {strides = array<i32>} : memref<128x128xf32, #tpu.memory_space<vmem>>, vector<16xf32>,
          %get3A_488 = arith.index_cast %scan3A_412 : i32 to index
          %get3A_489 = arith.constant 48 : index
          %get3A_490 = tpu.vector_load %arg20[%get3A_488, %get3A_489] {strides = array<i32>} : memref<128x128xf32, #tpu.memory_space<vmem>>, vector<16xf32>,
          %get3A_491 = arith.index_cast %scan3A_412 : i32 to index
          %get3A_492 = arith.constant 48 : index
          %get3A_493 = tpu.vector_load %arg21[%get3A_491, %get3A_492] {strides = array<i32>} : memref<128x128xf32, #tpu.memory_space<vmem>>, vector<16xf32>,
          %add3A_494 = arith.addf %get3A_490, %get3A_493 : vector<16xf32>
          %mul3A_495 = arith.mulf %add3A_494, %add3A_494 : vector<16xf32>
          %mul3A_496 = arith.constant 0.0713548139 : f32
          %mul3A_497 = vector.broadcast %mul3A_496 : f32 to vector<16xf32>
          %mul3A_498 = arith.mulf %mul3A_497, %mul3A_495 : vector<16xf32>
          %add3A_499 = arith.constant 1.59576917 : f32
          %add3A_500 = vector.broadcast %add3A_499 : f32 to vector<16xf32>
          %add3A_501 = arith.addf %add3A_500, %mul3A_498 : vector<16xf32>
          %mul3A_502 = arith.mulf %add3A_494, %add3A_501 : vector<16xf32>
          %exp3A_503 = math.exp %mul3A_502 : vector<16xf32>
          %add3A_504 = arith.constant 1.000000e+00 : f32
          %add3A_505 = vector.broadcast %add3A_504 : f32 to vector<16xf32>
          %add3A_506 = arith.addf %exp3A_503, %add3A_505 : vector<16xf32>
          %div3A_507 = arith.divf %add3A_494, %add3A_506 : vector<16xf32>
          %sub3A_508 = arith.subf %add3A_494, %div3A_507 : vector<16xf32>
          %mul3A_509 = arith.mulf %sub3A_508, %gather3A : vector<16xf32>
          %swap3A_510 = arith.index_cast %scan3A_412 : i32 to index
          %swap3A_511 = arith.constant 48 : index
          %swap3A_512 = tpu.vector_load %arg21[%swap3A_510, %swap3A_511] {strides = array<i32>} : memref<128x128xf32, #tpu.memory_space<vmem>>, vector<16xf32>,
          tpu.vector_store %arg21[%swap3A_510, %swap3A_511], %mul3A_509 {strides = array<i32>} : memref<128x128xf32, #tpu.memory_space<vmem>>, vector<16xf32>,
          %get3A_513 = arith.index_cast %scan3A_412 : i32 to index
          %get3A_514 = arith.constant 64 : index
          %get3A_515 = tpu.vector_load %arg20[%get3A_513, %get3A_514] {strides = array<i32>} : memref<128x128xf32, #tpu.memory_space<vmem>>, vector<16xf32>,
          %get3A_516 = arith.index_cast %scan3A_412 : i32 to index
          %get3A_517 = arith.constant 64 : index
          %get3A_518 = tpu.vector_load %arg21[%get3A_516, %get3A_517] {strides = array<i32>} : memref<128x128xf32, #tpu.memory_space<vmem>>, vector<16xf32>,
          %add3A_519 = arith.addf %get3A_515, %get3A_518 : vector<16xf32>
          %mul3A_520 = arith.mulf %add3A_519, %add3A_519 : vector<16xf32>
          %mul3A_521 = arith.constant 0.0713548139 : f32
          %mul3A_522 = vector.broadcast %mul3A_521 : f32 to vector<16xf32>
          %mul3A_523 = arith.mulf %mul3A_522, %mul3A_520 : vector<16xf32>
          %add3A_524 = arith.constant 1.59576917 : f32
          %add3A_525 = vector.broadcast %add3A_524 : f32 to vector<16xf32>
          %add3A_526 = arith.addf %add3A_525, %mul3A_523 : vector<16xf32>
          %mul3A_527 = arith.mulf %add3A_519, %add3A_526 : vector<16xf32>
          %exp3A_528 = math.exp %mul3A_527 : vector<16xf32>
          %add3A_529 = arith.constant 1.000000e+00 : f32
          %add3A_530 = vector.broadcast %add3A_529 : f32 to vector<16xf32>
          %add3A_531 = arith.addf %exp3A_528, %add3A_530 : vector<16xf32>
          %div3A_532 = arith.divf %add3A_519, %add3A_531 : vector<16xf32>
          %sub3A_533 = arith.subf %add3A_519, %div3A_532 : vector<16xf32>
          %mul3A_534 = arith.mulf %sub3A_533, %gather3A : vector<16xf32>
          %swap3A_535 = arith.index_cast %scan3A_412 : i32 to index
          %swap3A_536 = arith.constant 64 : index
          %swap3A_537 = tpu.vector_load %arg21[%swap3A_535, %swap3A_536] {strides = array<i32>} : memref<128x128xf32, #tpu.memory_space<vmem>>, vector<16xf32>,
          tpu.vector_store %arg21[%swap3A_535, %swap3A_536], %mul3A_534 {strides = array<i32>} : memref<128x128xf32, #tpu.memory_space<vmem>>, vector<16xf32>,
          %get3A_538 = arith.index_cast %scan3A_412 : i32 to index
          %get3A_539 = arith.constant 80 : index
          %get3A_540 = tpu.vector_load %arg20[%get3A_538, %get3A_539] {strides = array<i32>} : memref<128x128xf32, #tpu.memory_space<vmem>>, vector<16xf32>,
          %get3A_541 = arith.index_cast %scan3A_412 : i32 to index
          %get3A_542 = arith.constant 80 : index
          %get3A_543 = tpu.vector_load %arg21[%get3A_541, %get3A_542] {strides = array<i32>} : memref<128x128xf32, #tpu.memory_space<vmem>>, vector<16xf32>,
          %add3A_544 = arith.addf %get3A_540, %get3A_543 : vector<16xf32>
          %mul3A_545 = arith.mulf %add3A_544, %add3A_544 : vector<16xf32>
          %mul3A_546 = arith.constant 0.0713548139 : f32
          %mul3A_547 = vector.broadcast %mul3A_546 : f32 to vector<16xf32>
          %mul3A_548 = arith.mulf %mul3A_547, %mul3A_545 : vector<16xf32>
          %add3A_549 = arith.constant 1.59576917 : f32
          %add3A_550 = vector.broadcast %add3A_549 : f32 to vector<16xf32>
          %add3A_551 = arith.addf %add3A_550, %mul3A_548 : vector<16xf32>
          %mul3A_552 = arith.mulf %add3A_544, %add3A_551 : vector<16xf32>
          %exp3A_553 = math.exp %mul3A_552 : vector<16xf32>
          %add3A_554 = arith.constant 1.000000e+00 : f32
          %add3A_555 = vector.broadcast %add3A_554 : f32 to vector<16xf32>
          %add3A_556 = arith.addf %exp3A_553, %add3A_555 : vector<16xf32>
          %div3A_557 = arith.divf %add3A_544, %add3A_556 : vector<16xf32>
          %sub3A_558 = arith.subf %add3A_544, %div3A_557 : vector<16xf32>
          %mul3A_559 = arith.mulf %sub3A_558, %gather3A : vector<16xf32>
          %swap3A_560 = arith.index_cast %scan3A_412 : i32 to index
          %swap3A_561 = arith.constant 80 : index
          %swap3A_562 = tpu.vector_load %arg21[%swap3A_560, %swap3A_561] {strides = array<i32>} : memref<128x128xf32, #tpu.memory_space<vmem>>, vector<16xf32>,
          tpu.vector_store %arg21[%swap3A_560, %swap3A_561], %mul3A_559 {strides = array<i32>} : memref<128x128xf32, #tpu.memory_space<vmem>>, vector<16xf32>,
          %get3A_563 = arith.index_cast %scan3A_412 : i32 to index
          %get3A_564 = arith.constant 96 : index
          %get3A_565 = tpu.vector_load %arg20[%get3A_563, %get3A_564] {strides = array<i32>} : memref<128x128xf32, #tpu.memory_space<vmem>>, vector<16xf32>,
          %get3A_566 = arith.index_cast %scan3A_412 : i32 to index
          %get3A_567 = arith.constant 96 : index
          %get3A_568 = tpu.vector_load %arg21[%get3A_566, %get3A_567] {strides = array<i32>} : memref<128x128xf32, #tpu.memory_space<vmem>>, vector<16xf32>,
          %add3A_569 = arith.addf %get3A_565, %get3A_568 : vector<16xf32>
          %mul3A_570 = arith.mulf %add3A_569, %add3A_569 : vector<16xf32>
          %mul3A_571 = arith.constant 0.0713548139 : f32
          %mul3A_572 = vector.broadcast %mul3A_571 : f32 to vector<16xf32>
          %mul3A_573 = arith.mulf %mul3A_572, %mul3A_570 : vector<16xf32>
          %add3A_574 = arith.constant 1.59576917 : f32
          %add3A_575 = vector.broadcast %add3A_574 : f32 to vector<16xf32>
          %add3A_576 = arith.addf %add3A_575, %mul3A_573 : vector<16xf32>
          %mul3A_577 = arith.mulf %add3A_569, %add3A_576 : vector<16xf32>
          %exp3A_578 = math.exp %mul3A_577 : vector<16xf32>
          %add3A_579 = arith.constant 1.000000e+00 : f32
          %add3A_580 = vector.broadcast %add3A_579 : f32 to vector<16xf32>
          %add3A_581 = arith.addf %exp3A_578, %add3A_580 : vector<16xf32>
          %div3A_582 = arith.divf %add3A_569, %add3A_581 : vector<16xf32>
          %sub3A_583 = arith.subf %add3A_569, %div3A_582 : vector<16xf32>
          %mul3A_584 = arith.mulf %sub3A_583, %gather3A : vector<16xf32>
          %swap3A_585 = arith.index_cast %scan3A_412 : i32 to index
          %swap3A_586 = arith.constant 96 : index
          %swap3A_587 = tpu.vector_load %arg21[%swap3A_585, %swap3A_586] {strides = array<i32>} : memref<128x128xf32, #tpu.memory_space<vmem>>, vector<16xf32>,
          tpu.vector_store %arg21[%swap3A_585, %swap3A_586], %mul3A_584 {strides = array<i32>} : memref<128x128xf32, #tpu.memory_space<vmem>>, vector<16xf32>,
          %get3A_588 = arith.index_cast %scan3A_412 : i32 to index
          %get3A_589 = arith.constant 112 : index
          %get3A_590 = tpu.vector_load %arg20[%get3A_588, %get3A_589] {strides = array<i32>} : memref<128x128xf32, #tpu.memory_space<vmem>>, vector<16xf32>,
          %get3A_591 = arith.index_cast %scan3A_412 : i32 to index
          %get3A_592 = arith.constant 112 : index
          %get3A_593 = tpu.vector_load %arg21[%get3A_591, %get3A_592] {strides = array<i32>} : memref<128x128xf32, #tpu.memory_space<vmem>>, vector<16xf32>,
          %add3A_594 = arith.addf %get3A_590, %get3A_593 : vector<16xf32>
          %mul3A_595 = arith.mulf %add3A_594, %add3A_594 : vector<16xf32>
          %mul3A_596 = arith.constant 0.0713548139 : f32
          %mul3A_597 = vector.broadcast %mul3A_596 : f32 to vector<16xf32>
          %mul3A_598 = arith.mulf %mul3A_597, %mul3A_595 : vector<16xf32>
          %add3A_599 = arith.constant 1.59576917 : f32
          %add3A_600 = vector.broadcast %add3A_599 : f32 to vector<16xf32>
          %add3A_601 = arith.addf %add3A_600, %mul3A_598 : vector<16xf32>
          %mul3A_602 = arith.mulf %add3A_594, %add3A_601 : vector<16xf32>
          %exp3A_603 = math.exp %mul3A_602 : vector<16xf32>
          %add3A_604 = arith.constant 1.000000e+00 : f32
          %add3A_605 = vector.broadcast %add3A_604 : f32 to vector<16xf32>
          %add3A_606 = arith.addf %exp3A_603, %add3A_605 : vector<16xf32>
          %div3A_607 = arith.divf %add3A_594, %add3A_606 : vector<16xf32>
          %sub3A_608 = arith.subf %add3A_594, %div3A_607 : vector<16xf32>
          %mul3A_609 = arith.mulf %sub3A_608, %gather3A : vector<16xf32>
          %swap3A_610 = arith.index_cast %scan3A_412 : i32 to index
          %swap3A_611 = arith.constant 112 : index
          %swap3A_612 = tpu.vector_load %arg21[%swap3A_610, %swap3A_611] {strides = array<i32>} : memref<128x128xf32, #tpu.memory_space<vmem>>, vector<16xf32>,
          tpu.vector_store %arg21[%swap3A_610, %swap3A_611], %mul3A_609 {strides = array<i32>} : memref<128x128xf32, #tpu.memory_space<vmem>>, vector<16xf32>,
        }
        %scan3A_381 = arith.constant 64 : i32
        %dma_start3A_382 = arith.constant 1 : i32
        %dma_start3A_383 = arith.constant 64 : i32
        %dma_start3A_384 = arith.constant 0 : i32
        %dma_start3A_385 = tpu.memref_slice %arg21[%dma_start3A_383, %dma_start3A_384] : memref<128x128xf32, #tpu.memory_space<vmem>> -> memref<64x128xf32, #tpu.memory_space<vmem>>
        %dma_start3A_386 = arith.constant 0 : i32
        %dma_start3A_387 = tpu.memref_slice %arg15[%dma_start3A_382, %dma_start3A_386] : memref<2x64xi32, #tpu.memory_space<vmem>> -> memref<1x64xi32, #tpu.memory_space<vmem>>
        %dma_start3A_388 = tpu.memref_squeeze %dma_start3A_387 : memref<1x64xi32, #tpu.memory_space<vmem>> -> memref<64xi32, #tpu.memory_space<vmem>>
        %dma_start3A_389 = arith.constant 0 : i32
        %dma_start3A_390 = arith.constant 0 : i32
        %dma_start3A_391 = tpu.memref_slice %arg8[%dma_start3A_389, %dma_start3A_390] : memref<10000x128xf32, #tpu.memory_space<vmem_shared>> -> memref<10000x128xf32, #tpu.memory_space<vmem_shared>>
        tpu.enqueue_indirect_dma source(%dma_start3A_385 : memref<64x128xf32, #tpu.memory_space<vmem>>) target(%dma_start3A_391 : memref<10000x128xf32, #tpu.memory_space<vmem_shared>>) offsets(%dma_start3A_388 : memref<64xi32, #tpu.memory_space<vmem>>) semaphore(%arg25 : memref<!tpu.dma_semaphore, #tpu.memory_space<semaphore_mem>>) {add = true}
        %dma_wait3A_392 = arith.constant 0 : i32
        %dma_wait3A_393 = arith.constant 0 : i32
        %dma_wait3A_394 = arith.constant 0 : i32
        %dma_wait3A_395 = tpu.memref_slice %arg21[%dma_wait3A_393, %dma_wait3A_394] : memref<128x128xf32, #tpu.memory_space<vmem>> -> memref<64x128xf32, #tpu.memory_space<vmem>>
        %dma_wait3A_396 = arith.constant 0 : i32
        %dma_wait3A_397 = tpu.memref_slice %arg15[%dma_wait3A_392, %dma_wait3A_396] : memref<2x64xi32, #tpu.memory_space<vmem>> -> memref<1x64xi32, #tpu.memory_space<vmem>>
        %dma_wait3A_398 = tpu.memref_squeeze %dma_wait3A_397 : memref<1x64xi32, #tpu.memory_space<vmem>> -> memref<64xi32, #tpu.memory_space<vmem>>
        %dma_wait3A_399 = arith.constant 0 : i32
        %dma_wait3A_400 = arith.constant 0 : i32
        %dma_wait3A_401 = tpu.memref_slice %arg8[%dma_wait3A_399, %dma_wait3A_400] : memref<10000x128xf32, #tpu.memory_space<vmem_shared>> -> memref<10000x128xf32, #tpu.memory_space<vmem_shared>>
        tpu.wait_indirect_dma semaphore(%arg28 : memref<!tpu.dma_semaphore, #tpu.memory_space<semaphore_mem>>) src(%dma_wait3A_395 : memref<64x128xf32, #tpu.memory_space<vmem>>) dst(%dma_wait3A_401 : memref<10000x128xf32, #tpu.memory_space<vmem_shared>>)
        %dma_wait3A_402 = arith.constant 1 : i32
        %dma_wait3A_403 = arith.constant 64 : i32
        %dma_wait3A_404 = arith.constant 0 : i32
        %dma_wait3A_405 = tpu.memref_slice %arg21[%dma_wait3A_403, %dma_wait3A_404] : memref<128x128xf32, #tpu.memory_space<vmem>> -> memref<64x128xf32, #tpu.memory_space<vmem>>
        %dma_wait3A_406 = arith.constant 0 : i32
        %dma_wait3A_407 = tpu.memref_slice %arg15[%dma_wait3A_402, %dma_wait3A_406] : memref<2x64xi32, #tpu.memory_space<vmem>> -> memref<1x64xi32, #tpu.memory_space<vmem>>
        %dma_wait3A_408 = tpu.memref_squeeze %dma_wait3A_407 : memref<1x64xi32, #tpu.memory_space<vmem>> -> memref<64xi32, #tpu.memory_space<vmem>>
        %dma_wait3A_409 = arith.constant 0 : i32
        %dma_wait3A_410 = arith.constant 0 : i32
        %dma_wait3A_411 = tpu.memref_slice %arg8[%dma_wait3A_409, %dma_wait3A_410] : memref<10000x128xf32, #tpu.memory_space<vmem_shared>> -> memref<10000x128xf32, #tpu.memory_space<vmem_shared>>
        tpu.wait_indirect_dma semaphore(%arg25 : memref<!tpu.dma_semaphore, #tpu.memory_space<semaphore_mem>>) src(%dma_wait3A_405 : memref<64x128xf32, #tpu.memory_space<vmem>>) dst(%dma_wait3A_411 : memref<10000x128xf32, #tpu.memory_space<vmem_shared>>)
      } else {
      }
    }
    %scan3A_138 = arith.constant 79 : i32
    %scan3A_139 = arith.constant 0 : i32
    %scan3A_140 = arith.constant 0 : i32
    %scan3A_141 = arith.constant 3 : i32
    %scan3A_142 = arith.addi %scan3A_140, %scan3A_141 : i32
    %scan3A_143 = arith.constant 1 : i32
    scf.for %scan3A_164 = %scan3A_140 to %scan3A_142 step %scan3A_143  : i32 {
      %mul3A_165 = arith.constant 32 : i32
      %mul3A_166 = arith.muli %scan3A_164, %mul3A_165 : i32
      %add3A_167 = arith.addi %mul3A_166, %add3A : i32
      %lt3A_168 = arith.constant 78 : i32
      %lt3A_169 = arith.cmpi slt, %add3A_167, %lt3A_168 : i32
      %convert_element_type3A_170 = arith.extui %lt3A_169 : i1 to i32
      %cond3A_171 = arith.constant 0 : i32
      %cond3A_172 = arith.cmpi ne, %convert_element_type3A_170, %cond3A_171 : i32
      scf.if %cond3A_172 {
        %mul3A_173 = arith.constant 128 : i32
        %mul3A_174 = arith.muli %add3A_167, %mul3A_173 : i32
        %dma_start3A = arith.constant 0 : i32
        %dma_start3A_175 = tpu.memref_slice %arg2[%mul3A_174, %dma_start3A] : memref<10000x128xf32, #tpu.memory_space<hbm>> -> memref<128x128xf32, #tpu.memory_space<hbm>>
        %dma_start3A_176 = arith.constant 0 : i32
        %dma_start3A_177 = tpu.memref_slice %arg2[%mul3A_174, %dma_start3A_176] : memref<10000x128xf32, #tpu.memory_space<hbm>> -> memref<128x128xf32, #tpu.memory_space<hbm>>
        tpu.enqueue_dma source(%dma_start3A_177 : memref<128x128xf32, #tpu.memory_space<hbm>>) target(%arg20 : memref<128x128xf32, #tpu.memory_space<vmem>>) target_semaphore(%arg29 : memref<!tpu.dma_semaphore, #tpu.memory_space<semaphore_mem>>)
        %dma_start3A_178 = tpu.memref_slice %arg9[%mul3A_174] : memref<10000xf32, #tpu.memory_space<vmem_shared>> -> memref<128xf32, #tpu.memory_space<vmem_shared>>
        %dma_start3A_179 = tpu.memref_slice %arg9[%mul3A_174] : memref<10000xf32, #tpu.memory_space<vmem_shared>> -> memref<128xf32, #tpu.memory_space<vmem_shared>>
        tpu.enqueue_dma source(%dma_start3A_179 : memref<128xf32, #tpu.memory_space<vmem_shared>>) target(%arg17 : memref<128xf32, #tpu.memory_space<vmem>>) target_semaphore(%arg33 : memref<!tpu.dma_semaphore, #tpu.memory_space<semaphore_mem>>)
        %dma_start3A_180 = tpu.memref_slice %arg10[%mul3A_174] : memref<10000xf32, #tpu.memory_space<vmem_shared>> -> memref<128xf32, #tpu.memory_space<vmem_shared>>
        %dma_start3A_181 = tpu.memref_slice %arg10[%mul3A_174] : memref<10000xf32, #tpu.memory_space<vmem_shared>> -> memref<128xf32, #tpu.memory_space<vmem_shared>>
        tpu.enqueue_dma source(%dma_start3A_181 : memref<128xf32, #tpu.memory_space<vmem_shared>>) target(%arg18 : memref<128xf32, #tpu.memory_space<vmem>>) target_semaphore(%arg33 : memref<!tpu.dma_semaphore, #tpu.memory_space<semaphore_mem>>)
        %add3A_182 = arith.constant 0 : i32
        %add3A_183 = arith.addi %mul3A_174, %add3A_182 : i32
        %add3A_184 = vector.broadcast %add3A_183 : i32 to vector<16xi32>
        %add3A_185 = arith.addi %iota3A, %add3A_184 : vector<16xi32>
        %swap3A_186 = arith.constant 0 : i32
        %swap3A_187 = arith.index_cast %swap3A_186 : i32 to index
        %swap3A_188 = arith.constant 0 : index
        %swap3A_189 = tpu.vector_load %arg15[%swap3A_187, %swap3A_188] {strides = array<i32>} : memref<2x64xi32, #tpu.memory_space<vmem>>, vector<16xi32>,
        tpu.vector_store %arg15[%swap3A_187, %swap3A_188], %add3A_185 {strides = array<i32>} : memref<2x64xi32, #tpu.memory_space<vmem>>, vector<16xi32>,
        %add3A_190 = arith.constant 16 : i32
        %add3A_191 = arith.addi %mul3A_174, %add3A_190 : i32
        %add3A_192 = vector.broadcast %add3A_191 : i32 to vector<16xi32>
        %add3A_193 = arith.addi %iota3A, %add3A_192 : vector<16xi32>
        %swap3A_194 = arith.constant 0 : i32
        %swap3A_195 = arith.index_cast %swap3A_194 : i32 to index
        %swap3A_196 = arith.constant 16 : index
        %swap3A_197 = tpu.vector_load %arg15[%swap3A_195, %swap3A_196] {strides = array<i32>} : memref<2x64xi32, #tpu.memory_space<vmem>>, vector<16xi32>,
        tpu.vector_store %arg15[%swap3A_195, %swap3A_196], %add3A_193 {strides = array<i32>} : memref<2x64xi32, #tpu.memory_space<vmem>>, vector<16xi32>,
        %add3A_198 = arith.constant 32 : i32
        %add3A_199 = arith.addi %mul3A_174, %add3A_198 : i32
        %add3A_200 = vector.broadcast %add3A_199 : i32 to vector<16xi32>
        %add3A_201 = arith.addi %iota3A, %add3A_200 : vector<16xi32>
        %swap3A_202 = arith.constant 0 : i32
        %swap3A_203 = arith.index_cast %swap3A_202 : i32 to index
        %swap3A_204 = arith.constant 32 : index
        %swap3A_205 = tpu.vector_load %arg15[%swap3A_203, %swap3A_204] {strides = array<i32>} : memref<2x64xi32, #tpu.memory_space<vmem>>, vector<16xi32>,
        tpu.vector_store %arg15[%swap3A_203, %swap3A_204], %add3A_201 {strides = array<i32>} : memref<2x64xi32, #tpu.memory_space<vmem>>, vector<16xi32>,
        %add3A_206 = arith.constant 48 : i32
        %add3A_207 = arith.addi %mul3A_174, %add3A_206 : i32
        %add3A_208 = vector.broadcast %add3A_207 : i32 to vector<16xi32>
        %add3A_209 = arith.addi %iota3A, %add3A_208 : vector<16xi32>
        %swap3A_210 = arith.constant 0 : i32
        %swap3A_211 = arith.index_cast %swap3A_210 : i32 to index
        %swap3A_212 = arith.constant 48 : index
        %swap3A_213 = tpu.vector_load %arg15[%swap3A_211, %swap3A_212] {strides = array<i32>} : memref<2x64xi32, #tpu.memory_space<vmem>>, vector<16xi32>,
        tpu.vector_store %arg15[%swap3A_211, %swap3A_212], %add3A_209 {strides = array<i32>} : memref<2x64xi32, #tpu.memory_space<vmem>>, vector<16xi32>,
        %add3A_214 = arith.constant 64 : i32
        %add3A_215 = arith.addi %mul3A_174, %add3A_214 : i32
        %add3A_216 = vector.broadcast %add3A_215 : i32 to vector<16xi32>
        %add3A_217 = arith.addi %iota3A, %add3A_216 : vector<16xi32>
        %swap3A_218 = arith.constant 1 : i32
        %swap3A_219 = arith.index_cast %swap3A_218 : i32 to index
        %swap3A_220 = arith.constant 0 : index
        %swap3A_221 = tpu.vector_load %arg15[%swap3A_219, %swap3A_220] {strides = array<i32>} : memref<2x64xi32, #tpu.memory_space<vmem>>, vector<16xi32>,
        tpu.vector_store %arg15[%swap3A_219, %swap3A_220], %add3A_217 {strides = array<i32>} : memref<2x64xi32, #tpu.memory_space<vmem>>, vector<16xi32>,
        %add3A_222 = arith.constant 80 : i32
        %add3A_223 = arith.addi %mul3A_174, %add3A_222 : i32
        %add3A_224 = vector.broadcast %add3A_223 : i32 to vector<16xi32>
        %add3A_225 = arith.addi %iota3A, %add3A_224 : vector<16xi32>
        %swap3A_226 = arith.constant 1 : i32
        %swap3A_227 = arith.index_cast %swap3A_226 : i32 to index
        %swap3A_228 = arith.constant 16 : index
        %swap3A_229 = tpu.vector_load %arg15[%swap3A_227, %swap3A_228] {strides = array<i32>} : memref<2x64xi32, #tpu.memory_space<vmem>>, vector<16xi32>,
        tpu.vector_store %arg15[%swap3A_227, %swap3A_228], %add3A_225 {strides = array<i32>} : memref<2x64xi32, #tpu.memory_space<vmem>>, vector<16xi32>,
        %add3A_230 = arith.constant 96 : i32
        %add3A_231 = arith.addi %mul3A_174, %add3A_230 : i32
        %add3A_232 = vector.broadcast %add3A_231 : i32 to vector<16xi32>
        %add3A_233 = arith.addi %iota3A, %add3A_232 : vector<16xi32>
        %swap3A_234 = arith.constant 1 : i32
        %swap3A_235 = arith.index_cast %swap3A_234 : i32 to index
        %swap3A_236 = arith.constant 32 : index
        %swap3A_237 = tpu.vector_load %arg15[%swap3A_235, %swap3A_236] {strides = array<i32>} : memref<2x64xi32, #tpu.memory_space<vmem>>, vector<16xi32>,
        tpu.vector_store %arg15[%swap3A_235, %swap3A_236], %add3A_233 {strides = array<i32>} : memref<2x64xi32, #tpu.memory_space<vmem>>, vector<16xi32>,
        %add3A_238 = arith.constant 112 : i32
        %add3A_239 = arith.addi %mul3A_174, %add3A_238 : i32
        %add3A_240 = vector.broadcast %add3A_239 : i32 to vector<16xi32>
        %add3A_241 = arith.addi %iota3A, %add3A_240 : vector<16xi32>
        %swap3A_242 = arith.constant 1 : i32
        %swap3A_243 = arith.index_cast %swap3A_242 : i32 to index
        %swap3A_244 = arith.constant 48 : index
        %swap3A_245 = tpu.vector_load %arg15[%swap3A_243, %swap3A_244] {strides = array<i32>} : memref<2x64xi32, #tpu.memory_space<vmem>>, vector<16xi32>,
        tpu.vector_store %arg15[%swap3A_243, %swap3A_244], %add3A_241 {strides = array<i32>} : memref<2x64xi32, #tpu.memory_space<vmem>>, vector<16xi32>,
        %dma_wait3A = tpu.memref_slice %arg9[%mul3A_174] : memref<10000xf32, #tpu.memory_space<vmem_shared>> -> memref<128xf32, #tpu.memory_space<vmem_shared>>
        %dma_wait3A_246 = tpu.memref_slice %arg9[%mul3A_174] : memref<10000xf32, #tpu.memory_space<vmem_shared>> -> memref<128xf32, #tpu.memory_space<vmem_shared>>
        tpu.wait_dma2 semaphore(%arg33 : memref<!tpu.dma_semaphore, #tpu.memory_space<semaphore_mem>>) src(%dma_wait3A_246 : memref<128xf32, #tpu.memory_space<vmem_shared>>) dst(%arg17 : memref<128xf32, #tpu.memory_space<vmem>>)
        %dma_wait3A_247 = tpu.memref_slice %arg10[%mul3A_174] : memref<10000xf32, #tpu.memory_space<vmem_shared>> -> memref<128xf32, #tpu.memory_space<vmem_shared>>
        %dma_wait3A_248 = tpu.memref_slice %arg10[%mul3A_174] : memref<10000xf32, #tpu.memory_space<vmem_shared>> -> memref<128xf32, #tpu.memory_space<vmem_shared>>
        tpu.wait_dma2 semaphore(%arg33 : memref<!tpu.dma_semaphore, #tpu.memory_space<semaphore_mem>>) src(%dma_wait3A_248 : memref<128xf32, #tpu.memory_space<vmem_shared>>) dst(%arg18 : memref<128xf32, #tpu.memory_space<vmem>>)
        %get3A = arith.constant 0 : index
        %get3A_249 = tpu.vector_load %arg17[%get3A] {strides = array<i32>} : memref<128xf32, #tpu.memory_space<vmem>>, vector<16xf32>,
        %get3A_250 = arith.constant 0 : index
        %get3A_251 = tpu.vector_load %arg18[%get3A_250] {strides = array<i32>} : memref<128xf32, #tpu.memory_space<vmem>>, vector<16xf32>,
        %mul3A_252 = arith.mulf %get3A_249, %get3A_251 : vector<16xf32>
        %swap3A_253 = arith.constant 0 : index
        %swap3A_254 = tpu.vector_load %arg19[%swap3A_253] {strides = array<i32>} : memref<128xf32, #tpu.memory_space<vmem>>, vector<16xf32>,
        tpu.vector_store %arg19[%swap3A_253], %mul3A_252 {strides = array<i32>} : memref<128xf32, #tpu.memory_space<vmem>>, vector<16xf32>,
        %get3A_255 = arith.constant 16 : index
        %get3A_256 = tpu.vector_load %arg17[%get3A_255] {strides = array<i32>} : memref<128xf32, #tpu.memory_space<vmem>>, vector<16xf32>,
        %get3A_257 = arith.constant 16 : index
        %get3A_258 = tpu.vector_load %arg18[%get3A_257] {strides = array<i32>} : memref<128xf32, #tpu.memory_space<vmem>>, vector<16xf32>,
        %mul3A_259 = arith.mulf %get3A_256, %get3A_258 : vector<16xf32>
        %swap3A_260 = arith.constant 16 : index
        %swap3A_261 = tpu.vector_load %arg19[%swap3A_260] {strides = array<i32>} : memref<128xf32, #tpu.memory_space<vmem>>, vector<16xf32>,
        tpu.vector_store %arg19[%swap3A_260], %mul3A_259 {strides = array<i32>} : memref<128xf32, #tpu.memory_space<vmem>>, vector<16xf32>,
        %get3A_262 = arith.constant 32 : index
        %get3A_263 = tpu.vector_load %arg17[%get3A_262] {strides = array<i32>} : memref<128xf32, #tpu.memory_space<vmem>>, vector<16xf32>,
        %get3A_264 = arith.constant 32 : index
        %get3A_265 = tpu.vector_load %arg18[%get3A_264] {strides = array<i32>} : memref<128xf32, #tpu.memory_space<vmem>>, vector<16xf32>,
        %mul3A_266 = arith.mulf %get3A_263, %get3A_265 : vector<16xf32>
        %swap3A_267 = arith.constant 32 : index
        %swap3A_268 = tpu.vector_load %arg19[%swap3A_267] {strides = array<i32>} : memref<128xf32, #tpu.memory_space<vmem>>, vector<16xf32>,
        tpu.vector_store %arg19[%swap3A_267], %mul3A_266 {strides = array<i32>} : memref<128xf32, #tpu.memory_space<vmem>>, vector<16xf32>,
        %get3A_269 = arith.constant 48 : index
        %get3A_270 = tpu.vector_load %arg17[%get3A_269] {strides = array<i32>} : memref<128xf32, #tpu.memory_space<vmem>>, vector<16xf32>,
        %get3A_271 = arith.constant 48 : index
        %get3A_272 = tpu.vector_load %arg18[%get3A_271] {strides = array<i32>} : memref<128xf32, #tpu.memory_space<vmem>>, vector<16xf32>,
        %mul3A_273 = arith.mulf %get3A_270, %get3A_272 : vector<16xf32>
        %swap3A_274 = arith.constant 48 : index
        %swap3A_275 = tpu.vector_load %arg19[%swap3A_274] {strides = array<i32>} : memref<128xf32, #tpu.memory_space<vmem>>, vector<16xf32>,
        tpu.vector_store %arg19[%swap3A_274], %mul3A_273 {strides = array<i32>} : memref<128xf32, #tpu.memory_space<vmem>>, vector<16xf32>,
        %get3A_276 = arith.constant 64 : index
        %get3A_277 = tpu.vector_load %arg17[%get3A_276] {strides = array<i32>} : memref<128xf32, #tpu.memory_space<vmem>>, vector<16xf32>,
        %get3A_278 = arith.constant 64 : index
        %get3A_279 = tpu.vector_load %arg18[%get3A_278] {strides = array<i32>} : memref<128xf32, #tpu.memory_space<vmem>>, vector<16xf32>,
        %mul3A_280 = arith.mulf %get3A_277, %get3A_279 : vector<16xf32>
        %swap3A_281 = arith.constant 64 : index
        %swap3A_282 = tpu.vector_load %arg19[%swap3A_281] {strides = array<i32>} : memref<128xf32, #tpu.memory_space<vmem>>, vector<16xf32>,
        tpu.vector_store %arg19[%swap3A_281], %mul3A_280 {strides = array<i32>} : memref<128xf32, #tpu.memory_space<vmem>>, vector<16xf32>,
        %get3A_283 = arith.constant 80 : index
        %get3A_284 = tpu.vector_load %arg17[%get3A_283] {strides = array<i32>} : memref<128xf32, #tpu.memory_space<vmem>>, vector<16xf32>,
        %get3A_285 = arith.constant 80 : index
        %get3A_286 = tpu.vector_load %arg18[%get3A_285] {strides = array<i32>} : memref<128xf32, #tpu.memory_space<vmem>>, vector<16xf32>,
        %mul3A_287 = arith.mulf %get3A_284, %get3A_286 : vector<16xf32>
        %swap3A_288 = arith.constant 80 : index
        %swap3A_289 = tpu.vector_load %arg19[%swap3A_288] {strides = array<i32>} : memref<128xf32, #tpu.memory_space<vmem>>, vector<16xf32>,
        tpu.vector_store %arg19[%swap3A_288], %mul3A_287 {strides = array<i32>} : memref<128xf32, #tpu.memory_space<vmem>>, vector<16xf32>,
        %get3A_290 = arith.constant 96 : index
        %get3A_291 = tpu.vector_load %arg17[%get3A_290] {strides = array<i32>} : memref<128xf32, #tpu.memory_space<vmem>>, vector<16xf32>,
        %get3A_292 = arith.constant 96 : index
        %get3A_293 = tpu.vector_load %arg18[%get3A_292] {strides = array<i32>} : memref<128xf32, #tpu.memory_space<vmem>>, vector<16xf32>,
        %mul3A_294 = arith.mulf %get3A_291, %get3A_293 : vector<16xf32>
        %swap3A_295 = arith.constant 96 : index
        %swap3A_296 = tpu.vector_load %arg19[%swap3A_295] {strides = array<i32>} : memref<128xf32, #tpu.memory_space<vmem>>, vector<16xf32>,
        tpu.vector_store %arg19[%swap3A_295], %mul3A_294 {strides = array<i32>} : memref<128xf32, #tpu.memory_space<vmem>>, vector<16xf32>,
        %get3A_297 = arith.constant 112 : index
        %get3A_298 = tpu.vector_load %arg17[%get3A_297] {strides = array<i32>} : memref<128xf32, #tpu.memory_space<vmem>>, vector<16xf32>,
        %get3A_299 = arith.constant 112 : index
        %get3A_300 = tpu.vector_load %arg18[%get3A_299] {strides = array<i32>} : memref<128xf32, #tpu.memory_space<vmem>>, vector<16xf32>,
        %mul3A_301 = arith.mulf %get3A_298, %get3A_300 : vector<16xf32>
        %swap3A_302 = arith.constant 112 : index
        %swap3A_303 = tpu.vector_load %arg19[%swap3A_302] {strides = array<i32>} : memref<128xf32, #tpu.memory_space<vmem>>, vector<16xf32>,
        tpu.vector_store %arg19[%swap3A_302], %mul3A_301 {strides = array<i32>} : memref<128xf32, #tpu.memory_space<vmem>>, vector<16xf32>,
        %dma_wait3A_304 = arith.constant 0 : i32
        %dma_wait3A_305 = tpu.memref_slice %arg2[%mul3A_174, %dma_wait3A_304] : memref<10000x128xf32, #tpu.memory_space<hbm>> -> memref<128x128xf32, #tpu.memory_space<hbm>>
        %dma_wait3A_306 = arith.constant 0 : i32
        %dma_wait3A_307 = tpu.memref_slice %arg2[%mul3A_174, %dma_wait3A_306] : memref<10000x128xf32, #tpu.memory_space<hbm>> -> memref<128x128xf32, #tpu.memory_space<hbm>>
        tpu.wait_dma2 semaphore(%arg29 : memref<!tpu.dma_semaphore, #tpu.memory_space<semaphore_mem>>) src(%dma_wait3A_307 : memref<128x128xf32, #tpu.memory_space<hbm>>) dst(%arg20 : memref<128x128xf32, #tpu.memory_space<vmem>>)
        %scan3A_308 = arith.constant 0 : i32
        %scan3A_309 = arith.constant 0 : i32
        %scan3A_310 = arith.constant 128 : i32
        %scan3A_311 = arith.addi %scan3A_309, %scan3A_310 : i32
        %scan3A_312 = arith.constant 1 : i32
        scf.for %scan3A_354 = %scan3A_309 to %scan3A_311 step %scan3A_312  : i32 {
          %add3A_355 = arith.constant 0 : i32
          %add3A_356 = arith.addi %add3A_355, %scan3A_354 : i32
          %broadcast_in_dim3A_357 = vector.broadcast %add3A_356 : i32 to vector<16xi32>
          %gather3A = tpu.vector_load_idx %arg19[%broadcast_in_dim3A_357] : memref<128xf32, #tpu.memory_space<vmem>>[vector<16xi32>], vector<16xf32>,
          %get3A_358 = arith.index_cast %scan3A_354 : i32 to index
          %get3A_359 = arith.constant 0 : index
          %get3A_360 = tpu.vector_load %arg20[%get3A_358, %get3A_359] {strides = array<i32>} : memref<128x128xf32, #tpu.memory_space<vmem>>, vector<16xf32>,
          %mul3A_361 = arith.mulf %get3A_360, %get3A_360 : vector<16xf32>
          %mul3A_362 = arith.constant 0.0713548139 : f32
          %mul3A_363 = vector.broadcast %mul3A_362 : f32 to vector<16xf32>
          %mul3A_364 = arith.mulf %mul3A_363, %mul3A_361 : vector<16xf32>
          %add3A_365 = arith.constant 1.59576917 : f32
          %add3A_366 = vector.broadcast %add3A_365 : f32 to vector<16xf32>
          %add3A_367 = arith.addf %add3A_366, %mul3A_364 : vector<16xf32>
          %mul3A_368 = arith.mulf %get3A_360, %add3A_367 : vector<16xf32>
          %exp3A = math.exp %mul3A_368 : vector<16xf32>
          %add3A_369 = arith.constant 1.000000e+00 : f32
          %add3A_370 = vector.broadcast %add3A_369 : f32 to vector<16xf32>
          %add3A_371 = arith.addf %exp3A, %add3A_370 : vector<16xf32>
          %div3A = arith.divf %get3A_360, %add3A_371 : vector<16xf32>
          %sub3A = arith.subf %get3A_360, %div3A : vector<16xf32>
          %mul3A_372 = arith.mulf %sub3A, %gather3A : vector<16xf32>
          %swap3A_373 = arith.index_cast %scan3A_354 : i32 to index
          %swap3A_374 = arith.constant 0 : index
          %swap3A_375 = tpu.vector_load %arg20[%swap3A_373, %swap3A_374] {strides = array<i32>} : memref<128x128xf32, #tpu.memory_space<vmem>>, vector<16xf32>,
          tpu.vector_store %arg20[%swap3A_373, %swap3A_374], %mul3A_372 {strides = array<i32>} : memref<128x128xf32, #tpu.memory_space<vmem>>, vector<16xf32>,
          %get3A_376 = arith.index_cast %scan3A_354 : i32 to index
          %get3A_377 = arith.constant 16 : index
          %get3A_378 = tpu.vector_load %arg20[%get3A_376, %get3A_377] {strides = array<i32>} : memref<128x128xf32, #tpu.memory_space<vmem>>, vector<16xf32>,
          %mul3A_379 = arith.mulf %get3A_378, %get3A_378 : vector<16xf32>
          %mul3A_380 = arith.constant 0.0713548139 : f32
          %mul3A_381 = vector.broadcast %mul3A_380 : f32 to vector<16xf32>
          %mul3A_382 = arith.mulf %mul3A_381, %mul3A_379 : vector<16xf32>
          %add3A_383 = arith.constant 1.59576917 : f32
          %add3A_384 = vector.broadcast %add3A_383 : f32 to vector<16xf32>
          %add3A_385 = arith.addf %add3A_384, %mul3A_382 : vector<16xf32>
          %mul3A_386 = arith.mulf %get3A_378, %add3A_385 : vector<16xf32>
          %exp3A_387 = math.exp %mul3A_386 : vector<16xf32>
          %add3A_388 = arith.constant 1.000000e+00 : f32
          %add3A_389 = vector.broadcast %add3A_388 : f32 to vector<16xf32>
          %add3A_390 = arith.addf %exp3A_387, %add3A_389 : vector<16xf32>
          %div3A_391 = arith.divf %get3A_378, %add3A_390 : vector<16xf32>
          %sub3A_392 = arith.subf %get3A_378, %div3A_391 : vector<16xf32>
          %mul3A_393 = arith.mulf %sub3A_392, %gather3A : vector<16xf32>
          %swap3A_394 = arith.index_cast %scan3A_354 : i32 to index
          %swap3A_395 = arith.constant 16 : index
          %swap3A_396 = tpu.vector_load %arg20[%swap3A_394, %swap3A_395] {strides = array<i32>} : memref<128x128xf32, #tpu.memory_space<vmem>>, vector<16xf32>,
          tpu.vector_store %arg20[%swap3A_394, %swap3A_395], %mul3A_393 {strides = array<i32>} : memref<128x128xf32, #tpu.memory_space<vmem>>, vector<16xf32>,
          %get3A_397 = arith.index_cast %scan3A_354 : i32 to index
          %get3A_398 = arith.constant 32 : index
          %get3A_399 = tpu.vector_load %arg20[%get3A_397, %get3A_398] {strides = array<i32>} : memref<128x128xf32, #tpu.memory_space<vmem>>, vector<16xf32>,
          %mul3A_400 = arith.mulf %get3A_399, %get3A_399 : vector<16xf32>
          %mul3A_401 = arith.constant 0.0713548139 : f32
          %mul3A_402 = vector.broadcast %mul3A_401 : f32 to vector<16xf32>
          %mul3A_403 = arith.mulf %mul3A_402, %mul3A_400 : vector<16xf32>
          %add3A_404 = arith.constant 1.59576917 : f32
          %add3A_405 = vector.broadcast %add3A_404 : f32 to vector<16xf32>
          %add3A_406 = arith.addf %add3A_405, %mul3A_403 : vector<16xf32>
          %mul3A_407 = arith.mulf %get3A_399, %add3A_406 : vector<16xf32>
          %exp3A_408 = math.exp %mul3A_407 : vector<16xf32>
          %add3A_409 = arith.constant 1.000000e+00 : f32
          %add3A_410 = vector.broadcast %add3A_409 : f32 to vector<16xf32>
          %add3A_411 = arith.addf %exp3A_408, %add3A_410 : vector<16xf32>
          %div3A_412 = arith.divf %get3A_399, %add3A_411 : vector<16xf32>
          %sub3A_413 = arith.subf %get3A_399, %div3A_412 : vector<16xf32>
          %mul3A_414 = arith.mulf %sub3A_413, %gather3A : vector<16xf32>
          %swap3A_415 = arith.index_cast %scan3A_354 : i32 to index
          %swap3A_416 = arith.constant 32 : index
          %swap3A_417 = tpu.vector_load %arg20[%swap3A_415, %swap3A_416] {strides = array<i32>} : memref<128x128xf32, #tpu.memory_space<vmem>>, vector<16xf32>,
          tpu.vector_store %arg20[%swap3A_415, %swap3A_416], %mul3A_414 {strides = array<i32>} : memref<128x128xf32, #tpu.memory_space<vmem>>, vector<16xf32>,
          %get3A_418 = arith.index_cast %scan3A_354 : i32 to index
          %get3A_419 = arith.constant 48 : index
          %get3A_420 = tpu.vector_load %arg20[%get3A_418, %get3A_419] {strides = array<i32>} : memref<128x128xf32, #tpu.memory_space<vmem>>, vector<16xf32>,
          %mul3A_421 = arith.mulf %get3A_420, %get3A_420 : vector<16xf32>
          %mul3A_422 = arith.constant 0.0713548139 : f32
          %mul3A_423 = vector.broadcast %mul3A_422 : f32 to vector<16xf32>
          %mul3A_424 = arith.mulf %mul3A_423, %mul3A_421 : vector<16xf32>
          %add3A_425 = arith.constant 1.59576917 : f32
          %add3A_426 = vector.broadcast %add3A_425 : f32 to vector<16xf32>
          %add3A_427 = arith.addf %add3A_426, %mul3A_424 : vector<16xf32>
          %mul3A_428 = arith.mulf %get3A_420, %add3A_427 : vector<16xf32>
          %exp3A_429 = math.exp %mul3A_428 : vector<16xf32>
          %add3A_430 = arith.constant 1.000000e+00 : f32
          %add3A_431 = vector.broadcast %add3A_430 : f32 to vector<16xf32>
          %add3A_432 = arith.addf %exp3A_429, %add3A_431 : vector<16xf32>
          %div3A_433 = arith.divf %get3A_420, %add3A_432 : vector<16xf32>
          %sub3A_434 = arith.subf %get3A_420, %div3A_433 : vector<16xf32>
          %mul3A_435 = arith.mulf %sub3A_434, %gather3A : vector<16xf32>
          %swap3A_436 = arith.index_cast %scan3A_354 : i32 to index
          %swap3A_437 = arith.constant 48 : index
          %swap3A_438 = tpu.vector_load %arg20[%swap3A_436, %swap3A_437] {strides = array<i32>} : memref<128x128xf32, #tpu.memory_space<vmem>>, vector<16xf32>,
          tpu.vector_store %arg20[%swap3A_436, %swap3A_437], %mul3A_435 {strides = array<i32>} : memref<128x128xf32, #tpu.memory_space<vmem>>, vector<16xf32>,
          %get3A_439 = arith.index_cast %scan3A_354 : i32 to index
          %get3A_440 = arith.constant 64 : index
          %get3A_441 = tpu.vector_load %arg20[%get3A_439, %get3A_440] {strides = array<i32>} : memref<128x128xf32, #tpu.memory_space<vmem>>, vector<16xf32>,
          %mul3A_442 = arith.mulf %get3A_441, %get3A_441 : vector<16xf32>
          %mul3A_443 = arith.constant 0.0713548139 : f32
          %mul3A_444 = vector.broadcast %mul3A_443 : f32 to vector<16xf32>
          %mul3A_445 = arith.mulf %mul3A_444, %mul3A_442 : vector<16xf32>
          %add3A_446 = arith.constant 1.59576917 : f32
          %add3A_447 = vector.broadcast %add3A_446 : f32 to vector<16xf32>
          %add3A_448 = arith.addf %add3A_447, %mul3A_445 : vector<16xf32>
          %mul3A_449 = arith.mulf %get3A_441, %add3A_448 : vector<16xf32>
          %exp3A_450 = math.exp %mul3A_449 : vector<16xf32>
          %add3A_451 = arith.constant 1.000000e+00 : f32
          %add3A_452 = vector.broadcast %add3A_451 : f32 to vector<16xf32>
          %add3A_453 = arith.addf %exp3A_450, %add3A_452 : vector<16xf32>
          %div3A_454 = arith.divf %get3A_441, %add3A_453 : vector<16xf32>
          %sub3A_455 = arith.subf %get3A_441, %div3A_454 : vector<16xf32>
          %mul3A_456 = arith.mulf %sub3A_455, %gather3A : vector<16xf32>
          %swap3A_457 = arith.index_cast %scan3A_354 : i32 to index
          %swap3A_458 = arith.constant 64 : index
          %swap3A_459 = tpu.vector_load %arg20[%swap3A_457, %swap3A_458] {strides = array<i32>} : memref<128x128xf32, #tpu.memory_space<vmem>>, vector<16xf32>,
          tpu.vector_store %arg20[%swap3A_457, %swap3A_458], %mul3A_456 {strides = array<i32>} : memref<128x128xf32, #tpu.memory_space<vmem>>, vector<16xf32>,
          %get3A_460 = arith.index_cast %scan3A_354 : i32 to index
          %get3A_461 = arith.constant 80 : index
          %get3A_462 = tpu.vector_load %arg20[%get3A_460, %get3A_461] {strides = array<i32>} : memref<128x128xf32, #tpu.memory_space<vmem>>, vector<16xf32>,
          %mul3A_463 = arith.mulf %get3A_462, %get3A_462 : vector<16xf32>
          %mul3A_464 = arith.constant 0.0713548139 : f32
          %mul3A_465 = vector.broadcast %mul3A_464 : f32 to vector<16xf32>
          %mul3A_466 = arith.mulf %mul3A_465, %mul3A_463 : vector<16xf32>
          %add3A_467 = arith.constant 1.59576917 : f32
          %add3A_468 = vector.broadcast %add3A_467 : f32 to vector<16xf32>
          %add3A_469 = arith.addf %add3A_468, %mul3A_466 : vector<16xf32>
          %mul3A_470 = arith.mulf %get3A_462, %add3A_469 : vector<16xf32>
          %exp3A_471 = math.exp %mul3A_470 : vector<16xf32>
          %add3A_472 = arith.constant 1.000000e+00 : f32
          %add3A_473 = vector.broadcast %add3A_472 : f32 to vector<16xf32>
          %add3A_474 = arith.addf %exp3A_471, %add3A_473 : vector<16xf32>
          %div3A_475 = arith.divf %get3A_462, %add3A_474 : vector<16xf32>
          %sub3A_476 = arith.subf %get3A_462, %div3A_475 : vector<16xf32>
          %mul3A_477 = arith.mulf %sub3A_476, %gather3A : vector<16xf32>
          %swap3A_478 = arith.index_cast %scan3A_354 : i32 to index
          %swap3A_479 = arith.constant 80 : index
          %swap3A_480 = tpu.vector_load %arg20[%swap3A_478, %swap3A_479] {strides = array<i32>} : memref<128x128xf32, #tpu.memory_space<vmem>>, vector<16xf32>,
          tpu.vector_store %arg20[%swap3A_478, %swap3A_479], %mul3A_477 {strides = array<i32>} : memref<128x128xf32, #tpu.memory_space<vmem>>, vector<16xf32>,
          %get3A_481 = arith.index_cast %scan3A_354 : i32 to index
          %get3A_482 = arith.constant 96 : index
          %get3A_483 = tpu.vector_load %arg20[%get3A_481, %get3A_482] {strides = array<i32>} : memref<128x128xf32, #tpu.memory_space<vmem>>, vector<16xf32>,
          %mul3A_484 = arith.mulf %get3A_483, %get3A_483 : vector<16xf32>
          %mul3A_485 = arith.constant 0.0713548139 : f32
          %mul3A_486 = vector.broadcast %mul3A_485 : f32 to vector<16xf32>
          %mul3A_487 = arith.mulf %mul3A_486, %mul3A_484 : vector<16xf32>
          %add3A_488 = arith.constant 1.59576917 : f32
          %add3A_489 = vector.broadcast %add3A_488 : f32 to vector<16xf32>
          %add3A_490 = arith.addf %add3A_489, %mul3A_487 : vector<16xf32>
          %mul3A_491 = arith.mulf %get3A_483, %add3A_490 : vector<16xf32>
          %exp3A_492 = math.exp %mul3A_491 : vector<16xf32>
          %add3A_493 = arith.constant 1.000000e+00 : f32
          %add3A_494 = vector.broadcast %add3A_493 : f32 to vector<16xf32>
          %add3A_495 = arith.addf %exp3A_492, %add3A_494 : vector<16xf32>
          %div3A_496 = arith.divf %get3A_483, %add3A_495 : vector<16xf32>
          %sub3A_497 = arith.subf %get3A_483, %div3A_496 : vector<16xf32>
          %mul3A_498 = arith.mulf %sub3A_497, %gather3A : vector<16xf32>
          %swap3A_499 = arith.index_cast %scan3A_354 : i32 to index
          %swap3A_500 = arith.constant 96 : index
          %swap3A_501 = tpu.vector_load %arg20[%swap3A_499, %swap3A_500] {strides = array<i32>} : memref<128x128xf32, #tpu.memory_space<vmem>>, vector<16xf32>,
          tpu.vector_store %arg20[%swap3A_499, %swap3A_500], %mul3A_498 {strides = array<i32>} : memref<128x128xf32, #tpu.memory_space<vmem>>, vector<16xf32>,
          %get3A_502 = arith.index_cast %scan3A_354 : i32 to index
          %get3A_503 = arith.constant 112 : index
          %get3A_504 = tpu.vector_load %arg20[%get3A_502, %get3A_503] {strides = array<i32>} : memref<128x128xf32, #tpu.memory_space<vmem>>, vector<16xf32>,
          %mul3A_505 = arith.mulf %get3A_504, %get3A_504 : vector<16xf32>
          %mul3A_506 = arith.constant 0.0713548139 : f32
          %mul3A_507 = vector.broadcast %mul3A_506 : f32 to vector<16xf32>
          %mul3A_508 = arith.mulf %mul3A_507, %mul3A_505 : vector<16xf32>
          %add3A_509 = arith.constant 1.59576917 : f32
          %add3A_510 = vector.broadcast %add3A_509 : f32 to vector<16xf32>
          %add3A_511 = arith.addf %add3A_510, %mul3A_508 : vector<16xf32>
          %mul3A_512 = arith.mulf %get3A_504, %add3A_511 : vector<16xf32>
          %exp3A_513 = math.exp %mul3A_512 : vector<16xf32>
          %add3A_514 = arith.constant 1.000000e+00 : f32
          %add3A_515 = vector.broadcast %add3A_514 : f32 to vector<16xf32>
          %add3A_516 = arith.addf %exp3A_513, %add3A_515 : vector<16xf32>
          %div3A_517 = arith.divf %get3A_504, %add3A_516 : vector<16xf32>
          %sub3A_518 = arith.subf %get3A_504, %div3A_517 : vector<16xf32>
          %mul3A_519 = arith.mulf %sub3A_518, %gather3A : vector<16xf32>
          %swap3A_520 = arith.index_cast %scan3A_354 : i32 to index
          %swap3A_521 = arith.constant 112 : index
          %swap3A_522 = tpu.vector_load %arg20[%swap3A_520, %swap3A_521] {strides = array<i32>} : memref<128x128xf32, #tpu.memory_space<vmem>>, vector<16xf32>,
          tpu.vector_store %arg20[%swap3A_520, %swap3A_521], %mul3A_519 {strides = array<i32>} : memref<128x128xf32, #tpu.memory_space<vmem>>, vector<16xf32>,
        }
        %scan3A_313 = arith.constant 128 : i32
        %dma_start3A_314 = arith.constant 0 : i32
        %dma_start3A_315 = arith.constant 0 : i32
        %dma_start3A_316 = arith.constant 0 : i32
        %dma_start3A_317 = tpu.memref_slice %arg20[%dma_start3A_315, %dma_start3A_316] : memref<128x128xf32, #tpu.memory_space<vmem>> -> memref<64x128xf32, #tpu.memory_space<vmem>>
        %dma_start3A_318 = arith.constant 0 : i32
        %dma_start3A_319 = tpu.memref_slice %arg15[%dma_start3A_314, %dma_start3A_318] : memref<2x64xi32, #tpu.memory_space<vmem>> -> memref<1x64xi32, #tpu.memory_space<vmem>>
        %dma_start3A_320 = tpu.memref_squeeze %dma_start3A_319 : memref<1x64xi32, #tpu.memory_space<vmem>> -> memref<64xi32, #tpu.memory_space<vmem>>
        %dma_start3A_321 = arith.constant 0 : i32
        %dma_start3A_322 = arith.constant 0 : i32
        %dma_start3A_323 = tpu.memref_slice %arg8[%dma_start3A_321, %dma_start3A_322] : memref<10000x128xf32, #tpu.memory_space<vmem_shared>> -> memref<10000x128xf32, #tpu.memory_space<vmem_shared>>
        tpu.enqueue_indirect_dma source(%dma_start3A_317 : memref<64x128xf32, #tpu.memory_space<vmem>>) target(%dma_start3A_323 : memref<10000x128xf32, #tpu.memory_space<vmem_shared>>) offsets(%dma_start3A_320 : memref<64xi32, #tpu.memory_space<vmem>>) semaphore(%arg28 : memref<!tpu.dma_semaphore, #tpu.memory_space<semaphore_mem>>) {add = true}
        %dma_start3A_324 = arith.constant 1 : i32
        %dma_start3A_325 = arith.constant 64 : i32
        %dma_start3A_326 = arith.constant 0 : i32
        %dma_start3A_327 = tpu.memref_slice %arg20[%dma_start3A_325, %dma_start3A_326] : memref<128x128xf32, #tpu.memory_space<vmem>> -> memref<64x128xf32, #tpu.memory_space<vmem>>
        %dma_start3A_328 = arith.constant 0 : i32
        %dma_start3A_329 = tpu.memref_slice %arg15[%dma_start3A_324, %dma_start3A_328] : memref<2x64xi32, #tpu.memory_space<vmem>> -> memref<1x64xi32, #tpu.memory_space<vmem>>
        %dma_start3A_330 = tpu.memref_squeeze %dma_start3A_329 : memref<1x64xi32, #tpu.memory_space<vmem>> -> memref<64xi32, #tpu.memory_space<vmem>>
        %dma_start3A_331 = arith.constant 0 : i32
        %dma_start3A_332 = arith.constant 0 : i32
        %dma_start3A_333 = tpu.memref_slice %arg8[%dma_start3A_331, %dma_start3A_332] : memref<10000x128xf32, #tpu.memory_space<vmem_shared>> -> memref<10000x128xf32, #tpu.memory_space<vmem_shared>>
        tpu.enqueue_indirect_dma source(%dma_start3A_327 : memref<64x128xf32, #tpu.memory_space<vmem>>) target(%dma_start3A_333 : memref<10000x128xf32, #tpu.memory_space<vmem_shared>>) offsets(%dma_start3A_330 : memref<64xi32, #tpu.memory_space<vmem>>) semaphore(%arg25 : memref<!tpu.dma_semaphore, #tpu.memory_space<semaphore_mem>>) {add = true}
        %dma_wait3A_334 = arith.constant 0 : i32
        %dma_wait3A_335 = arith.constant 0 : i32
        %dma_wait3A_336 = arith.constant 0 : i32
        %dma_wait3A_337 = tpu.memref_slice %arg20[%dma_wait3A_335, %dma_wait3A_336] : memref<128x128xf32, #tpu.memory_space<vmem>> -> memref<64x128xf32, #tpu.memory_space<vmem>>
        %dma_wait3A_338 = arith.constant 0 : i32
        %dma_wait3A_339 = tpu.memref_slice %arg15[%dma_wait3A_334, %dma_wait3A_338] : memref<2x64xi32, #tpu.memory_space<vmem>> -> memref<1x64xi32, #tpu.memory_space<vmem>>
        %dma_wait3A_340 = tpu.memref_squeeze %dma_wait3A_339 : memref<1x64xi32, #tpu.memory_space<vmem>> -> memref<64xi32, #tpu.memory_space<vmem>>
        %dma_wait3A_341 = arith.constant 0 : i32
        %dma_wait3A_342 = arith.constant 0 : i32
        %dma_wait3A_343 = tpu.memref_slice %arg8[%dma_wait3A_341, %dma_wait3A_342] : memref<10000x128xf32, #tpu.memory_space<vmem_shared>> -> memref<10000x128xf32, #tpu.memory_space<vmem_shared>>
        tpu.wait_indirect_dma semaphore(%arg28 : memref<!tpu.dma_semaphore, #tpu.memory_space<semaphore_mem>>) src(%dma_wait3A_337 : memref<64x128xf32, #tpu.memory_space<vmem>>) dst(%dma_wait3A_343 : memref<10000x128xf32, #tpu.memory_space<vmem_shared>>)
        %dma_wait3A_344 = arith.constant 1 : i32
        %dma_wait3A_345 = arith.constant 64 : i32
        %dma_wait3A_346 = arith.constant 0 : i32
        %dma_wait3A_347 = tpu.memref_slice %arg20[%dma_wait3A_345, %dma_wait3A_346] : memref<128x128xf32, #tpu.memory_space<vmem>> -> memref<64x128xf32, #tpu.memory_space<vmem>>
        %dma_wait3A_348 = arith.constant 0 : i32
        %dma_wait3A_349 = tpu.memref_slice %arg15[%dma_wait3A_344, %dma_wait3A_348] : memref<2x64xi32, #tpu.memory_space<vmem>> -> memref<1x64xi32, #tpu.memory_space<vmem>>
        %dma_wait3A_350 = tpu.memref_squeeze %dma_wait3A_349 : memref<1x64xi32, #tpu.memory_space<vmem>> -> memref<64xi32, #tpu.memory_space<vmem>>
        %dma_wait3A_351 = arith.constant 0 : i32
        %dma_wait3A_352 = arith.constant 0 : i32
        %dma_wait3A_353 = tpu.memref_slice %arg8[%dma_wait3A_351, %dma_wait3A_352] : memref<10000x128xf32, #tpu.memory_space<vmem_shared>> -> memref<10000x128xf32, #tpu.memory_space<vmem_shared>>
        tpu.wait_indirect_dma semaphore(%arg25 : memref<!tpu.dma_semaphore, #tpu.memory_space<semaphore_mem>>) src(%dma_wait3A_347 : memref<64x128xf32, #tpu.memory_space<vmem>>) dst(%dma_wait3A_353 : memref<10000x128xf32, #tpu.memory_space<vmem_shared>>)
      } else {
      }
    }
    %scan3A_144 = arith.constant 3 : i32
    %eq3A = arith.constant 0 : i32
    %eq3A_145 = arith.cmpi eq, %add3A, %eq3A : i32
    %convert_element_type3A_146 = arith.extui %eq3A_145 : i1 to i32
    %cond3A_147 = arith.constant 0 : i32
    %cond3A_148 = arith.cmpi ne, %convert_element_type3A_146, %cond3A_147 : i32
    scf.if %cond3A_148 {
      %dma_start3A = arith.constant 0 : i32
      %dma_start3A_164 = arith.constant 0 : i32
      %dma_start3A_165 = tpu.memref_slice %arg20[%dma_start3A, %dma_start3A_164] : memref<128x128xf32, #tpu.memory_space<vmem>> -> memref<16x128xf32, #tpu.memory_space<vmem>>
      %dma_start3A_166 = arith.constant 9984 : i32
      %dma_start3A_167 = arith.constant 0 : i32
      %dma_start3A_168 = tpu.memref_slice %arg2[%dma_start3A_166, %dma_start3A_167] : memref<10000x128xf32, #tpu.memory_space<hbm>> -> memref<16x128xf32, #tpu.memory_space<hbm>>
      %dma_start3A_169 = arith.constant 0 : i32
      %dma_start3A_170 = arith.constant 0 : i32
      %dma_start3A_171 = tpu.memref_slice %arg20[%dma_start3A_169, %dma_start3A_170] : memref<128x128xf32, #tpu.memory_space<vmem>> -> memref<16x128xf32, #tpu.memory_space<vmem>>
      %dma_start3A_172 = arith.constant 9984 : i32
      %dma_start3A_173 = arith.constant 0 : i32
      %dma_start3A_174 = tpu.memref_slice %arg2[%dma_start3A_172, %dma_start3A_173] : memref<10000x128xf32, #tpu.memory_space<hbm>> -> memref<16x128xf32, #tpu.memory_space<hbm>>
      tpu.enqueue_dma source(%dma_start3A_174 : memref<16x128xf32, #tpu.memory_space<hbm>>) target(%dma_start3A_171 : memref<16x128xf32, #tpu.memory_space<vmem>>) target_semaphore(%arg29 : memref<!tpu.dma_semaphore, #tpu.memory_space<semaphore_mem>>)
      %dma_start3A_175 = arith.constant 0 : i32
      %dma_start3A_176 = tpu.memref_slice %arg17[%dma_start3A_175] : memref<128xf32, #tpu.memory_space<vmem>> -> memref<16xf32, #tpu.memory_space<vmem>>
      %dma_start3A_177 = arith.constant 9984 : i32
      %dma_start3A_178 = tpu.memref_slice %arg9[%dma_start3A_177] : memref<10000xf32, #tpu.memory_space<vmem_shared>> -> memref<16xf32, #tpu.memory_space<vmem_shared>>
      %dma_start3A_179 = arith.constant 0 : i32
      %dma_start3A_180 = tpu.memref_slice %arg17[%dma_start3A_179] : memref<128xf32, #tpu.memory_space<vmem>> -> memref<16xf32, #tpu.memory_space<vmem>>
      %dma_start3A_181 = arith.constant 9984 : i32
      %dma_start3A_182 = tpu.memref_slice %arg9[%dma_start3A_181] : memref<10000xf32, #tpu.memory_space<vmem_shared>> -> memref<16xf32, #tpu.memory_space<vmem_shared>>
      tpu.enqueue_dma source(%dma_start3A_182 : memref<16xf32, #tpu.memory_space<vmem_shared>>) target(%dma_start3A_180 : memref<16xf32, #tpu.memory_space<vmem>>) target_semaphore(%arg33 : memref<!tpu.dma_semaphore, #tpu.memory_space<semaphore_mem>>)
      %dma_start3A_183 = arith.constant 0 : i32
      %dma_start3A_184 = tpu.memref_slice %arg18[%dma_start3A_183] : memref<128xf32, #tpu.memory_space<vmem>> -> memref<16xf32, #tpu.memory_space<vmem>>
      %dma_start3A_185 = arith.constant 9984 : i32
      %dma_start3A_186 = tpu.memref_slice %arg10[%dma_start3A_185] : memref<10000xf32, #tpu.memory_space<vmem_shared>> -> memref<16xf32, #tpu.memory_space<vmem_shared>>
      %dma_start3A_187 = arith.constant 0 : i32
      %dma_start3A_188 = tpu.memref_slice %arg18[%dma_start3A_187] : memref<128xf32, #tpu.memory_space<vmem>> -> memref<16xf32, #tpu.memory_space<vmem>>
      %dma_start3A_189 = arith.constant 9984 : i32
      %dma_start3A_190 = tpu.memref_slice %arg10[%dma_start3A_189] : memref<10000xf32, #tpu.memory_space<vmem_shared>> -> memref<16xf32, #tpu.memory_space<vmem_shared>>
      tpu.enqueue_dma source(%dma_start3A_190 : memref<16xf32, #tpu.memory_space<vmem_shared>>) target(%dma_start3A_188 : memref<16xf32, #tpu.memory_space<vmem>>) target_semaphore(%arg33 : memref<!tpu.dma_semaphore, #tpu.memory_space<semaphore_mem>>)
      %add3A_191 = arith.constant 9984 : i32
      %add3A_192 = vector.broadcast %add3A_191 : i32 to vector<16xi32>
      %add3A_193 = arith.addi %iota3A, %add3A_192 : vector<16xi32>
      %swap3A_194 = arith.constant 0 : index
      %swap3A_195 = tpu.vector_load %arg24[%swap3A_194] {strides = array<i32>} : memref<16xi32, #tpu.memory_space<vmem>>, vector<16xi32>,
      tpu.vector_store %arg24[%swap3A_194], %add3A_193 {strides = array<i32>} : memref<16xi32, #tpu.memory_space<vmem>>, vector<16xi32>,
      %dma_wait3A = arith.constant 0 : i32
      %dma_wait3A_196 = tpu.memref_slice %arg17[%dma_wait3A] : memref<128xf32, #tpu.memory_space<vmem>> -> memref<16xf32, #tpu.memory_space<vmem>>
      %dma_wait3A_197 = arith.constant 9984 : i32
      %dma_wait3A_198 = tpu.memref_slice %arg9[%dma_wait3A_197] : memref<10000xf32, #tpu.memory_space<vmem_shared>> -> memref<16xf32, #tpu.memory_space<vmem_shared>>
      %dma_wait3A_199 = arith.constant 0 : i32
      %dma_wait3A_200 = tpu.memref_slice %arg17[%dma_wait3A_199] : memref<128xf32, #tpu.memory_space<vmem>> -> memref<16xf32, #tpu.memory_space<vmem>>
      %dma_wait3A_201 = arith.constant 9984 : i32
      %dma_wait3A_202 = tpu.memref_slice %arg9[%dma_wait3A_201] : memref<10000xf32, #tpu.memory_space<vmem_shared>> -> memref<16xf32, #tpu.memory_space<vmem_shared>>
      tpu.wait_dma2 semaphore(%arg33 : memref<!tpu.dma_semaphore, #tpu.memory_space<semaphore_mem>>) src(%dma_wait3A_202 : memref<16xf32, #tpu.memory_space<vmem_shared>>) dst(%dma_wait3A_200 : memref<16xf32, #tpu.memory_space<vmem>>)
      %dma_wait3A_203 = arith.constant 0 : i32
      %dma_wait3A_204 = tpu.memref_slice %arg18[%dma_wait3A_203] : memref<128xf32, #tpu.memory_space<vmem>> -> memref<16xf32, #tpu.memory_space<vmem>>
      %dma_wait3A_205 = arith.constant 9984 : i32
      %dma_wait3A_206 = tpu.memref_slice %arg10[%dma_wait3A_205] : memref<10000xf32, #tpu.memory_space<vmem_shared>> -> memref<16xf32, #tpu.memory_space<vmem_shared>>
      %dma_wait3A_207 = arith.constant 0 : i32
      %dma_wait3A_208 = tpu.memref_slice %arg18[%dma_wait3A_207] : memref<128xf32, #tpu.memory_space<vmem>> -> memref<16xf32, #tpu.memory_space<vmem>>
      %dma_wait3A_209 = arith.constant 9984 : i32
      %dma_wait3A_210 = tpu.memref_slice %arg10[%dma_wait3A_209] : memref<10000xf32, #tpu.memory_space<vmem_shared>> -> memref<16xf32, #tpu.memory_space<vmem_shared>>
      tpu.wait_dma2 semaphore(%arg33 : memref<!tpu.dma_semaphore, #tpu.memory_space<semaphore_mem>>) src(%dma_wait3A_210 : memref<16xf32, #tpu.memory_space<vmem_shared>>) dst(%dma_wait3A_208 : memref<16xf32, #tpu.memory_space<vmem>>)
      %get3A = arith.constant 0 : index
      %get3A_211 = tpu.vector_load %arg17[%get3A] {strides = array<i32>} : memref<128xf32, #tpu.memory_space<vmem>>, vector<16xf32>,
      %get3A_212 = arith.constant 0 : index
      %get3A_213 = tpu.vector_load %arg18[%get3A_212] {strides = array<i32>} : memref<128xf32, #tpu.memory_space<vmem>>, vector<16xf32>,
      %mul3A_214 = arith.mulf %get3A_211, %get3A_213 : vector<16xf32>
      %swap3A_215 = arith.constant 0 : index
      %swap3A_216 = tpu.vector_load %arg19[%swap3A_215] {strides = array<i32>} : memref<128xf32, #tpu.memory_space<vmem>>, vector<16xf32>,
      tpu.vector_store %arg19[%swap3A_215], %mul3A_214 {strides = array<i32>} : memref<128xf32, #tpu.memory_space<vmem>>, vector<16xf32>,
      %dma_wait3A_217 = arith.constant 0 : i32
      %dma_wait3A_218 = arith.constant 0 : i32
      %dma_wait3A_219 = tpu.memref_slice %arg20[%dma_wait3A_217, %dma_wait3A_218] : memref<128x128xf32, #tpu.memory_space<vmem>> -> memref<16x128xf32, #tpu.memory_space<vmem>>
      %dma_wait3A_220 = arith.constant 9984 : i32
      %dma_wait3A_221 = arith.constant 0 : i32
      %dma_wait3A_222 = tpu.memref_slice %arg2[%dma_wait3A_220, %dma_wait3A_221] : memref<10000x128xf32, #tpu.memory_space<hbm>> -> memref<16x128xf32, #tpu.memory_space<hbm>>
      %dma_wait3A_223 = arith.constant 0 : i32
      %dma_wait3A_224 = arith.constant 0 : i32
      %dma_wait3A_225 = tpu.memref_slice %arg20[%dma_wait3A_223, %dma_wait3A_224] : memref<128x128xf32, #tpu.memory_space<vmem>> -> memref<16x128xf32, #tpu.memory_space<vmem>>
      %dma_wait3A_226 = arith.constant 9984 : i32
      %dma_wait3A_227 = arith.constant 0 : i32
      %dma_wait3A_228 = tpu.memref_slice %arg2[%dma_wait3A_226, %dma_wait3A_227] : memref<10000x128xf32, #tpu.memory_space<hbm>> -> memref<16x128xf32, #tpu.memory_space<hbm>>
      tpu.wait_dma2 semaphore(%arg29 : memref<!tpu.dma_semaphore, #tpu.memory_space<semaphore_mem>>) src(%dma_wait3A_228 : memref<16x128xf32, #tpu.memory_space<hbm>>) dst(%dma_wait3A_225 : memref<16x128xf32, #tpu.memory_space<vmem>>)
      %scan3A_229 = arith.constant 0 : i32
      %scan3A_230 = arith.constant 0 : i32
      %scan3A_231 = arith.constant 16 : i32
      %scan3A_232 = arith.addi %scan3A_230, %scan3A_231 : i32
      %scan3A_233 = arith.constant 1 : i32
      scf.for %scan3A_235 = %scan3A_230 to %scan3A_232 step %scan3A_233  : i32 {
        %add3A_236 = arith.constant 0 : i32
        %add3A_237 = arith.addi %add3A_236, %scan3A_235 : i32
        %broadcast_in_dim3A_238 = vector.broadcast %add3A_237 : i32 to vector<16xi32>
        %gather3A = tpu.vector_load_idx %arg19[%broadcast_in_dim3A_238] : memref<128xf32, #tpu.memory_space<vmem>>[vector<16xi32>], vector<16xf32>,
        %get3A_239 = arith.index_cast %scan3A_235 : i32 to index
        %get3A_240 = arith.constant 0 : index
        %get3A_241 = tpu.vector_load %arg20[%get3A_239, %get3A_240] {strides = array<i32>} : memref<128x128xf32, #tpu.memory_space<vmem>>, vector<16xf32>,
        %mul3A_242 = arith.mulf %get3A_241, %get3A_241 : vector<16xf32>
        %mul3A_243 = arith.constant 0.0713548139 : f32
        %mul3A_244 = vector.broadcast %mul3A_243 : f32 to vector<16xf32>
        %mul3A_245 = arith.mulf %mul3A_244, %mul3A_242 : vector<16xf32>
        %add3A_246 = arith.constant 1.59576917 : f32
        %add3A_247 = vector.broadcast %add3A_246 : f32 to vector<16xf32>
        %add3A_248 = arith.addf %add3A_247, %mul3A_245 : vector<16xf32>
        %mul3A_249 = arith.mulf %get3A_241, %add3A_248 : vector<16xf32>
        %exp3A = math.exp %mul3A_249 : vector<16xf32>
        %add3A_250 = arith.constant 1.000000e+00 : f32
        %add3A_251 = vector.broadcast %add3A_250 : f32 to vector<16xf32>
        %add3A_252 = arith.addf %exp3A, %add3A_251 : vector<16xf32>
        %div3A = arith.divf %get3A_241, %add3A_252 : vector<16xf32>
        %sub3A = arith.subf %get3A_241, %div3A : vector<16xf32>
        %mul3A_253 = arith.mulf %sub3A, %gather3A : vector<16xf32>
        %swap3A_254 = arith.index_cast %scan3A_235 : i32 to index
        %swap3A_255 = arith.constant 0 : index
        %swap3A_256 = tpu.vector_load %arg20[%swap3A_254, %swap3A_255] {strides = array<i32>} : memref<128x128xf32, #tpu.memory_space<vmem>>, vector<16xf32>,
        tpu.vector_store %arg20[%swap3A_254, %swap3A_255], %mul3A_253 {strides = array<i32>} : memref<128x128xf32, #tpu.memory_space<vmem>>, vector<16xf32>,
        %get3A_257 = arith.index_cast %scan3A_235 : i32 to index
        %get3A_258 = arith.constant 16 : index
        %get3A_259 = tpu.vector_load %arg20[%get3A_257, %get3A_258] {strides = array<i32>} : memref<128x128xf32, #tpu.memory_space<vmem>>, vector<16xf32>,
        %mul3A_260 = arith.mulf %get3A_259, %get3A_259 : vector<16xf32>
        %mul3A_261 = arith.constant 0.0713548139 : f32
        %mul3A_262 = vector.broadcast %mul3A_261 : f32 to vector<16xf32>
        %mul3A_263 = arith.mulf %mul3A_262, %mul3A_260 : vector<16xf32>
        %add3A_264 = arith.constant 1.59576917 : f32
        %add3A_265 = vector.broadcast %add3A_264 : f32 to vector<16xf32>
        %add3A_266 = arith.addf %add3A_265, %mul3A_263 : vector<16xf32>
        %mul3A_267 = arith.mulf %get3A_259, %add3A_266 : vector<16xf32>
        %exp3A_268 = math.exp %mul3A_267 : vector<16xf32>
        %add3A_269 = arith.constant 1.000000e+00 : f32
        %add3A_270 = vector.broadcast %add3A_269 : f32 to vector<16xf32>
        %add3A_271 = arith.addf %exp3A_268, %add3A_270 : vector<16xf32>
        %div3A_272 = arith.divf %get3A_259, %add3A_271 : vector<16xf32>
        %sub3A_273 = arith.subf %get3A_259, %div3A_272 : vector<16xf32>
        %mul3A_274 = arith.mulf %sub3A_273, %gather3A : vector<16xf32>
        %swap3A_275 = arith.index_cast %scan3A_235 : i32 to index
        %swap3A_276 = arith.constant 16 : index
        %swap3A_277 = tpu.vector_load %arg20[%swap3A_275, %swap3A_276] {strides = array<i32>} : memref<128x128xf32, #tpu.memory_space<vmem>>, vector<16xf32>,
        tpu.vector_store %arg20[%swap3A_275, %swap3A_276], %mul3A_274 {strides = array<i32>} : memref<128x128xf32, #tpu.memory_space<vmem>>, vector<16xf32>,
        %get3A_278 = arith.index_cast %scan3A_235 : i32 to index
        %get3A_279 = arith.constant 32 : index
        %get3A_280 = tpu.vector_load %arg20[%get3A_278, %get3A_279] {strides = array<i32>} : memref<128x128xf32, #tpu.memory_space<vmem>>, vector<16xf32>,
        %mul3A_281 = arith.mulf %get3A_280, %get3A_280 : vector<16xf32>
        %mul3A_282 = arith.constant 0.0713548139 : f32
        %mul3A_283 = vector.broadcast %mul3A_282 : f32 to vector<16xf32>
        %mul3A_284 = arith.mulf %mul3A_283, %mul3A_281 : vector<16xf32>
        %add3A_285 = arith.constant 1.59576917 : f32
        %add3A_286 = vector.broadcast %add3A_285 : f32 to vector<16xf32>
        %add3A_287 = arith.addf %add3A_286, %mul3A_284 : vector<16xf32>
        %mul3A_288 = arith.mulf %get3A_280, %add3A_287 : vector<16xf32>
        %exp3A_289 = math.exp %mul3A_288 : vector<16xf32>
        %add3A_290 = arith.constant 1.000000e+00 : f32
        %add3A_291 = vector.broadcast %add3A_290 : f32 to vector<16xf32>
        %add3A_292 = arith.addf %exp3A_289, %add3A_291 : vector<16xf32>
        %div3A_293 = arith.divf %get3A_280, %add3A_292 : vector<16xf32>
        %sub3A_294 = arith.subf %get3A_280, %div3A_293 : vector<16xf32>
        %mul3A_295 = arith.mulf %sub3A_294, %gather3A : vector<16xf32>
        %swap3A_296 = arith.index_cast %scan3A_235 : i32 to index
        %swap3A_297 = arith.constant 32 : index
        %swap3A_298 = tpu.vector_load %arg20[%swap3A_296, %swap3A_297] {strides = array<i32>} : memref<128x128xf32, #tpu.memory_space<vmem>>, vector<16xf32>,
        tpu.vector_store %arg20[%swap3A_296, %swap3A_297], %mul3A_295 {strides = array<i32>} : memref<128x128xf32, #tpu.memory_space<vmem>>, vector<16xf32>,
        %get3A_299 = arith.index_cast %scan3A_235 : i32 to index
        %get3A_300 = arith.constant 48 : index
        %get3A_301 = tpu.vector_load %arg20[%get3A_299, %get3A_300] {strides = array<i32>} : memref<128x128xf32, #tpu.memory_space<vmem>>, vector<16xf32>,
        %mul3A_302 = arith.mulf %get3A_301, %get3A_301 : vector<16xf32>
        %mul3A_303 = arith.constant 0.0713548139 : f32
        %mul3A_304 = vector.broadcast %mul3A_303 : f32 to vector<16xf32>
        %mul3A_305 = arith.mulf %mul3A_304, %mul3A_302 : vector<16xf32>
        %add3A_306 = arith.constant 1.59576917 : f32
        %add3A_307 = vector.broadcast %add3A_306 : f32 to vector<16xf32>
        %add3A_308 = arith.addf %add3A_307, %mul3A_305 : vector<16xf32>
        %mul3A_309 = arith.mulf %get3A_301, %add3A_308 : vector<16xf32>
        %exp3A_310 = math.exp %mul3A_309 : vector<16xf32>
        %add3A_311 = arith.constant 1.000000e+00 : f32
        %add3A_312 = vector.broadcast %add3A_311 : f32 to vector<16xf32>
        %add3A_313 = arith.addf %exp3A_310, %add3A_312 : vector<16xf32>
        %div3A_314 = arith.divf %get3A_301, %add3A_313 : vector<16xf32>
        %sub3A_315 = arith.subf %get3A_301, %div3A_314 : vector<16xf32>
        %mul3A_316 = arith.mulf %sub3A_315, %gather3A : vector<16xf32>
        %swap3A_317 = arith.index_cast %scan3A_235 : i32 to index
        %swap3A_318 = arith.constant 48 : index
        %swap3A_319 = tpu.vector_load %arg20[%swap3A_317, %swap3A_318] {strides = array<i32>} : memref<128x128xf32, #tpu.memory_space<vmem>>, vector<16xf32>,
        tpu.vector_store %arg20[%swap3A_317, %swap3A_318], %mul3A_316 {strides = array<i32>} : memref<128x128xf32, #tpu.memory_space<vmem>>, vector<16xf32>,
        %get3A_320 = arith.index_cast %scan3A_235 : i32 to index
        %get3A_321 = arith.constant 64 : index
        %get3A_322 = tpu.vector_load %arg20[%get3A_320, %get3A_321] {strides = array<i32>} : memref<128x128xf32, #tpu.memory_space<vmem>>, vector<16xf32>,
        %mul3A_323 = arith.mulf %get3A_322, %get3A_322 : vector<16xf32>
        %mul3A_324 = arith.constant 0.0713548139 : f32
        %mul3A_325 = vector.broadcast %mul3A_324 : f32 to vector<16xf32>
        %mul3A_326 = arith.mulf %mul3A_325, %mul3A_323 : vector<16xf32>
        %add3A_327 = arith.constant 1.59576917 : f32
        %add3A_328 = vector.broadcast %add3A_327 : f32 to vector<16xf32>
        %add3A_329 = arith.addf %add3A_328, %mul3A_326 : vector<16xf32>
        %mul3A_330 = arith.mulf %get3A_322, %add3A_329 : vector<16xf32>
        %exp3A_331 = math.exp %mul3A_330 : vector<16xf32>
        %add3A_332 = arith.constant 1.000000e+00 : f32
        %add3A_333 = vector.broadcast %add3A_332 : f32 to vector<16xf32>
        %add3A_334 = arith.addf %exp3A_331, %add3A_333 : vector<16xf32>
        %div3A_335 = arith.divf %get3A_322, %add3A_334 : vector<16xf32>
        %sub3A_336 = arith.subf %get3A_322, %div3A_335 : vector<16xf32>
        %mul3A_337 = arith.mulf %sub3A_336, %gather3A : vector<16xf32>
        %swap3A_338 = arith.index_cast %scan3A_235 : i32 to index
        %swap3A_339 = arith.constant 64 : index
        %swap3A_340 = tpu.vector_load %arg20[%swap3A_338, %swap3A_339] {strides = array<i32>} : memref<128x128xf32, #tpu.memory_space<vmem>>, vector<16xf32>,
        tpu.vector_store %arg20[%swap3A_338, %swap3A_339], %mul3A_337 {strides = array<i32>} : memref<128x128xf32, #tpu.memory_space<vmem>>, vector<16xf32>,
        %get3A_341 = arith.index_cast %scan3A_235 : i32 to index
        %get3A_342 = arith.constant 80 : index
        %get3A_343 = tpu.vector_load %arg20[%get3A_341, %get3A_342] {strides = array<i32>} : memref<128x128xf32, #tpu.memory_space<vmem>>, vector<16xf32>,
        %mul3A_344 = arith.mulf %get3A_343, %get3A_343 : vector<16xf32>
        %mul3A_345 = arith.constant 0.0713548139 : f32
        %mul3A_346 = vector.broadcast %mul3A_345 : f32 to vector<16xf32>
        %mul3A_347 = arith.mulf %mul3A_346, %mul3A_344 : vector<16xf32>
        %add3A_348 = arith.constant 1.59576917 : f32
        %add3A_349 = vector.broadcast %add3A_348 : f32 to vector<16xf32>
        %add3A_350 = arith.addf %add3A_349, %mul3A_347 : vector<16xf32>
        %mul3A_351 = arith.mulf %get3A_343, %add3A_350 : vector<16xf32>
        %exp3A_352 = math.exp %mul3A_351 : vector<16xf32>
        %add3A_353 = arith.constant 1.000000e+00 : f32
        %add3A_354 = vector.broadcast %add3A_353 : f32 to vector<16xf32>
        %add3A_355 = arith.addf %exp3A_352, %add3A_354 : vector<16xf32>
        %div3A_356 = arith.divf %get3A_343, %add3A_355 : vector<16xf32>
        %sub3A_357 = arith.subf %get3A_343, %div3A_356 : vector<16xf32>
        %mul3A_358 = arith.mulf %sub3A_357, %gather3A : vector<16xf32>
        %swap3A_359 = arith.index_cast %scan3A_235 : i32 to index
        %swap3A_360 = arith.constant 80 : index
        %swap3A_361 = tpu.vector_load %arg20[%swap3A_359, %swap3A_360] {strides = array<i32>} : memref<128x128xf32, #tpu.memory_space<vmem>>, vector<16xf32>,
        tpu.vector_store %arg20[%swap3A_359, %swap3A_360], %mul3A_358 {strides = array<i32>} : memref<128x128xf32, #tpu.memory_space<vmem>>, vector<16xf32>,
        %get3A_362 = arith.index_cast %scan3A_235 : i32 to index
        %get3A_363 = arith.constant 96 : index
        %get3A_364 = tpu.vector_load %arg20[%get3A_362, %get3A_363] {strides = array<i32>} : memref<128x128xf32, #tpu.memory_space<vmem>>, vector<16xf32>,
        %mul3A_365 = arith.mulf %get3A_364, %get3A_364 : vector<16xf32>
        %mul3A_366 = arith.constant 0.0713548139 : f32
        %mul3A_367 = vector.broadcast %mul3A_366 : f32 to vector<16xf32>
        %mul3A_368 = arith.mulf %mul3A_367, %mul3A_365 : vector<16xf32>
        %add3A_369 = arith.constant 1.59576917 : f32
        %add3A_370 = vector.broadcast %add3A_369 : f32 to vector<16xf32>
        %add3A_371 = arith.addf %add3A_370, %mul3A_368 : vector<16xf32>
        %mul3A_372 = arith.mulf %get3A_364, %add3A_371 : vector<16xf32>
        %exp3A_373 = math.exp %mul3A_372 : vector<16xf32>
        %add3A_374 = arith.constant 1.000000e+00 : f32
        %add3A_375 = vector.broadcast %add3A_374 : f32 to vector<16xf32>
        %add3A_376 = arith.addf %exp3A_373, %add3A_375 : vector<16xf32>
        %div3A_377 = arith.divf %get3A_364, %add3A_376 : vector<16xf32>
        %sub3A_378 = arith.subf %get3A_364, %div3A_377 : vector<16xf32>
        %mul3A_379 = arith.mulf %sub3A_378, %gather3A : vector<16xf32>
        %swap3A_380 = arith.index_cast %scan3A_235 : i32 to index
        %swap3A_381 = arith.constant 96 : index
        %swap3A_382 = tpu.vector_load %arg20[%swap3A_380, %swap3A_381] {strides = array<i32>} : memref<128x128xf32, #tpu.memory_space<vmem>>, vector<16xf32>,
        tpu.vector_store %arg20[%swap3A_380, %swap3A_381], %mul3A_379 {strides = array<i32>} : memref<128x128xf32, #tpu.memory_space<vmem>>, vector<16xf32>,
        %get3A_383 = arith.index_cast %scan3A_235 : i32 to index
        %get3A_384 = arith.constant 112 : index
        %get3A_385 = tpu.vector_load %arg20[%get3A_383, %get3A_384] {strides = array<i32>} : memref<128x128xf32, #tpu.memory_space<vmem>>, vector<16xf32>,
        %mul3A_386 = arith.mulf %get3A_385, %get3A_385 : vector<16xf32>
        %mul3A_387 = arith.constant 0.0713548139 : f32
        %mul3A_388 = vector.broadcast %mul3A_387 : f32 to vector<16xf32>
        %mul3A_389 = arith.mulf %mul3A_388, %mul3A_386 : vector<16xf32>
        %add3A_390 = arith.constant 1.59576917 : f32
        %add3A_391 = vector.broadcast %add3A_390 : f32 to vector<16xf32>
        %add3A_392 = arith.addf %add3A_391, %mul3A_389 : vector<16xf32>
        %mul3A_393 = arith.mulf %get3A_385, %add3A_392 : vector<16xf32>
        %exp3A_394 = math.exp %mul3A_393 : vector<16xf32>
        %add3A_395 = arith.constant 1.000000e+00 : f32
        %add3A_396 = vector.broadcast %add3A_395 : f32 to vector<16xf32>
        %add3A_397 = arith.addf %exp3A_394, %add3A_396 : vector<16xf32>
        %div3A_398 = arith.divf %get3A_385, %add3A_397 : vector<16xf32>
        %sub3A_399 = arith.subf %get3A_385, %div3A_398 : vector<16xf32>
        %mul3A_400 = arith.mulf %sub3A_399, %gather3A : vector<16xf32>
        %swap3A_401 = arith.index_cast %scan3A_235 : i32 to index
        %swap3A_402 = arith.constant 112 : index
        %swap3A_403 = tpu.vector_load %arg20[%swap3A_401, %swap3A_402] {strides = array<i32>} : memref<128x128xf32, #tpu.memory_space<vmem>>, vector<16xf32>,
        tpu.vector_store %arg20[%swap3A_401, %swap3A_402], %mul3A_400 {strides = array<i32>} : memref<128x128xf32, #tpu.memory_space<vmem>>, vector<16xf32>,
      }
      %scan3A_234 = arith.constant 16 : i32
      "tpu.region"() ({
        %run_scoped3A = tpu.sem_alloc : memref<!tpu.dma_semaphore, #tpu.memory_space<semaphore_mem>>
        %dma_start3A_235 = arith.constant 0 : i32
        %dma_start3A_236 = arith.constant 0 : i32
        %dma_start3A_237 = tpu.memref_slice %arg20[%dma_start3A_235, %dma_start3A_236] : memref<128x128xf32, #tpu.memory_space<vmem>> -> memref<16x128xf32, #tpu.memory_space<vmem>>
        %dma_start3A_238 = arith.constant 0 : i32
        %dma_start3A_239 = arith.constant 0 : i32
        %dma_start3A_240 = tpu.memref_slice %arg8[%dma_start3A_238, %dma_start3A_239] : memref<10000x128xf32, #tpu.memory_space<vmem_shared>> -> memref<10000x128xf32, #tpu.memory_space<vmem_shared>>
        tpu.enqueue_indirect_dma source(%dma_start3A_237 : memref<16x128xf32, #tpu.memory_space<vmem>>) target(%dma_start3A_240 : memref<10000x128xf32, #tpu.memory_space<vmem_shared>>) offsets(%arg24 : memref<16xi32, #tpu.memory_space<vmem>>) semaphore(%run_scoped3A : memref<!tpu.dma_semaphore, #tpu.memory_space<semaphore_mem>>) {add = true}
        %dma_wait3A_241 = arith.constant 0 : i32
        %dma_wait3A_242 = arith.constant 0 : i32
        %dma_wait3A_243 = tpu.memref_slice %arg20[%dma_wait3A_241, %dma_wait3A_242] : memref<128x128xf32, #tpu.memory_space<vmem>> -> memref<16x128xf32, #tpu.memory_space<vmem>>
        %dma_wait3A_244 = arith.constant 0 : i32
        %dma_wait3A_245 = arith.constant 0 : i32
        %dma_wait3A_246 = tpu.memref_slice %arg8[%dma_wait3A_244, %dma_wait3A_245] : memref<10000x128xf32, #tpu.memory_space<vmem_shared>> -> memref<10000x128xf32, #tpu.memory_space<vmem_shared>>
        tpu.wait_indirect_dma semaphore(%run_scoped3A : memref<!tpu.dma_semaphore, #tpu.memory_space<semaphore_mem>>) src(%dma_wait3A_243 : memref<16x128xf32, #tpu.memory_space<vmem>>) dst(%dma_wait3A_246 : memref<10000x128xf32, #tpu.memory_space<vmem_shared>>)
        tpu.yield
      }) : () -> ()
    } else {
    }
    %barrier3A_149 = arith.constant 0 : index
    tpu.barrier barrier_id(%barrier3A_149)
    %add3A_150 = arith.constant 0 : i32
    %add3A_151 = arith.addi %arg1, %add3A_150 : i32
    %lt3A_152 = arith.constant 25 : i32
    %lt3A_153 = arith.cmpi slt, %add3A_151, %lt3A_152 : i32
    %convert_element_type3A_154 = arith.extui %lt3A_153 : i1 to i32
    %cond3A_155 = arith.constant 0 : i32
    %cond3A_156 = arith.cmpi ne, %convert_element_type3A_154, %cond3A_155 : i32
    scf.if %cond3A_156 {
      %mul3A_164 = arith.constant 400 : i32
      %mul3A_165 = arith.muli %add3A_151, %mul3A_164 : i32
      "tpu.region"() ({
        %run_scoped3A = tpu.sem_alloc : memref<!tpu.dma_semaphore, #tpu.memory_space<semaphore_mem>>
        %dma_start3A = arith.constant 0 : i32
        %dma_start3A_166 = tpu.memref_slice %arg7[%arg0, %mul3A_165, %dma_start3A] : memref<2x10000x128xf32, #tpu.memory_space<hbm>> -> memref<1x400x128xf32, #tpu.memory_space<hbm>>
        %dma_start3A_167 = tpu.memref_squeeze %dma_start3A_166 : memref<1x400x128xf32, #tpu.memory_space<hbm>> -> memref<400x128xf32, #tpu.memory_space<hbm>>
        %dma_start3A_168 = arith.constant 0 : i32
        %dma_start3A_169 = tpu.memref_slice %arg8[%mul3A_165, %dma_start3A_168] : memref<10000x128xf32, #tpu.memory_space<vmem_shared>> -> memref<400x128xf32, #tpu.memory_space<vmem_shared>>
        tpu.enqueue_dma source(%dma_start3A_169 : memref<400x128xf32, #tpu.memory_space<vmem_shared>>) target(%dma_start3A_167 : memref<400x128xf32, #tpu.memory_space<hbm>>) target_semaphore(%run_scoped3A : memref<!tpu.dma_semaphore, #tpu.memory_space<semaphore_mem>>)
        %dma_wait3A = arith.constant 0 : i32
        %dma_wait3A_170 = tpu.memref_slice %arg7[%arg0, %mul3A_165, %dma_wait3A] : memref<2x10000x128xf32, #tpu.memory_space<hbm>> -> memref<1x400x128xf32, #tpu.memory_space<hbm>>
        %dma_wait3A_171 = tpu.memref_squeeze %dma_wait3A_170 : memref<1x400x128xf32, #tpu.memory_space<hbm>> -> memref<400x128xf32, #tpu.memory_space<hbm>>
        %dma_wait3A_172 = arith.constant 0 : i32
        %dma_wait3A_173 = tpu.memref_slice %arg8[%mul3A_165, %dma_wait3A_172] : memref<10000x128xf32, #tpu.memory_space<vmem_shared>> -> memref<400x128xf32, #tpu.memory_space<vmem_shared>>
        tpu.wait_dma2 semaphore(%run_scoped3A : memref<!tpu.dma_semaphore, #tpu.memory_space<semaphore_mem>>) src(%dma_wait3A_173 : memref<400x128xf32, #tpu.memory_space<vmem_shared>>) dst(%dma_wait3A_171 : memref<400x128xf32, #tpu.memory_space<hbm>>)
        tpu.yield
      }) : () -> ()
    } else {
    }
    %add3A_157 = arith.constant 16 : i32
    %add3A_158 = arith.addi %arg1, %add3A_157 : i32
    %lt3A_159 = arith.constant 25 : i32
    %lt3A_160 = arith.cmpi slt, %add3A_158, %lt3A_159 : i32
    %convert_element_type3A_161 = arith.extui %lt3A_160 : i1 to i32
    %cond3A_162 = arith.constant 0 : i32
    %cond3A_163 = arith.cmpi ne, %convert_element_type3A_161, %cond3A_162 : i32
    scf.if %cond3A_163 {
      %mul3A_164 = arith.constant 400 : i32
      %mul3A_165 = arith.muli %add3A_158, %mul3A_164 : i32
      "tpu.region"() ({
        %run_scoped3A = tpu.sem_alloc : memref<!tpu.dma_semaphore, #tpu.memory_space<semaphore_mem>>
        %dma_start3A = arith.constant 0 : i32
        %dma_start3A_166 = tpu.memref_slice %arg7[%arg0, %mul3A_165, %dma_start3A] : memref<2x10000x128xf32, #tpu.memory_space<hbm>> -> memref<1x400x128xf32, #tpu.memory_space<hbm>>
        %dma_start3A_167 = tpu.memref_squeeze %dma_start3A_166 : memref<1x400x128xf32, #tpu.memory_space<hbm>> -> memref<400x128xf32, #tpu.memory_space<hbm>>
        %dma_start3A_168 = arith.constant 0 : i32
        %dma_start3A_169 = tpu.memref_slice %arg8[%mul3A_165, %dma_start3A_168] : memref<10000x128xf32, #tpu.memory_space<vmem_shared>> -> memref<400x128xf32, #tpu.memory_space<vmem_shared>>
        tpu.enqueue_dma source(%dma_start3A_169 : memref<400x128xf32, #tpu.memory_space<vmem_shared>>) target(%dma_start3A_167 : memref<400x128xf32, #tpu.memory_space<hbm>>) target_semaphore(%run_scoped3A : memref<!tpu.dma_semaphore, #tpu.memory_space<semaphore_mem>>)
        %dma_wait3A = arith.constant 0 : i32
        %dma_wait3A_170 = tpu.memref_slice %arg7[%arg0, %mul3A_165, %dma_wait3A] : memref<2x10000x128xf32, #tpu.memory_space<hbm>> -> memref<1x400x128xf32, #tpu.memory_space<hbm>>
        %dma_wait3A_171 = tpu.memref_squeeze %dma_wait3A_170 : memref<1x400x128xf32, #tpu.memory_space<hbm>> -> memref<400x128xf32, #tpu.memory_space<hbm>>
        %dma_wait3A_172 = arith.constant 0 : i32
        %dma_wait3A_173 = tpu.memref_slice %arg8[%mul3A_165, %dma_wait3A_172] : memref<10000x128xf32, #tpu.memory_space<vmem_shared>> -> memref<400x128xf32, #tpu.memory_space<vmem_shared>>
        tpu.wait_dma2 semaphore(%run_scoped3A : memref<!tpu.dma_semaphore, #tpu.memory_space<semaphore_mem>>) src(%dma_wait3A_173 : memref<400x128xf32, #tpu.memory_space<vmem_shared>>) dst(%dma_wait3A_171 : memref<400x128xf32, #tpu.memory_space<hbm>>)
        tpu.yield
      }) : () -> ()
    } else {
    }
    return
  }
}

</mosaic_0001>

<sc_bundles>
// kernel: _sc_aggregate.3.cloned.1.call-start
scs
__scs_entry_jumppad:
0x0: {  	(pc) =	sbr.rel $0x88, $3  }
0x1: {  	(tag) =	ssettag $0x0;
	lr =	simm.s32 $0x1  }
0x2: {  	[smem:$0x3F9C] =	sst lr;
	_ =	strace $0xD0000000  }
0x3: {  	_ = 	snop  }
0x4: {  	_ = 	snop  }
0x5: {  	_ = 	snop  }
0x6: {  	_ = 	snop  }
0x7: {  	_ = 	snop  }
__scs_overlays_trampoline_lowered:
0x8: {  	[smem:$0x3FAB] =	sst s0  }
0x9: {  	[smem:$0x3FAC] =	sst s1  }
0xa: {  	[smem:$0x3FAD] =	sst s2  }
0xb: {  	[smem:$0x3FAE] =	sst s3  }
0xc: {  	[smem:$0x3FAF] =	sst s4  }
0xd: {  	[smem:$0x3FB0] =	sst s5  }
0xe: {  	[smem:$0x3FB1] =	sst s6  }
0xf: {  	[smem:$0x3FB2] =	sst s7  }
0x10: {  	[smem:$0x3FB3] =	sst s8  }
0x11: {  	[smem:$0x3FB4] =	sst s9;
	s0 =	simm.s32 @!p0 $0x0  }
0x12: {  	s1 =	sld [smem:$0x3F9A];
	s0 =	simm.s32 @p0 $0x1  }
0x13: {  	[smem:$0x3FB5] =	sst s0;
	s0 =	simm.s32 @!p1 $0x0  }
0x14: {  	s2 =	sld [smem:$0x3F99];
	s0 =	simm.s32 @p1 $0x1  }
0x15: {  	[smem:$0x3FB6] =	sst s0;
	s0 =	simm.s32 @!p2 $0x0  }
0x16: {  	s3 =	sld [smem:$0x3FDB];
	s0 =	simm.s32 @p2 $0x1  }
0x17: {  	s4 =	simm.s32 $0x1BF5;
	[smem:$0x3FB8] =	sst s0  }
0x18: {  	s0 =	sld [smem:$0x3F9B];
	_ =	swait.ge [sflag:s4], $0x0  }
0x19: {  	s7 =	sld [smem:$0x3F9C]  }
0x1a: {  	s8 =	sadd.s32 $0xFFFFE003, lr  }
0x1b: {  	s9 =	sadd.s32 $0xFFFFFEF7, lr;
	s5 =	simm.s32 $0xFFFFFFFF;
	p2 =	slt.u32 s8, $0xFFFFF086  }
0x1c: {  	p1 =	slt.u32 s9, $0xF7A;
	s5 =	simm.s32 @!p2 $0x0  }
0x1d: {  	s5 =	simm.s32 @p1 $0x1;
	p0 =	seq.s32 s7, s2  }
0x1e: {  	s7 =	smul.u32 @!p0 $0xF7A, s2;
	p2 =	seq.s32 @!p0 s5, $0x0  }
0x1f: {  	s9 =	smul.u32 $0xF7A, s1;
	s8 =	simm.s32 @!p0 $0x1BF5;
	p2 =	por !p2, p0  }
0x20: {  	[sflag:s8] =	ssyncset.s32 @!p0 $0xFFFFF086;
	s6 =	sadd.s32 @!p0 s3, s7;
	s7 =	simm.s32 @!p0 $0x108  }
0x21: {  	s3 =	sadd.s32 s3, s9;
	s6 =	sadd.s32 @!p0 $0x88, s6;
	s7 =	simm.s32 @p2 $0x1082  }
0x22: {  	[simem:s7], [sflag:s8] =	dma.local @!p0 [hbm:s6], $0xF7A  }
0x23: {  	s9 =	sor.u32 $0xD0000000, s2;
	s6 =	simm.s32 $0x108;
	_ =	swait.ge @!p0 [sflag:s8], $0x0  }
0x24: {  	s3 =	sadd.s32 $0x88, s3;
	s6 =	simm.s32 @!p1 $0x1082;
	[sflag:s4] =	ssyncset.s32 $0xFFFFF086  }
0x25: {  	[simem:s6], [sflag:s4] =	dma.local [hbm:s3], $0xF7A  }
0x26: {  	[smem:$0x3F9C] =	sst s1;
	(tag) =	ssettag s2;
	_ =	strace s9  }
0x27: {  	s1 =	sld [smem:$0x3FAC]  }
0x28: {  	s2 =	sld [smem:$0x3FAD]  }
0x29: {  	s4 =	sld [smem:$0x3FAF]  }
0x2a: {  	p0 =	seq.s32 s5, $0x0;
	s5 =	sld [smem:$0x3FB0]  }
0x2b: {  	s6 =	sld [smem:$0x3FB1]  }
0x2c: {  	s7 =	sld [smem:$0x3FB2]  }
0x2d: {  	s3 =	simm.s32 $0x108;
	s8 =	sld [smem:$0x3FB3]  }
0x2e: {  	s3 =	simm.s32 @!p0 $0x1082;
	s9 =	sld [smem:$0x3FB4]  }
0x2f: {  	lr =	sadd.s32 s0, s3;
	s0 =	sld [smem:$0x3FAB]  }
0x30: {  	s3 =	sld [smem:$0x3FAE]  }
0x31: {  	[smem:$0x3FB7] =	sst s10  }
0x32: {  	s10 =	sld [smem:$0x3FB5];
	_ =	sdelay $0x3  }
0x33: {  	p0 =	seq.s32 s10, $0x1;
	s10 =	sld [smem:$0x3FB7];
	_ =	sdelay $0x3  }
0x34: {  	[smem:$0x3FB7] =	sst s10  }
0x35: {  	s10 =	sld [smem:$0x3FB6];
	_ =	sdelay $0x3  }
0x36: {  	p1 =	seq.s32 s10, $0x1;
	s10 =	sld [smem:$0x3FB7];
	_ =	sdelay $0x3  }
0x37: {  	[smem:$0x3FB7] =	sst s10  }
0x38: {  	s10 =	sld [smem:$0x3FB8]  }
0x39: {  	_ = 	snop;
	(pc) =	sbr.ind lr, $3  }
0x3a: {  	_ = 	snop  }
0x3b: {  	_ = 	snop  }
0x3c: {  	p2 =	seq.s32 s10, $0x1;
	s10 =	sld [smem:$0x3FB7]  }
0x3d: {  	_ =	shalt  }
0x3e: {  	_ =	shalt  }
0x3f: {  	_ =	shalt  }
0x40: {  	_ =	shalt  }
0x41: {  	_ =	shalt  }
0x42: {  	_ =	shalt  }
0x43: {  	_ =	shalt  }
0x44: {  	_ =	shalt  }
0x45: {  	_ =	shalt  }
0x46: {  	_ =	shalt  }
0x47: {  	_ =	shalt  }
0x48: {  	_ =	shalt  }
0x49: {  	_ =	shalt  }
0x4a: {  	_ =	shalt  }
0x4b: {  	_ =	shalt  }
0x4c: {  	_ =	shalt  }
0x4d: {  	_ =	shalt  }
0x4e: {  	_ =	shalt  }
0x4f: {  	_ =	shalt  }
0x50: {  	_ =	shalt  }
0x51: {  	_ =	shalt  }
0x52: {  	_ =	shalt  }
0x53: {  	_ =	shalt  }
0x54: {  	_ =	shalt  }
0x55: {  	_ =	shalt  }
0x56: {  	_ =	shalt  }
0x57: {  	_ =	shalt  }
0x58: {  	_ =	shalt  }
0x59: {  	_ =	shalt  }
0x5a: {  	_ =	shalt  }
0x5b: {  	_ =	shalt  }
0x5c: {  	_ =	shalt  }
0x5d: {  	_ =	shalt  }
0x5e: {  	_ =	shalt  }
0x5f: {  	_ =	shalt  }
0x60: {  	_ =	shalt  }
0x61: {  	_ =	shalt  }
0x62: {  	_ =	shalt  }
0x63: {  	_ =	shalt  }
0x64: {  	_ =	shalt  }
0x65: {  	_ =	shalt  }
0x66: {  	_ =	shalt  }
0x67: {  	_ =	shalt  }
0x68: {  	_ =	shalt  }
0x69: {  	_ =	shalt  }
0x6a: {  	_ =	shalt  }
0x6b: {  	_ =	shalt  }
0x6c: {  	_ =	shalt  }
0x6d: {  	_ =	shalt  }
0x6e: {  	_ =	shalt  }
0x6f: {  	_ =	shalt  }
0x70: {  	_ =	shalt  }
0x71: {  	_ =	shalt  }
0x72: {  	_ =	shalt  }
0x73: {  	_ =	shalt  }
0x74: {  	_ =	shalt  }
0x75: {  	_ =	shalt  }
0x76: {  	_ =	shalt  }
0x77: {  	_ =	shalt  }
0x78: {  	_ =	shalt  }
0x79: {  	_ =	shalt  }
0x7a: {  	_ =	shalt  }
0x7b: {  	_ =	shalt  }
0x7c: {  	_ =	shalt  }
0x7d: {  	_ =	shalt  }
0x7e: {  	_ =	shalt  }
0x7f: {  	_ =	shalt  }
0x80: {  	_ =	shalt  }
0x81: {  	_ =	shalt  }
0x82: {  	_ =	shalt  }
0x83: {  	_ =	shalt  }
0x84: {  	_ =	shalt  }
0x85: {  	_ =	shalt  }
0x86: {  	_ =	shalt  }
0x87: {  	_ =	shalt  }
.Lfunc_end0:
.L_simem_size_0:
called_computation_lowered:
.L_overlay_start_0:
0x88: {  	s2 =	sld [smem:$0x3FD9]  }
0x89: {  	s3 =	sld [smem:$0x3FFE];
	_ =	sdelay $0x1  }
0x8a: {  	s1 =	srdreg.scid  }
0x8b: {  	s0 =	sand.u32 $0x1, s1  }
0x8c: {  	s18 =	sshll.u32 s0, $0xA;
	s2 =	sadd.s32 s3, s2  }
0x8d: {  	s2 =	sadd.s32 s2, s18  }
0x8e: {  	[smem:$0x3FC3] =	sst s2  }
0x8f: {  	_ = 	snop  }
0x90: {  	s2 =	sld [smem:$0x3FC9]  }
0x91: {  	s19 =	sld [smem:$0x3FC8]  }
0x92: {  	s4 =	sld [smem:$0x3FC7]  }
0x93: {  	s5 =	sld [smem:$0x3FC6]  }
0x94: {  	s6 =	sld [smem:$0x3FC5]  }
0x95: {  	s7 =	sld [smem:$0x3FD0];
	(tm) =	ssettm $0x1  }
0x96: {  	s8 =	sld [smem:$0x3FFB];
	_ =	sdelay $0x3  }
0x97: {  	_ =	strace s8  }
0x98: {  	s8 =	sld [smem:$0x3FFC];
	_ =	sdelay $0x3  }
0x99: {  	_ =	strace s8  }
0x9a: {  	s8 =	sld [smem:$0x3FFD];
	_ =	sdelay $0x3  }
0x9b: {  	_ =	strace s8  }
0x9c: {  	_ =	strace $0x8FFFFFFF  }
0x9d: {  	s20 =	sld [smem:$0x3FDB];
	_ =	sdelay $0x1  }
0x9e: {  	s9 =	simm.s32 $_scs_section_size  }
0x9f: {  	s10 =	simm.s32 $_size__tile_overlayer_lowered;
	s11 =	simm.s32 $_tile_overlayer_lowered  }
0xa0: {  	s23 =	simm.s32 $0x1BFF;
	s22 =	sshll.u32 s11, $0x1;
	s8 =	sadd.s32 s9, s20  }
0xa1: {  	s12 =	simm.s32 $0x0;
	s21 =	sshll.u32 s10, $0x1;
	s10 =	sadd.s32 s22, s8  }
0xa2: {  	[timem:s12], [sflag:s23] =	dma.local [hbm:s10], s21  }
0xa3: {  	_ =	swait.ge [sflag:s23], s21  }
0xa4: {  	s9 =	ssub.s32 $0x0, s21;
	[sflag:s23] =	ssyncset.done $0x0  }
0xa5: {  	[sflag:s23] =	ssyncadd.s32 s9;
	_ =	sdelay $0x1  }
0xa6: {  	s24 =	simm.s32 $0x1B8B  }
0xa7: {  	_ =	swait.ge [sflag:s24], $0x1  }
0xa8: {  	[sflag:s24] =	ssyncset.done $0x0  }
0xa9: {  	s25 =	simm.s32 $0x1B8E;
	[sflag:s24] =	ssyncadd.s32 $0xFFFFFFFF  }
0xaa: {  	s26 =	simm.s32 $execute0_lowered;
	[smem:$0x3FD2] =	sst s25  }
0xab: {  	s9 =	sshll.u32 s26, $0x1;
	_ =	strace $0x80000046;
	[dreg:$0x1] =	wrdreg $0xFFFFFFFF  }
0xac: {  	s28 =	simm.s32 $_size_execute0_lowered;
	s8 =	sadd.s32 s8, s9;
	[dreg:$0x0] =	wrdreg $0x0  }
0xad: {  	s9 =	sshll.u32 s28, $0x1;
	[dreg:$0x2] =	wrdreg s8  }
0xae: {  	[dreg:$0x3] =	wrdreg s9  }
0xaf: {  	[dreg:$0x4] =	wrdreg $0xC0  }
0xb0: {  	_ =	task [dreg:s12], $0x5FFFF  }
0xb1: {  	[dreg:$0x1] =	wrdreg $0xFFFFFFFF  }
0xb2: {  	[dreg:$0x0] =	wrdreg $0x60  }
0xb3: {  	[dreg:$0x2] =	wrdreg s2  }
0xb4: {  	[dreg:$0x3] =	wrdreg s19  }
0xb5: {  	[dreg:$0x4] =	wrdreg s4  }
0xb6: {  	[dreg:$0x5] =	wrdreg s5  }
0xb7: {  	[dreg:$0x6] =	wrdreg s6  }
0xb8: {  	[dreg:$0x7] =	wrdreg s7  }
0xb9: {  	[dreg:$0x8] =	wrdreg $0x0  }
0xba: {  	[dreg:$0x9] =	wrdreg $0x138800  }
0xbb: {  	[dreg:$0xa] =	wrdreg $0x13AF80  }
0xbc: {  	[dreg:$0xb] =	wrdreg $0x9  }
0xbd: {  	_ =	task.clear_ibuf [dreg:s12], $0xCFFFF;
	_ =	strace $0x90000046  }
0xbe: {  	s29 =	simm.s32 $0x9;
	_ =	strace $0x80000048  }
0xbf: {  	_ =	swait.ge [sflag:s29], $0x1  }
0xc0: {  	[sflag:s29] =	ssyncadd.s32 $0xFFFFFFFF  }
0xc1: {  	_ =	strace $0x90000048  }
0xc2: {  	_ =	sfence  }
0xc3: {  	s30 =	sld [smem:$0x0];
	_ =	sdelay $0x2  }
0xc4: {  	s31 =	sshll.u32 s1, $0xD;
	s1 =	sshrl.u32 s1, $0x2  }
0xc5: {  	s3 =	sand.u32 $0x4000, s31;
	s1 =	sadd.s32 s1, s30  }
0xc6: {  	s0 =	sor.u32 s3, s0;
	s1 =	sshll.u32 s1, $0x11  }
0xc7: {  	s0 =	sor.u32 s1, s0  }
0xc8: {  	s0 =	sadd.s32 $0x8F2B, s0  }
0xc9: {  	[sflag:s0] =	ssyncadd.remote.s32 $0x1  }
0xca: {  	_ =	sfence.sel $0xFFFF  }
0xcb: {  	[dreg:$0x0] =	wrdreg $0xFFFFFFFF;
	(pc) =	sbr.abs _section_cstart, $3  }
0xcc: {  	[dreg:$0x1] =	wrdreg $0xFFFFFFFF  }
0xcd: {  	_ =	task.clear_ibuf [dreg:s12], $0x2FFFF;
	_ =	strace $0x9FFFFFFF  }
0xce: {  	(tm) =	ssettm $0x7FFFFFFF  }
0xcf: {  	_ =	shalt  }
tec
execute0_lowered:
.L_overlay_start_1:
0x0: {  	(tag) =	ssettag $0x1  }
0x1: {  	s13 =	rddreg [dreg:$0x0]  }
0x2: {  	s14 =	rddreg [dreg:$0x1]  }
0x3: {  	s15 =	rddreg [dreg:$0x2]  }
0x4: {  	s0 =	rddreg [dreg:$0x5]  }
0x5: {  	s6 =	rddreg [dreg:$0x6]  }
0x6: {  	s7 =	rddreg [dreg:$0x7]  }
0x7: {  	s8 =	rddreg [dreg:$0x8];
	s10 =	simm.s32 $0x0  }
0x8: {  	s1 =	srdreg.scid;
	s16 =	stileid.u32;
	s28 =	simm.s32 $0x1C370  }
0x9: {  	s29 =	simm.s32 $0x3;
	s30 =	simm.s32 $0x2;
	s3 =	smul.u32 $0x4E200, s16  }
0xa: {  	s31 =	simm.s32 $0x4;
	[smem:$0x7FF] =	sst s10;
	s5 =	smul.u32 $0x190, s16  }
0xb: {  	s1 =	sand.u32 $0x1, s1;
	s9 =	sor.u32 $0x10, s16;
	s26 =	smul.u32 $0xC800, s16  }
0xc: {  	s21 =	smul.u32 $0x32000, s16;
	s22 =	sor.u32 $0x1380, s16;
	p1 =	sgt.u32 s16, $0x8  }
0xd: {  	p2 =	sgt.u32 s16, $0x7;
	_ =	strace $0x80000047;
	s12 =	smul.u32 $0x190, s9  }
0xe: {  	s2 =	ssub.s32 $0x2, s1;
	s24 =	sshll.u32 s1, $0x4;
	s1 =	smul.u32 $0x138800, s1  }
0xf: {  	s19 =	smul.u32 $0xC800, s9;
	s20 =	sshll.u32 s9, $0x3;
	p0 =	sgt.u32 s22, $0x1387  }
0x10: {  	s4 =	sshrl.u32 s2, $0x1;
	s11 =	sor.u32 s16, s24;
	s3 =	sshrl.u32 s3, $0x2  }
0x11: {  	s25 =	sadd.s32 s5, s7;
	s17 =	sadd.s32 s5, s8;
	s23 =	sshrl.u32 s21, $0x2  }
0x12: {  	s24 =	smul.u32 $0x32000, s9;
	s2 =	ssub.s32 s2, s4;
	[dreg:$0xb] =	wrdreg s25  }
0x13: {  	s18 =	sadd.s32 s3, s6;
	[dreg:$0xc] =	wrdreg s17;
	s4 =	sshll.u32 s16, $0x3  }
0x14: {  	s17 =	sadd.s32 s12, s7;
	s12 =	sadd.s32 s12, s8;
	s3 =	sadd.s32 s26, s1  }
0x15: {  	s1 =	sadd.s32 s1, s19;
	s25 =	sadd.s32 s14, s20;
	s26 =	sadd.s32 s15, s20  }
0x16: {  	s5 =	sadd.s32 s23, s6;
	p3 =	sne.s32 s11, $0x0;
	[dreg:$0xd] =	wrdreg s17  }
0x17: {  	s16 =	simm.s32 $0x5;
	[dreg:$0xe] =	wrdreg s12;
	s17 =	sadd.s32 s14, s4  }
0x18: {  	s3 =	sshrl.u32 s3, $0x3;
	s1 =	sshrl.u32 s1, $0x3;
	[dreg:$0x11] =	wrdreg s25  }
0x19: {  	[dreg:$0x12] =	wrdreg s26;
	s9 =	sshrl.u32 s24, $0x2;
	s22 =	sadd.s32 s15, s4  }
0x1a: {  	s12 =	sor.u32 $0x9C00, s4;
	s2 =	smax.u32 s2, $0x1;
	[dreg:$0xa] =	wrdreg s18  }
0x1b: {  	s19 =	sadd.s32 $0x4000, s18;
	s20 =	sadd.s32 $0x8000, s18;
	[dreg:$0x13] =	wrdreg s2  }
0x1c: {  	s21 =	sadd.s32 $0xC000, s18;
	s23 =	sadd.s32 $0x10000, s18;
	[dreg:$0x18] =	wrdreg s19  }
0x1d: {  	s24 =	sadd.s32 $0x27000, s13;
	s25 =	sadd.s32 $0x2700, s7;
	[dreg:$0x19] =	wrdreg s20  }
0x1e: {  	s26 =	sadd.s32 $0x2700, s8;
	s13 =	simm.s32 $0x14370;
	[dreg:$0x1a] =	wrdreg s21  }
0x1f: {  	s4 =	simm.s32 $0x142F0;
	s3 =	sadd.s32 s0, s3;
	[dreg:$0x1b] =	wrdreg s23  }
0x20: {  	s0 =	sadd.s32 s0, s1;
	s1 =	sadd.s32 s9, s6;
	[dreg:$0x1c] =	wrdreg s24  }
0x21: {  	s14 =	sadd.s32 s14, s12;
	s15 =	sadd.s32 s15, s12;
	[dreg:$0x1d] =	wrdreg s25  }
0x22: {  	[dreg:$0x1e] =	wrdreg s26;
	s20 =	simm.s32 $0x13D70;
	s21 =	simm.s32 $0x13E70  }
0x23: {  	s23 =	simm.s32 $0x13DF0;
	s24 =	simm.s32 $0x13EF0;
	[dreg:$0xf] =	wrdreg s3  }
.Ltmp0:
0x24: {  	s25 =	simm.s32 $0x1;
	[dreg:$0x10] =	wrdreg s0;
	(pc) =	sbr.rel .LBB2_1-.Ltmp0, $4  }
0x25: {  	s26 =	simm.s32 $0x40;
	s12 =	simm.s32 $0x8;
	[dreg:$0x14] =	wrdreg s14  }
0x26: {  	s19 =	simm.s32 $0x9;
	[dreg:$0x15] =	wrdreg s15;
	s0 =	sshrl.u32 s5, $0x3  }
0x27: {  	s15 =	simm.s32 $0x14270;
	[dreg:$0x16] =	wrdreg s0;
	s0 =	sshrl.u32 @!p1 s1, $0x3  }
0x28: {  	v0 =	vimm.f32 $0.0e+00;
	v1 =	vimm.f32 $1.000000000e+00;
	v2 =	vlaneseq.u32;
	s14 =	simm.s32 $0x14070;
	s3 =	simm.s32 $0x0;
	[dreg:$0x17] =	wrdreg s0  }
.LBB2_29:
.Ltmp1:
0x29: {  	(pc) =	sbr.rel @!p3 .LBB2_30-.Ltmp1, $2  }
0x2a: {  	_ =	sdelay $0x2  }
0x2b: {  	s3 =	rddreg [dreg:$0x1f]  }
.LBB2_33:
0x2c: {  	s0 =	stileid.u32;
	[bflag:$0x0] =	sbarrier.arrive $0xFFFF  }
0x2d: {  	s0 =	sshll.u32 s0, $0x6;
	s1 =	rddreg [dreg:$0xf]  }
0x2e: {  	s9 =	simm.s32 $0xB;
	s2 =	rddreg [dreg:$0x16];
	s0 =	sor.u32 $0x1C0B, s0  }
0x2f: {  	[hbm:s1], [sflag:s0] =	dma.local [spmem:s2], $0x1900  }
0x30: {  	_ =	swait.ge [sflag:s9], $0x1900  }
0x31: {  	[sflag:s9] =	ssyncset.done $0x0;
	s1 =	rddreg [dreg:$0x10]  }
0x32: {  	s2 =	rddreg [dreg:$0x17];
	[sflag:s9] =	ssyncadd.s32 $0xFFFFE700  }
0x33: {  	[hbm:s1], [sflag:s0] =	dma.local @!p1 [spmem:s2], $0x1900  }
0x34: {  	s0 =	simm.s32 @!p1 $0xB  }
0x35: {  	_ =	swait.ge @!p1 [sflag:s0], $0x1900  }
0x36: {  	s3 =	sadd.s32 $0x1, s3;
	s18 =	rddreg [dreg:$0x13]  }
0x37: {  	p4 =	sne.s32 s3, s18  }
.Ltmp2:
0x38: {  	_ = 	snop;
	(pc) =	sbr.rel @!p4 .LBB2_34-.Ltmp2, $3  }
0x39: {  	_ =	sdelay $0x1  }
0x3a: {  	[sflag:s0] =	ssyncset.done @!p1 $0x0  }
0x3b: {  	[sflag:s0] =	ssyncadd.s32 @!p1 $0xFFFFE700  }
.LBB2_1:
0x3c: {  	[dreg:$0x1f] =	wrdreg s3;
	s0 =	simm.s32 $0x0;
	s2 =	simm.s32 $0x200  }
.LBB2_2:
0x3d: {  	p4 =	sne.s32 s2, $0xFE00;
	[tilespmem:s0+$0x183E0] =	vst v0  }
0x3e: {  	[tilespmem:s0+$0x18370] =	vst v0  }
0x3f: {  	[tilespmem:s0+$0x18380] =	vst v0  }
.Ltmp3:
0x40: {  	[tilespmem:s0+$0x18390] =	vst v0;
	(pc) =	sbr.rel @p4 .LBB2_2-.Ltmp3, $4  }
0x41: {  	[tilespmem:s0+$0x183A0] =	vst v0  }
0x42: {  	[tilespmem:s0+$0x183B0] =	vst v0  }
0x43: {  	[tilespmem:s0+$0x183C0] =	vst v0  }
0x44: {  	[tilespmem:s0+$0x183D0] =	vst v0;
	s0 =	sshra.s32 s2, $0x2;
	s2 =	sadd.s32 $0x200, s2  }
0x45: {  	[tilespmem:s0+$0x183E0] =	vst v0  }
0x46: {  	[tilespmem:s0+$0x18370] =	vst v0  }
0x47: {  	[tilespmem:s0+$0x18380] =	vst v0  }
0x48: {  	[tilespmem:s0+$0x18390] =	vst v0  }
0x49: {  	[tilespmem:s0+$0x183A0] =	vst v0  }
0x4a: {  	[tilespmem:s0+$0x183B0] =	vst v0  }
0x4b: {  	[tilespmem:s0+$0x183C0] =	vst v0  }
0x4c: {  	[tilespmem:s0+$0x183D0] =	vst v0  }
0x4d: {  	[tilespmem:$0x1C3F0] =	vst v0  }
0x4e: {  	[tilespmem:$0x1C400] =	vst v0  }
0x4f: {  	[tilespmem:$0x1C410] =	vst v0  }
0x50: {  	[tilespmem:$0x1C420] =	vst v0  }
0x51: {  	[tilespmem:$0x1C430] =	vst v0  }
0x52: {  	[tilespmem:$0x1C440] =	vst v0  }
0x53: {  	[tilespmem:$0x1C450] =	vst v0  }
0x54: {  	[tilespmem:$0x1C460] =	vst v0  }
0x55: {  	[tilespmem:$0x1C470] =	vst v0  }
0x56: {  	[tilespmem:$0x1C480] =	vst v0  }
0x57: {  	[tilespmem:$0x1C490] =	vst v0  }
0x58: {  	[tilespmem:$0x1C4A0] =	vst v0  }
0x59: {  	[tilespmem:$0x1C4B0] =	vst v0  }
0x5a: {  	[tilespmem:$0x1C4C0] =	vst v0  }
0x5b: {  	[tilespmem:$0x1C4D0] =	vst v0  }
0x5c: {  	[tilespmem:$0x1C4E0] =	vst v0  }
0x5d: {  	[tilespmem:$0x1C4F0] =	vst v0  }
0x5e: {  	[tilespmem:$0x1C500] =	vst v0  }
0x5f: {  	[tilespmem:$0x1C510] =	vst v0  }
0x60: {  	[tilespmem:$0x1C520] =	vst v0  }
0x61: {  	[tilespmem:$0x1C530] =	vst v0  }
0x62: {  	[tilespmem:$0x1C540] =	vst v0  }
0x63: {  	[tilespmem:$0x1C550] =	vst v0  }
0x64: {  	[tilespmem:$0x1C560] =	vst v0  }
0x65: {  	[tilespmem:$0x1C570] =	vst v0  }
0x66: {  	[tilespmem:$0x1C370] =	vst v1  }
0x67: {  	[tilespmem:$0x1C380] =	vst v1  }
0x68: {  	[tilespmem:$0x1C390] =	vst v1  }
0x69: {  	s5 =	rddreg [dreg:$0xa];
	s1 =	simm.s32 $0x18370;
	s2 =	simm.s32 $0xB;
	[tilespmem:$0x1C3A0] =	vst v1  }
0x6a: {  	[spmem:s5] =	stream.linear.scatter [tilespmem:s1], [sflag:$0xB], $0x4000, $0x38;
	[tilespmem:$0x1C670] =	vst v63  }
0x6b: {  	_ =	swait.ge [sflag:s2], $0x4000  }
0x6c: {  	[sflag:s2] =	ssyncset.done $0x0  }
0x6d: {  	s9 =	rddreg [dreg:$0x18];
	[sflag:s2] =	ssyncadd.s32 $0xFFFFC000  }
0x6e: {  	[spmem:s9] =	stream.linear.scatter [tilespmem:s1], [sflag:$0xB], $0x4000, $0x38;
	[tilespmem:$0x1C670] =	vst v63  }
0x6f: {  	_ =	swait.ge [sflag:s2], $0x4000  }
0x70: {  	[sflag:s2] =	ssyncset.done $0x0  }
0x71: {  	s18 =	rddreg [dreg:$0x19];
	[sflag:s2] =	ssyncadd.s32 $0xFFFFC000  }
0x72: {  	[spmem:s18] =	stream.linear.scatter [tilespmem:s1], [sflag:$0xB], $0x4000, $0x38;
	[tilespmem:$0x1C670] =	vst v63  }
0x73: {  	_ =	swait.ge [sflag:s2], $0x4000  }
0x74: {  	[sflag:s2] =	ssyncset.done $0x0  }
0x75: {  	s3 =	rddreg [dreg:$0x1a];
	[sflag:s2] =	ssyncadd.s32 $0xFFFFC000  }
0x76: {  	[spmem:s3] =	stream.linear.scatter [tilespmem:s1], [sflag:$0xB], $0x4000, $0x38;
	[tilespmem:$0x1C670] =	vst v63  }
0x77: {  	_ =	swait.ge [sflag:s2], $0x4000  }
0x78: {  	[sflag:s2] =	ssyncset.done $0x0  }
0x79: {  	s5 =	rddreg [dreg:$0x1b];
	[sflag:s2] =	ssyncadd.s32 $0xFFFFC000  }
0x7a: {  	[spmem:s5] =	stream.linear.scatter [tilespmem:s1], [sflag:$0xB], $0x3880, $0x38;
	[tilespmem:$0x1C670] =	vst v63  }
0x7b: {  	_ =	swait.ge [sflag:s2], $0x3880  }
0x7c: {  	[sflag:s2] =	ssyncset.done $0x0  }
0x7d: {  	s18 =	simm.s32 $0x1C3F0;
	s9 =	rddreg [dreg:$0xb];
	[sflag:s2] =	ssyncadd.s32 $0xFFFFC780  }
0x7e: {  	[spmem:s9] =	stream.linear.scatter [tilespmem:s18], [sflag:$0xB], $0x190, $0x38;
	[tilespmem:$0x1C670] =	vst v63  }
0x7f: {  	_ =	swait.ge [sflag:s2], $0x190  }
0x80: {  	[sflag:s2] =	ssyncset.done $0x0  }
0x81: {  	s3 =	rddreg [dreg:$0xc];
	[sflag:s2] =	ssyncadd.s32 $0xFFFFFE70  }
0x82: {  	[spmem:s3] =	stream.linear.scatter [tilespmem:s18], [sflag:$0xB], $0x190, $0x38;
	[tilespmem:$0x1C670] =	vst v63  }
0x83: {  	_ =	swait.ge [sflag:s2], $0x190  }
0x84: {  	s0 =	simm.s32 @!p1 $0x1C3F0;
	[sflag:s2] =	ssyncset.done $0x0  }
0x85: {  	s1 =	rddreg [dreg:$0xd];
	[sflag:s2] =	ssyncadd.s32 $0xFFFFFE70;
	s2 =	simm.s32 @!p1 $0xB  }
0x86: {  	[spmem:s1] =	stream.linear.scatter @!p1 [tilespmem:s0], [sflag:$0xB], $0x190, $0x38;
	[tilespmem:$0x1C670] =	vst v63  }
0x87: {  	_ =	swait.ge @!p1 [sflag:s2], $0x190  }
0x88: {  	[sflag:s2] =	ssyncset.done @!p1 $0x0  }
0x89: {  	s1 =	rddreg [dreg:$0xe];
	[sflag:s2] =	ssyncadd.s32 @!p1 $0xFFFFFE70  }
0x8a: {  	[spmem:s1] =	stream.linear.scatter @!p1 [tilespmem:s0], [sflag:$0xB], $0x190, $0x38;
	[tilespmem:$0x1C670] =	vst v63  }
0x8b: {  	_ =	swait.ge @!p1 [sflag:s2], $0x190  }
0x8c: {  	[sflag:s2] =	ssyncset.done @!p1 $0x0  }
0x8d: {  	[sflag:s2] =	ssyncadd.s32 @!p1 $0xFFFFFE70  }
0x8e: {  	[bflag:$0x0] =	sbarrier.arrive $0xFFFF  }
0x8f: {  	[tilespmem:s20], [sflag:$0x1] =	stream.linear.gather [hbm4b:s17+s10], $0x40, $0x38;
	[tilespmem:$0x1C670] =	vst v63  }
0x90: {  	_ = 	snop  }
0x91: {  	[tilespmem:s21], [sflag:$0x1] =	stream.linear.gather [hbm4b:s22+s10], $0x40, $0x38;
	[tilespmem:$0x1C670] =	vst v63  }
0x92: {  	s5 =	rddreg [dreg:$0x11]  }
0x93: {  	[tilespmem:s23], [sflag:$0x2] =	stream.linear.gather [hbm4b:s5+s10], $0x40, $0x38;
	[tilespmem:$0x1C670] =	vst v63  }
0x94: {  	s18 =	rddreg [dreg:$0x12]  }
0x95: {  	[tilespmem:s24], [sflag:$0x2] =	stream.linear.gather [hbm4b:s18+s10], $0x40, $0x38;
	[tilespmem:$0x1C670] =	vst v63  }
0x96: {  	_ =	swait.ge [sflag:s25], $0x40  }
0x97: {  	[sflag:s25] =	ssyncset.done $0x0  }
0x98: {  	[sflag:s25] =	ssyncadd.s32 $0xFFFFFFC0  }
0x99: {  	_ =	swait.ge [sflag:s25], $0x40  }
0x9a: {  	[sflag:s25] =	ssyncset.done $0x0  }
0x9b: {  	[sflag:s25] =	ssyncadd.s32 $0xFFFFFFC0  }
0x9c: {  	[spmem:s7] =	stream.indirect.scatter.add.f32 [tilespmem:s28], [sflag:$0x3], $0x1, s20, s26, $0xb8;
	[tilespmem:$0x1C670] =	vst v63  }
0x9d: {  	_ = 	snop  }
0x9e: {  	[spmem:s8] =	stream.indirect.scatter.add.f32 [tilespmem:s28], [sflag:$0x3], $0x1, s21, s26, $0xb8;
	[tilespmem:$0x1C670] =	vst v63  }
0x9f: {  	_ =	swait.ge [sflag:s29], $0x40  }
0xa0: {  	[sflag:s29] =	ssyncset.done $0x0  }
0xa1: {  	[sflag:s29] =	ssyncadd.s32 $0xFFFFFFC0  }
0xa2: {  	_ =	swait.ge [sflag:s29], $0x40  }
0xa3: {  	s1 =	sadd.s32 $0xFFFF6500, s17;
	[sflag:s29] =	ssyncset.done $0x0  }
0xa4: {  	s3 =	sadd.s32 $0xFFFF6500, s22;
	s5 =	sadd.s32 $0x9C00, s1;
	[sflag:s29] =	ssyncadd.s32 $0xFFFFFFC0  }
0xa5: {  	[tilespmem:s20], [sflag:$0x1] =	stream.linear.gather [hbm4b:s5+s10], $0x40, $0x38;
	[tilespmem:$0x1C670] =	vst v63  }
0xa6: {  	s18 =	sadd.s32 $0x9C00, s3  }
0xa7: {  	[tilespmem:s21], [sflag:$0x1] =	stream.linear.gather [hbm4b:s18+s10], $0x40, $0x38;
	[tilespmem:$0x1C670] =	vst v63  }
0xa8: {  	_ =	swait.ge [sflag:s30], $0x40  }
0xa9: {  	[sflag:s30] =	ssyncset.done $0x0  }
0xaa: {  	[sflag:s30] =	ssyncadd.s32 $0xFFFFFFC0  }
0xab: {  	_ =	swait.ge [sflag:s30], $0x40  }
0xac: {  	[sflag:s30] =	ssyncset.done $0x0  }
0xad: {  	[sflag:s30] =	ssyncadd.s32 $0xFFFFFFC0  }
0xae: {  	[spmem:s7] =	stream.indirect.scatter.add.f32 [tilespmem:s28], [sflag:$0x4], $0x1, s23, s26, $0xb8;
	[tilespmem:$0x1C670] =	vst v63  }
0xaf: {  	_ = 	snop  }
0xb0: {  	[spmem:s8] =	stream.indirect.scatter.add.f32 [tilespmem:s28], [sflag:$0x4], $0x1, s24, s26, $0xb8;
	[tilespmem:$0x1C670] =	vst v63  }
0xb1: {  	_ =	swait.ge [sflag:s31], $0x40  }
0xb2: {  	[sflag:s31] =	ssyncset.done $0x0  }
0xb3: {  	[sflag:s31] =	ssyncadd.s32 $0xFFFFFFC0  }
0xb4: {  	_ =	swait.ge [sflag:s31], $0x40  }
0xb5: {  	[sflag:s31] =	ssyncset.done $0x0  }
0xb6: {  	s0 =	sadd.s32 $0x9C80, s1;
	[sflag:s31] =	ssyncadd.s32 $0xFFFFFFC0  }
0xb7: {  	[tilespmem:s23], [sflag:$0x2] =	stream.linear.gather [hbm4b:s0+s10], $0x40, $0x38;
	[tilespmem:$0x1C670] =	vst v63  }
0xb8: {  	s9 =	simm.s32 $0x1C3F0;
	s2 =	sadd.s32 $0x9C80, s3;
	s0 =	simm.s32 $0xFFFF6600  }
.LBB2_4:
0xb9: {  	[tilespmem:s24], [sflag:$0x2] =	stream.linear.gather [hbm4b:s2+s10], $0x40, $0x38;
	[tilespmem:$0x1C670] =	vst v63  }
0xba: {  	s2 =	smov.u32 s0  }
0xbb: {  	p4 =	sne.s32 s0, $0xFFFFFF00;
	s0 =	sadd.s32 $0x100, s0;
	_ =	swait.ge [sflag:s25], $0x40  }
0xbc: {  	[sflag:s25] =	ssyncset.done $0x0  }
0xbd: {  	[sflag:s25] =	ssyncadd.s32 $0xFFFFFFC0  }
0xbe: {  	_ =	swait.ge [sflag:s25], $0x40  }
0xbf: {  	[sflag:s25] =	ssyncset.done $0x0  }
0xc0: {  	[sflag:s25] =	ssyncadd.s32 $0xFFFFFFC0  }
0xc1: {  	[spmem:s7] =	stream.indirect.scatter.add.f32 [tilespmem:s28], [sflag:$0x3], $0x1, s20, s26, $0xb8;
	[tilespmem:$0x1C670] =	vst v63  }
0xc2: {  	_ = 	snop  }
0xc3: {  	[spmem:s8] =	stream.indirect.scatter.add.f32 [tilespmem:s28], [sflag:$0x3], $0x1, s21, s26, $0xb8;
	[tilespmem:$0x1C670] =	vst v63  }
0xc4: {  	_ =	swait.ge [sflag:s29], $0x40  }
0xc5: {  	[sflag:s29] =	ssyncset.done $0x0  }
0xc6: {  	[sflag:s29] =	ssyncadd.s32 $0xFFFFFFC0  }
0xc7: {  	_ =	swait.ge [sflag:s29], $0x40  }
0xc8: {  	s3 =	sadd.s32 s2, s17;
	[sflag:s29] =	ssyncset.done $0x0  }
0xc9: {  	s2 =	sadd.s32 s2, s22;
	s5 =	sadd.s32 $0x9C00, s3;
	[sflag:s29] =	ssyncadd.s32 $0xFFFFFFC0  }
0xca: {  	[tilespmem:s20], [sflag:$0x1] =	stream.linear.gather [hbm4b:s5+s10], $0x40, $0x38;
	[tilespmem:$0x1C670] =	vst v63  }
0xcb: {  	s5 =	sadd.s32 $0x9C00, s2  }
0xcc: {  	[tilespmem:s21], [sflag:$0x1] =	stream.linear.gather [hbm4b:s5+s10], $0x40, $0x38;
	[tilespmem:$0x1C670] =	vst v63  }
0xcd: {  	_ =	swait.ge [sflag:s30], $0x40  }
0xce: {  	[sflag:s30] =	ssyncset.done $0x0  }
0xcf: {  	[sflag:s30] =	ssyncadd.s32 $0xFFFFFFC0  }
0xd0: {  	_ =	swait.ge [sflag:s30], $0x40  }
0xd1: {  	[sflag:s30] =	ssyncset.done $0x0  }
0xd2: {  	[sflag:s30] =	ssyncadd.s32 $0xFFFFFFC0  }
0xd3: {  	[spmem:s7] =	stream.indirect.scatter.add.f32 [tilespmem:s28], [sflag:$0x4], $0x1, s23, s26, $0xb8;
	[tilespmem:$0x1C670] =	vst v63  }
0xd4: {  	_ = 	snop  }
0xd5: {  	[spmem:s8] =	stream.indirect.scatter.add.f32 [tilespmem:s28], [sflag:$0x4], $0x1, s24, s26, $0xb8;
	[tilespmem:$0x1C670] =	vst v63  }
0xd6: {  	_ =	swait.ge [sflag:s31], $0x40  }
0xd7: {  	[sflag:s31] =	ssyncset.done $0x0  }
0xd8: {  	[sflag:s31] =	ssyncadd.s32 $0xFFFFFFC0  }
.Ltmp4:
0xd9: {  	_ =	swait.ge [sflag:s31], $0x40;
	(pc) =	sbr.rel @p4 .LBB2_4-.Ltmp4, $4  }
0xda: {  	[sflag:s31] =	ssyncset.done $0x0  }
0xdb: {  	s3 =	sadd.s32 $0x9C80, s3;
	[sflag:s31] =	ssyncadd.s32 $0xFFFFFFC0  }
0xdc: {  	[tilespmem:s23], [sflag:$0x2] =	stream.linear.gather [hbm4b:s3+s10], $0x40, $0x38;
	[tilespmem:$0x1C670] =	vst v63  }
0xdd: {  	s2 =	sadd.s32 $0x9C80, s2  }
0xde: {  	[tilespmem:s24], [sflag:$0x2] =	stream.linear.gather [hbm4b:s2+s10], $0x40, $0x38;
	[tilespmem:$0x1C670] =	vst v63  }
0xdf: {  	_ =	swait.ge [sflag:s25], $0x40  }
0xe0: {  	[sflag:s25] =	ssyncset.done $0x0  }
0xe1: {  	[sflag:s25] =	ssyncadd.s32 $0xFFFFFFC0  }
0xe2: {  	_ =	swait.ge [sflag:s25], $0x40  }
0xe3: {  	[sflag:s25] =	ssyncset.done $0x0  }
0xe4: {  	[sflag:s25] =	ssyncadd.s32 $0xFFFFFFC0  }
0xe5: {  	[spmem:s7] =	stream.indirect.scatter.add.f32 [tilespmem:s28], [sflag:$0x3], $0x1, s20, s26, $0xb8;
	[tilespmem:$0x1C670] =	vst v63  }
0xe6: {  	_ = 	snop  }
0xe7: {  	[spmem:s8] =	stream.indirect.scatter.add.f32 [tilespmem:s28], [sflag:$0x3], $0x1, s21, s26, $0xb8;
	[tilespmem:$0x1C670] =	vst v63  }
0xe8: {  	_ =	swait.ge [sflag:s29], $0x40  }
0xe9: {  	[sflag:s29] =	ssyncset.done $0x0  }
0xea: {  	[sflag:s29] =	ssyncadd.s32 $0xFFFFFFC0  }
0xeb: {  	_ =	swait.ge [sflag:s29], $0x40  }
0xec: {  	s0 =	simm.s32 @!p2 $0x0;
	[sflag:s29] =	ssyncset.done $0x0  }
0xed: {  	s2 =	simm.s32 @!p2 $0x13D70;
	s1 =	rddreg [dreg:$0x14];
	[sflag:s29] =	ssyncadd.s32 $0xFFFFFFC0  }
0xee: {  	[tilespmem:s2], [sflag:$0x1] =	stream.linear.gather @!p2 [hbm4b:s1+s0], $0x40, $0x38;
	[tilespmem:$0x1C670] =	vst v63  }
0xef: {  	s2 =	simm.s32 @!p2 $0x13E70;
	s1 =	rddreg [dreg:$0x15]  }
0xf0: {  	[tilespmem:s2], [sflag:$0x1] =	stream.linear.gather @!p2 [hbm4b:s1+s0], $0x40, $0x38;
	[tilespmem:$0x1C670] =	vst v63  }
0xf1: {  	_ =	swait.ge [sflag:s30], $0x40  }
0xf2: {  	[sflag:s30] =	ssyncset.done $0x0  }
0xf3: {  	[sflag:s30] =	ssyncadd.s32 $0xFFFFFFC0  }
0xf4: {  	_ =	swait.ge [sflag:s30], $0x40  }
0xf5: {  	[sflag:s30] =	ssyncset.done $0x0  }
0xf6: {  	[sflag:s30] =	ssyncadd.s32 $0xFFFFFFC0  }
0xf7: {  	[spmem:s7] =	stream.indirect.scatter.add.f32 [tilespmem:s28], [sflag:$0x4], $0x1, s23, s26, $0xb8;
	[tilespmem:$0x1C670] =	vst v63  }
0xf8: {  	_ = 	snop  }
0xf9: {  	[spmem:s8] =	stream.indirect.scatter.add.f32 [tilespmem:s28], [sflag:$0x4], $0x1, s24, s26, $0xb8;
	[tilespmem:$0x1C670] =	vst v63  }
0xfa: {  	_ =	swait.ge [sflag:s31], $0x40  }
0xfb: {  	[sflag:s31] =	ssyncset.done $0x0  }
0xfc: {  	[sflag:s31] =	ssyncadd.s32 $0xFFFFFFC0  }
0xfd: {  	_ =	swait.ge [sflag:s31], $0x40  }
0xfe: {  	[sflag:s31] =	ssyncset.done $0x0  }
0xff: {  	s0 =	simm.s32 @!p0 $0x1;
	[sflag:s31] =	ssyncadd.s32 $0xFFFFFFC0  }
0x100: {  	_ =	swait.ge @!p0 [sflag:s0], $0x40  }
0x101: {  	[sflag:s0] =	ssyncset.done @!p0 $0x0  }
0x102: {  	[sflag:s0] =	ssyncadd.s32 @!p0 $0xFFFFFFC0  }
0x103: {  	_ =	swait.ge @!p0 [sflag:s0], $0x40  }
0x104: {  	s3 =	simm.s32 @!p0 $0x1C370;
	[sflag:s0] =	ssyncset.done @!p0 $0x0  }
0x105: {  	s2 =	simm.s32 @!p0 $0x13D70;
	[sflag:s0] =	ssyncadd.s32 @!p0 $0xFFFFFFC0;
	s0 =	simm.s32 @!p0 $0x40  }
0x106: {  	[spmem:s7] =	stream.indirect.scatter.add.f32 @!p0 [tilespmem:s3], [sflag:$0x3], $0x1, s2, s0, $0xb8;
	[tilespmem:$0x1C670] =	vst v63  }
0x107: {  	s2 =	simm.s32 @!p0 $0x13E70  }
0x108: {  	[spmem:s8] =	stream.indirect.scatter.add.f32 @!p0 [tilespmem:s3], [sflag:$0x3], $0x1, s2, s0, $0xb8;
	[tilespmem:$0x1C670] =	vst v63  }
0x109: {  	s0 =	simm.s32 @!p0 $0x3  }
0x10a: {  	_ =	swait.ge @!p0 [sflag:s0], $0x40  }
0x10b: {  	[sflag:s0] =	ssyncset.done @!p0 $0x0  }
0x10c: {  	[sflag:s0] =	ssyncadd.s32 @!p0 $0xFFFFFFC0  }
0x10d: {  	_ =	swait.ge @!p0 [sflag:s0], $0x40  }
0x10e: {  	[sflag:s0] =	ssyncset.done @!p0 $0x0  }
0x10f: {  	[sflag:s0] =	ssyncadd.s32 @!p0 $0xFFFFFFC0  }
0x110: {  	[bflag:$0x0] =	sbarrier.arrive $0xFFFF  }
0x111: {  	s18 =	simm.s32 $0xB;
	s5 =	rddreg [dreg:$0xb]  }
0x112: {  	[tilespmem:s9], [sflag:$0xB] =	stream.linear.gather [spmem:s5], $0x190, $0x38;
	[tilespmem:$0x1C670] =	vst v63  }
0x113: {  	_ =	swait.ge [sflag:s18], $0x190  }
0x114: {  	[sflag:s18] =	ssyncset.done $0x0  }
0x115: {  	s2 =	simm.s32 $0x40;
	s0 =	simm.s32 $0x0;
	[sflag:s18] =	ssyncadd.s32 $0xFFFFFE70  }
.LBB2_6:
0x116: {  	p4 =	sne.s32 s2, $0x600;
	v3 =	vld [tilespmem:s0+$0x1C3F0];
	_ =	sdelay $0x4  }
0x117: {  	v3 =	vadd.f32 $1.000000000e+00, v3;
	_ =	sdelay $0x1  }
0x118: {  	v4 =	vmul.f32 $2.500000000e-01, v3;
	_ =	sdelay $0x1  }
0x119: {  	v4 =	vadd.f32 $1.000000000e+00, v4;
	_ =	sdelay $0x1  }
0x11a: {  	(erf) = vrcp.f32 v4;
	_ =	sdelay $0x8  }
0x11b: {  	v5 =	vpop (erf)  }
0x11c: {  	v5 =	vmul.f32 v5, v3;
	_ =	sdelay $0x1  }
0x11d: {  	v4 =	vadd.f32 v5, v4;
	_ =	sdelay $0x1  }
0x11e: {  	v4 =	vmul.f32 $5.000000000e-01, v4;
	_ =	sdelay $0x1  }
0x11f: {  	(erf) = vrcp.f32 v4;
	_ =	sdelay $0x8  }
0x120: {  	v5 =	vpop (erf)  }
0x121: {  	v5 =	vmul.f32 v5, v3;
	_ =	sdelay $0x1  }
0x122: {  	v4 =	vadd.f32 v5, v4;
	_ =	sdelay $0x1  }
0x123: {  	v4 =	vmul.f32 $5.000000000e-01, v4;
	_ =	sdelay $0x1  }
0x124: {  	(erf) = vrcp.f32 v4;
	_ =	sdelay $0x8  }
0x125: {  	v5 =	vpop (erf)  }
0x126: {  	v5 =	vmul.f32 v5, v3;
	_ =	sdelay $0x1  }
0x127: {  	v4 =	vadd.f32 v5, v4;
	_ =	sdelay $0x1  }
0x128: {  	v4 =	vmul.f32 $5.000000000e-01, v4;
	_ =	sdelay $0x1  }
0x129: {  	(erf) = vrcp.f32 v4;
	_ =	sdelay $0x8  }
0x12a: {  	v5 =	vpop (erf)  }
0x12b: {  	v5 =	vmul.f32 v5, v3;
	_ =	sdelay $0x1  }
0x12c: {  	v4 =	vadd.f32 v5, v4;
	_ =	sdelay $0x1  }
0x12d: {  	v4 =	vmul.f32 $5.000000000e-01, v4;
	_ =	sdelay $0x1  }
0x12e: {  	(erf) = vrcp.f32 v4;
	_ =	sdelay $0x8  }
0x12f: {  	v5 =	vpop (erf)  }
0x130: {  	v5 =	vmul.f32 v5, v3;
	_ =	sdelay $0x1  }
0x131: {  	v4 =	vadd.f32 v5, v4;
	_ =	sdelay $0x1  }
0x132: {  	v4 =	vmul.f32 $5.000000000e-01, v4;
	_ =	sdelay $0x1  }
0x133: {  	(erf) = vrcp.f32 v4;
	_ =	sdelay $0x8  }
0x134: {  	v5 =	vpop (erf)  }
0x135: {  	v5 =	vmul.f32 v5, v3;
	_ =	sdelay $0x1  }
0x136: {  	v4 =	vadd.f32 v5, v4;
	_ =	sdelay $0x1  }
0x137: {  	v4 =	vmul.f32 $5.000000000e-01, v4;
	_ =	sdelay $0x1  }
0x138: {  	(erf) = vrcp.f32 v4;
	_ =	sdelay $0x8  }
0x139: {  	v5 =	vpop (erf)  }
0x13a: {  	v5 =	vmul.f32 v5, v3;
	_ =	sdelay $0x1  }
0x13b: {  	v4 =	vadd.f32 v5, v4;
	_ =	sdelay $0x1  }
0x13c: {  	v4 =	vmul.f32 $5.000000000e-01, v4;
	_ =	sdelay $0x1  }
0x13d: {  	(erf) = vrcp.f32 v4;
	_ =	sdelay $0x8  }
0x13e: {  	v5 =	vpop (erf)  }
0x13f: {  	v5 =	vmul.f32 v5, v3;
	_ =	sdelay $0x1  }
0x140: {  	v4 =	vadd.f32 v5, v4;
	_ =	sdelay $0x1  }
0x141: {  	v4 =	vmul.f32 $5.000000000e-01, v4;
	_ =	sdelay $0x1  }
0x142: {  	(erf) = vrcp.f32 v4;
	_ =	sdelay $0x8  }
0x143: {  	v5 =	vpop (erf)  }
0x144: {  	v5 =	vmul.f32 v5, v3;
	_ =	sdelay $0x1  }
0x145: {  	v4 =	vadd.f32 v5, v4;
	_ =	sdelay $0x1  }
0x146: {  	v4 =	vmul.f32 $5.000000000e-01, v4;
	_ =	sdelay $0x1  }
0x147: {  	(erf) = vrcp.f32 v4;
	_ =	sdelay $0x8  }
0x148: {  	v5 =	vpop (erf)  }
0x149: {  	v5 =	vmul.f32 v5, v3;
	_ =	sdelay $0x1  }
0x14a: {  	v4 =	vadd.f32 v5, v4;
	_ =	sdelay $0x1  }
0x14b: {  	v4 =	vmul.f32 $5.000000000e-01, v4;
	_ =	sdelay $0x1  }
0x14c: {  	(erf) = vrcp.f32 v4;
	_ =	sdelay $0x8  }
0x14d: {  	v5 =	vpop (erf)  }
0x14e: {  	v5 =	vmul.f32 v5, v3;
	_ =	sdelay $0x1  }
0x14f: {  	v4 =	vadd.f32 v5, v4;
	_ =	sdelay $0x1  }
0x150: {  	v4 =	vmul.f32 $5.000000000e-01, v4;
	_ =	sdelay $0x1  }
0x151: {  	(erf) = vrcp.f32 v4;
	_ =	sdelay $0x8  }
0x152: {  	v5 =	vpop (erf)  }
0x153: {  	v3 =	vmul.f32 v5, v3;
	_ =	sdelay $0x1  }
0x154: {  	v3 =	vadd.f32 v3, v4;
	_ =	sdelay $0x1  }
0x155: {  	v3 =	vmul.f32 $5.000000000e-01, v3;
	_ =	sdelay $0x1  }
0x156: {  	(erf) = vrcp.f32 v3;
	_ =	sdelay $0x5  }
.Ltmp5:
0x157: {  	(pc) =	sbr.rel @p4 .LBB2_6-.Ltmp5, $3  }
0x158: {  	_ =	sdelay $0x1  }
0x159: {  	v3 =	vpop (erf)  }
0x15a: {  	[tilespmem:s0+$0x1C3F0] =	vst v3;
	s0 =	sshra.s32 s2, $0x2;
	s2 =	sadd.s32 $0x40, s2  }
0x15b: {  	v3 =	vld [tilespmem:s0+$0x1C3F0];
	_ =	sdelay $0x4  }
0x15c: {  	v3 =	vadd.f32 $1.000000000e+00, v3;
	_ =	sdelay $0x1  }
0x15d: {  	v4 =	vmul.f32 $2.500000000e-01, v3;
	_ =	sdelay $0x1  }
0x15e: {  	v4 =	vadd.f32 $1.000000000e+00, v4;
	_ =	sdelay $0x1  }
0x15f: {  	(erf) = vrcp.f32 v4;
	_ =	sdelay $0x8  }
0x160: {  	v5 =	vpop (erf)  }
0x161: {  	v5 =	vmul.f32 v5, v3;
	_ =	sdelay $0x1  }
0x162: {  	v4 =	vadd.f32 v5, v4;
	_ =	sdelay $0x1  }
0x163: {  	v4 =	vmul.f32 $5.000000000e-01, v4;
	_ =	sdelay $0x1  }
0x164: {  	(erf) = vrcp.f32 v4;
	_ =	sdelay $0x8  }
0x165: {  	v53 =	vpop (erf)  }
0x166: {  	v5 =	vmul.f32 v53, v3;
	_ =	sdelay $0x1  }
0x167: {  	v4 =	vadd.f32 v5, v4;
	_ =	sdelay $0x1  }
0x168: {  	v4 =	vmul.f32 $5.000000000e-01, v4;
	_ =	sdelay $0x1  }
0x169: {  	(erf) = vrcp.f32 v4;
	_ =	sdelay $0x8  }
0x16a: {  	v54 =	vpop (erf)  }
0x16b: {  	v5 =	vmul.f32 v54, v3;
	_ =	sdelay $0x1  }
0x16c: {  	v4 =	vadd.f32 v5, v4;
	_ =	sdelay $0x1  }
0x16d: {  	v4 =	vmul.f32 $5.000000000e-01, v4;
	_ =	sdelay $0x1  }
0x16e: {  	(erf) = vrcp.f32 v4;
	_ =	sdelay $0x8  }
0x16f: {  	v55 =	vpop (erf)  }
0x170: {  	v5 =	vmul.f32 v55, v3;
	_ =	sdelay $0x1  }
0x171: {  	v4 =	vadd.f32 v5, v4;
	_ =	sdelay $0x1  }
0x172: {  	v4 =	vmul.f32 $5.000000000e-01, v4;
	_ =	sdelay $0x1  }
0x173: {  	(erf) = vrcp.f32 v4;
	_ =	sdelay $0x8  }
0x174: {  	v56 =	vpop (erf)  }
0x175: {  	v5 =	vmul.f32 v56, v3;
	_ =	sdelay $0x1  }
0x176: {  	v4 =	vadd.f32 v5, v4;
	_ =	sdelay $0x1  }
0x177: {  	v4 =	vmul.f32 $5.000000000e-01, v4;
	_ =	sdelay $0x1  }
0x178: {  	(erf) = vrcp.f32 v4;
	_ =	sdelay $0x8  }
0x179: {  	v57 =	vpop (erf)  }
0x17a: {  	v5 =	vmul.f32 v57, v3;
	_ =	sdelay $0x1  }
0x17b: {  	v4 =	vadd.f32 v5, v4;
	_ =	sdelay $0x1  }
0x17c: {  	v4 =	vmul.f32 $5.000000000e-01, v4;
	_ =	sdelay $0x1  }
0x17d: {  	(erf) = vrcp.f32 v4;
	_ =	sdelay $0x8  }
0x17e: {  	v58 =	vpop (erf)  }
0x17f: {  	v5 =	vmul.f32 v58, v3;
	_ =	sdelay $0x1  }
0x180: {  	v4 =	vadd.f32 v5, v4;
	_ =	sdelay $0x1  }
0x181: {  	v4 =	vmul.f32 $5.000000000e-01, v4;
	_ =	sdelay $0x1  }
0x182: {  	(erf) = vrcp.f32 v4;
	_ =	sdelay $0x8  }
0x183: {  	v59 =	vpop (erf)  }
0x184: {  	v5 =	vmul.f32 v59, v3;
	_ =	sdelay $0x1  }
0x185: {  	v4 =	vadd.f32 v5, v4;
	_ =	sdelay $0x1  }
0x186: {  	v4 =	vmul.f32 $5.000000000e-01, v4;
	_ =	sdelay $0x1  }
0x187: {  	(erf) = vrcp.f32 v4;
	_ =	sdelay $0x8  }
0x188: {  	v60 =	vpop (erf)  }
0x189: {  	v5 =	vmul.f32 v60, v3;
	_ =	sdelay $0x1  }
0x18a: {  	v4 =	vadd.f32 v5, v4;
	_ =	sdelay $0x1  }
0x18b: {  	v4 =	vmul.f32 $5.000000000e-01, v4;
	_ =	sdelay $0x1  }
0x18c: {  	(erf) = vrcp.f32 v4;
	_ =	sdelay $0x8  }
0x18d: {  	v61 =	vpop (erf)  }
0x18e: {  	v5 =	vmul.f32 v61, v3;
	_ =	sdelay $0x1  }
0x18f: {  	v4 =	vadd.f32 v5, v4;
	_ =	sdelay $0x1  }
0x190: {  	v4 =	vmul.f32 $5.000000000e-01, v4;
	_ =	sdelay $0x1  }
0x191: {  	(erf) = vrcp.f32 v4;
	_ =	sdelay $0x8  }
0x192: {  	v62 =	vpop (erf)  }
0x193: {  	v5 =	vmul.f32 v62, v3;
	_ =	sdelay $0x1  }
0x194: {  	v4 =	vadd.f32 v5, v4;
	_ =	sdelay $0x1  }
0x195: {  	v4 =	vmul.f32 $5.000000000e-01, v4;
	_ =	sdelay $0x1  }
0x196: {  	(erf) = vrcp.f32 v4;
	_ =	sdelay $0x8  }
0x197: {  	v63 =	vpop (erf)  }
0x198: {  	v3 =	vmul.f32 v63, v3;
	_ =	sdelay $0x1  }
0x199: {  	v3 =	vadd.f32 v3, v4;
	_ =	sdelay $0x1  }
0x19a: {  	v3 =	vmul.f32 $5.000000000e-01, v3;
	_ =	sdelay $0x1  }
0x19b: {  	(erf) = vrcp.f32 v3;
	_ =	sdelay $0x8  }
0x19c: {  	v3 =	vpop (erf)  }
0x19d: {  	s9 =	rddreg [dreg:$0xb];
	s2 =	simm.s32 $0x1C3F0;
	s1 =	simm.s32 $0xB;
	[tilespmem:s0+$0x1C3F0] =	vst v3  }
0x19e: {  	[spmem:s9] =	stream.linear.scatter [tilespmem:s2], [sflag:$0xB], $0x190, $0x38;
	[tilespmem:$0x1C670] =	vst v63  }
0x19f: {  	_ =	swait.ge [sflag:s1], $0x190  }
0x1a0: {  	[sflag:s1] =	ssyncset.done $0x0  }
0x1a1: {  	s18 =	rddreg [dreg:$0xc];
	[sflag:s1] =	ssyncadd.s32 $0xFFFFFE70  }
0x1a2: {  	[tilespmem:s2], [sflag:$0xB] =	stream.linear.gather [spmem:s18], $0x190, $0x38;
	[tilespmem:$0x1C670] =	vst v63  }
0x1a3: {  	_ =	swait.ge [sflag:s1], $0x190  }
0x1a4: {  	s3 =	simm.s32 $0x1C3F0;
	[sflag:s1] =	ssyncset.done $0x0  }
0x1a5: {  	s0 =	simm.s32 $0x0;
	s2 =	simm.s32 $0x40;
	[sflag:s1] =	ssyncadd.s32 $0xFFFFFE70  }
.LBB2_8:
0x1a6: {  	p4 =	sne.s32 s2, $0x600;
	v3 =	vld [tilespmem:s0+$0x1C3F0];
	_ =	sdelay $0x4  }
0x1a7: {  	v3 =	vadd.f32 $1.000000000e+00, v3;
	_ =	sdelay $0x1  }
0x1a8: {  	v4 =	vmul.f32 $2.500000000e-01, v3;
	_ =	sdelay $0x1  }
0x1a9: {  	v4 =	vadd.f32 $1.000000000e+00, v4;
	_ =	sdelay $0x1  }
0x1aa: {  	(erf) = vrcp.f32 v4;
	_ =	sdelay $0x8  }
0x1ab: {  	v5 =	vpop (erf)  }
0x1ac: {  	v5 =	vmul.f32 v5, v3;
	_ =	sdelay $0x1  }
0x1ad: {  	v4 =	vadd.f32 v5, v4;
	_ =	sdelay $0x1  }
0x1ae: {  	v4 =	vmul.f32 $5.000000000e-01, v4;
	_ =	sdelay $0x1  }
0x1af: {  	(erf) = vrcp.f32 v4;
	_ =	sdelay $0x8  }
0x1b0: {  	v5 =	vpop (erf)  }
0x1b1: {  	v5 =	vmul.f32 v5, v3;
	_ =	sdelay $0x1  }
0x1b2: {  	v4 =	vadd.f32 v5, v4;
	_ =	sdelay $0x1  }
0x1b3: {  	v4 =	vmul.f32 $5.000000000e-01, v4;
	_ =	sdelay $0x1  }
0x1b4: {  	(erf) = vrcp.f32 v4;
	_ =	sdelay $0x8  }
0x1b5: {  	v5 =	vpop (erf)  }
0x1b6: {  	v5 =	vmul.f32 v5, v3;
	_ =	sdelay $0x1  }
0x1b7: {  	v4 =	vadd.f32 v5, v4;
	_ =	sdelay $0x1  }
0x1b8: {  	v4 =	vmul.f32 $5.000000000e-01, v4;
	_ =	sdelay $0x1  }
0x1b9: {  	(erf) = vrcp.f32 v4;
	_ =	sdelay $0x8  }
0x1ba: {  	v5 =	vpop (erf)  }
0x1bb: {  	v5 =	vmul.f32 v5, v3;
	_ =	sdelay $0x1  }
0x1bc: {  	v4 =	vadd.f32 v5, v4;
	_ =	sdelay $0x1  }
0x1bd: {  	v4 =	vmul.f32 $5.000000000e-01, v4;
	_ =	sdelay $0x1  }
0x1be: {  	(erf) = vrcp.f32 v4;
	_ =	sdelay $0x8  }
0x1bf: {  	v5 =	vpop (erf)  }
0x1c0: {  	v5 =	vmul.f32 v5, v3;
	_ =	sdelay $0x1  }
0x1c1: {  	v4 =	vadd.f32 v5, v4;
	_ =	sdelay $0x1  }
0x1c2: {  	v4 =	vmul.f32 $5.000000000e-01, v4;
	_ =	sdelay $0x1  }
0x1c3: {  	(erf) = vrcp.f32 v4;
	_ =	sdelay $0x8  }
0x1c4: {  	v5 =	vpop (erf)  }
0x1c5: {  	v5 =	vmul.f32 v5, v3;
	_ =	sdelay $0x1  }
0x1c6: {  	v4 =	vadd.f32 v5, v4;
	_ =	sdelay $0x1  }
0x1c7: {  	v4 =	vmul.f32 $5.000000000e-01, v4;
	_ =	sdelay $0x1  }
0x1c8: {  	(erf) = vrcp.f32 v4;
	_ =	sdelay $0x8  }
0x1c9: {  	v5 =	vpop (erf)  }
0x1ca: {  	v5 =	vmul.f32 v5, v3;
	_ =	sdelay $0x1  }
0x1cb: {  	v4 =	vadd.f32 v5, v4;
	_ =	sdelay $0x1  }
0x1cc: {  	v4 =	vmul.f32 $5.000000000e-01, v4;
	_ =	sdelay $0x1  }
0x1cd: {  	(erf) = vrcp.f32 v4;
	_ =	sdelay $0x8  }
0x1ce: {  	v5 =	vpop (erf)  }
0x1cf: {  	v5 =	vmul.f32 v5, v3;
	_ =	sdelay $0x1  }
0x1d0: {  	v4 =	vadd.f32 v5, v4;
	_ =	sdelay $0x1  }
0x1d1: {  	v4 =	vmul.f32 $5.000000000e-01, v4;
	_ =	sdelay $0x1  }
0x1d2: {  	(erf) = vrcp.f32 v4;
	_ =	sdelay $0x8  }
0x1d3: {  	v5 =	vpop (erf)  }
0x1d4: {  	v5 =	vmul.f32 v5, v3;
	_ =	sdelay $0x1  }
0x1d5: {  	v4 =	vadd.f32 v5, v4;
	_ =	sdelay $0x1  }
0x1d6: {  	v4 =	vmul.f32 $5.000000000e-01, v4;
	_ =	sdelay $0x1  }
0x1d7: {  	(erf) = vrcp.f32 v4;
	_ =	sdelay $0x8  }
0x1d8: {  	v5 =	vpop (erf)  }
0x1d9: {  	v5 =	vmul.f32 v5, v3;
	_ =	sdelay $0x1  }
0x1da: {  	v4 =	vadd.f32 v5, v4;
	_ =	sdelay $0x1  }
0x1db: {  	v4 =	vmul.f32 $5.000000000e-01, v4;
	_ =	sdelay $0x1  }
0x1dc: {  	(erf) = vrcp.f32 v4;
	_ =	sdelay $0x8  }
0x1dd: {  	v5 =	vpop (erf)  }
0x1de: {  	v5 =	vmul.f32 v5, v3;
	_ =	sdelay $0x1  }
0x1df: {  	v4 =	vadd.f32 v5, v4;
	_ =	sdelay $0x1  }
0x1e0: {  	v4 =	vmul.f32 $5.000000000e-01, v4;
	_ =	sdelay $0x1  }
0x1e1: {  	(erf) = vrcp.f32 v4;
	_ =	sdelay $0x8  }
0x1e2: {  	v5 =	vpop (erf)  }
0x1e3: {  	v3 =	vmul.f32 v5, v3;
	_ =	sdelay $0x1  }
0x1e4: {  	v3 =	vadd.f32 v3, v4;
	_ =	sdelay $0x1  }
0x1e5: {  	v3 =	vmul.f32 $5.000000000e-01, v3;
	_ =	sdelay $0x1  }
0x1e6: {  	(erf) = vrcp.f32 v3;
	_ =	sdelay $0x5  }
.Ltmp6:
0x1e7: {  	(pc) =	sbr.rel @p4 .LBB2_8-.Ltmp6, $3  }
0x1e8: {  	_ =	sdelay $0x1  }
0x1e9: {  	v3 =	vpop (erf)  }
0x1ea: {  	[tilespmem:s0+$0x1C3F0] =	vst v3;
	s0 =	sshra.s32 s2, $0x2;
	s2 =	sadd.s32 $0x40, s2  }
0x1eb: {  	v3 =	vld [tilespmem:s0+$0x1C3F0];
	_ =	sdelay $0x4  }
0x1ec: {  	v3 =	vadd.f32 $1.000000000e+00, v3;
	_ =	sdelay $0x1  }
0x1ed: {  	v4 =	vmul.f32 $2.500000000e-01, v3;
	_ =	sdelay $0x1  }
0x1ee: {  	v4 =	vadd.f32 $1.000000000e+00, v4;
	_ =	sdelay $0x1  }
0x1ef: {  	(erf) = vrcp.f32 v4;
	_ =	sdelay $0x8  }
0x1f0: {  	v5 =	vpop (erf)  }
0x1f1: {  	v5 =	vmul.f32 v5, v3;
	_ =	sdelay $0x1  }
0x1f2: {  	v4 =	vadd.f32 v5, v4;
	_ =	sdelay $0x1  }
0x1f3: {  	v4 =	vmul.f32 $5.000000000e-01, v4;
	_ =	sdelay $0x1  }
0x1f4: {  	(erf) = vrcp.f32 v4;
	_ =	sdelay $0x8  }
0x1f5: {  	v53 =	vpop (erf)  }
0x1f6: {  	v5 =	vmul.f32 v53, v3;
	_ =	sdelay $0x1  }
0x1f7: {  	v4 =	vadd.f32 v5, v4;
	_ =	sdelay $0x1  }
0x1f8: {  	v4 =	vmul.f32 $5.000000000e-01, v4;
	_ =	sdelay $0x1  }
0x1f9: {  	(erf) = vrcp.f32 v4;
	_ =	sdelay $0x8  }
0x1fa: {  	v54 =	vpop (erf)  }
0x1fb: {  	v5 =	vmul.f32 v54, v3;
	_ =	sdelay $0x1  }
0x1fc: {  	v4 =	vadd.f32 v5, v4;
	_ =	sdelay $0x1  }
0x1fd: {  	v4 =	vmul.f32 $5.000000000e-01, v4;
	_ =	sdelay $0x1  }
0x1fe: {  	(erf) = vrcp.f32 v4;
	_ =	sdelay $0x8  }
0x1ff: {  	v55 =	vpop (erf)  }
0x200: {  	v5 =	vmul.f32 v55, v3;
	_ =	sdelay $0x1  }
0x201: {  	v4 =	vadd.f32 v5, v4;
	_ =	sdelay $0x1  }
0x202: {  	v4 =	vmul.f32 $5.000000000e-01, v4;
	_ =	sdelay $0x1  }
0x203: {  	(erf) = vrcp.f32 v4;
	_ =	sdelay $0x8  }
0x204: {  	v56 =	vpop (erf)  }
0x205: {  	v5 =	vmul.f32 v56, v3;
	_ =	sdelay $0x1  }
0x206: {  	v4 =	vadd.f32 v5, v4;
	_ =	sdelay $0x1  }
0x207: {  	v4 =	vmul.f32 $5.000000000e-01, v4;
	_ =	sdelay $0x1  }
0x208: {  	(erf) = vrcp.f32 v4;
	_ =	sdelay $0x8  }
0x209: {  	v57 =	vpop (erf)  }
0x20a: {  	v5 =	vmul.f32 v57, v3;
	_ =	sdelay $0x1  }
0x20b: {  	v4 =	vadd.f32 v5, v4;
	_ =	sdelay $0x1  }
0x20c: {  	v4 =	vmul.f32 $5.000000000e-01, v4;
	_ =	sdelay $0x1  }
0x20d: {  	(erf) = vrcp.f32 v4;
	_ =	sdelay $0x8  }
0x20e: {  	v58 =	vpop (erf)  }
0x20f: {  	v5 =	vmul.f32 v58, v3;
	_ =	sdelay $0x1  }
0x210: {  	v4 =	vadd.f32 v5, v4;
	_ =	sdelay $0x1  }
0x211: {  	v4 =	vmul.f32 $5.000000000e-01, v4;
	_ =	sdelay $0x1  }
0x212: {  	(erf) = vrcp.f32 v4;
	_ =	sdelay $0x8  }
0x213: {  	v59 =	vpop (erf)  }
0x214: {  	v5 =	vmul.f32 v59, v3;
	_ =	sdelay $0x1  }
0x215: {  	v4 =	vadd.f32 v5, v4;
	_ =	sdelay $0x1  }
0x216: {  	v4 =	vmul.f32 $5.000000000e-01, v4;
	_ =	sdelay $0x1  }
0x217: {  	(erf) = vrcp.f32 v4;
	_ =	sdelay $0x8  }
0x218: {  	v60 =	vpop (erf)  }
0x219: {  	v5 =	vmul.f32 v60, v3;
	_ =	sdelay $0x1  }
0x21a: {  	v4 =	vadd.f32 v5, v4;
	_ =	sdelay $0x1  }
0x21b: {  	v4 =	vmul.f32 $5.000000000e-01, v4;
	_ =	sdelay $0x1  }
0x21c: {  	(erf) = vrcp.f32 v4;
	_ =	sdelay $0x8  }
0x21d: {  	v61 =	vpop (erf)  }
0x21e: {  	v5 =	vmul.f32 v61, v3;
	_ =	sdelay $0x1  }
0x21f: {  	v4 =	vadd.f32 v5, v4;
	_ =	sdelay $0x1  }
0x220: {  	v4 =	vmul.f32 $5.000000000e-01, v4;
	_ =	sdelay $0x1  }
0x221: {  	(erf) = vrcp.f32 v4;
	_ =	sdelay $0x8  }
0x222: {  	v62 =	vpop (erf)  }
0x223: {  	v5 =	vmul.f32 v62, v3;
	_ =	sdelay $0x1  }
0x224: {  	v4 =	vadd.f32 v5, v4;
	_ =	sdelay $0x1  }
0x225: {  	v4 =	vmul.f32 $5.000000000e-01, v4;
	_ =	sdelay $0x1  }
0x226: {  	(erf) = vrcp.f32 v4;
	_ =	sdelay $0x8  }
0x227: {  	v63 =	vpop (erf)  }
0x228: {  	v3 =	vmul.f32 v63, v3;
	_ =	sdelay $0x1  }
0x229: {  	v3 =	vadd.f32 v3, v4;
	_ =	sdelay $0x1  }
0x22a: {  	v3 =	vmul.f32 $5.000000000e-01, v3;
	_ =	sdelay $0x1  }
0x22b: {  	(erf) = vrcp.f32 v3;
	_ =	sdelay $0x8  }
0x22c: {  	v3 =	vpop (erf)  }
.Ltmp7:
0x22d: {  	s9 =	rddreg [dreg:$0xc];
	s18 =	simm.s32 $0xB;
	[tilespmem:s0+$0x1C3F0] =	vst v3;
	(pc) =	sbr.rel @p1 .LBB2_15-.Ltmp7, $4  }
0x22e: {  	[spmem:s9] =	stream.linear.scatter [tilespmem:s3], [sflag:$0xB], $0x190, $0x38;
	[tilespmem:$0x1C670] =	vst v63  }
0x22f: {  	_ =	swait.ge [sflag:s18], $0x190  }
0x230: {  	[sflag:s18] =	ssyncset.done $0x0  }
0x231: {  	[sflag:s18] =	ssyncadd.s32 $0xFFFFFE70  }
0x232: {  	s0 =	rddreg [dreg:$0xd];
	s18 =	simm.s32 $0xB  }
0x233: {  	[tilespmem:s3], [sflag:$0xB] =	stream.linear.gather [spmem:s0], $0x190, $0x38;
	[tilespmem:$0x1C670] =	vst v63  }
0x234: {  	_ =	swait.ge [sflag:s18], $0x190  }
0x235: {  	[sflag:s18] =	ssyncset.done $0x0  }
0x236: {  	s2 =	simm.s32 $0x40;
	s0 =	simm.s32 $0x0;
	[sflag:s18] =	ssyncadd.s32 $0xFFFFFE70  }
.LBB2_11:
0x237: {  	p4 =	sne.s32 s2, $0x600;
	v3 =	vld [tilespmem:s0+$0x1C3F0];
	_ =	sdelay $0x4  }
0x238: {  	v3 =	vadd.f32 $1.000000000e+00, v3;
	_ =	sdelay $0x1  }
0x239: {  	v4 =	vmul.f32 $2.500000000e-01, v3;
	_ =	sdelay $0x1  }
0x23a: {  	v4 =	vadd.f32 $1.000000000e+00, v4;
	_ =	sdelay $0x1  }
0x23b: {  	(erf) = vrcp.f32 v4;
	_ =	sdelay $0x8  }
0x23c: {  	v5 =	vpop (erf)  }
0x23d: {  	v5 =	vmul.f32 v5, v3;
	_ =	sdelay $0x1  }
0x23e: {  	v4 =	vadd.f32 v5, v4;
	_ =	sdelay $0x1  }
0x23f: {  	v4 =	vmul.f32 $5.000000000e-01, v4;
	_ =	sdelay $0x1  }
0x240: {  	(erf) = vrcp.f32 v4;
	_ =	sdelay $0x8  }
0x241: {  	v5 =	vpop (erf)  }
0x242: {  	v5 =	vmul.f32 v5, v3;
	_ =	sdelay $0x1  }
0x243: {  	v4 =	vadd.f32 v5, v4;
	_ =	sdelay $0x1  }
0x244: {  	v4 =	vmul.f32 $5.000000000e-01, v4;
	_ =	sdelay $0x1  }
0x245: {  	(erf) = vrcp.f32 v4;
	_ =	sdelay $0x8  }
0x246: {  	v5 =	vpop (erf)  }
0x247: {  	v5 =	vmul.f32 v5, v3;
	_ =	sdelay $0x1  }
0x248: {  	v4 =	vadd.f32 v5, v4;
	_ =	sdelay $0x1  }
0x249: {  	v4 =	vmul.f32 $5.000000000e-01, v4;
	_ =	sdelay $0x1  }
0x24a: {  	(erf) = vrcp.f32 v4;
	_ =	sdelay $0x8  }
0x24b: {  	v5 =	vpop (erf)  }
0x24c: {  	v5 =	vmul.f32 v5, v3;
	_ =	sdelay $0x1  }
0x24d: {  	v4 =	vadd.f32 v5, v4;
	_ =	sdelay $0x1  }
0x24e: {  	v4 =	vmul.f32 $5.000000000e-01, v4;
	_ =	sdelay $0x1  }
0x24f: {  	(erf) = vrcp.f32 v4;
	_ =	sdelay $0x8  }
0x250: {  	v5 =	vpop (erf)  }
0x251: {  	v5 =	vmul.f32 v5, v3;
	_ =	sdelay $0x1  }
0x252: {  	v4 =	vadd.f32 v5, v4;
	_ =	sdelay $0x1  }
0x253: {  	v4 =	vmul.f32 $5.000000000e-01, v4;
	_ =	sdelay $0x1  }
0x254: {  	(erf) = vrcp.f32 v4;
	_ =	sdelay $0x8  }
0x255: {  	v5 =	vpop (erf)  }
0x256: {  	v5 =	vmul.f32 v5, v3;
	_ =	sdelay $0x1  }
0x257: {  	v4 =	vadd.f32 v5, v4;
	_ =	sdelay $0x1  }
0x258: {  	v4 =	vmul.f32 $5.000000000e-01, v4;
	_ =	sdelay $0x1  }
0x259: {  	(erf) = vrcp.f32 v4;
	_ =	sdelay $0x8  }
0x25a: {  	v5 =	vpop (erf)  }
0x25b: {  	v5 =	vmul.f32 v5, v3;
	_ =	sdelay $0x1  }
0x25c: {  	v4 =	vadd.f32 v5, v4;
	_ =	sdelay $0x1  }
0x25d: {  	v4 =	vmul.f32 $5.000000000e-01, v4;
	_ =	sdelay $0x1  }
0x25e: {  	(erf) = vrcp.f32 v4;
	_ =	sdelay $0x8  }
0x25f: {  	v5 =	vpop (erf)  }
0x260: {  	v5 =	vmul.f32 v5, v3;
	_ =	sdelay $0x1  }
0x261: {  	v4 =	vadd.f32 v5, v4;
	_ =	sdelay $0x1  }
0x262: {  	v4 =	vmul.f32 $5.000000000e-01, v4;
	_ =	sdelay $0x1  }
0x263: {  	(erf) = vrcp.f32 v4;
	_ =	sdelay $0x8  }
0x264: {  	v5 =	vpop (erf)  }
0x265: {  	v5 =	vmul.f32 v5, v3;
	_ =	sdelay $0x1  }
0x266: {  	v4 =	vadd.f32 v5, v4;
	_ =	sdelay $0x1  }
0x267: {  	v4 =	vmul.f32 $5.000000000e-01, v4;
	_ =	sdelay $0x1  }
0x268: {  	(erf) = vrcp.f32 v4;
	_ =	sdelay $0x8  }
0x269: {  	v5 =	vpop (erf)  }
0x26a: {  	v5 =	vmul.f32 v5, v3;
	_ =	sdelay $0x1  }
0x26b: {  	v4 =	vadd.f32 v5, v4;
	_ =	sdelay $0x1  }
0x26c: {  	v4 =	vmul.f32 $5.000000000e-01, v4;
	_ =	sdelay $0x1  }
0x26d: {  	(erf) = vrcp.f32 v4;
	_ =	sdelay $0x8  }
0x26e: {  	v5 =	vpop (erf)  }
0x26f: {  	v5 =	vmul.f32 v5, v3;
	_ =	sdelay $0x1  }
0x270: {  	v4 =	vadd.f32 v5, v4;
	_ =	sdelay $0x1  }
0x271: {  	v4 =	vmul.f32 $5.000000000e-01, v4;
	_ =	sdelay $0x1  }
0x272: {  	(erf) = vrcp.f32 v4;
	_ =	sdelay $0x8  }
0x273: {  	v5 =	vpop (erf)  }
0x274: {  	v3 =	vmul.f32 v5, v3;
	_ =	sdelay $0x1  }
0x275: {  	v3 =	vadd.f32 v3, v4;
	_ =	sdelay $0x1  }
0x276: {  	v3 =	vmul.f32 $5.000000000e-01, v3;
	_ =	sdelay $0x1  }
0x277: {  	(erf) = vrcp.f32 v3;
	_ =	sdelay $0x5  }
.Ltmp8:
0x278: {  	(pc) =	sbr.rel @p4 .LBB2_11-.Ltmp8, $3  }
0x279: {  	_ =	sdelay $0x1  }
0x27a: {  	v3 =	vpop (erf)  }
0x27b: {  	[tilespmem:s0+$0x1C3F0] =	vst v3;
	s0 =	sshra.s32 s2, $0x2;
	s2 =	sadd.s32 $0x40, s2  }
0x27c: {  	v3 =	vld [tilespmem:s0+$0x1C3F0];
	_ =	sdelay $0x4  }
0x27d: {  	v3 =	vadd.f32 $1.000000000e+00, v3;
	_ =	sdelay $0x1  }
0x27e: {  	v4 =	vmul.f32 $2.500000000e-01, v3;
	_ =	sdelay $0x1  }
0x27f: {  	v4 =	vadd.f32 $1.000000000e+00, v4;
	_ =	sdelay $0x1  }
0x280: {  	(erf) = vrcp.f32 v4;
	_ =	sdelay $0x8  }
0x281: {  	v5 =	vpop (erf)  }
0x282: {  	v5 =	vmul.f32 v5, v3;
	_ =	sdelay $0x1  }
0x283: {  	v4 =	vadd.f32 v5, v4;
	_ =	sdelay $0x1  }
0x284: {  	v4 =	vmul.f32 $5.000000000e-01, v4;
	_ =	sdelay $0x1  }
0x285: {  	(erf) = vrcp.f32 v4;
	_ =	sdelay $0x8  }
0x286: {  	v53 =	vpop (erf)  }
0x287: {  	v5 =	vmul.f32 v53, v3;
	_ =	sdelay $0x1  }
0x288: {  	v4 =	vadd.f32 v5, v4;
	_ =	sdelay $0x1  }
0x289: {  	v4 =	vmul.f32 $5.000000000e-01, v4;
	_ =	sdelay $0x1  }
0x28a: {  	(erf) = vrcp.f32 v4;
	_ =	sdelay $0x8  }
0x28b: {  	v54 =	vpop (erf)  }
0x28c: {  	v5 =	vmul.f32 v54, v3;
	_ =	sdelay $0x1  }
0x28d: {  	v4 =	vadd.f32 v5, v4;
	_ =	sdelay $0x1  }
0x28e: {  	v4 =	vmul.f32 $5.000000000e-01, v4;
	_ =	sdelay $0x1  }
0x28f: {  	(erf) = vrcp.f32 v4;
	_ =	sdelay $0x8  }
0x290: {  	v55 =	vpop (erf)  }
0x291: {  	v5 =	vmul.f32 v55, v3;
	_ =	sdelay $0x1  }
0x292: {  	v4 =	vadd.f32 v5, v4;
	_ =	sdelay $0x1  }
0x293: {  	v4 =	vmul.f32 $5.000000000e-01, v4;
	_ =	sdelay $0x1  }
0x294: {  	(erf) = vrcp.f32 v4;
	_ =	sdelay $0x8  }
0x295: {  	v56 =	vpop (erf)  }
0x296: {  	v5 =	vmul.f32 v56, v3;
	_ =	sdelay $0x1  }
0x297: {  	v4 =	vadd.f32 v5, v4;
	_ =	sdelay $0x1  }
0x298: {  	v4 =	vmul.f32 $5.000000000e-01, v4;
	_ =	sdelay $0x1  }
0x299: {  	(erf) = vrcp.f32 v4;
	_ =	sdelay $0x8  }
0x29a: {  	v57 =	vpop (erf)  }
0x29b: {  	v5 =	vmul.f32 v57, v3;
	_ =	sdelay $0x1  }
0x29c: {  	v4 =	vadd.f32 v5, v4;
	_ =	sdelay $0x1  }
0x29d: {  	v4 =	vmul.f32 $5.000000000e-01, v4;
	_ =	sdelay $0x1  }
0x29e: {  	(erf) = vrcp.f32 v4;
	_ =	sdelay $0x8  }
0x29f: {  	v58 =	vpop (erf)  }
0x2a0: {  	v5 =	vmul.f32 v58, v3;
	_ =	sdelay $0x1  }
0x2a1: {  	v4 =	vadd.f32 v5, v4;
	_ =	sdelay $0x1  }
0x2a2: {  	v4 =	vmul.f32 $5.000000000e-01, v4;
	_ =	sdelay $0x1  }
0x2a3: {  	(erf) = vrcp.f32 v4;
	_ =	sdelay $0x8  }
0x2a4: {  	v59 =	vpop (erf)  }
0x2a5: {  	v5 =	vmul.f32 v59, v3;
	_ =	sdelay $0x1  }
0x2a6: {  	v4 =	vadd.f32 v5, v4;
	_ =	sdelay $0x1  }
0x2a7: {  	v4 =	vmul.f32 $5.000000000e-01, v4;
	_ =	sdelay $0x1  }
0x2a8: {  	(erf) = vrcp.f32 v4;
	_ =	sdelay $0x8  }
0x2a9: {  	v60 =	vpop (erf)  }
0x2aa: {  	v5 =	vmul.f32 v60, v3;
	_ =	sdelay $0x1  }
0x2ab: {  	v4 =	vadd.f32 v5, v4;
	_ =	sdelay $0x1  }
0x2ac: {  	v4 =	vmul.f32 $5.000000000e-01, v4;
	_ =	sdelay $0x1  }
0x2ad: {  	(erf) = vrcp.f32 v4;
	_ =	sdelay $0x8  }
0x2ae: {  	v61 =	vpop (erf)  }
0x2af: {  	v5 =	vmul.f32 v61, v3;
	_ =	sdelay $0x1  }
0x2b0: {  	v4 =	vadd.f32 v5, v4;
	_ =	sdelay $0x1  }
0x2b1: {  	v4 =	vmul.f32 $5.000000000e-01, v4;
	_ =	sdelay $0x1  }
0x2b2: {  	(erf) = vrcp.f32 v4;
	_ =	sdelay $0x8  }
0x2b3: {  	v62 =	vpop (erf)  }
0x2b4: {  	v5 =	vmul.f32 v62, v3;
	_ =	sdelay $0x1  }
0x2b5: {  	v4 =	vadd.f32 v5, v4;
	_ =	sdelay $0x1  }
0x2b6: {  	v4 =	vmul.f32 $5.000000000e-01, v4;
	_ =	sdelay $0x1  }
0x2b7: {  	(erf) = vrcp.f32 v4;
	_ =	sdelay $0x8  }
0x2b8: {  	v63 =	vpop (erf)  }
0x2b9: {  	v3 =	vmul.f32 v63, v3;
	_ =	sdelay $0x1  }
0x2ba: {  	v3 =	vadd.f32 v3, v4;
	_ =	sdelay $0x1  }
0x2bb: {  	v3 =	vmul.f32 $5.000000000e-01, v3;
	_ =	sdelay $0x1  }
0x2bc: {  	(erf) = vrcp.f32 v3;
	_ =	sdelay $0x8  }
0x2bd: {  	v3 =	vpop (erf)  }
0x2be: {  	s9 =	rddreg [dreg:$0xd];
	s2 =	simm.s32 $0x1C3F0;
	s1 =	simm.s32 $0xB;
	[tilespmem:s0+$0x1C3F0] =	vst v3  }
0x2bf: {  	[spmem:s9] =	stream.linear.scatter [tilespmem:s2], [sflag:$0xB], $0x190, $0x38;
	[tilespmem:$0x1C670] =	vst v63  }
0x2c0: {  	_ =	swait.ge [sflag:s1], $0x190  }
0x2c1: {  	[sflag:s1] =	ssyncset.done $0x0  }
0x2c2: {  	s18 =	rddreg [dreg:$0xe];
	[sflag:s1] =	ssyncadd.s32 $0xFFFFFE70  }
0x2c3: {  	[tilespmem:s2], [sflag:$0xB] =	stream.linear.gather [spmem:s18], $0x190, $0x38;
	[tilespmem:$0x1C670] =	vst v63  }
0x2c4: {  	_ =	swait.ge [sflag:s1], $0x190  }
0x2c5: {  	s3 =	simm.s32 $0x1C3F0;
	[sflag:s1] =	ssyncset.done $0x0  }
0x2c6: {  	s0 =	simm.s32 $0x0;
	s2 =	simm.s32 $0x40;
	[sflag:s1] =	ssyncadd.s32 $0xFFFFFE70  }
.LBB2_13:
0x2c7: {  	p4 =	sne.s32 s2, $0x600;
	v3 =	vld [tilespmem:s0+$0x1C3F0];
	_ =	sdelay $0x4  }
0x2c8: {  	v3 =	vadd.f32 $1.000000000e+00, v3;
	_ =	sdelay $0x1  }
0x2c9: {  	v4 =	vmul.f32 $2.500000000e-01, v3;
	_ =	sdelay $0x1  }
0x2ca: {  	v4 =	vadd.f32 $1.000000000e+00, v4;
	_ =	sdelay $0x1  }
0x2cb: {  	(erf) = vrcp.f32 v4;
	_ =	sdelay $0x8  }
0x2cc: {  	v5 =	vpop (erf)  }
0x2cd: {  	v5 =	vmul.f32 v5, v3;
	_ =	sdelay $0x1  }
0x2ce: {  	v4 =	vadd.f32 v5, v4;
	_ =	sdelay $0x1  }
0x2cf: {  	v4 =	vmul.f32 $5.000000000e-01, v4;
	_ =	sdelay $0x1  }
0x2d0: {  	(erf) = vrcp.f32 v4;
	_ =	sdelay $0x8  }
0x2d1: {  	v5 =	vpop (erf)  }
0x2d2: {  	v5 =	vmul.f32 v5, v3;
	_ =	sdelay $0x1  }
0x2d3: {  	v4 =	vadd.f32 v5, v4;
	_ =	sdelay $0x1  }
0x2d4: {  	v4 =	vmul.f32 $5.000000000e-01, v4;
	_ =	sdelay $0x1  }
0x2d5: {  	(erf) = vrcp.f32 v4;
	_ =	sdelay $0x8  }
0x2d6: {  	v5 =	vpop (erf)  }
0x2d7: {  	v5 =	vmul.f32 v5, v3;
	_ =	sdelay $0x1  }
0x2d8: {  	v4 =	vadd.f32 v5, v4;
	_ =	sdelay $0x1  }
0x2d9: {  	v4 =	vmul.f32 $5.000000000e-01, v4;
	_ =	sdelay $0x1  }
0x2da: {  	(erf) = vrcp.f32 v4;
	_ =	sdelay $0x8  }
0x2db: {  	v5 =	vpop (erf)  }
0x2dc: {  	v5 =	vmul.f32 v5, v3;
	_ =	sdelay $0x1  }
0x2dd: {  	v4 =	vadd.f32 v5, v4;
	_ =	sdelay $0x1  }
0x2de: {  	v4 =	vmul.f32 $5.000000000e-01, v4;
	_ =	sdelay $0x1  }
0x2df: {  	(erf) = vrcp.f32 v4;
	_ =	sdelay $0x8  }
0x2e0: {  	v5 =	vpop (erf)  }
0x2e1: {  	v5 =	vmul.f32 v5, v3;
	_ =	sdelay $0x1  }
0x2e2: {  	v4 =	vadd.f32 v5, v4;
	_ =	sdelay $0x1  }
0x2e3: {  	v4 =	vmul.f32 $5.000000000e-01, v4;
	_ =	sdelay $0x1  }
0x2e4: {  	(erf) = vrcp.f32 v4;
	_ =	sdelay $0x8  }
0x2e5: {  	v5 =	vpop (erf)  }
0x2e6: {  	v5 =	vmul.f32 v5, v3;
	_ =	sdelay $0x1  }
0x2e7: {  	v4 =	vadd.f32 v5, v4;
	_ =	sdelay $0x1  }
0x2e8: {  	v4 =	vmul.f32 $5.000000000e-01, v4;
	_ =	sdelay $0x1  }
0x2e9: {  	(erf) = vrcp.f32 v4;
	_ =	sdelay $0x8  }
0x2ea: {  	v5 =	vpop (erf)  }
0x2eb: {  	v5 =	vmul.f32 v5, v3;
	_ =	sdelay $0x1  }
0x2ec: {  	v4 =	vadd.f32 v5, v4;
	_ =	sdelay $0x1  }
0x2ed: {  	v4 =	vmul.f32 $5.000000000e-01, v4;
	_ =	sdelay $0x1  }
0x2ee: {  	(erf) = vrcp.f32 v4;
	_ =	sdelay $0x8  }
0x2ef: {  	v5 =	vpop (erf)  }
0x2f0: {  	v5 =	vmul.f32 v5, v3;
	_ =	sdelay $0x1  }
0x2f1: {  	v4 =	vadd.f32 v5, v4;
	_ =	sdelay $0x1  }
0x2f2: {  	v4 =	vmul.f32 $5.000000000e-01, v4;
	_ =	sdelay $0x1  }
0x2f3: {  	(erf) = vrcp.f32 v4;
	_ =	sdelay $0x8  }
0x2f4: {  	v5 =	vpop (erf)  }
0x2f5: {  	v5 =	vmul.f32 v5, v3;
	_ =	sdelay $0x1  }
0x2f6: {  	v4 =	vadd.f32 v5, v4;
	_ =	sdelay $0x1  }
0x2f7: {  	v4 =	vmul.f32 $5.000000000e-01, v4;
	_ =	sdelay $0x1  }
0x2f8: {  	(erf) = vrcp.f32 v4;
	_ =	sdelay $0x8  }
0x2f9: {  	v5 =	vpop (erf)  }
0x2fa: {  	v5 =	vmul.f32 v5, v3;
	_ =	sdelay $0x1  }
0x2fb: {  	v4 =	vadd.f32 v5, v4;
	_ =	sdelay $0x1  }
0x2fc: {  	v4 =	vmul.f32 $5.000000000e-01, v4;
	_ =	sdelay $0x1  }
0x2fd: {  	(erf) = vrcp.f32 v4;
	_ =	sdelay $0x8  }
0x2fe: {  	v5 =	vpop (erf)  }
0x2ff: {  	v5 =	vmul.f32 v5, v3;
	_ =	sdelay $0x1  }
0x300: {  	v4 =	vadd.f32 v5, v4;
	_ =	sdelay $0x1  }
0x301: {  	v4 =	vmul.f32 $5.000000000e-01, v4;
	_ =	sdelay $0x1  }
0x302: {  	(erf) = vrcp.f32 v4;
	_ =	sdelay $0x8  }
0x303: {  	v5 =	vpop (erf)  }
0x304: {  	v3 =	vmul.f32 v5, v3;
	_ =	sdelay $0x1  }
0x305: {  	v3 =	vadd.f32 v3, v4;
	_ =	sdelay $0x1  }
0x306: {  	v3 =	vmul.f32 $5.000000000e-01, v3;
	_ =	sdelay $0x1  }
0x307: {  	(erf) = vrcp.f32 v3;
	_ =	sdelay $0x5  }
.Ltmp9:
0x308: {  	(pc) =	sbr.rel @p4 .LBB2_13-.Ltmp9, $3  }
0x309: {  	_ =	sdelay $0x1  }
0x30a: {  	v3 =	vpop (erf)  }
0x30b: {  	[tilespmem:s0+$0x1C3F0] =	vst v3;
	s0 =	sshra.s32 s2, $0x2;
	s2 =	sadd.s32 $0x40, s2  }
0x30c: {  	v3 =	vld [tilespmem:s0+$0x1C3F0];
	_ =	sdelay $0x4  }
0x30d: {  	v3 =	vadd.f32 $1.000000000e+00, v3;
	_ =	sdelay $0x1  }
0x30e: {  	v4 =	vmul.f32 $2.500000000e-01, v3;
	_ =	sdelay $0x1  }
0x30f: {  	v4 =	vadd.f32 $1.000000000e+00, v4;
	_ =	sdelay $0x1  }
0x310: {  	(erf) = vrcp.f32 v4;
	_ =	sdelay $0x8  }
0x311: {  	v5 =	vpop (erf)  }
0x312: {  	v5 =	vmul.f32 v5, v3;
	_ =	sdelay $0x1  }
0x313: {  	v4 =	vadd.f32 v5, v4;
	_ =	sdelay $0x1  }
0x314: {  	v4 =	vmul.f32 $5.000000000e-01, v4;
	_ =	sdelay $0x1  }
0x315: {  	(erf) = vrcp.f32 v4;
	_ =	sdelay $0x8  }
0x316: {  	v53 =	vpop (erf)  }
0x317: {  	v5 =	vmul.f32 v53, v3;
	_ =	sdelay $0x1  }
0x318: {  	v4 =	vadd.f32 v5, v4;
	_ =	sdelay $0x1  }
0x319: {  	v4 =	vmul.f32 $5.000000000e-01, v4;
	_ =	sdelay $0x1  }
0x31a: {  	(erf) = vrcp.f32 v4;
	_ =	sdelay $0x8  }
0x31b: {  	v54 =	vpop (erf)  }
0x31c: {  	v5 =	vmul.f32 v54, v3;
	_ =	sdelay $0x1  }
0x31d: {  	v4 =	vadd.f32 v5, v4;
	_ =	sdelay $0x1  }
0x31e: {  	v4 =	vmul.f32 $5.000000000e-01, v4;
	_ =	sdelay $0x1  }
0x31f: {  	(erf) = vrcp.f32 v4;
	_ =	sdelay $0x8  }
0x320: {  	v55 =	vpop (erf)  }
0x321: {  	v5 =	vmul.f32 v55, v3;
	_ =	sdelay $0x1  }
0x322: {  	v4 =	vadd.f32 v5, v4;
	_ =	sdelay $0x1  }
0x323: {  	v4 =	vmul.f32 $5.000000000e-01, v4;
	_ =	sdelay $0x1  }
0x324: {  	(erf) = vrcp.f32 v4;
	_ =	sdelay $0x8  }
0x325: {  	v56 =	vpop (erf)  }
0x326: {  	v5 =	vmul.f32 v56, v3;
	_ =	sdelay $0x1  }
0x327: {  	v4 =	vadd.f32 v5, v4;
	_ =	sdelay $0x1  }
0x328: {  	v4 =	vmul.f32 $5.000000000e-01, v4;
	_ =	sdelay $0x1  }
0x329: {  	(erf) = vrcp.f32 v4;
	_ =	sdelay $0x8  }
0x32a: {  	v57 =	vpop (erf)  }
0x32b: {  	v5 =	vmul.f32 v57, v3;
	_ =	sdelay $0x1  }
0x32c: {  	v4 =	vadd.f32 v5, v4;
	_ =	sdelay $0x1  }
0x32d: {  	v4 =	vmul.f32 $5.000000000e-01, v4;
	_ =	sdelay $0x1  }
0x32e: {  	(erf) = vrcp.f32 v4;
	_ =	sdelay $0x8  }
0x32f: {  	v58 =	vpop (erf)  }
0x330: {  	v5 =	vmul.f32 v58, v3;
	_ =	sdelay $0x1  }
0x331: {  	v4 =	vadd.f32 v5, v4;
	_ =	sdelay $0x1  }
0x332: {  	v4 =	vmul.f32 $5.000000000e-01, v4;
	_ =	sdelay $0x1  }
0x333: {  	(erf) = vrcp.f32 v4;
	_ =	sdelay $0x8  }
0x334: {  	v59 =	vpop (erf)  }
0x335: {  	v5 =	vmul.f32 v59, v3;
	_ =	sdelay $0x1  }
0x336: {  	v4 =	vadd.f32 v5, v4;
	_ =	sdelay $0x1  }
0x337: {  	v4 =	vmul.f32 $5.000000000e-01, v4;
	_ =	sdelay $0x1  }
0x338: {  	(erf) = vrcp.f32 v4;
	_ =	sdelay $0x8  }
0x339: {  	v60 =	vpop (erf)  }
0x33a: {  	v5 =	vmul.f32 v60, v3;
	_ =	sdelay $0x1  }
0x33b: {  	v4 =	vadd.f32 v5, v4;
	_ =	sdelay $0x1  }
0x33c: {  	v4 =	vmul.f32 $5.000000000e-01, v4;
	_ =	sdelay $0x1  }
0x33d: {  	(erf) = vrcp.f32 v4;
	_ =	sdelay $0x8  }
0x33e: {  	v61 =	vpop (erf)  }
0x33f: {  	v5 =	vmul.f32 v61, v3;
	_ =	sdelay $0x1  }
0x340: {  	v4 =	vadd.f32 v5, v4;
	_ =	sdelay $0x1  }
0x341: {  	v4 =	vmul.f32 $5.000000000e-01, v4;
	_ =	sdelay $0x1  }
0x342: {  	(erf) = vrcp.f32 v4;
	_ =	sdelay $0x8  }
0x343: {  	v62 =	vpop (erf)  }
0x344: {  	v5 =	vmul.f32 v62, v3;
	_ =	sdelay $0x1  }
0x345: {  	v4 =	vadd.f32 v5, v4;
	_ =	sdelay $0x1  }
0x346: {  	v4 =	vmul.f32 $5.000000000e-01, v4;
	_ =	sdelay $0x1  }
0x347: {  	(erf) = vrcp.f32 v4;
	_ =	sdelay $0x8  }
0x348: {  	v63 =	vpop (erf)  }
0x349: {  	v3 =	vmul.f32 v63, v3;
	_ =	sdelay $0x1  }
0x34a: {  	v3 =	vadd.f32 v3, v4;
	_ =	sdelay $0x1  }
0x34b: {  	v3 =	vmul.f32 $5.000000000e-01, v3;
	_ =	sdelay $0x1  }
0x34c: {  	(erf) = vrcp.f32 v3;
	_ =	sdelay $0x8  }
0x34d: {  	v3 =	vpop (erf)  }
0x34e: {  	s9 =	rddreg [dreg:$0xe];
	s18 =	simm.s32 $0xB;
	[tilespmem:s0+$0x1C3F0] =	vst v3  }
0x34f: {  	[spmem:s9] =	stream.linear.scatter [tilespmem:s3], [sflag:$0xB], $0x190, $0x38;
	[tilespmem:$0x1C670] =	vst v63  }
0x350: {  	_ =	swait.ge [sflag:s18], $0x190  }
0x351: {  	[sflag:s18] =	ssyncset.done $0x0  }
0x352: {  	[sflag:s18] =	ssyncadd.s32 $0xFFFFFE70  }
.LBB2_15:
.Ltmp10:
0x353: {  	(pc) =	sbr.rel .LBB2_16-.Ltmp10, $3  }
0x354: {  	_ =	sdelay $0x1  }
0x355: {  	[bflag:$0x0] =	sbarrier.arrive $0xFFFF  }
0x356: {  	s5 =	simm.s32 $0x0  }
.LBB2_22:
0x357: {  	s5 =	sadd.s32 $0x1, s5  }
0x358: {  	p4 =	sne.s32 s5, $0x4F  }
.Ltmp11:
0x359: {  	_ = 	snop;
	(pc) =	sbr.rel @!p4 .LBB2_23-.Ltmp11, $1  }
0x35a: {  	_ =	sdelay $0x3  }
.LBB2_16:
0x35b: {  	s0 =	sshll.u32 s5, $0x5  }
0x35c: {  	s2 =	sor.u32 s11, s0  }
0x35d: {  	p4 =	sgt.u32 s2, $0x9C3  }
.Ltmp12:
0x35e: {  	_ = 	snop;
	(pc) =	sbr.rel @p4 .LBB2_22-.Ltmp12, $1  }
0x35f: {  	_ =	sdelay $0x3  }
0x360: {  	s3 =	sshll.u32 s2, $0x4;
	s0 =	rddreg [dreg:$0x1];
	s18 =	simm.s32 $0x13F70  }
0x361: {  	s1 =	rddreg [dreg:$0x2];
	s9 =	sadd.s32 s0, s3;
	s0 =	simm.s32 $0x0  }
0x362: {  	[tilespmem:s18], [sflag:$0x5] =	stream.linear.gather [hbm4b:s9+s0], $0x80, $0x38;
	[tilespmem:$0x1C670] =	vst v63  }
0x363: {  	s15 =	simm.s32 $0x13FF0;
	s1 =	sadd.s32 s1, s3;
	s9 =	rddreg [dreg:$0x4]  }
0x364: {  	[tilespmem:s15], [sflag:$0x6] =	stream.linear.gather [hbm4b:s1+s0], $0x80, $0x38;
	[tilespmem:$0x1C670] =	vst v63  }
0x365: {  	s3 =	sadd.s32 s9, s3;
	s9 =	simm.s32 $0x14170  }
0x366: {  	[tilespmem:s9], [sflag:$0x7] =	stream.linear.gather [hbm4b:s3+s0], $0x80, $0x38;
	[tilespmem:$0x1C670] =	vst v63  }
0x367: {  	s1 =	sshll.u32 s2, $0xB;
	s3 =	rddreg [dreg:$0x3]  }
0x368: {  	s9 =	simm.s32 $0x18370;
	s2 =	sadd.s32 s3, s1  }
0x369: {  	[tilespmem:s9], [sflag:$0x8] =	stream.linear.gather [hbm4b:s2+s0], $0x4000, $0x38;
	[tilespmem:$0x1C670] =	vst v63  }
0x36a: {  	_ =	swait.ge [sflag:s16], $0x80  }
0x36b: {  	[sflag:s16] =	ssyncset.done $0x0  }
0x36c: {  	[sflag:s16] =	ssyncadd.s32 $0xFFFFFF80  }
0x36d: {  	s2 =	rddreg [dreg:$0x0]  }
0x36e: {  	[tilespmem:s13], [sflag:$0x9] =	stream.indirect.gather [hbm4b:s2+s26], $0x80, s18, s26, $0xb8;
	[tilespmem:$0x1C670] =	vst v63  }
0x36f: {  	s3 =	simm.s32 $0x13FB0;
	s9 =	simm.s32 $0x16370  }
0x370: {  	[tilespmem:s9], [sflag:$0x5] =	stream.indirect.gather [hbm4b:s2+s26], $0x80, s3, s26, $0xb8;
	[tilespmem:$0x1C670] =	vst v63  }
0x371: {  	s1 =	simm.s32 $0x80;
	s3 =	simm.s32 $0x141F0;
	s9 =	simm.s32 $0x6  }
0x372: {  	[tilespmem:s3], [sflag:$0xA] =	stream.indirect.gather [spmem:s7], $0x1, s18, s1, $0xb8;
	[tilespmem:$0x1C670] =	vst v63  }
0x373: {  	_ =	swait.ge [sflag:s9], $0x80  }
0x374: {  	[sflag:s9] =	ssyncset.done $0x0  }
0x375: {  	s14 =	simm.s32 $0x14270;
	[sflag:s9] =	ssyncadd.s32 $0xFFFFFF80  }
0x376: {  	[tilespmem:s14], [sflag:$0x3] =	stream.indirect.gather [spmem:s8], $0x1, s15, s1, $0xb8;
	[tilespmem:$0x1C670] =	vst v63  }
0x377: {  	v3 =	vld [tilespmem:$0x13FF0]  }
0x378: {  	v4 =	vld [tilespmem:$0x14000]  }
0x379: {  	v5 =	vld [tilespmem:$0x14010]  }
0x37a: {  	v6 =	vld [tilespmem:$0x14020]  }
0x37b: {  	v7 =	vld [tilespmem:$0x14030]  }
0x37c: {  	[tilespmem:$0x14070] =	vst v3;
	v3 =	vld [tilespmem:$0x14040]  }
0x37d: {  	[tilespmem:$0x14080] =	vst v4;
	v4 =	vld [tilespmem:$0x14050]  }
0x37e: {  	[tilespmem:$0x14090] =	vst v5;
	v5 =	vld [tilespmem:$0x14060]  }
0x37f: {  	[tilespmem:$0x140A0] =	vst v6  }
0x380: {  	[tilespmem:$0x140F0] =	vst v7  }
0x381: {  	[tilespmem:$0x14100] =	vst v3  }
0x382: {  	[tilespmem:$0x14110] =	vst v4  }
0x383: {  	s14 =	simm.s32 $0x7;
	[tilespmem:$0x14120] =	vst v5  }
0x384: {  	_ =	swait.ge [sflag:s14], $0x80  }
0x385: {  	[sflag:s14] =	ssyncset.done $0x0  }
0x386: {  	s18 =	simm.s32 $0xA;
	[sflag:s14] =	ssyncadd.s32 $0xFFFFFF80  }
0x387: {  	_ =	swait.ge [sflag:s18], $0x80  }
0x388: {  	[sflag:s18] =	ssyncset.done $0x0  }
0x389: {  	[sflag:s18] =	ssyncadd.s32 $0xFFFFFF80  }
0x38a: {  	_ =	swait.ge [sflag:s29], $0x80  }
0x38b: {  	[sflag:s29] =	ssyncset.done $0x0  }
0x38c: {  	[sflag:s29] =	ssyncadd.s32 $0xFFFFFF80  }
0x38d: {  	v3 =	vld [tilespmem:$0x141F0]  }
0x38e: {  	v4 =	vld [tilespmem:$0x14270]  }
0x38f: {  	v5 =	vld [tilespmem:$0x14170]  }
0x390: {  	v6 =	vld [tilespmem:$0x14200]  }
0x391: {  	v7 =	vld [tilespmem:$0x14280]  }
0x392: {  	v8 =	vld [tilespmem:$0x14180]  }
0x393: {  	v9 =	vld [tilespmem:$0x14210]  }
0x394: {  	v10 =	vld [tilespmem:$0x14290]  }
0x395: {  	v11 =	vld [tilespmem:$0x14190]  }
0x396: {  	v12 =	vld [tilespmem:$0x14220]  }
0x397: {  	v13 =	vld [tilespmem:$0x142A0]  }
0x398: {  	v14 =	vld [tilespmem:$0x141A0]  }
0x399: {  	v15 =	vld [tilespmem:$0x14230]  }
0x39a: {  	v16 =	vld [tilespmem:$0x142B0]  }
0x39b: {  	v17 =	vld [tilespmem:$0x141B0]  }
0x39c: {  	v18 =	vld [tilespmem:$0x14240]  }
0x39d: {  	v19 =	vld [tilespmem:$0x142C0]  }
0x39e: {  	v20 =	vld [tilespmem:$0x141C0]  }
0x39f: {  	v21 =	vld [tilespmem:$0x14250]  }
0x3a0: {  	v61 =	vld [tilespmem:$0x142E0];
	v3 =	vmul.f32 v4, v3  }
0x3a1: {  	v4 =	vld [tilespmem:$0x142D0];
	v6 =	vmul.f32 v7, v6  }
0x3a2: {  	v7 =	vld [tilespmem:$0x14260];
	v3 =	vmul.f32 v5, v3;
	v5 =	vmul.f32 v10, v9  }
0x3a3: {  	v62 =	vld [tilespmem:$0x141D0];
	v6 =	vmul.f32 v8, v6;
	v8 =	vmul.f32 v13, v12  }
0x3a4: {  	v63 =	vld [tilespmem:$0x141E0];
	[tilespmem:$0x142F0] =	vst v3;
	v3 =	vmul.f32 v11, v5;
	v5 =	vmul.f32 v16, v15  }
0x3a5: {  	[tilespmem:$0x14300] =	vst v6;
	v6 =	vmul.f32 v14, v8;
	v8 =	vmul.f32 v19, v18  }
0x3a6: {  	v4 =	vmul.f32 v4, v21;
	[tilespmem:$0x14310] =	vst v3;
	v3 =	vmul.f32 v17, v5  }
0x3a7: {  	[tilespmem:$0x14320] =	vst v6;
	v5 =	vmul.f32 v20, v8;
	v6 =	vmul.f32 v61, v7  }
0x3a8: {  	[tilespmem:$0x14330] =	vst v3;
	v3 =	vmul.f32 v62, v4  }
0x3a9: {  	[tilespmem:$0x14340] =	vst v5;
	v4 =	vmul.f32 v63, v6  }
0x3aa: {  	[tilespmem:$0x14350] =	vst v3  }
0x3ab: {  	[tilespmem:$0x14360] =	vst v4  }
0x3ac: {  	_ =	swait.ge [sflag:s12], $0x4000  }
0x3ad: {  	[sflag:s12] =	ssyncset.done $0x0  }
0x3ae: {  	[sflag:s12] =	ssyncadd.s32 $0xFFFFC000  }
0x3af: {  	v4 =	vmov s0;
	_ =	swait.ge [sflag:s19], $0x2000  }
0x3b0: {  	[sflag:s19] =	ssyncset.done $0x0  }
0x3b1: {  	s9 =	simm.s32 $0x183B0;
	[sflag:s19] =	ssyncadd.s32 $0xFFFFE000  }
0x3b2: {  	s18 =	simm.s32 $0x143B0;
	v5 =	vld [tilespmem:s9+$0xFFFFFFC0]  }
0x3b3: {  	s2 =	simm.s32 $0x183B0;
	s15 =	simm.s32 $0x14270;
	s0 =	simm.s32 $0x1;
	v6 =	vld [tilespmem:s18+$0xFFFFFFC0]  }
.LBB2_18:
0x3b4: {  	p4 =	sne.s32 s0, $0x3F;
	v3 =	vld.idx.msk [tilespmem:v4+s4+$0x0], $0xffff;
	_ =	sdelay $0x3  }
0x3b5: {  	v4 =	vadd.f32 v5, v6;
	_ =	sdelay $0x1  }
0x3b6: {  	v5 =	vmul.f32 v4, v4;
	_ =	sdelay $0x1  }
0x3b7: {  	v5 =	vmul.f32 $7.135481390e-02, v5;
	_ =	sdelay $0x1  }
0x3b8: {  	v5 =	vadd.f32 $1.595769170e+00, v5;
	_ =	sdelay $0x1  }
0x3b9: {  	v5 =	vmul.f32 v5, v4;
	_ =	sdelay $0x1  }
0x3ba: {  	v5 =	vmul.f32 $1.442695020e+00, v5;
	_ =	sdelay $0x1  }
0x3bb: {  	(erf) = vpow2.f32 v5;
	_ =	sdelay $0x8  }
0x3bc: {  	v5 =	vpop (erf)  }
0x3bd: {  	v5 =	vadd.f32 $1.000000000e+00, v5;
	_ =	sdelay $0x1  }
0x3be: {  	(erf) = vrcp.f32 v5;
	_ =	sdelay $0x8  }
0x3bf: {  	v5 =	vpop (erf)  }
0x3c0: {  	v5 =	vmul.f32 v5, v4;
	_ =	sdelay $0x1  }
0x3c1: {  	v4 =	vsub.f32 v4, v5;
	_ =	sdelay $0x1  }
0x3c2: {  	v4 =	vmul.f32 v4, v3;
	_ =	sdelay $0x1  }
0x3c3: {  	[tilespmem:s9+$0xFFFFFFC0] =	vst v4;
	v4 =	vld [tilespmem:s9+$0xFFFFFFD0]  }
0x3c4: {  	v5 =	vld [tilespmem:s18+$0xFFFFFFD0];
	_ =	sdelay $0x4  }
0x3c5: {  	v4 =	vadd.f32 v4, v5;
	_ =	sdelay $0x1  }
0x3c6: {  	v5 =	vmul.f32 v4, v4;
	_ =	sdelay $0x1  }
0x3c7: {  	v5 =	vmul.f32 $7.135481390e-02, v5;
	_ =	sdelay $0x1  }
0x3c8: {  	v5 =	vadd.f32 $1.595769170e+00, v5;
	_ =	sdelay $0x1  }
0x3c9: {  	v5 =	vmul.f32 v5, v4;
	_ =	sdelay $0x1  }
0x3ca: {  	v5 =	vmul.f32 $1.442695020e+00, v5;
	_ =	sdelay $0x1  }
0x3cb: {  	(erf) = vpow2.f32 v5;
	_ =	sdelay $0x8  }
0x3cc: {  	v5 =	vpop (erf)  }
0x3cd: {  	v5 =	vadd.f32 $1.000000000e+00, v5;
	_ =	sdelay $0x1  }
0x3ce: {  	(erf) = vrcp.f32 v5;
	_ =	sdelay $0x8  }
0x3cf: {  	v5 =	vpop (erf)  }
0x3d0: {  	v5 =	vmul.f32 v5, v4;
	_ =	sdelay $0x1  }
0x3d1: {  	v4 =	vsub.f32 v4, v5;
	_ =	sdelay $0x1  }
0x3d2: {  	v4 =	vmul.f32 v4, v3;
	_ =	sdelay $0x1  }
0x3d3: {  	[tilespmem:s9+$0xFFFFFFD0] =	vst v4;
	v4 =	vld [tilespmem:s9+$0xFFFFFFE0]  }
0x3d4: {  	v5 =	vld [tilespmem:s18+$0xFFFFFFE0];
	_ =	sdelay $0x4  }
0x3d5: {  	v4 =	vadd.f32 v4, v5;
	_ =	sdelay $0x1  }
0x3d6: {  	v5 =	vmul.f32 v4, v4;
	_ =	sdelay $0x1  }
0x3d7: {  	v5 =	vmul.f32 $7.135481390e-02, v5;
	_ =	sdelay $0x1  }
0x3d8: {  	v5 =	vadd.f32 $1.595769170e+00, v5;
	_ =	sdelay $0x1  }
0x3d9: {  	v5 =	vmul.f32 v5, v4;
	_ =	sdelay $0x1  }
0x3da: {  	v5 =	vmul.f32 $1.442695020e+00, v5;
	_ =	sdelay $0x1  }
0x3db: {  	(erf) = vpow2.f32 v5;
	_ =	sdelay $0x8  }
0x3dc: {  	v5 =	vpop (erf)  }
0x3dd: {  	v5 =	vadd.f32 $1.000000000e+00, v5;
	_ =	sdelay $0x1  }
0x3de: {  	(erf) = vrcp.f32 v5;
	_ =	sdelay $0x8  }
0x3df: {  	v5 =	vpop (erf)  }
0x3e0: {  	v5 =	vmul.f32 v5, v4;
	_ =	sdelay $0x1  }
0x3e1: {  	v4 =	vsub.f32 v4, v5;
	_ =	sdelay $0x1  }
0x3e2: {  	v4 =	vmul.f32 v4, v3;
	_ =	sdelay $0x1  }
0x3e3: {  	[tilespmem:s9+$0xFFFFFFE0] =	vst v4;
	v4 =	vld [tilespmem:s9+$0xFFFFFFF0]  }
0x3e4: {  	v5 =	vld [tilespmem:s18+$0xFFFFFFF0];
	_ =	sdelay $0x4  }
0x3e5: {  	v4 =	vadd.f32 v4, v5;
	_ =	sdelay $0x1  }
0x3e6: {  	v5 =	vmul.f32 v4, v4;
	_ =	sdelay $0x1  }
0x3e7: {  	v5 =	vmul.f32 $7.135481390e-02, v5;
	_ =	sdelay $0x1  }
0x3e8: {  	v5 =	vadd.f32 $1.595769170e+00, v5;
	_ =	sdelay $0x1  }
0x3e9: {  	v5 =	vmul.f32 v5, v4;
	_ =	sdelay $0x1  }
0x3ea: {  	v5 =	vmul.f32 $1.442695020e+00, v5;
	_ =	sdelay $0x1  }
0x3eb: {  	(erf) = vpow2.f32 v5;
	_ =	sdelay $0x8  }
0x3ec: {  	v5 =	vpop (erf)  }
0x3ed: {  	v5 =	vadd.f32 $1.000000000e+00, v5;
	_ =	sdelay $0x1  }
0x3ee: {  	(erf) = vrcp.f32 v5;
	_ =	sdelay $0x8  }
0x3ef: {  	v5 =	vpop (erf)  }
0x3f0: {  	v5 =	vmul.f32 v5, v4;
	_ =	sdelay $0x1  }
0x3f1: {  	v4 =	vsub.f32 v4, v5;
	_ =	sdelay $0x1  }
0x3f2: {  	v4 =	vmul.f32 v4, v3;
	_ =	sdelay $0x1  }
0x3f3: {  	[tilespmem:s9+$0xFFFFFFF0] =	vst v4;
	v4 =	vld [tilespmem:s9+$0x0]  }
0x3f4: {  	v5 =	vld [tilespmem:s18+$0x0];
	_ =	sdelay $0x4  }
0x3f5: {  	v4 =	vadd.f32 v4, v5;
	_ =	sdelay $0x1  }
0x3f6: {  	v5 =	vmul.f32 v4, v4;
	_ =	sdelay $0x1  }
0x3f7: {  	v5 =	vmul.f32 $7.135481390e-02, v5;
	_ =	sdelay $0x1  }
0x3f8: {  	v5 =	vadd.f32 $1.595769170e+00, v5;
	_ =	sdelay $0x1  }
0x3f9: {  	v5 =	vmul.f32 v5, v4;
	_ =	sdelay $0x1  }
0x3fa: {  	v5 =	vmul.f32 $1.442695020e+00, v5;
	_ =	sdelay $0x1  }
0x3fb: {  	(erf) = vpow2.f32 v5;
	_ =	sdelay $0x8  }
0x3fc: {  	v5 =	vpop (erf)  }
0x3fd: {  	v5 =	vadd.f32 $1.000000000e+00, v5;
	_ =	sdelay $0x1  }
0x3fe: {  	(erf) = vrcp.f32 v5;
	_ =	sdelay $0x8  }
0x3ff: {  	v5 =	vpop (erf)  }
0x400: {  	v5 =	vmul.f32 v5, v4;
	_ =	sdelay $0x1  }
0x401: {  	v4 =	vsub.f32 v4, v5;
	_ =	sdelay $0x1  }
0x402: {  	v4 =	vmul.f32 v4, v3;
	_ =	sdelay $0x1  }
0x403: {  	[tilespmem:s9+$0x0] =	vst v4;
	v4 =	vld [tilespmem:s9+$0x10]  }
0x404: {  	v5 =	vld [tilespmem:s18+$0x10];
	_ =	sdelay $0x4  }
0x405: {  	v4 =	vadd.f32 v4, v5;
	_ =	sdelay $0x1  }
0x406: {  	v5 =	vmul.f32 v4, v4;
	_ =	sdelay $0x1  }
0x407: {  	v5 =	vmul.f32 $7.135481390e-02, v5;
	_ =	sdelay $0x1  }
0x408: {  	v5 =	vadd.f32 $1.595769170e+00, v5;
	_ =	sdelay $0x1  }
0x409: {  	v5 =	vmul.f32 v5, v4;
	_ =	sdelay $0x1  }
0x40a: {  	v5 =	vmul.f32 $1.442695020e+00, v5;
	_ =	sdelay $0x1  }
0x40b: {  	(erf) = vpow2.f32 v5;
	_ =	sdelay $0x8  }
0x40c: {  	v5 =	vpop (erf)  }
0x40d: {  	v5 =	vadd.f32 $1.000000000e+00, v5;
	_ =	sdelay $0x1  }
0x40e: {  	(erf) = vrcp.f32 v5;
	_ =	sdelay $0x8  }
0x40f: {  	v5 =	vpop (erf)  }
0x410: {  	v5 =	vmul.f32 v5, v4;
	_ =	sdelay $0x1  }
0x411: {  	v4 =	vsub.f32 v4, v5;
	_ =	sdelay $0x1  }
0x412: {  	v4 =	vmul.f32 v4, v3;
	_ =	sdelay $0x1  }
0x413: {  	[tilespmem:s9+$0x10] =	vst v4;
	v4 =	vld [tilespmem:s9+$0x20]  }
0x414: {  	v5 =	vld [tilespmem:s18+$0x20];
	_ =	sdelay $0x4  }
0x415: {  	v4 =	vadd.f32 v4, v5;
	_ =	sdelay $0x1  }
0x416: {  	v5 =	vmul.f32 v4, v4;
	_ =	sdelay $0x1  }
0x417: {  	v5 =	vmul.f32 $7.135481390e-02, v5;
	_ =	sdelay $0x1  }
0x418: {  	v5 =	vadd.f32 $1.595769170e+00, v5;
	_ =	sdelay $0x1  }
0x419: {  	v5 =	vmul.f32 v5, v4;
	_ =	sdelay $0x1  }
0x41a: {  	v5 =	vmul.f32 $1.442695020e+00, v5;
	_ =	sdelay $0x1  }
0x41b: {  	(erf) = vpow2.f32 v5;
	_ =	sdelay $0x8  }
0x41c: {  	v5 =	vpop (erf)  }
0x41d: {  	v5 =	vadd.f32 $1.000000000e+00, v5;
	_ =	sdelay $0x1  }
0x41e: {  	(erf) = vrcp.f32 v5;
	_ =	sdelay $0x8  }
0x41f: {  	v5 =	vpop (erf)  }
0x420: {  	v5 =	vmul.f32 v5, v4;
	_ =	sdelay $0x1  }
0x421: {  	v4 =	vsub.f32 v4, v5;
	_ =	sdelay $0x1  }
0x422: {  	v4 =	vmul.f32 v4, v3;
	_ =	sdelay $0x1  }
0x423: {  	[tilespmem:s9+$0x20] =	vst v4;
	v4 =	vld [tilespmem:s9+$0x30]  }
0x424: {  	v5 =	vld [tilespmem:s18+$0x30];
	_ =	sdelay $0x4  }
0x425: {  	v4 =	vadd.f32 v4, v5;
	_ =	sdelay $0x1  }
0x426: {  	v5 =	vmul.f32 v4, v4;
	_ =	sdelay $0x1  }
0x427: {  	v5 =	vmul.f32 $7.135481390e-02, v5;
	_ =	sdelay $0x1  }
0x428: {  	v5 =	vadd.f32 $1.595769170e+00, v5;
	_ =	sdelay $0x1  }
0x429: {  	v5 =	vmul.f32 v5, v4;
	_ =	sdelay $0x1  }
0x42a: {  	v5 =	vmul.f32 $1.442695020e+00, v5;
	_ =	sdelay $0x1  }
0x42b: {  	(erf) = vpow2.f32 v5;
	_ =	sdelay $0x8  }
0x42c: {  	v5 =	vpop (erf)  }
0x42d: {  	v5 =	vadd.f32 $1.000000000e+00, v5;
	_ =	sdelay $0x1  }
0x42e: {  	(erf) = vrcp.f32 v5;
	_ =	sdelay $0x8  }
0x42f: {  	v5 =	vpop (erf)  }
0x430: {  	v5 =	vmul.f32 v5, v4;
	_ =	sdelay $0x1  }
0x431: {  	v5 =	vsub.f32 v4, v5  }
.Ltmp13:
0x432: {  	v4 =	vmov s0;
	(pc) =	sbr.rel @p4 .LBB2_18-.Ltmp13, $4  }
0x433: {  	v3 =	vmul.f32 v5, v3  }
0x434: {  	s9 =	sadd.s32 $0x80, s9  }
0x435: {  	s18 =	sadd.s32 $0x80, s18;
	v5 =	vld [tilespmem:s9+$0xFFFFFFC0];
	[tilespmem:s2+$0x30] =	vst v3;
	s2 =	smov.u32 s9  }
0x436: {  	s0 =	sadd.s32 $0x1, s0;
	v6 =	vld [tilespmem:s18+$0xFFFFFFC0]  }
0x437: {  	_ =	sdelay $0x3  }
0x438: {  	v3 =	vadd.f32 v5, v6;
	_ =	sdelay $0x1  }
0x439: {  	v5 =	vmul.f32 v3, v3;
	_ =	sdelay $0x1  }
0x43a: {  	v5 =	vmul.f32 $7.135481390e-02, v5;
	_ =	sdelay $0x1  }
0x43b: {  	v5 =	vadd.f32 $1.595769170e+00, v5;
	_ =	sdelay $0x1  }
0x43c: {  	v5 =	vmul.f32 v5, v3;
	_ =	sdelay $0x1  }
0x43d: {  	v5 =	vmul.f32 $1.442695020e+00, v5;
	_ =	sdelay $0x1  }
0x43e: {  	(erf) = vpow2.f32 v5;
	_ =	sdelay $0x8  }
0x43f: {  	v5 =	vpop (erf)  }
0x440: {  	v5 =	vadd.f32 $1.000000000e+00, v5;
	_ =	sdelay $0x1  }
0x441: {  	(erf) = vrcp.f32 v5;
	_ =	sdelay $0x8  }
0x442: {  	v4 =	vld.idx.msk [tilespmem:v4+s4+$0x0], $0xffff;
	v5 =	vpop (erf)  }
0x443: {  	v5 =	vmul.f32 v5, v3;
	_ =	sdelay $0x1  }
0x444: {  	v3 =	vsub.f32 v3, v5;
	_ =	sdelay $0x1  }
0x445: {  	v3 =	vmul.f32 v3, v4;
	_ =	sdelay $0x1  }
0x446: {  	[tilespmem:s9+$0xFFFFFFC0] =	vst v3;
	v3 =	vld [tilespmem:s9+$0xFFFFFFD0]  }
0x447: {  	v5 =	vld [tilespmem:s18+$0xFFFFFFD0];
	_ =	sdelay $0x4  }
0x448: {  	v3 =	vadd.f32 v3, v5;
	_ =	sdelay $0x1  }
0x449: {  	v5 =	vmul.f32 v3, v3;
	_ =	sdelay $0x1  }
0x44a: {  	v5 =	vmul.f32 $7.135481390e-02, v5;
	_ =	sdelay $0x1  }
0x44b: {  	v5 =	vadd.f32 $1.595769170e+00, v5;
	_ =	sdelay $0x1  }
0x44c: {  	v5 =	vmul.f32 v5, v3;
	_ =	sdelay $0x1  }
0x44d: {  	v5 =	vmul.f32 $1.442695020e+00, v5;
	_ =	sdelay $0x1  }
0x44e: {  	(erf) = vpow2.f32 v5;
	_ =	sdelay $0x8  }
0x44f: {  	v5 =	vpop (erf)  }
0x450: {  	v5 =	vadd.f32 $1.000000000e+00, v5;
	_ =	sdelay $0x1  }
0x451: {  	(erf) = vrcp.f32 v5;
	_ =	sdelay $0x8  }
0x452: {  	v5 =	vpop (erf)  }
0x453: {  	v5 =	vmul.f32 v5, v3;
	_ =	sdelay $0x1  }
0x454: {  	v3 =	vsub.f32 v3, v5;
	_ =	sdelay $0x1  }
0x455: {  	v3 =	vmul.f32 v3, v4;
	_ =	sdelay $0x1  }
0x456: {  	[tilespmem:s9+$0xFFFFFFD0] =	vst v3;
	v3 =	vld [tilespmem:s9+$0xFFFFFFE0]  }
0x457: {  	v5 =	vld [tilespmem:s18+$0xFFFFFFE0];
	_ =	sdelay $0x4  }
0x458: {  	v3 =	vadd.f32 v3, v5;
	_ =	sdelay $0x1  }
0x459: {  	v5 =	vmul.f32 v3, v3;
	_ =	sdelay $0x1  }
0x45a: {  	v5 =	vmul.f32 $7.135481390e-02, v5;
	_ =	sdelay $0x1  }
0x45b: {  	v5 =	vadd.f32 $1.595769170e+00, v5;
	_ =	sdelay $0x1  }
0x45c: {  	v5 =	vmul.f32 v5, v3;
	_ =	sdelay $0x1  }
0x45d: {  	v5 =	vmul.f32 $1.442695020e+00, v5;
	_ =	sdelay $0x1  }
0x45e: {  	(erf) = vpow2.f32 v5;
	_ =	sdelay $0x8  }
0x45f: {  	v5 =	vpop (erf)  }
0x460: {  	v5 =	vadd.f32 $1.000000000e+00, v5;
	_ =	sdelay $0x1  }
0x461: {  	(erf) = vrcp.f32 v5;
	_ =	sdelay $0x8  }
0x462: {  	v5 =	vpop (erf)  }
0x463: {  	v5 =	vmul.f32 v5, v3;
	_ =	sdelay $0x1  }
0x464: {  	v3 =	vsub.f32 v3, v5;
	_ =	sdelay $0x1  }
0x465: {  	v3 =	vmul.f32 v3, v4;
	_ =	sdelay $0x1  }
0x466: {  	[tilespmem:s9+$0xFFFFFFE0] =	vst v3;
	v3 =	vld [tilespmem:s9+$0xFFFFFFF0]  }
0x467: {  	v5 =	vld [tilespmem:s18+$0xFFFFFFF0];
	_ =	sdelay $0x4  }
0x468: {  	v3 =	vadd.f32 v3, v5;
	_ =	sdelay $0x1  }
0x469: {  	v5 =	vmul.f32 v3, v3;
	_ =	sdelay $0x1  }
0x46a: {  	v5 =	vmul.f32 $7.135481390e-02, v5;
	_ =	sdelay $0x1  }
0x46b: {  	v5 =	vadd.f32 $1.595769170e+00, v5;
	_ =	sdelay $0x1  }
0x46c: {  	v5 =	vmul.f32 v5, v3;
	_ =	sdelay $0x1  }
0x46d: {  	v5 =	vmul.f32 $1.442695020e+00, v5;
	_ =	sdelay $0x1  }
0x46e: {  	(erf) = vpow2.f32 v5;
	_ =	sdelay $0x8  }
0x46f: {  	v5 =	vpop (erf)  }
0x470: {  	v5 =	vadd.f32 $1.000000000e+00, v5;
	_ =	sdelay $0x1  }
0x471: {  	(erf) = vrcp.f32 v5;
	_ =	sdelay $0x8  }
0x472: {  	v5 =	vpop (erf)  }
0x473: {  	v5 =	vmul.f32 v5, v3;
	_ =	sdelay $0x1  }
0x474: {  	v3 =	vsub.f32 v3, v5;
	_ =	sdelay $0x1  }
0x475: {  	v3 =	vmul.f32 v3, v4;
	_ =	sdelay $0x1  }
0x476: {  	[tilespmem:s9+$0xFFFFFFF0] =	vst v3;
	v3 =	vld [tilespmem:s9+$0x0]  }
0x477: {  	v5 =	vld [tilespmem:s18+$0x0];
	_ =	sdelay $0x4  }
0x478: {  	v3 =	vadd.f32 v3, v5;
	_ =	sdelay $0x1  }
0x479: {  	v5 =	vmul.f32 v3, v3;
	_ =	sdelay $0x1  }
0x47a: {  	v5 =	vmul.f32 $7.135481390e-02, v5;
	_ =	sdelay $0x1  }
0x47b: {  	v5 =	vadd.f32 $1.595769170e+00, v5;
	_ =	sdelay $0x1  }
0x47c: {  	v5 =	vmul.f32 v5, v3;
	_ =	sdelay $0x1  }
0x47d: {  	v5 =	vmul.f32 $1.442695020e+00, v5;
	_ =	sdelay $0x1  }
0x47e: {  	(erf) = vpow2.f32 v5;
	_ =	sdelay $0x8  }
0x47f: {  	v5 =	vpop (erf)  }
0x480: {  	v5 =	vadd.f32 $1.000000000e+00, v5;
	_ =	sdelay $0x1  }
0x481: {  	(erf) = vrcp.f32 v5;
	_ =	sdelay $0x8  }
0x482: {  	v5 =	vpop (erf)  }
0x483: {  	v5 =	vmul.f32 v5, v3;
	_ =	sdelay $0x1  }
0x484: {  	v3 =	vsub.f32 v3, v5;
	_ =	sdelay $0x1  }
0x485: {  	v3 =	vmul.f32 v3, v4;
	_ =	sdelay $0x1  }
0x486: {  	[tilespmem:s9+$0x0] =	vst v3;
	v3 =	vld [tilespmem:s9+$0x10]  }
0x487: {  	v5 =	vld [tilespmem:s18+$0x10];
	_ =	sdelay $0x4  }
0x488: {  	v3 =	vadd.f32 v3, v5;
	_ =	sdelay $0x1  }
0x489: {  	v5 =	vmul.f32 v3, v3;
	_ =	sdelay $0x1  }
0x48a: {  	v5 =	vmul.f32 $7.135481390e-02, v5;
	_ =	sdelay $0x1  }
0x48b: {  	v5 =	vadd.f32 $1.595769170e+00, v5;
	_ =	sdelay $0x1  }
0x48c: {  	v5 =	vmul.f32 v5, v3;
	_ =	sdelay $0x1  }
0x48d: {  	v5 =	vmul.f32 $1.442695020e+00, v5;
	_ =	sdelay $0x1  }
0x48e: {  	(erf) = vpow2.f32 v5;
	_ =	sdelay $0x8  }
0x48f: {  	v5 =	vpop (erf)  }
0x490: {  	v5 =	vadd.f32 $1.000000000e+00, v5;
	_ =	sdelay $0x1  }
0x491: {  	(erf) = vrcp.f32 v5;
	_ =	sdelay $0x8  }
0x492: {  	v5 =	vpop (erf)  }
0x493: {  	v5 =	vmul.f32 v5, v3;
	_ =	sdelay $0x1  }
0x494: {  	v3 =	vsub.f32 v3, v5;
	_ =	sdelay $0x1  }
0x495: {  	v3 =	vmul.f32 v3, v4;
	_ =	sdelay $0x1  }
0x496: {  	[tilespmem:s9+$0x10] =	vst v3;
	v3 =	vld [tilespmem:s9+$0x20]  }
0x497: {  	v5 =	vld [tilespmem:s18+$0x20];
	_ =	sdelay $0x4  }
0x498: {  	v3 =	vadd.f32 v3, v5;
	_ =	sdelay $0x1  }
0x499: {  	v5 =	vmul.f32 v3, v3;
	_ =	sdelay $0x1  }
0x49a: {  	v5 =	vmul.f32 $7.135481390e-02, v5;
	_ =	sdelay $0x1  }
0x49b: {  	v5 =	vadd.f32 $1.595769170e+00, v5;
	_ =	sdelay $0x1  }
0x49c: {  	v5 =	vmul.f32 v5, v3;
	_ =	sdelay $0x1  }
0x49d: {  	v5 =	vmul.f32 $1.442695020e+00, v5;
	_ =	sdelay $0x1  }
0x49e: {  	(erf) = vpow2.f32 v5;
	_ =	sdelay $0x8  }
0x49f: {  	v5 =	vpop (erf)  }
0x4a0: {  	v5 =	vadd.f32 $1.000000000e+00, v5;
	_ =	sdelay $0x1  }
0x4a1: {  	(erf) = vrcp.f32 v5;
	_ =	sdelay $0x8  }
0x4a2: {  	v5 =	vpop (erf)  }
0x4a3: {  	v5 =	vmul.f32 v5, v3;
	_ =	sdelay $0x1  }
0x4a4: {  	v3 =	vsub.f32 v3, v5;
	_ =	sdelay $0x1  }
0x4a5: {  	v3 =	vmul.f32 v3, v4;
	_ =	sdelay $0x1  }
0x4a6: {  	[tilespmem:s9+$0x20] =	vst v3;
	v3 =	vld [tilespmem:s9+$0x30]  }
0x4a7: {  	v5 =	vld [tilespmem:s18+$0x30];
	_ =	sdelay $0x4  }
0x4a8: {  	v3 =	vadd.f32 v3, v5;
	_ =	sdelay $0x1  }
0x4a9: {  	v5 =	vmul.f32 v3, v3;
	_ =	sdelay $0x1  }
0x4aa: {  	v5 =	vmul.f32 $7.135481390e-02, v5;
	_ =	sdelay $0x1  }
0x4ab: {  	v5 =	vadd.f32 $1.595769170e+00, v5;
	_ =	sdelay $0x1  }
0x4ac: {  	v5 =	vmul.f32 v5, v3;
	_ =	sdelay $0x1  }
0x4ad: {  	v5 =	vmul.f32 $1.442695020e+00, v5;
	_ =	sdelay $0x1  }
0x4ae: {  	(erf) = vpow2.f32 v5;
	_ =	sdelay $0x8  }
0x4af: {  	v5 =	vpop (erf)  }
0x4b0: {  	v5 =	vadd.f32 $1.000000000e+00, v5;
	_ =	sdelay $0x1  }
0x4b1: {  	(erf) = vrcp.f32 v5;
	_ =	sdelay $0x8  }
0x4b2: {  	v5 =	vpop (erf)  }
0x4b3: {  	v5 =	vmul.f32 v5, v3;
	_ =	sdelay $0x1  }
0x4b4: {  	v3 =	vsub.f32 v3, v5;
	_ =	sdelay $0x1  }
0x4b5: {  	v3 =	vmul.f32 v3, v4;
	_ =	sdelay $0x1  }
0x4b6: {  	[tilespmem:s2+$0x30] =	vst v3  }
0x4b7: {  	s0 =	simm.s32 $0x40;
	_ =	swait.ge [sflag:s16], $0x2000  }
0x4b8: {  	s1 =	simm.s32 $0x18370;
	v4 =	vmov s0;
	[sflag:s16] =	ssyncset.done $0x0  }
0x4b9: {  	s14 =	simm.s32 $0x14070;
	s9 =	simm.s32 $0x1A3E0;
	[sflag:s16] =	ssyncadd.s32 $0xFFFFE000  }
0x4ba: {  	[spmem:s6] =	stream.indirect.scatter.add.f32 [tilespmem:s1], [sflag:$0x4], $0x80, s14, s0, $0xb8;
	[tilespmem:$0x1C670] =	vst v63  }
0x4bb: {  	s18 =	simm.s32 $0x163E0;
	v5 =	vld [tilespmem:s9+$0xFFFFFF90]  }
0x4bc: {  	s2 =	simm.s32 $0x1A3E0;
	s0 =	simm.s32 $0x41;
	v6 =	vld [tilespmem:s18+$0xFFFFFF90]  }
.LBB2_20:
0x4bd: {  	p4 =	sne.s32 s0, $0x7F;
	v3 =	vld.idx.msk [tilespmem:v4+s4+$0x0], $0xffff;
	_ =	sdelay $0x3  }
0x4be: {  	v4 =	vadd.f32 v5, v6;
	_ =	sdelay $0x1  }
0x4bf: {  	v5 =	vmul.f32 v4, v4;
	_ =	sdelay $0x1  }
0x4c0: {  	v5 =	vmul.f32 $7.135481390e-02, v5;
	_ =	sdelay $0x1  }
0x4c1: {  	v5 =	vadd.f32 $1.595769170e+00, v5;
	_ =	sdelay $0x1  }
0x4c2: {  	v5 =	vmul.f32 v5, v4;
	_ =	sdelay $0x1  }
0x4c3: {  	v5 =	vmul.f32 $1.442695020e+00, v5;
	_ =	sdelay $0x1  }
0x4c4: {  	(erf) = vpow2.f32 v5;
	_ =	sdelay $0x8  }
0x4c5: {  	v5 =	vpop (erf)  }
0x4c6: {  	v5 =	vadd.f32 $1.000000000e+00, v5;
	_ =	sdelay $0x1  }
0x4c7: {  	(erf) = vrcp.f32 v5;
	_ =	sdelay $0x8  }
0x4c8: {  	v5 =	vpop (erf)  }
0x4c9: {  	v5 =	vmul.f32 v5, v4;
	_ =	sdelay $0x1  }
0x4ca: {  	v4 =	vsub.f32 v4, v5;
	_ =	sdelay $0x1  }
0x4cb: {  	v4 =	vmul.f32 v4, v3;
	_ =	sdelay $0x1  }
0x4cc: {  	[tilespmem:s9+$0xFFFFFF90] =	vst v4;
	v4 =	vld [tilespmem:s9+$0xFFFFFFA0]  }
0x4cd: {  	v5 =	vld [tilespmem:s18+$0xFFFFFFA0];
	_ =	sdelay $0x4  }
0x4ce: {  	v4 =	vadd.f32 v4, v5;
	_ =	sdelay $0x1  }
0x4cf: {  	v5 =	vmul.f32 v4, v4;
	_ =	sdelay $0x1  }
0x4d0: {  	v5 =	vmul.f32 $7.135481390e-02, v5;
	_ =	sdelay $0x1  }
0x4d1: {  	v5 =	vadd.f32 $1.595769170e+00, v5;
	_ =	sdelay $0x1  }
0x4d2: {  	v5 =	vmul.f32 v5, v4;
	_ =	sdelay $0x1  }
0x4d3: {  	v5 =	vmul.f32 $1.442695020e+00, v5;
	_ =	sdelay $0x1  }
0x4d4: {  	(erf) = vpow2.f32 v5;
	_ =	sdelay $0x8  }
0x4d5: {  	v5 =	vpop (erf)  }
0x4d6: {  	v5 =	vadd.f32 $1.000000000e+00, v5;
	_ =	sdelay $0x1  }
0x4d7: {  	(erf) = vrcp.f32 v5;
	_ =	sdelay $0x8  }
0x4d8: {  	v5 =	vpop (erf)  }
0x4d9: {  	v5 =	vmul.f32 v5, v4;
	_ =	sdelay $0x1  }
0x4da: {  	v4 =	vsub.f32 v4, v5;
	_ =	sdelay $0x1  }
0x4db: {  	v4 =	vmul.f32 v4, v3;
	_ =	sdelay $0x1  }
0x4dc: {  	[tilespmem:s9+$0xFFFFFFA0] =	vst v4;
	v4 =	vld [tilespmem:s9+$0xFFFFFFB0]  }
0x4dd: {  	v5 =	vld [tilespmem:s18+$0xFFFFFFB0];
	_ =	sdelay $0x4  }
0x4de: {  	v4 =	vadd.f32 v4, v5;
	_ =	sdelay $0x1  }
0x4df: {  	v5 =	vmul.f32 v4, v4;
	_ =	sdelay $0x1  }
0x4e0: {  	v5 =	vmul.f32 $7.135481390e-02, v5;
	_ =	sdelay $0x1  }
0x4e1: {  	v5 =	vadd.f32 $1.595769170e+00, v5;
	_ =	sdelay $0x1  }
0x4e2: {  	v5 =	vmul.f32 v5, v4;
	_ =	sdelay $0x1  }
0x4e3: {  	v5 =	vmul.f32 $1.442695020e+00, v5;
	_ =	sdelay $0x1  }
0x4e4: {  	(erf) = vpow2.f32 v5;
	_ =	sdelay $0x8  }
0x4e5: {  	v5 =	vpop (erf)  }
0x4e6: {  	v5 =	vadd.f32 $1.000000000e+00, v5;
	_ =	sdelay $0x1  }
0x4e7: {  	(erf) = vrcp.f32 v5;
	_ =	sdelay $0x8  }
0x4e8: {  	v5 =	vpop (erf)  }
0x4e9: {  	v5 =	vmul.f32 v5, v4;
	_ =	sdelay $0x1  }
0x4ea: {  	v4 =	vsub.f32 v4, v5;
	_ =	sdelay $0x1  }
0x4eb: {  	v4 =	vmul.f32 v4, v3;
	_ =	sdelay $0x1  }
0x4ec: {  	[tilespmem:s9+$0xFFFFFFB0] =	vst v4;
	v4 =	vld [tilespmem:s9+$0xFFFFFFC0]  }
0x4ed: {  	v5 =	vld [tilespmem:s18+$0xFFFFFFC0];
	_ =	sdelay $0x4  }
0x4ee: {  	v4 =	vadd.f32 v4, v5;
	_ =	sdelay $0x1  }
0x4ef: {  	v5 =	vmul.f32 v4, v4;
	_ =	sdelay $0x1  }
0x4f0: {  	v5 =	vmul.f32 $7.135481390e-02, v5;
	_ =	sdelay $0x1  }
0x4f1: {  	v5 =	vadd.f32 $1.595769170e+00, v5;
	_ =	sdelay $0x1  }
0x4f2: {  	v5 =	vmul.f32 v5, v4;
	_ =	sdelay $0x1  }
0x4f3: {  	v5 =	vmul.f32 $1.442695020e+00, v5;
	_ =	sdelay $0x1  }
0x4f4: {  	(erf) = vpow2.f32 v5;
	_ =	sdelay $0x8  }
0x4f5: {  	v5 =	vpop (erf)  }
0x4f6: {  	v5 =	vadd.f32 $1.000000000e+00, v5;
	_ =	sdelay $0x1  }
0x4f7: {  	(erf) = vrcp.f32 v5;
	_ =	sdelay $0x8  }
0x4f8: {  	v5 =	vpop (erf)  }
0x4f9: {  	v5 =	vmul.f32 v5, v4;
	_ =	sdelay $0x1  }
0x4fa: {  	v4 =	vsub.f32 v4, v5;
	_ =	sdelay $0x1  }
0x4fb: {  	v4 =	vmul.f32 v4, v3;
	_ =	sdelay $0x1  }
0x4fc: {  	[tilespmem:s9+$0xFFFFFFC0] =	vst v4;
	v4 =	vld [tilespmem:s9+$0xFFFFFFD0]  }
0x4fd: {  	v5 =	vld [tilespmem:s18+$0xFFFFFFD0];
	_ =	sdelay $0x4  }
0x4fe: {  	v4 =	vadd.f32 v4, v5;
	_ =	sdelay $0x1  }
0x4ff: {  	v5 =	vmul.f32 v4, v4;
	_ =	sdelay $0x1  }
0x500: {  	v5 =	vmul.f32 $7.135481390e-02, v5;
	_ =	sdelay $0x1  }
0x501: {  	v5 =	vadd.f32 $1.595769170e+00, v5;
	_ =	sdelay $0x1  }
0x502: {  	v5 =	vmul.f32 v5, v4;
	_ =	sdelay $0x1  }
0x503: {  	v5 =	vmul.f32 $1.442695020e+00, v5;
	_ =	sdelay $0x1  }
0x504: {  	(erf) = vpow2.f32 v5;
	_ =	sdelay $0x8  }
0x505: {  	v5 =	vpop (erf)  }
0x506: {  	v5 =	vadd.f32 $1.000000000e+00, v5;
	_ =	sdelay $0x1  }
0x507: {  	(erf) = vrcp.f32 v5;
	_ =	sdelay $0x8  }
0x508: {  	v5 =	vpop (erf)  }
0x509: {  	v5 =	vmul.f32 v5, v4;
	_ =	sdelay $0x1  }
0x50a: {  	v4 =	vsub.f32 v4, v5;
	_ =	sdelay $0x1  }
0x50b: {  	v4 =	vmul.f32 v4, v3;
	_ =	sdelay $0x1  }
0x50c: {  	[tilespmem:s9+$0xFFFFFFD0] =	vst v4;
	v4 =	vld [tilespmem:s9+$0xFFFFFFE0]  }
0x50d: {  	v5 =	vld [tilespmem:s18+$0xFFFFFFE0];
	_ =	sdelay $0x4  }
0x50e: {  	v4 =	vadd.f32 v4, v5;
	_ =	sdelay $0x1  }
0x50f: {  	v5 =	vmul.f32 v4, v4;
	_ =	sdelay $0x1  }
0x510: {  	v5 =	vmul.f32 $7.135481390e-02, v5;
	_ =	sdelay $0x1  }
0x511: {  	v5 =	vadd.f32 $1.595769170e+00, v5;
	_ =	sdelay $0x1  }
0x512: {  	v5 =	vmul.f32 v5, v4;
	_ =	sdelay $0x1  }
0x513: {  	v5 =	vmul.f32 $1.442695020e+00, v5;
	_ =	sdelay $0x1  }
0x514: {  	(erf) = vpow2.f32 v5;
	_ =	sdelay $0x8  }
0x515: {  	v5 =	vpop (erf)  }
0x516: {  	v5 =	vadd.f32 $1.000000000e+00, v5;
	_ =	sdelay $0x1  }
0x517: {  	(erf) = vrcp.f32 v5;
	_ =	sdelay $0x8  }
0x518: {  	v5 =	vpop (erf)  }
0x519: {  	v5 =	vmul.f32 v5, v4;
	_ =	sdelay $0x1  }
0x51a: {  	v4 =	vsub.f32 v4, v5;
	_ =	sdelay $0x1  }
0x51b: {  	v4 =	vmul.f32 v4, v3;
	_ =	sdelay $0x1  }
0x51c: {  	[tilespmem:s9+$0xFFFFFFE0] =	vst v4;
	v4 =	vld [tilespmem:s9+$0xFFFFFFF0]  }
0x51d: {  	v5 =	vld [tilespmem:s18+$0xFFFFFFF0];
	_ =	sdelay $0x4  }
0x51e: {  	v4 =	vadd.f32 v4, v5;
	_ =	sdelay $0x1  }
0x51f: {  	v5 =	vmul.f32 v4, v4;
	_ =	sdelay $0x1  }
0x520: {  	v5 =	vmul.f32 $7.135481390e-02, v5;
	_ =	sdelay $0x1  }
0x521: {  	v5 =	vadd.f32 $1.595769170e+00, v5;
	_ =	sdelay $0x1  }
0x522: {  	v5 =	vmul.f32 v5, v4;
	_ =	sdelay $0x1  }
0x523: {  	v5 =	vmul.f32 $1.442695020e+00, v5;
	_ =	sdelay $0x1  }
0x524: {  	(erf) = vpow2.f32 v5;
	_ =	sdelay $0x8  }
0x525: {  	v5 =	vpop (erf)  }
0x526: {  	v5 =	vadd.f32 $1.000000000e+00, v5;
	_ =	sdelay $0x1  }
0x527: {  	(erf) = vrcp.f32 v5;
	_ =	sdelay $0x8  }
0x528: {  	v5 =	vpop (erf)  }
0x529: {  	v5 =	vmul.f32 v5, v4;
	_ =	sdelay $0x1  }
0x52a: {  	v4 =	vsub.f32 v4, v5;
	_ =	sdelay $0x1  }
0x52b: {  	v4 =	vmul.f32 v4, v3;
	_ =	sdelay $0x1  }
0x52c: {  	[tilespmem:s9+$0xFFFFFFF0] =	vst v4;
	v4 =	vld [tilespmem:s9+$0x0]  }
0x52d: {  	v5 =	vld [tilespmem:s18+$0x0];
	_ =	sdelay $0x4  }
0x52e: {  	v4 =	vadd.f32 v4, v5;
	_ =	sdelay $0x1  }
0x52f: {  	v5 =	vmul.f32 v4, v4;
	_ =	sdelay $0x1  }
0x530: {  	v5 =	vmul.f32 $7.135481390e-02, v5;
	_ =	sdelay $0x1  }
0x531: {  	v5 =	vadd.f32 $1.595769170e+00, v5;
	_ =	sdelay $0x1  }
0x532: {  	v5 =	vmul.f32 v5, v4;
	_ =	sdelay $0x1  }
0x533: {  	v5 =	vmul.f32 $1.442695020e+00, v5;
	_ =	sdelay $0x1  }
0x534: {  	(erf) = vpow2.f32 v5;
	_ =	sdelay $0x8  }
0x535: {  	v5 =	vpop (erf)  }
0x536: {  	v5 =	vadd.f32 $1.000000000e+00, v5;
	_ =	sdelay $0x1  }
0x537: {  	(erf) = vrcp.f32 v5;
	_ =	sdelay $0x8  }
0x538: {  	v5 =	vpop (erf)  }
0x539: {  	v5 =	vmul.f32 v5, v4;
	_ =	sdelay $0x1  }
0x53a: {  	v5 =	vsub.f32 v4, v5  }
.Ltmp14:
0x53b: {  	v4 =	vmov s0;
	(pc) =	sbr.rel @p4 .LBB2_20-.Ltmp14, $4  }
0x53c: {  	v3 =	vmul.f32 v5, v3  }
0x53d: {  	s9 =	sadd.s32 $0x80, s9  }
0x53e: {  	s18 =	sadd.s32 $0x80, s18;
	v5 =	vld [tilespmem:s9+$0xFFFFFF90];
	[tilespmem:s2+$0x0] =	vst v3;
	s2 =	smov.u32 s9  }
0x53f: {  	s0 =	sadd.s32 $0x1, s0;
	v6 =	vld [tilespmem:s18+$0xFFFFFF90]  }
0x540: {  	_ =	sdelay $0x3  }
0x541: {  	v3 =	vadd.f32 v5, v6;
	_ =	sdelay $0x1  }
0x542: {  	v5 =	vmul.f32 v3, v3;
	_ =	sdelay $0x1  }
0x543: {  	v5 =	vmul.f32 $7.135481390e-02, v5;
	_ =	sdelay $0x1  }
0x544: {  	v5 =	vadd.f32 $1.595769170e+00, v5;
	_ =	sdelay $0x1  }
0x545: {  	v5 =	vmul.f32 v5, v3;
	_ =	sdelay $0x1  }
0x546: {  	v5 =	vmul.f32 $1.442695020e+00, v5;
	_ =	sdelay $0x1  }
0x547: {  	(erf) = vpow2.f32 v5;
	_ =	sdelay $0x8  }
0x548: {  	v5 =	vpop (erf)  }
0x549: {  	v5 =	vadd.f32 $1.000000000e+00, v5;
	_ =	sdelay $0x1  }
0x54a: {  	(erf) = vrcp.f32 v5;
	_ =	sdelay $0x8  }
0x54b: {  	v4 =	vld.idx.msk [tilespmem:v4+s4+$0x0], $0xffff;
	v5 =	vpop (erf)  }
0x54c: {  	v5 =	vmul.f32 v5, v3;
	_ =	sdelay $0x1  }
0x54d: {  	v3 =	vsub.f32 v3, v5;
	_ =	sdelay $0x1  }
0x54e: {  	v3 =	vmul.f32 v3, v4;
	_ =	sdelay $0x1  }
0x54f: {  	[tilespmem:s9+$0xFFFFFF90] =	vst v3;
	v3 =	vld [tilespmem:s9+$0xFFFFFFA0]  }
0x550: {  	v57 =	vld [tilespmem:s18+$0xFFFFFFA0];
	_ =	sdelay $0x4  }
0x551: {  	v3 =	vadd.f32 v3, v57;
	_ =	sdelay $0x1  }
0x552: {  	v5 =	vmul.f32 v3, v3;
	_ =	sdelay $0x1  }
0x553: {  	v5 =	vmul.f32 $7.135481390e-02, v5;
	_ =	sdelay $0x1  }
0x554: {  	v5 =	vadd.f32 $1.595769170e+00, v5;
	_ =	sdelay $0x1  }
0x555: {  	v5 =	vmul.f32 v5, v3;
	_ =	sdelay $0x1  }
0x556: {  	v5 =	vmul.f32 $1.442695020e+00, v5;
	_ =	sdelay $0x1  }
0x557: {  	(erf) = vpow2.f32 v5;
	_ =	sdelay $0x8  }
0x558: {  	v5 =	vpop (erf)  }
0x559: {  	v5 =	vadd.f32 $1.000000000e+00, v5;
	_ =	sdelay $0x1  }
0x55a: {  	(erf) = vrcp.f32 v5;
	_ =	sdelay $0x8  }
0x55b: {  	v5 =	vpop (erf)  }
0x55c: {  	v5 =	vmul.f32 v5, v3;
	_ =	sdelay $0x1  }
0x55d: {  	v3 =	vsub.f32 v3, v5;
	_ =	sdelay $0x1  }
0x55e: {  	v3 =	vmul.f32 v3, v4;
	_ =	sdelay $0x1  }
0x55f: {  	[tilespmem:s9+$0xFFFFFFA0] =	vst v3;
	v3 =	vld [tilespmem:s9+$0xFFFFFFB0]  }
0x560: {  	v58 =	vld [tilespmem:s18+$0xFFFFFFB0];
	_ =	sdelay $0x4  }
0x561: {  	v3 =	vadd.f32 v3, v58;
	_ =	sdelay $0x1  }
0x562: {  	v5 =	vmul.f32 v3, v3;
	_ =	sdelay $0x1  }
0x563: {  	v5 =	vmul.f32 $7.135481390e-02, v5;
	_ =	sdelay $0x1  }
0x564: {  	v5 =	vadd.f32 $1.595769170e+00, v5;
	_ =	sdelay $0x1  }
0x565: {  	v5 =	vmul.f32 v5, v3;
	_ =	sdelay $0x1  }
0x566: {  	v5 =	vmul.f32 $1.442695020e+00, v5;
	_ =	sdelay $0x1  }
0x567: {  	(erf) = vpow2.f32 v5;
	_ =	sdelay $0x8  }
0x568: {  	v5 =	vpop (erf)  }
0x569: {  	v5 =	vadd.f32 $1.000000000e+00, v5;
	_ =	sdelay $0x1  }
0x56a: {  	(erf) = vrcp.f32 v5;
	_ =	sdelay $0x8  }
0x56b: {  	v5 =	vpop (erf)  }
0x56c: {  	v5 =	vmul.f32 v5, v3;
	_ =	sdelay $0x1  }
0x56d: {  	v3 =	vsub.f32 v3, v5;
	_ =	sdelay $0x1  }
0x56e: {  	v3 =	vmul.f32 v3, v4;
	_ =	sdelay $0x1  }
0x56f: {  	[tilespmem:s9+$0xFFFFFFB0] =	vst v3;
	v3 =	vld [tilespmem:s9+$0xFFFFFFC0]  }
0x570: {  	v59 =	vld [tilespmem:s18+$0xFFFFFFC0];
	_ =	sdelay $0x4  }
0x571: {  	v3 =	vadd.f32 v3, v59;
	_ =	sdelay $0x1  }
0x572: {  	v5 =	vmul.f32 v3, v3;
	_ =	sdelay $0x1  }
0x573: {  	v5 =	vmul.f32 $7.135481390e-02, v5;
	_ =	sdelay $0x1  }
0x574: {  	v5 =	vadd.f32 $1.595769170e+00, v5;
	_ =	sdelay $0x1  }
0x575: {  	v5 =	vmul.f32 v5, v3;
	_ =	sdelay $0x1  }
0x576: {  	v5 =	vmul.f32 $1.442695020e+00, v5;
	_ =	sdelay $0x1  }
0x577: {  	(erf) = vpow2.f32 v5;
	_ =	sdelay $0x8  }
0x578: {  	v5 =	vpop (erf)  }
0x579: {  	v5 =	vadd.f32 $1.000000000e+00, v5;
	_ =	sdelay $0x1  }
0x57a: {  	(erf) = vrcp.f32 v5;
	_ =	sdelay $0x8  }
0x57b: {  	v5 =	vpop (erf)  }
0x57c: {  	v5 =	vmul.f32 v5, v3;
	_ =	sdelay $0x1  }
0x57d: {  	v3 =	vsub.f32 v3, v5;
	_ =	sdelay $0x1  }
0x57e: {  	v3 =	vmul.f32 v3, v4;
	_ =	sdelay $0x1  }
0x57f: {  	[tilespmem:s9+$0xFFFFFFC0] =	vst v3;
	v3 =	vld [tilespmem:s9+$0xFFFFFFD0]  }
0x580: {  	v60 =	vld [tilespmem:s18+$0xFFFFFFD0];
	_ =	sdelay $0x4  }
0x581: {  	v3 =	vadd.f32 v3, v60;
	_ =	sdelay $0x1  }
0x582: {  	v5 =	vmul.f32 v3, v3;
	_ =	sdelay $0x1  }
0x583: {  	v5 =	vmul.f32 $7.135481390e-02, v5;
	_ =	sdelay $0x1  }
0x584: {  	v5 =	vadd.f32 $1.595769170e+00, v5;
	_ =	sdelay $0x1  }
0x585: {  	v5 =	vmul.f32 v5, v3;
	_ =	sdelay $0x1  }
0x586: {  	v5 =	vmul.f32 $1.442695020e+00, v5;
	_ =	sdelay $0x1  }
0x587: {  	(erf) = vpow2.f32 v5;
	_ =	sdelay $0x8  }
0x588: {  	v5 =	vpop (erf)  }
0x589: {  	v5 =	vadd.f32 $1.000000000e+00, v5;
	_ =	sdelay $0x1  }
0x58a: {  	(erf) = vrcp.f32 v5;
	_ =	sdelay $0x8  }
0x58b: {  	v5 =	vpop (erf)  }
0x58c: {  	v5 =	vmul.f32 v5, v3;
	_ =	sdelay $0x1  }
0x58d: {  	v3 =	vsub.f32 v3, v5;
	_ =	sdelay $0x1  }
0x58e: {  	v3 =	vmul.f32 v3, v4;
	_ =	sdelay $0x1  }
0x58f: {  	[tilespmem:s9+$0xFFFFFFD0] =	vst v3;
	v3 =	vld [tilespmem:s9+$0xFFFFFFE0]  }
0x590: {  	v61 =	vld [tilespmem:s18+$0xFFFFFFE0];
	_ =	sdelay $0x4  }
0x591: {  	v3 =	vadd.f32 v3, v61;
	_ =	sdelay $0x1  }
0x592: {  	v5 =	vmul.f32 v3, v3;
	_ =	sdelay $0x1  }
0x593: {  	v5 =	vmul.f32 $7.135481390e-02, v5;
	_ =	sdelay $0x1  }
0x594: {  	v5 =	vadd.f32 $1.595769170e+00, v5;
	_ =	sdelay $0x1  }
0x595: {  	v5 =	vmul.f32 v5, v3;
	_ =	sdelay $0x1  }
0x596: {  	v5 =	vmul.f32 $1.442695020e+00, v5;
	_ =	sdelay $0x1  }
0x597: {  	(erf) = vpow2.f32 v5;
	_ =	sdelay $0x8  }
0x598: {  	v5 =	vpop (erf)  }
0x599: {  	v5 =	vadd.f32 $1.000000000e+00, v5;
	_ =	sdelay $0x1  }
0x59a: {  	(erf) = vrcp.f32 v5;
	_ =	sdelay $0x8  }
0x59b: {  	v5 =	vpop (erf)  }
0x59c: {  	v5 =	vmul.f32 v5, v3;
	_ =	sdelay $0x1  }
0x59d: {  	v3 =	vsub.f32 v3, v5;
	_ =	sdelay $0x1  }
0x59e: {  	v3 =	vmul.f32 v3, v4;
	_ =	sdelay $0x1  }
0x59f: {  	[tilespmem:s9+$0xFFFFFFE0] =	vst v3;
	v3 =	vld [tilespmem:s9+$0xFFFFFFF0]  }
0x5a0: {  	v62 =	vld [tilespmem:s18+$0xFFFFFFF0];
	_ =	sdelay $0x4  }
0x5a1: {  	v3 =	vadd.f32 v3, v62;
	_ =	sdelay $0x1  }
0x5a2: {  	v5 =	vmul.f32 v3, v3;
	_ =	sdelay $0x1  }
0x5a3: {  	v5 =	vmul.f32 $7.135481390e-02, v5;
	_ =	sdelay $0x1  }
0x5a4: {  	v5 =	vadd.f32 $1.595769170e+00, v5;
	_ =	sdelay $0x1  }
0x5a5: {  	v5 =	vmul.f32 v5, v3;
	_ =	sdelay $0x1  }
0x5a6: {  	v5 =	vmul.f32 $1.442695020e+00, v5;
	_ =	sdelay $0x1  }
0x5a7: {  	(erf) = vpow2.f32 v5;
	_ =	sdelay $0x8  }
0x5a8: {  	v5 =	vpop (erf)  }
0x5a9: {  	v5 =	vadd.f32 $1.000000000e+00, v5;
	_ =	sdelay $0x1  }
0x5aa: {  	(erf) = vrcp.f32 v5;
	_ =	sdelay $0x8  }
0x5ab: {  	v5 =	vpop (erf)  }
0x5ac: {  	v5 =	vmul.f32 v5, v3;
	_ =	sdelay $0x1  }
0x5ad: {  	v3 =	vsub.f32 v3, v5;
	_ =	sdelay $0x1  }
0x5ae: {  	v3 =	vmul.f32 v3, v4;
	_ =	sdelay $0x1  }
0x5af: {  	[tilespmem:s9+$0xFFFFFFF0] =	vst v3;
	v3 =	vld [tilespmem:s9+$0x0]  }
0x5b0: {  	v63 =	vld [tilespmem:s18+$0x0];
	_ =	sdelay $0x4  }
0x5b1: {  	v3 =	vadd.f32 v3, v63;
	_ =	sdelay $0x1  }
0x5b2: {  	v5 =	vmul.f32 v3, v3;
	_ =	sdelay $0x1  }
0x5b3: {  	v5 =	vmul.f32 $7.135481390e-02, v5;
	_ =	sdelay $0x1  }
0x5b4: {  	v5 =	vadd.f32 $1.595769170e+00, v5;
	_ =	sdelay $0x1  }
0x5b5: {  	v5 =	vmul.f32 v5, v3;
	_ =	sdelay $0x1  }
0x5b6: {  	v5 =	vmul.f32 $1.442695020e+00, v5;
	_ =	sdelay $0x1  }
0x5b7: {  	(erf) = vpow2.f32 v5;
	_ =	sdelay $0x8  }
0x5b8: {  	v5 =	vpop (erf)  }
0x5b9: {  	v5 =	vadd.f32 $1.000000000e+00, v5;
	_ =	sdelay $0x1  }
0x5ba: {  	(erf) = vrcp.f32 v5;
	_ =	sdelay $0x8  }
0x5bb: {  	v5 =	vpop (erf)  }
0x5bc: {  	v5 =	vmul.f32 v5, v3;
	_ =	sdelay $0x1  }
0x5bd: {  	v3 =	vsub.f32 v3, v5;
	_ =	sdelay $0x1  }
0x5be: {  	v3 =	vmul.f32 v3, v4;
	_ =	sdelay $0x1  }
0x5bf: {  	s0 =	simm.s32 $0x140F0;
	s1 =	simm.s32 $0x1A370;
	[tilespmem:s2+$0x0] =	vst v3  }
0x5c0: {  	[spmem:s6] =	stream.indirect.scatter.add.f32 [tilespmem:s1], [sflag:$0x1], $0x80, s0, s26, $0xb8;
	[tilespmem:$0x1C670] =	vst v63  }
0x5c1: {  	_ =	swait.ge [sflag:s31], $0x2000  }
.Ltmp15:
0x5c2: {  	[sflag:s31] =	ssyncset.done $0x0;
	(pc) =	sbr.rel .LBB2_22-.Ltmp15, $4  }
0x5c3: {  	[sflag:s31] =	ssyncadd.s32 $0xFFFFE000  }
0x5c4: {  	_ =	swait.ge [sflag:s25], $0x2000  }
0x5c5: {  	[sflag:s25] =	ssyncset.done $0x0  }
0x5c6: {  	[sflag:s25] =	ssyncadd.s32 $0xFFFFE000  }
.LBB2_23:
.Ltmp16:
0x5c7: {  	(pc) =	sbr.rel .LBB2_24-.Ltmp16, $2  }
0x5c8: {  	_ =	sdelay $0x2  }
0x5c9: {  	s2 =	simm.s32 $0x0  }
.LBB2_28:
0x5ca: {  	s2 =	sadd.s32 $0x1, s2  }
0x5cb: {  	p4 =	sne.s32 s2, $0x3  }
.Ltmp17:
0x5cc: {  	_ = 	snop;
	(pc) =	sbr.rel @!p4 .LBB2_29-.Ltmp17, $1  }
0x5cd: {  	_ =	sdelay $0x3  }
.LBB2_24:
0x5ce: {  	s0 =	sshll.u32 s2, $0x5  }
0x5cf: {  	s0 =	sor.u32 s11, s0  }
0x5d0: {  	p4 =	sgt.u32 s0, $0x4D  }
.Ltmp18:
0x5d1: {  	_ = 	snop;
	(pc) =	sbr.rel @p4 .LBB2_28-.Ltmp18, $1  }
0x5d2: {  	_ =	sdelay $0x3  }
0x5d3: {  	s3 =	sshll.u32 s0, $0xB;
	s1 =	rddreg [dreg:$0x0]  }
0x5d4: {  	s0 =	sshll.u32 s0, $0x7;
	s5 =	sadd.s32 s1, s3;
	s3 =	simm.s32 $0x0  }
0x5d5: {  	[tilespmem:s13], [sflag:$0x5] =	stream.linear.gather [hbm4b:s5+s3], $0x4000, $0x38;
	[tilespmem:$0x1C670] =	vst v63  }
0x5d6: {  	s9 =	simm.s32 $0x141F0;
	s1 =	sadd.s32 s0, s7  }
0x5d7: {  	[tilespmem:s9], [sflag:$0x9] =	stream.linear.gather [spmem:s1], $0x80, $0x38;
	[tilespmem:$0x1C670] =	vst v63  }
0x5d8: {  	s18 =	sadd.s32 s0, s8;
	s1 =	sor.u32 $0x10, s0  }
0x5d9: {  	v3 =	vor.u32 s0, v2;
	[tilespmem:s15], [sflag:$0x9] =	stream.linear.gather [spmem:s18], $0x80, $0x38;
	[tilespmem:$0x1C670] =	vst v63  }
0x5da: {  	s9 =	sor.u32 $0x20, s0;
	[tilespmem:$0x14070] =	vst v3;
	v3 =	vor.u32 s1, v2  }
0x5db: {  	s18 =	sor.u32 $0x30, s0;
	[tilespmem:$0x14080] =	vst v3;
	v3 =	vor.u32 s9, v2  }
0x5dc: {  	s1 =	sor.u32 $0x40, s0;
	[tilespmem:$0x14090] =	vst v3;
	v3 =	vor.u32 s18, v2  }
0x5dd: {  	s9 =	sor.u32 $0x50, s0;
	[tilespmem:$0x140A0] =	vst v3;
	v3 =	vor.u32 s1, v2  }
0x5de: {  	s18 =	sor.u32 $0x60, s0;
	[tilespmem:$0x140F0] =	vst v3;
	v3 =	vor.u32 s9, v2  }
0x5df: {  	s0 =	sor.u32 $0x70, s0;
	[tilespmem:$0x14100] =	vst v3;
	v3 =	vor.u32 s18, v2  }
0x5e0: {  	[tilespmem:$0x14110] =	vst v3;
	v3 =	vor.u32 s0, v2  }
0x5e1: {  	[tilespmem:$0x14120] =	vst v3  }
0x5e2: {  	_ =	swait.ge [sflag:s19], $0x80  }
0x5e3: {  	[sflag:s19] =	ssyncset.done $0x0  }
0x5e4: {  	[sflag:s19] =	ssyncadd.s32 $0xFFFFFF80  }
0x5e5: {  	_ =	swait.ge [sflag:s19], $0x80  }
0x5e6: {  	[sflag:s19] =	ssyncset.done $0x0  }
0x5e7: {  	[sflag:s19] =	ssyncadd.s32 $0xFFFFFF80  }
0x5e8: {  	v3 =	vld [tilespmem:$0x141F0]  }
0x5e9: {  	v4 =	vld [tilespmem:$0x14270]  }
0x5ea: {  	v5 =	vld [tilespmem:$0x14200]  }
0x5eb: {  	v6 =	vld [tilespmem:$0x14280]  }
0x5ec: {  	v7 =	vld [tilespmem:$0x14210]  }
0x5ed: {  	v8 =	vld [tilespmem:$0x14290]  }
0x5ee: {  	v9 =	vld [tilespmem:$0x14220]  }
0x5ef: {  	v10 =	vld [tilespmem:$0x142A0]  }
0x5f0: {  	v11 =	vld [tilespmem:$0x14230]  }
0x5f1: {  	v12 =	vld [tilespmem:$0x142B0]  }
0x5f2: {  	v13 =	vld [tilespmem:$0x14240]  }
0x5f3: {  	v14 =	vld [tilespmem:$0x142C0]  }
0x5f4: {  	v15 =	vld [tilespmem:$0x14250]  }
0x5f5: {  	v3 =	vmul.f32 v4, v3;
	v4 =	vld [tilespmem:$0x142D0]  }
0x5f6: {  	v5 =	vmul.f32 v6, v5;
	v6 =	vld [tilespmem:$0x14260]  }
0x5f7: {  	[tilespmem:$0x142F0] =	vst v3;
	v3 =	vmul.f32 v8, v7;
	v7 =	vld [tilespmem:$0x142E0]  }
0x5f8: {  	[tilespmem:$0x14300] =	vst v5;
	v5 =	vmul.f32 v10, v9  }
0x5f9: {  	[tilespmem:$0x14310] =	vst v3;
	v3 =	vmul.f32 v12, v11  }
0x5fa: {  	[tilespmem:$0x14320] =	vst v5;
	v5 =	vmul.f32 v14, v13  }
0x5fb: {  	[tilespmem:$0x14330] =	vst v3;
	v3 =	vmul.f32 v4, v15  }
0x5fc: {  	[tilespmem:$0x14340] =	vst v5;
	v4 =	vmul.f32 v7, v6  }
0x5fd: {  	[tilespmem:$0x14350] =	vst v3  }
0x5fe: {  	[tilespmem:$0x14360] =	vst v4  }
0x5ff: {  	_ =	swait.ge [sflag:s16], $0x4000  }
0x600: {  	[sflag:s16] =	ssyncset.done $0x0  }
0x601: {  	s5 =	simm.s32 $0x143B0;
	[sflag:s16] =	ssyncadd.s32 $0xFFFFC000  }
0x602: {  	v3 =	vld [tilespmem:s5+$0xFFFFFFF0];
	_ =	sdelay $0x4  }
0x603: {  	v4 =	vmul.f32 v3, v3;
	_ =	sdelay $0x1  }
0x604: {  	v4 =	vmul.f32 $7.135481390e-02, v4;
	_ =	sdelay $0x1  }
0x605: {  	v4 =	vadd.f32 $1.595769170e+00, v4;
	_ =	sdelay $0x1  }
0x606: {  	v4 =	vmul.f32 v4, v3;
	_ =	sdelay $0x1  }
0x607: {  	v4 =	vmul.f32 $1.442695020e+00, v4;
	_ =	sdelay $0x1  }
0x608: {  	(erf) = vpow2.f32 v4;
	v4 =	vld [tilespmem:s5+$0x20];
	_ =	sdelay $0x1  }
0x609: {  	v5 =	vld [tilespmem:s5+$0xFFFFFFE0];
	_ =	sdelay $0x2  }
0x60a: {  	v6 =	vmul.f32 v4, v4;
	_ =	sdelay $0x1  }
0x60b: {  	v8 =	vld [tilespmem:s5+$0x0];
	v7 =	vmul.f32 v5, v5;
	v6 =	vmul.f32 $7.135481390e-02, v6  }
0x60c: {  	v10 =	vld [tilespmem:s5+$0xFFFFFFC0]  }
0x60d: {  	v7 =	vmul.f32 $7.135481390e-02, v7;
	v9 =	vpop (erf);
	v6 =	vadd.f32 $1.595769170e+00, v6  }
0x60e: {  	v9 =	vadd.f32 $1.000000000e+00, v9  }
0x60f: {  	v7 =	vadd.f32 $1.595769170e+00, v7;
	v6 =	vmul.f32 v6, v4  }
0x610: {  	(erf) = vrcp.f32 v9;
	v9 =	vmul.f32 v8, v8  }
0x611: {  	v11 =	vmul.f32 v10, v10;
	v7 =	vmul.f32 v7, v5  }
0x612: {  	v6 =	vmul.f32 $1.442695020e+00, v6;
	v9 =	vmul.f32 $7.135481390e-02, v9  }
0x613: {  	v7 =	vmul.f32 $1.442695020e+00, v7  }
0x614: {  	(erf) = vpow2.f32 v6;
	v6 =	vadd.f32 $1.595769170e+00, v9;
	v9 =	vmul.f32 $7.135481390e-02, v11;
	v11 =	vld [tilespmem:s5+$0x30];
	_ =	sdelay $0x1  }
0x615: {  	(erf) = vpow2.f32 v7  }
0x616: {  	v7 =	vadd.f32 $1.595769170e+00, v9  }
0x617: {  	v6 =	vmul.f32 v6, v8  }
0x618: {  	v7 =	vmul.f32 v7, v10;
	v9 =	vmul.f32 v11, v11  }
0x619: {  	s0 =	simm.s32 $0x14430;
	v6 =	vmul.f32 $1.442695020e+00, v6  }
0x61a: {  	v15 =	vld [tilespmem:s0+$0xFFFFFFF0];
	v7 =	vmul.f32 $1.442695020e+00, v7  }
0x61b: {  	v13 =	vld [tilespmem:s5+$0x10];
	v12 =	vpop (erf);
	(erf) = vpow2.f32 v6;
	v6 =	vmul.f32 $7.135481390e-02, v9  }
0x61c: {  	v9 =	vpop (erf)  }
0x61d: {  	(erf) = vpow2.f32 v7;
	v7 =	vadd.f32 $1.000000000e+00, v9;
	v9 =	vadd.f32 $1.595769170e+00, v6;
	v6 =	vld [tilespmem:s5+$0xFFFFFFD0]  }
0x61e: {  	v14 =	vpop (erf)  }
0x61f: {  	v16 =	vmul.f32 v15, v15;
	v14 =	vadd.f32 $1.000000000e+00, v14;
	(erf) = vrcp.f32 v7  }
0x620: {  	v7 =	vmul.f32 v13, v13;
	v9 =	vmul.f32 v9, v11  }
0x621: {  	(erf) = vrcp.f32 v14;
	v14 =	vmul.f32 $7.135481390e-02, v16  }
0x622: {  	v7 =	vmul.f32 $7.135481390e-02, v7;
	v16 =	vmul.f32 v6, v6  }
0x623: {  	v9 =	vmul.f32 $1.442695020e+00, v9  }
0x624: {  	v7 =	vadd.f32 $1.595769170e+00, v7  }
0x625: {  	v17 =	vpop (erf);
	(erf) = vpow2.f32 v9  }
0x626: {  	v9 =	vadd.f32 $1.595769170e+00, v14;
	v14 =	vmul.f32 $7.135481390e-02, v16;
	v7 =	vmul.f32 v7, v13;
	v16 =	vpop (erf)  }
0x627: {  	v17 =	vadd.f32 $1.000000000e+00, v17;
	v16 =	vadd.f32 $1.000000000e+00, v16  }
0x628: {  	v18 =	vmov s3;
	v7 =	vmul.f32 $1.442695020e+00, v7  }
0x629: {  	(erf) = vrcp.f32 v17  }
0x62a: {  	v14 =	vadd.f32 $1.595769170e+00, v14  }
0x62b: {  	v17 =	vmul.f32 v9, v15;
	(erf) = vrcp.f32 v16;
	v16 =	vpop (erf)  }
0x62c: {  	v14 =	vmul.f32 v14, v6;
	(erf) = vpow2.f32 v7;
	v7 =	vpop (erf)  }
0x62d: {  	v9 =	vld.idx.msk [tilespmem:v18+s4+$0x0], $0xffff;
	v17 =	vmul.f32 $1.442695020e+00, v17;
	v7 =	vmul.f32 v7, v5  }
0x62e: {  	v14 =	vmul.f32 $1.442695020e+00, v14;
	v16 =	vmul.f32 v16, v4;
	_ =	sdelay $0x1  }
0x62f: {  	(erf) = vpow2.f32 v17;
	v4 =	vsub.f32 v4, v16;
	v5 =	vsub.f32 v5, v7  }
0x630: {  	v12 =	vmul.f32 v12, v3;
	(erf) = vpow2.f32 v14;
	v7 =	vpop (erf)  }
0x631: {  	v4 =	vmul.f32 v4, v9;
	v5 =	vmul.f32 v5, v9;
	v14 =	vpop (erf)  }
0x632: {  	v7 =	vadd.f32 $1.000000000e+00, v7;
	v14 =	vmul.f32 v14, v8  }
0x633: {  	v12 =	vsub.f32 v3, v12;
	[tilespmem:s5+$0x20] =	vst v4  }
0x634: {  	v3 =	vld [tilespmem:s0+$0x20];
	(erf) = vrcp.f32 v7;
	v7 =	vsub.f32 v8, v14  }
0x635: {  	[tilespmem:s5+$0xFFFFFFE0] =	vst v5;
	v5 =	vpop (erf);
	v8 =	vmul.f32 v12, v9  }
0x636: {  	v4 =	vld [tilespmem:s0+$0xFFFFFFE0];
	v5 =	vmul.f32 v5, v10;
	v7 =	vmul.f32 v7, v9  }
0x637: {  	v12 =	vpop (erf)  }
0x638: {  	v12 =	vadd.f32 $1.000000000e+00, v12;
	v10 =	vsub.f32 v10, v5  }
0x639: {  	[tilespmem:s5+$0xFFFFFFF0] =	vst v8;
	v14 =	vmul.f32 v3, v3;
	v8 =	vpop (erf)  }
0x63a: {  	[tilespmem:s5+$0x0] =	vst v7;
	(erf) = vrcp.f32 v12;
	v8 =	vadd.f32 $1.000000000e+00, v8;
	v10 =	vmul.f32 v10, v9;
	v7 =	vpop (erf)  }
0x63b: {  	v12 =	vmul.f32 v4, v4;
	v5 =	vld [tilespmem:s0+$0x0];
	v14 =	vmul.f32 $7.135481390e-02, v14;
	v7 =	vadd.f32 $1.000000000e+00, v7  }
0x63c: {  	(erf) = vrcp.f32 v8;
	[tilespmem:s5+$0xFFFFFFC0] =	vst v10  }
0x63d: {  	v8 =	vmul.f32 $7.135481390e-02, v12;
	v12 =	vadd.f32 $1.595769170e+00, v14;
	(erf) = vrcp.f32 v7;
	v7 =	vld [tilespmem:s0+$0xFFFFFFC0]  }
0x63e: {  	v10 =	vpop (erf)  }
0x63f: {  	v8 =	vadd.f32 $1.595769170e+00, v8;
	v12 =	vmul.f32 v12, v3;
	v10 =	vmul.f32 v10, v11  }
0x640: {  	v14 =	vmul.f32 v5, v5  }
0x641: {  	v8 =	vmul.f32 v8, v4;
	v10 =	vsub.f32 v11, v10;
	v11 =	vmul.f32 $1.442695020e+00, v12  }
0x642: {  	v12 =	vmul.f32 $7.135481390e-02, v14;
	v14 =	vmul.f32 v7, v7  }
0x643: {  	v10 =	vmul.f32 v10, v9  }
0x644: {  	v16 =	vpop (erf);
	v8 =	vmul.f32 $1.442695020e+00, v8;
	(erf) = vpow2.f32 v11  }
0x645: {  	v12 =	vadd.f32 $1.595769170e+00, v12;
	v16 =	vmul.f32 v16, v13;
	[tilespmem:s5+$0x30] =	vst v10  }
0x646: {  	(erf) = vpow2.f32 v8;
	v11 =	vmul.f32 $7.135481390e-02, v14;
	v8 =	vld [tilespmem:s0+$0x30];
	v14 =	vpop (erf)  }
0x647: {  	v63 =	vmul.f32 v12, v5;
	v16 =	vsub.f32 v13, v16;
	v17 =	vmul.f32 v14, v15;
	v13 =	vpop (erf)  }
0x648: {  	v12 =	vadd.f32 $1.595769170e+00, v11;
	v14 =	vmul.f32 v13, v6  }
0x649: {  	s3 =	simm.s32 $0x144B0;
	s9 =	simm.s32 $0x1;
	s18 =	simm.s32 $0x2;
	v13 =	vmul.f32 $1.442695020e+00, v63;
	v10 =	vsub.f32 v15, v17;
	v15 =	vmul.f32 v16, v9  }
.LBB2_26:
0x64a: {  	p4 =	sne.s32 s18, $0x7F;
	v12 =	vmul.f32 v12, v7;
	v6 =	vsub.f32 v6, v14;
	s1 =	smov.u32 s18;
	s18 =	sadd.s32 $0x1, s18  }
0x64b: {  	v11 =	vld [tilespmem:s3+$0xFFFFFFF0];
	v16 =	vmul.f32 v8, v8;
	[tilespmem:s5+$0x10] =	vst v15  }
0x64c: {  	v15 =	vmul.f32 $1.442695020e+00, v12;
	v12 =	vld [tilespmem:s0+$0x10];
	(erf) = vpow2.f32 v13  }
0x64d: {  	v6 =	vmul.f32 v6, v9;
	v13 =	vmul.f32 $7.135481390e-02, v16;
	v14 =	vpop (erf)  }
0x64e: {  	v9 =	vadd.f32 $1.000000000e+00, v14;
	(erf) = vpow2.f32 v15  }
0x64f: {  	v13 =	vadd.f32 $1.595769170e+00, v13;
	v14 =	vpop (erf);
	[tilespmem:s5+$0xFFFFFFD0] =	vst v6;
	s5 =	smov.u32 s0;
	s0 =	smov.u32 s3  }
0x650: {  	v6 =	vld [tilespmem:s5+$0xFFFFFFD0];
	v14 =	vadd.f32 $1.000000000e+00, v14;
	(erf) = vrcp.f32 v9  }
0x651: {  	v9 =	vmul.f32 v12, v12;
	v13 =	vmul.f32 v13, v8  }
0x652: {  	v15 =	vmul.f32 v11, v11;
	(erf) = vrcp.f32 v14  }
0x653: {  	v9 =	vmul.f32 $7.135481390e-02, v9;
	v13 =	vmul.f32 $1.442695020e+00, v13  }
0x654: {  	v14 =	vmul.f32 $7.135481390e-02, v15;
	v15 =	vmov s9;
	s9 =	smov.u32 s1  }
0x655: {  	v16 =	vmul.f32 v6, v6;
	v18 =	vadd.f32 $1.595769170e+00, v9;
	v17 =	vpop (erf);
	(erf) = vpow2.f32 v13  }
0x656: {  	v13 =	vadd.f32 $1.595769170e+00, v14;
	v14 =	vadd.f32 $1.000000000e+00, v17  }
0x657: {  	v19 =	vmul.f32 $7.135481390e-02, v16;
	v17 =	vmul.f32 v18, v12;
	v9 =	vpop (erf)  }
0x658: {  	v13 =	vmul.f32 v13, v11;
	v18 =	vadd.f32 $1.000000000e+00, v9;
	(erf) = vrcp.f32 v14  }
0x659: {  	v9 =	vld.idx.msk [tilespmem:v15+s4+$0x0], $0xffff;
	v14 =	vadd.f32 $1.595769170e+00, v19;
	v15 =	vmul.f32 $1.442695020e+00, v17;
	v16 =	vpop (erf)  }
0x65a: {  	v13 =	vmul.f32 $1.442695020e+00, v13;
	(erf) = vrcp.f32 v18  }
0x65b: {  	v16 =	vmul.f32 v16, v3;
	v18 =	vmul.f32 v14, v6;
	v17 =	vpop (erf)  }
0x65c: {  	v17 =	vmul.f32 v17, v4;
	(erf) = vpow2.f32 v15  }
0x65d: {  	v3 =	vsub.f32 v3, v16;
	(erf) = vpow2.f32 v13;
	v13 =	vmul.f32 $1.442695020e+00, v18  }
0x65e: {  	v4 =	vsub.f32 v4, v17;
	v14 =	vpop (erf)  }
0x65f: {  	v3 =	vmul.f32 v3, v9;
	v14 =	vadd.f32 $1.000000000e+00, v14;
	(erf) = vpow2.f32 v13  }
0x660: {  	v15 =	vmul.f32 v10, v9;
	v4 =	vmul.f32 v4, v9  }
0x661: {  	[tilespmem:s5+$0x20] =	vst v3;
	v13 =	vpop (erf);
	(erf) = vrcp.f32 v14  }
0x662: {  	v3 =	vld [tilespmem:s3+$0x20];
	[tilespmem:s5+$0xFFFFFFE0] =	vst v4;
	v14 =	vmul.f32 v13, v5  }
0x663: {  	v4 =	vld [tilespmem:s3+$0xFFFFFFE0];
	[tilespmem:s5+$0xFFFFFFF0] =	vst v15;
	v10 =	vpop (erf)  }
0x664: {  	v10 =	vmul.f32 v10, v7;
	v5 =	vsub.f32 v5, v14  }
0x665: {  	v13 =	vpop (erf)  }
0x666: {  	v14 =	vpop (erf);
	v7 =	vsub.f32 v7, v10;
	v5 =	vmul.f32 v5, v9;
	v10 =	vadd.f32 $1.000000000e+00, v13  }
0x667: {  	v17 =	vadd.f32 $1.000000000e+00, v14;
	v14 =	vmul.f32 v3, v3  }
0x668: {  	v15 =	vmul.f32 v4, v4;
	[tilespmem:s5+$0x0] =	vst v5;
	v16 =	vpop (erf);
	(erf) = vrcp.f32 v10  }
0x669: {  	v7 =	vmul.f32 v7, v9;
	v5 =	vld [tilespmem:s3+$0x0];
	v10 =	vmul.f32 $7.135481390e-02, v14;
	v14 =	vadd.f32 $1.000000000e+00, v16  }
0x66a: {  	v15 =	vmul.f32 $7.135481390e-02, v15;
	(erf) = vrcp.f32 v17;
	v13 =	vpop (erf)  }
0x66b: {  	v10 =	vadd.f32 $1.595769170e+00, v10;
	[tilespmem:s5+$0xFFFFFFC0] =	vst v7;
	v13 =	vmul.f32 v13, v8;
	(erf) = vrcp.f32 v14  }
0x66c: {  	v7 =	vld [tilespmem:s3+$0xFFFFFFC0];
	v14 =	vadd.f32 $1.595769170e+00, v15  }
0x66d: {  	v10 =	vmul.f32 v10, v3;
	v8 =	vsub.f32 v8, v13  }
0x66e: {  	v13 =	vmul.f32 v14, v4;
	v14 =	vmul.f32 v5, v5  }
0x66f: {  	v10 =	vmul.f32 $1.442695020e+00, v10;
	v16 =	vmul.f32 v8, v9  }
0x670: {  	v17 =	vmul.f32 $1.442695020e+00, v13;
	v14 =	vmul.f32 $7.135481390e-02, v14  }
0x671: {  	v15 =	vmul.f32 v7, v7;
	(erf) = vpow2.f32 v10;
	[tilespmem:s5+$0x30] =	vst v16;
	v8 =	vpop (erf)  }
.Ltmp19:
0x672: {  	v18 =	vadd.f32 $1.595769170e+00, v14;
	v14 =	vmul.f32 v8, v12;
	(pc) =	sbr.rel @p4 .LBB2_26-.Ltmp19, $4  }
0x673: {  	v15 =	vmul.f32 $7.135481390e-02, v15;
	v8 =	vld [tilespmem:s3+$0x30];
	(erf) = vpow2.f32 v17;
	v13 =	vpop (erf)  }
0x674: {  	v13 =	vmul.f32 v13, v11;
	v16 =	vmul.f32 v18, v5;
	v17 =	vsub.f32 v12, v14;
	v10 =	vpop (erf)  }
0x675: {  	v12 =	vadd.f32 $1.595769170e+00, v15;
	v14 =	vmul.f32 v10, v6  }
0x676: {  	s3 =	sadd.s32 $0x80, s3;
	v10 =	vsub.f32 v11, v13;
	v13 =	vmul.f32 $1.442695020e+00, v16;
	v15 =	vmul.f32 v17, v9  }
0x677: {  	v6 =	vsub.f32 v6, v14;
	_ =	sdelay $0x1  }
0x678: {  	v11 =	vmul.f32 v12, v7;
	v6 =	vmul.f32 v6, v9  }
0x679: {  	[tilespmem:s5+$0x10] =	vst v15  }
0x67a: {  	v33 =	vmul.f32 $1.442695020e+00, v11;
	v34 =	vld [tilespmem:s0+$0x10];
	[tilespmem:s5+$0xFFFFFFD0] =	vst v6  }
0x67b: {  	(erf) = vpow2.f32 v13;
	v6 =	vld [tilespmem:s0+$0xFFFFFFD0]  }
0x67c: {  	v35 =	vmul.f32 v8, v8;
	(erf) = vpow2.f32 v33;
	_ =	sdelay $0x1  }
0x67d: {  	v36 =	vmul.f32 $7.135481390e-02, v35  }
0x67e: {  	v37 =	vmul.f32 v34, v34  }
0x67f: {  	v9 =	vadd.f32 $1.595769170e+00, v36;
	v38 =	vmul.f32 v6, v6  }
0x680: {  	v39 =	vpop (erf);
	v12 =	vmul.f32 $7.135481390e-02, v37  }
0x681: {  	v14 =	vadd.f32 $1.000000000e+00, v39;
	v40 =	vpop (erf);
	v9 =	vmul.f32 v9, v8;
	v13 =	vmul.f32 $7.135481390e-02, v38  }
0x682: {  	v15 =	vadd.f32 $1.000000000e+00, v40;
	v12 =	vadd.f32 $1.595769170e+00, v12  }
0x683: {  	(erf) = vrcp.f32 v14;
	v9 =	vmul.f32 $1.442695020e+00, v9;
	v41 =	vpop (erf);
	v13 =	vadd.f32 $1.595769170e+00, v13  }
0x684: {  	(erf) = vrcp.f32 v15;
	v14 =	vadd.f32 $1.000000000e+00, v41;
	v12 =	vmul.f32 v12, v34;
	v42 =	vpop (erf)  }
0x685: {  	(erf) = vpow2.f32 v9;
	v43 =	vadd.f32 $1.000000000e+00, v42;
	v13 =	vmul.f32 v13, v6  }
0x686: {  	(erf) = vrcp.f32 v14;
	v12 =	vmul.f32 $1.442695020e+00, v12  }
0x687: {  	(erf) = vrcp.f32 v43;
	v44 =	vmul.f32 $1.442695020e+00, v13  }
0x688: {  	(erf) = vpow2.f32 v12  }
0x689: {  	(erf) = vpow2.f32 v44;
	_ =	sdelay $0x2  }
0x68a: {  	v45 =	vpop (erf)  }
0x68b: {  	v46 =	vpop (erf)  }
0x68c: {  	v47 =	vpop (erf)  }
0x68d: {  	v14 =	vpop (erf)  }
0x68e: {  	v48 =	vpop (erf)  }
0x68f: {  	v13 =	vadd.f32 $1.000000000e+00, v47;
	v16 =	vpop (erf)  }
0x690: {  	v17 =	vmov s9;
	v16 =	vadd.f32 $1.000000000e+00, v16;
	v18 =	vpop (erf)  }
0x691: {  	(erf) = vrcp.f32 v13;
	v49 =	vadd.f32 $1.000000000e+00, v18  }
0x692: {  	(erf) = vrcp.f32 v16  }
0x693: {  	(erf) = vrcp.f32 v49;
	_ =	sdelay $0x1  }
0x694: {  	v50 =	vld.idx.msk [tilespmem:v17+s4+$0x0], $0xffff  }
0x695: {  	v9 =	vmul.f32 v45, v3;
	_ =	sdelay $0x1  }
0x696: {  	v12 =	vmul.f32 v46, v4;
	v3 =	vsub.f32 v3, v9  }
0x697: {  	v51 =	vmul.f32 v14, v5  }
0x698: {  	v4 =	vsub.f32 v4, v12;
	v3 =	vmul.f32 v3, v50;
	v52 =	vmul.f32 v48, v7;
	v53 =	vpop (erf)  }
0x699: {  	v10 =	vmul.f32 v10, v50;
	v5 =	vsub.f32 v5, v51;
	v54 =	vmul.f32 v53, v8;
	v55 =	vpop (erf)  }
0x69a: {  	v4 =	vmul.f32 v4, v50;
	[tilespmem:s0+$0x20] =	vst v3;
	v3 =	vsub.f32 v7, v52;
	v56 =	vmul.f32 v55, v34;
	v57 =	vpop (erf)  }
0x69b: {  	[tilespmem:s0+$0xFFFFFFF0] =	vst v10;
	v58 =	vmul.f32 v5, v50;
	v59 =	vsub.f32 v8, v54;
	v60 =	vmul.f32 v57, v6  }
0x69c: {  	[tilespmem:s0+$0xFFFFFFE0] =	vst v4;
	v3 =	vmul.f32 v3, v50;
	v7 =	vsub.f32 v34, v56  }
0x69d: {  	[tilespmem:s0+$0x0] =	vst v58;
	v61 =	vmul.f32 v59, v50;
	v62 =	vsub.f32 v6, v60  }
0x69e: {  	[tilespmem:s0+$0xFFFFFFC0] =	vst v3;
	v3 =	vmul.f32 v7, v50  }
0x69f: {  	[tilespmem:s0+$0x30] =	vst v61;
	v63 =	vmul.f32 v62, v50  }
0x6a0: {  	[tilespmem:s0+$0x10] =	vst v3  }
0x6a1: {  	[tilespmem:s0+$0xFFFFFFD0] =	vst v63  }
0x6a2: {  	[spmem:s6] =	stream.indirect.scatter.add.f32 [tilespmem:s13], [sflag:$0x4], $0x80, s14, s26, $0xb8;
	[tilespmem:$0x1C670] =	vst v63  }
0x6a3: {  	s18 =	simm.s32 $0x16370;
	s1 =	simm.s32 $0x140F0  }
0x6a4: {  	[spmem:s6] =	stream.indirect.scatter.add.f32 [tilespmem:s18], [sflag:$0x1], $0x80, s1, s26, $0xb8;
	[tilespmem:$0x1C670] =	vst v63  }
0x6a5: {  	_ =	swait.ge [sflag:s31], $0x2000  }
.Ltmp20:
0x6a6: {  	[sflag:s31] =	ssyncset.done $0x0;
	(pc) =	sbr.rel .LBB2_28-.Ltmp20, $4  }
0x6a7: {  	[sflag:s31] =	ssyncadd.s32 $0xFFFFE000  }
0x6a8: {  	_ =	swait.ge [sflag:s25], $0x2000  }
0x6a9: {  	[sflag:s25] =	ssyncset.done $0x0  }
0x6aa: {  	[sflag:s25] =	ssyncadd.s32 $0xFFFFE000  }
.LBB2_30:
0x6ab: {  	s3 =	simm.s32 $0x0;
	s0 =	rddreg [dreg:$0x1c]  }
0x6ac: {  	[tilespmem:s13], [sflag:$0x5] =	stream.linear.gather [hbm4b:s0+s3], $0x800, $0x38;
	[tilespmem:$0x1C670] =	vst v63  }
0x6ad: {  	s9 =	rddreg [dreg:$0x1d];
	s1 =	simm.s32 $0x141F0  }
0x6ae: {  	[tilespmem:s1], [sflag:$0x9] =	stream.linear.gather [spmem:s9], $0x10, $0x38;
	[tilespmem:$0x1C670] =	vst v63  }
0x6af: {  	s18 =	rddreg [dreg:$0x1e]  }
0x6b0: {  	v3 =	vor.u32 $0x2700, v2;
	[tilespmem:s15], [sflag:$0x9] =	stream.linear.gather [spmem:s18], $0x10, $0x38;
	[tilespmem:$0x1C670] =	vst v63  }
0x6b1: {  	[tilespmem:$0x1C5F0] =	vst v3  }
0x6b2: {  	_ =	swait.ge [sflag:s19], $0x10  }
0x6b3: {  	[sflag:s19] =	ssyncset.done $0x0  }
0x6b4: {  	[sflag:s19] =	ssyncadd.s32 $0xFFFFFFF0  }
0x6b5: {  	_ =	swait.ge [sflag:s19], $0x10  }
0x6b6: {  	[sflag:s19] =	ssyncset.done $0x0  }
0x6b7: {  	[sflag:s19] =	ssyncadd.s32 $0xFFFFFFF0  }
0x6b8: {  	v3 =	vld [tilespmem:$0x141F0]  }
0x6b9: {  	v4 =	vld [tilespmem:$0x14270];
	_ =	sdelay $0x4  }
0x6ba: {  	v3 =	vmul.f32 v4, v3;
	_ =	sdelay $0x1  }
0x6bb: {  	[tilespmem:$0x142F0] =	vst v3  }
0x6bc: {  	_ =	swait.ge [sflag:s16], $0x800  }
0x6bd: {  	[sflag:s16] =	ssyncset.done $0x0  }
0x6be: {  	s2 =	simm.s32 $0x143B0;
	[sflag:s16] =	ssyncadd.s32 $0xFFFFF800  }
0x6bf: {  	v3 =	vld [tilespmem:s2+$0xFFFFFFF0];
	_ =	sdelay $0x4  }
0x6c0: {  	v4 =	vmul.f32 v3, v3;
	_ =	sdelay $0x1  }
0x6c1: {  	v4 =	vmul.f32 $7.135481390e-02, v4;
	_ =	sdelay $0x1  }
0x6c2: {  	v4 =	vadd.f32 $1.595769170e+00, v4;
	_ =	sdelay $0x1  }
0x6c3: {  	v4 =	vmul.f32 v4, v3;
	_ =	sdelay $0x1  }
0x6c4: {  	v4 =	vmul.f32 $1.442695020e+00, v4;
	_ =	sdelay $0x1  }
0x6c5: {  	(erf) = vpow2.f32 v4;
	v4 =	vld [tilespmem:s2+$0x20];
	_ =	sdelay $0x1  }
0x6c6: {  	v5 =	vld [tilespmem:s2+$0xFFFFFFE0];
	_ =	sdelay $0x2  }
0x6c7: {  	v6 =	vmul.f32 v4, v4;
	_ =	sdelay $0x1  }
0x6c8: {  	v8 =	vld [tilespmem:s2+$0x0];
	v7 =	vmul.f32 v5, v5;
	v6 =	vmul.f32 $7.135481390e-02, v6  }
0x6c9: {  	v10 =	vld [tilespmem:s2+$0xFFFFFFC0]  }
0x6ca: {  	v7 =	vmul.f32 $7.135481390e-02, v7;
	v9 =	vpop (erf);
	v6 =	vadd.f32 $1.595769170e+00, v6  }
0x6cb: {  	v9 =	vadd.f32 $1.000000000e+00, v9  }
0x6cc: {  	v7 =	vadd.f32 $1.595769170e+00, v7;
	v6 =	vmul.f32 v6, v4  }
0x6cd: {  	(erf) = vrcp.f32 v9;
	v9 =	vmul.f32 v8, v8  }
0x6ce: {  	v11 =	vmul.f32 v10, v10;
	v7 =	vmul.f32 v7, v5  }
0x6cf: {  	v6 =	vmul.f32 $1.442695020e+00, v6;
	v9 =	vmul.f32 $7.135481390e-02, v9  }
0x6d0: {  	v7 =	vmul.f32 $1.442695020e+00, v7  }
0x6d1: {  	(erf) = vpow2.f32 v6;
	v6 =	vadd.f32 $1.595769170e+00, v9;
	v9 =	vmul.f32 $7.135481390e-02, v11;
	v11 =	vld [tilespmem:s2+$0x30];
	_ =	sdelay $0x1  }
0x6d2: {  	(erf) = vpow2.f32 v7  }
0x6d3: {  	v7 =	vadd.f32 $1.595769170e+00, v9  }
0x6d4: {  	v6 =	vmul.f32 v6, v8  }
0x6d5: {  	v7 =	vmul.f32 v7, v10;
	v9 =	vmul.f32 v11, v11  }
0x6d6: {  	s0 =	simm.s32 $0x14430;
	v6 =	vmul.f32 $1.442695020e+00, v6  }
0x6d7: {  	v15 =	vld [tilespmem:s0+$0xFFFFFFF0];
	v7 =	vmul.f32 $1.442695020e+00, v7  }
0x6d8: {  	v13 =	vld [tilespmem:s2+$0x10];
	v12 =	vpop (erf);
	(erf) = vpow2.f32 v6;
	v6 =	vmul.f32 $7.135481390e-02, v9  }
0x6d9: {  	v9 =	vpop (erf)  }
0x6da: {  	(erf) = vpow2.f32 v7;
	v7 =	vadd.f32 $1.000000000e+00, v9;
	v9 =	vadd.f32 $1.595769170e+00, v6;
	v6 =	vld [tilespmem:s2+$0xFFFFFFD0]  }
0x6db: {  	v14 =	vpop (erf)  }
0x6dc: {  	v16 =	vmul.f32 v15, v15;
	v14 =	vadd.f32 $1.000000000e+00, v14;
	(erf) = vrcp.f32 v7  }
0x6dd: {  	v7 =	vmul.f32 v13, v13;
	v9 =	vmul.f32 v9, v11  }
0x6de: {  	(erf) = vrcp.f32 v14;
	v14 =	vmul.f32 $7.135481390e-02, v16  }
0x6df: {  	v7 =	vmul.f32 $7.135481390e-02, v7;
	v16 =	vmul.f32 v6, v6  }
0x6e0: {  	v9 =	vmul.f32 $1.442695020e+00, v9  }
0x6e1: {  	v7 =	vadd.f32 $1.595769170e+00, v7  }
0x6e2: {  	v17 =	vpop (erf);
	(erf) = vpow2.f32 v9  }
0x6e3: {  	v9 =	vadd.f32 $1.595769170e+00, v14;
	v14 =	vmul.f32 $7.135481390e-02, v16;
	v7 =	vmul.f32 v7, v13;
	v16 =	vpop (erf)  }
0x6e4: {  	v17 =	vadd.f32 $1.000000000e+00, v17;
	v16 =	vadd.f32 $1.000000000e+00, v16  }
0x6e5: {  	v18 =	vmov s3;
	v7 =	vmul.f32 $1.442695020e+00, v7  }
0x6e6: {  	(erf) = vrcp.f32 v17  }
0x6e7: {  	v14 =	vadd.f32 $1.595769170e+00, v14  }
0x6e8: {  	v17 =	vmul.f32 v9, v15;
	(erf) = vrcp.f32 v16;
	v16 =	vpop (erf)  }
0x6e9: {  	v14 =	vmul.f32 v14, v6;
	(erf) = vpow2.f32 v7;
	v7 =	vpop (erf)  }
0x6ea: {  	v9 =	vld.idx.msk [tilespmem:v18+s4+$0x0], $0xffff;
	v17 =	vmul.f32 $1.442695020e+00, v17;
	v7 =	vmul.f32 v7, v5  }
0x6eb: {  	v14 =	vmul.f32 $1.442695020e+00, v14;
	v16 =	vmul.f32 v16, v4;
	_ =	sdelay $0x1  }
0x6ec: {  	(erf) = vpow2.f32 v17;
	v4 =	vsub.f32 v4, v16;
	v5 =	vsub.f32 v5, v7  }
0x6ed: {  	v12 =	vmul.f32 v12, v3;
	(erf) = vpow2.f32 v14;
	v7 =	vpop (erf)  }
0x6ee: {  	v4 =	vmul.f32 v4, v9;
	v5 =	vmul.f32 v5, v9;
	v14 =	vpop (erf)  }
0x6ef: {  	v7 =	vadd.f32 $1.000000000e+00, v7;
	v14 =	vmul.f32 v14, v8  }
0x6f0: {  	v12 =	vsub.f32 v3, v12;
	[tilespmem:s2+$0x20] =	vst v4  }
0x6f1: {  	v3 =	vld [tilespmem:s0+$0x20];
	(erf) = vrcp.f32 v7;
	v7 =	vsub.f32 v8, v14  }
0x6f2: {  	[tilespmem:s2+$0xFFFFFFE0] =	vst v5;
	v5 =	vpop (erf);
	v8 =	vmul.f32 v12, v9  }
0x6f3: {  	v4 =	vld [tilespmem:s0+$0xFFFFFFE0];
	v5 =	vmul.f32 v5, v10;
	v7 =	vmul.f32 v7, v9  }
0x6f4: {  	v12 =	vpop (erf)  }
0x6f5: {  	v12 =	vadd.f32 $1.000000000e+00, v12;
	v10 =	vsub.f32 v10, v5  }
0x6f6: {  	[tilespmem:s2+$0xFFFFFFF0] =	vst v8;
	v14 =	vmul.f32 v3, v3;
	v8 =	vpop (erf)  }
0x6f7: {  	[tilespmem:s2+$0x0] =	vst v7;
	(erf) = vrcp.f32 v12;
	v8 =	vadd.f32 $1.000000000e+00, v8;
	v10 =	vmul.f32 v10, v9;
	v7 =	vpop (erf)  }
0x6f8: {  	v12 =	vmul.f32 v4, v4;
	v5 =	vld [tilespmem:s0+$0x0];
	v14 =	vmul.f32 $7.135481390e-02, v14;
	v7 =	vadd.f32 $1.000000000e+00, v7  }
0x6f9: {  	(erf) = vrcp.f32 v8;
	[tilespmem:s2+$0xFFFFFFC0] =	vst v10  }
0x6fa: {  	v8 =	vmul.f32 $7.135481390e-02, v12;
	v12 =	vadd.f32 $1.595769170e+00, v14;
	(erf) = vrcp.f32 v7;
	v7 =	vld [tilespmem:s0+$0xFFFFFFC0]  }
0x6fb: {  	v10 =	vpop (erf)  }
0x6fc: {  	v8 =	vadd.f32 $1.595769170e+00, v8;
	v12 =	vmul.f32 v12, v3;
	v10 =	vmul.f32 v10, v11  }
0x6fd: {  	v14 =	vmul.f32 v5, v5  }
0x6fe: {  	v8 =	vmul.f32 v8, v4;
	v10 =	vsub.f32 v11, v10;
	v11 =	vmul.f32 $1.442695020e+00, v12  }
0x6ff: {  	v12 =	vmul.f32 $7.135481390e-02, v14;
	v14 =	vmul.f32 v7, v7  }
0x700: {  	v10 =	vmul.f32 v10, v9  }
0x701: {  	v16 =	vpop (erf);
	v8 =	vmul.f32 $1.442695020e+00, v8;
	(erf) = vpow2.f32 v11  }
0x702: {  	v12 =	vadd.f32 $1.595769170e+00, v12;
	v16 =	vmul.f32 v16, v13;
	[tilespmem:s2+$0x30] =	vst v10  }
0x703: {  	(erf) = vpow2.f32 v8;
	v11 =	vmul.f32 $7.135481390e-02, v14;
	v8 =	vld [tilespmem:s0+$0x30];
	v14 =	vpop (erf)  }
0x704: {  	v63 =	vmul.f32 v12, v5;
	v16 =	vsub.f32 v13, v16;
	v17 =	vmul.f32 v14, v15;
	v13 =	vpop (erf)  }
0x705: {  	v12 =	vadd.f32 $1.595769170e+00, v11;
	v14 =	vmul.f32 v13, v6  }
0x706: {  	s5 =	simm.s32 $0x1;
	s3 =	simm.s32 $0x144B0;
	s9 =	simm.s32 $0x2;
	v13 =	vmul.f32 $1.442695020e+00, v63;
	v10 =	vsub.f32 v15, v17;
	v15 =	vmul.f32 v16, v9  }
.LBB2_31:
0x707: {  	p4 =	sne.s32 s9, $0xF;
	v12 =	vmul.f32 v12, v7;
	v6 =	vsub.f32 v6, v14;
	s1 =	smov.u32 s9;
	s9 =	sadd.s32 $0x1, s9  }
0x708: {  	v11 =	vld [tilespmem:s3+$0xFFFFFFF0];
	v16 =	vmul.f32 v8, v8;
	[tilespmem:s2+$0x10] =	vst v15  }
0x709: {  	v15 =	vmul.f32 $1.442695020e+00, v12;
	v12 =	vld [tilespmem:s0+$0x10];
	(erf) = vpow2.f32 v13  }
0x70a: {  	v6 =	vmul.f32 v6, v9;
	v13 =	vmul.f32 $7.135481390e-02, v16;
	v14 =	vpop (erf)  }
0x70b: {  	v9 =	vadd.f32 $1.000000000e+00, v14;
	(erf) = vpow2.f32 v15  }
0x70c: {  	v13 =	vadd.f32 $1.595769170e+00, v13;
	v14 =	vpop (erf);
	[tilespmem:s2+$0xFFFFFFD0] =	vst v6;
	s2 =	smov.u32 s0;
	s0 =	smov.u32 s3  }
0x70d: {  	v6 =	vld [tilespmem:s2+$0xFFFFFFD0];
	v14 =	vadd.f32 $1.000000000e+00, v14;
	(erf) = vrcp.f32 v9  }
0x70e: {  	v9 =	vmul.f32 v12, v12;
	v13 =	vmul.f32 v13, v8  }
0x70f: {  	v15 =	vmul.f32 v11, v11;
	(erf) = vrcp.f32 v14  }
0x710: {  	v9 =	vmul.f32 $7.135481390e-02, v9;
	v13 =	vmul.f32 $1.442695020e+00, v13  }
0x711: {  	v14 =	vmul.f32 $7.135481390e-02, v15;
	v15 =	vmov s5;
	s5 =	smov.u32 s1  }
0x712: {  	v16 =	vmul.f32 v6, v6;
	v18 =	vadd.f32 $1.595769170e+00, v9;
	v17 =	vpop (erf);
	(erf) = vpow2.f32 v13  }
0x713: {  	v13 =	vadd.f32 $1.595769170e+00, v14;
	v14 =	vadd.f32 $1.000000000e+00, v17  }
0x714: {  	v19 =	vmul.f32 $7.135481390e-02, v16;
	v17 =	vmul.f32 v18, v12;
	v9 =	vpop (erf)  }
0x715: {  	v13 =	vmul.f32 v13, v11;
	v18 =	vadd.f32 $1.000000000e+00, v9;
	(erf) = vrcp.f32 v14  }
0x716: {  	v9 =	vld.idx.msk [tilespmem:v15+s4+$0x0], $0xffff;
	v14 =	vadd.f32 $1.595769170e+00, v19;
	v15 =	vmul.f32 $1.442695020e+00, v17;
	v16 =	vpop (erf)  }
0x717: {  	v13 =	vmul.f32 $1.442695020e+00, v13;
	(erf) = vrcp.f32 v18  }
0x718: {  	v16 =	vmul.f32 v16, v3;
	v18 =	vmul.f32 v14, v6;
	v17 =	vpop (erf)  }
0x719: {  	v17 =	vmul.f32 v17, v4;
	(erf) = vpow2.f32 v15  }
0x71a: {  	v3 =	vsub.f32 v3, v16;
	(erf) = vpow2.f32 v13;
	v13 =	vmul.f32 $1.442695020e+00, v18  }
0x71b: {  	v4 =	vsub.f32 v4, v17;
	v14 =	vpop (erf)  }
0x71c: {  	v3 =	vmul.f32 v3, v9;
	v14 =	vadd.f32 $1.000000000e+00, v14;
	(erf) = vpow2.f32 v13  }
0x71d: {  	v15 =	vmul.f32 v10, v9;
	v4 =	vmul.f32 v4, v9  }
0x71e: {  	[tilespmem:s2+$0x20] =	vst v3;
	v13 =	vpop (erf);
	(erf) = vrcp.f32 v14  }
0x71f: {  	v3 =	vld [tilespmem:s3+$0x20];
	[tilespmem:s2+$0xFFFFFFE0] =	vst v4;
	v14 =	vmul.f32 v13, v5  }
0x720: {  	v4 =	vld [tilespmem:s3+$0xFFFFFFE0];
	[tilespmem:s2+$0xFFFFFFF0] =	vst v15;
	v10 =	vpop (erf)  }
0x721: {  	v10 =	vmul.f32 v10, v7;
	v5 =	vsub.f32 v5, v14  }
0x722: {  	v13 =	vpop (erf)  }
0x723: {  	v14 =	vpop (erf);
	v7 =	vsub.f32 v7, v10;
	v5 =	vmul.f32 v5, v9;
	v10 =	vadd.f32 $1.000000000e+00, v13  }
0x724: {  	v17 =	vadd.f32 $1.000000000e+00, v14;
	v14 =	vmul.f32 v3, v3  }
0x725: {  	v15 =	vmul.f32 v4, v4;
	[tilespmem:s2+$0x0] =	vst v5;
	v16 =	vpop (erf);
	(erf) = vrcp.f32 v10  }
0x726: {  	v7 =	vmul.f32 v7, v9;
	v5 =	vld [tilespmem:s3+$0x0];
	v10 =	vmul.f32 $7.135481390e-02, v14;
	v14 =	vadd.f32 $1.000000000e+00, v16  }
0x727: {  	v15 =	vmul.f32 $7.135481390e-02, v15;
	(erf) = vrcp.f32 v17;
	v13 =	vpop (erf)  }
0x728: {  	v10 =	vadd.f32 $1.595769170e+00, v10;
	[tilespmem:s2+$0xFFFFFFC0] =	vst v7;
	v13 =	vmul.f32 v13, v8;
	(erf) = vrcp.f32 v14  }
0x729: {  	v7 =	vld [tilespmem:s3+$0xFFFFFFC0];
	v14 =	vadd.f32 $1.595769170e+00, v15  }
0x72a: {  	v10 =	vmul.f32 v10, v3;
	v8 =	vsub.f32 v8, v13  }
0x72b: {  	v13 =	vmul.f32 v14, v4;
	v14 =	vmul.f32 v5, v5  }
0x72c: {  	v10 =	vmul.f32 $1.442695020e+00, v10;
	v16 =	vmul.f32 v8, v9  }
0x72d: {  	v17 =	vmul.f32 $1.442695020e+00, v13;
	v14 =	vmul.f32 $7.135481390e-02, v14  }
0x72e: {  	v15 =	vmul.f32 v7, v7;
	(erf) = vpow2.f32 v10;
	[tilespmem:s2+$0x30] =	vst v16;
	v8 =	vpop (erf)  }
.Ltmp21:
0x72f: {  	v18 =	vadd.f32 $1.595769170e+00, v14;
	v14 =	vmul.f32 v8, v12;
	(pc) =	sbr.rel @p4 .LBB2_31-.Ltmp21, $4  }
0x730: {  	v15 =	vmul.f32 $7.135481390e-02, v15;
	v8 =	vld [tilespmem:s3+$0x30];
	(erf) = vpow2.f32 v17;
	v13 =	vpop (erf)  }
0x731: {  	v13 =	vmul.f32 v13, v11;
	v16 =	vmul.f32 v18, v5;
	v17 =	vsub.f32 v12, v14;
	v10 =	vpop (erf)  }
0x732: {  	v12 =	vadd.f32 $1.595769170e+00, v15;
	v14 =	vmul.f32 v10, v6  }
0x733: {  	s3 =	sadd.s32 $0x80, s3;
	v10 =	vsub.f32 v11, v13;
	v13 =	vmul.f32 $1.442695020e+00, v16;
	v15 =	vmul.f32 v17, v9  }
0x734: {  	v6 =	vsub.f32 v6, v14;
	_ =	sdelay $0x1  }
0x735: {  	v11 =	vmul.f32 v12, v7;
	v6 =	vmul.f32 v6, v9  }
0x736: {  	[tilespmem:s2+$0x10] =	vst v15  }
0x737: {  	v33 =	vmul.f32 $1.442695020e+00, v11;
	v34 =	vld [tilespmem:s0+$0x10];
	[tilespmem:s2+$0xFFFFFFD0] =	vst v6  }
0x738: {  	(erf) = vpow2.f32 v13;
	v6 =	vld [tilespmem:s0+$0xFFFFFFD0]  }
0x739: {  	v35 =	vmul.f32 v8, v8;
	(erf) = vpow2.f32 v33;
	_ =	sdelay $0x1  }
0x73a: {  	v36 =	vmul.f32 $7.135481390e-02, v35  }
0x73b: {  	v37 =	vmul.f32 v34, v34  }
0x73c: {  	v9 =	vadd.f32 $1.595769170e+00, v36;
	v38 =	vmul.f32 v6, v6  }
0x73d: {  	v39 =	vpop (erf);
	v12 =	vmul.f32 $7.135481390e-02, v37  }
0x73e: {  	v14 =	vadd.f32 $1.000000000e+00, v39;
	v40 =	vpop (erf);
	v9 =	vmul.f32 v9, v8;
	v13 =	vmul.f32 $7.135481390e-02, v38  }
0x73f: {  	v15 =	vadd.f32 $1.000000000e+00, v40;
	v12 =	vadd.f32 $1.595769170e+00, v12  }
0x740: {  	(erf) = vrcp.f32 v14;
	v9 =	vmul.f32 $1.442695020e+00, v9;
	v41 =	vpop (erf);
	v13 =	vadd.f32 $1.595769170e+00, v13  }
0x741: {  	(erf) = vrcp.f32 v15;
	v14 =	vadd.f32 $1.000000000e+00, v41;
	v12 =	vmul.f32 v12, v34;
	v42 =	vpop (erf)  }
0x742: {  	(erf) = vpow2.f32 v9;
	v43 =	vadd.f32 $1.000000000e+00, v42;
	v13 =	vmul.f32 v13, v6  }
0x743: {  	(erf) = vrcp.f32 v14;
	v12 =	vmul.f32 $1.442695020e+00, v12  }
0x744: {  	(erf) = vrcp.f32 v43;
	v44 =	vmul.f32 $1.442695020e+00, v13  }
0x745: {  	(erf) = vpow2.f32 v12  }
0x746: {  	(erf) = vpow2.f32 v44;
	_ =	sdelay $0x2  }
0x747: {  	v45 =	vpop (erf)  }
0x748: {  	v46 =	vpop (erf)  }
0x749: {  	v47 =	vpop (erf)  }
0x74a: {  	v14 =	vpop (erf)  }
0x74b: {  	v48 =	vpop (erf)  }
0x74c: {  	v13 =	vadd.f32 $1.000000000e+00, v47;
	v16 =	vpop (erf)  }
0x74d: {  	v17 =	vmov s5;
	v16 =	vadd.f32 $1.000000000e+00, v16;
	v18 =	vpop (erf)  }
0x74e: {  	(erf) = vrcp.f32 v13;
	v49 =	vadd.f32 $1.000000000e+00, v18  }
0x74f: {  	(erf) = vrcp.f32 v16  }
0x750: {  	(erf) = vrcp.f32 v49;
	_ =	sdelay $0x1  }
0x751: {  	v50 =	vld.idx.msk [tilespmem:v17+s4+$0x0], $0xffff  }
0x752: {  	v9 =	vmul.f32 v45, v3;
	_ =	sdelay $0x1  }
0x753: {  	v12 =	vmul.f32 v46, v4;
	v3 =	vsub.f32 v3, v9  }
0x754: {  	v51 =	vmul.f32 v14, v5  }
0x755: {  	v4 =	vsub.f32 v4, v12;
	v3 =	vmul.f32 v3, v50;
	v52 =	vmul.f32 v48, v7;
	v53 =	vpop (erf)  }
0x756: {  	v10 =	vmul.f32 v10, v50;
	v5 =	vsub.f32 v5, v51;
	v54 =	vmul.f32 v53, v8;
	v55 =	vpop (erf)  }
0x757: {  	v4 =	vmul.f32 v4, v50;
	[tilespmem:s0+$0x20] =	vst v3;
	v3 =	vsub.f32 v7, v52;
	v56 =	vmul.f32 v55, v34;
	v57 =	vpop (erf)  }
0x758: {  	[tilespmem:s0+$0xFFFFFFF0] =	vst v10;
	v58 =	vmul.f32 v5, v50;
	v59 =	vsub.f32 v8, v54;
	v60 =	vmul.f32 v57, v6  }
0x759: {  	[tilespmem:s0+$0xFFFFFFE0] =	vst v4;
	v3 =	vmul.f32 v3, v50;
	v7 =	vsub.f32 v34, v56  }
0x75a: {  	[tilespmem:s0+$0x0] =	vst v58;
	v61 =	vmul.f32 v59, v50;
	v62 =	vsub.f32 v6, v60  }
0x75b: {  	[tilespmem:s0+$0xFFFFFFC0] =	vst v3;
	v3 =	vmul.f32 v7, v50  }
0x75c: {  	[tilespmem:s0+$0x30] =	vst v61;
	v63 =	vmul.f32 v62, v50  }
0x75d: {  	s9 =	simm.s32 $0x10;
	[tilespmem:s0+$0x10] =	vst v3  }
.Ltmp22:
0x75e: {  	s1 =	simm.s32 $0x1C5F0;
	s18 =	simm.s32 $0xB;
	[tilespmem:s0+$0xFFFFFFD0] =	vst v63;
	(pc) =	sbr.rel .LBB2_33-.Ltmp22, $4  }
0x75f: {  	[spmem:s6] =	stream.indirect.scatter.add.f32 [tilespmem:s13], [sflag:$0xB], $0x80, s1, s9, $0xb8;
	[tilespmem:$0x1C670] =	vst v63  }
0x760: {  	_ =	swait.ge [sflag:s18], $0x800  }
0x761: {  	[sflag:s18] =	ssyncset.done $0x0  }
0x762: {  	s3 =	rddreg [dreg:$0x1f];
	[sflag:s18] =	ssyncadd.s32 $0xFFFFF800  }
.LBB2_34:
0x763: {  	_ =	sfence.sel $0x180000  }
0x764: {  	[bflag:$0x0] =	sbarrier.arrive $0xFFFF  }
0x765: {  	_ =	strace $0x90000047  }
0x766: {  	s0 =	stileid.u32;
	[bflag:$0x2] =	sbarrier.arrive $0xFFFF  }
0x767: {  	p0 =	sne.s32 s0, $0x0;
	s0 =	rddreg [dreg:$0x9]  }
0x768: {  	s0 =	sadd.s32 @!p0 $0x100000, s0  }
0x769: {  	[sflag:s0] =	ssyncadd.tile.s32 @!p0 $0x1;
	_ =	shalt  }
.Lfunc_end2:
_tile_overlayer_lowered:
.L_overlay_start_2:
0x76a: {  	(tag) =	ssettag $0x2  }
0x76b: {  	s0 =	rddreg [dreg:$0x0];
	s2 =	stileid.u32  }
0x76c: {  	s1 =	rddreg [dreg:$0x1];
	p0 =	sne.s32 s2, $0x0  }
0x76d: {  	s3 =	rddreg [dreg:$0x2];
	[bflag:$0x3] =	sbarrier.arrive $0xFFFF;
	s2 =	simm.s32 @!p0 $0x1C0B  }
0x76e: {  	[timem:s3], [sflag:s2] =	dma.local @!p0 [hbm:s0], s1  }
0x76f: {  	s0 =	simm.s32 @!p0 $0xB  }
0x770: {  	_ =	swait.ge @!p0 [sflag:s0], s1  }
0x771: {  	s1 =	ssub.s32 @!p0 $0x0, s1;
	[sflag:s0] =	ssyncset.done @!p0 $0x0  }
0x772: {  	[sflag:s0] =	ssyncadd.s32 @!p0 s1  }
0x773: {  	[bflag:$0x3] =	sbarrier.arrive $0xFFFF  }
0x774: {  	_ =	shalt  }

</sc_bundles>
